<compile_context>
chip_gen: v7x
topology: tpu7x:2x2x1
jax: 0.10.2.dev20260603
libtpu: 0.0.44.dev20260713+nightly
codegen_flags: <defaults>
</compile_context>

<pallas_src>
import functools

import jax
import jax.numpy as jnp
from jax import lax
from jax.experimental import pallas as pl
from jax.experimental.pallas import tpu as pltpu
from jax.experimental.pallas import tpu_sc as plsc

N = 4096
A = 2560

L = 16
NC = 2
NS = 16
NW = NC * NS
SC_ROWS = N - A
ROWS_PER_W = SC_ROWS // NW
RB = 4
NBUF = 2
NBLK = ROWS_PER_W // RB


def _flip_sc_body(x_hbm, out_hbm, in_v, out_v, in_s0, in_s1, out_s0, out_s1):
    wid = lax.axis_index("s") * NC + lax.axis_index("c")
    base = A + wid * ROWS_PER_W
    in_sems = (in_s0, in_s1)
    out_sems = (out_s0, out_s1)

    def in_copy(g, b):
        return pltpu.make_async_copy(
            x_hbm.at[pl.ds(base + g * RB, RB)], in_v.at[b], in_sems[b]
        )

    def out_copy(g, b):
        return pltpu.make_async_copy(
            out_v.at[b], out_hbm.at[pl.ds(base + g * RB, RB)], out_sems[b]
        )

    for b in range(NBUF):
        in_copy(b, b).start()

    for g in range(NBLK):
        b = g % NBUF
        in_copy(g, b).wait()
        if g >= NBUF:
            out_copy(g - NBUF, b).wait()

        @plsc.parallel_loop(0, N // L, step=1, unroll=8)
        def chunk(c):
            src = (N // L - 1 - c) * L
            for i in range(RB):
                v = in_v[b, i, pl.ds(src, L)]
                out_v[b, i, pl.ds(c * L, L)] = lax.rev(v, (0,))

        out_copy(g, b).start()
        if g + NBUF < NBLK:
            in_copy(g + NBUF, b).start()

    for g in range(NBLK - NBUF, NBLK):
        out_copy(g, g % NBUF).wait()


def _flip_sc(inputs):
    flip = functools.partial(
        pl.kernel,
        mesh=plsc.VectorSubcoreMesh(core_axis_name="c", subcore_axis_name="s"),
        out_type=jax.ShapeDtypeStruct((N, N), jnp.float32),
        scratch_types=[
            pltpu.VMEM((NBUF, RB, N), jnp.float32),
            pltpu.VMEM((NBUF, RB, N), jnp.float32),
            pltpu.SemaphoreType.DMA,
            pltpu.SemaphoreType.DMA,
            pltpu.SemaphoreType.DMA,
            pltpu.SemaphoreType.DMA,
        ],
    )(_flip_sc_body)
    return flip(inputs)


BLK_R = 512
STRIP = 128


def _flip_block_tc(x_ref, alias_ref, p_ref, o_ref):
    ns = N // STRIP
    p = p_ref[...]
    for s in range(ns):
        src = (ns - 1 - s) * STRIP
        o_ref[:, s * STRIP:(s + 1) * STRIP] = jax.lax.dot(
            x_ref[:, src:src + STRIP], p, preferred_element_type=jnp.float32
        )


def kernel(inputs):
    sc_out = _flip_sc(inputs)
    rev = jnp.equal(
        jnp.arange(STRIP)[:, None] + jnp.arange(STRIP)[None, :], STRIP - 1
    ).astype(jnp.float32)
    return pl.pallas_call(
        _flip_block_tc,
        grid=(A // BLK_R,),
        in_specs=[
            pl.BlockSpec((BLK_R, N), lambda i: (i, 0)),
            pl.BlockSpec(memory_space=pl.ANY),
            pl.BlockSpec((STRIP, STRIP), lambda i: (0, 0)),
        ],
        out_specs=pl.BlockSpec((BLK_R, N), lambda i: (i, 0)),
        out_shape=jax.ShapeDtypeStruct((N, N), jnp.float32),
        input_output_aliases={1: 0},
    )(inputs, sc_out, rev)

# --- scband reference (transcript-rebuilt; emitter-appended) ---
"""Pipeline reference for scband-permutation-84069689852524 (READ-ONLY COPY).

The authoritative reference and input builder live on the scoring server;
editing this copy changes nothing except your own understanding.
"""

import jax, jax.numpy as jnp
import numpy as np

IN_FEATURES = 4096

def setup_inputs(seed: int = 0) -> dict:
    key = jax.random.key(seed)
    inputs = jax.random.normal(key, (4096, IN_FEATURES), dtype=jnp.float32)
    return {"inputs": inputs}

def reference(inputs):
    # p = 'flip' -> reversed index list [in_features-1, ..., 0]
    p = jnp.arange(IN_FEATURES - 1, -1, -1, dtype=jnp.int32)
    # eval-mode forward: inputs[:, self.p]
    out = jnp.take(inputs, p, axis=1)
    return out

if __name__ == "__main__":
    import jax
    _d = setup_inputs()
    print(jax.jit(kernel)(*tuple(_d.values())))

</pallas_src>

<mosaic_0001>
#map = affine_map<(d0, d1) -> (0, 0)>
module attributes {stable_mosaic.version = 14 : i64} {
  func.func @_flip_sc_body(%arg0: i32, %arg1: i32, %arg2: memref<4096x4096xf32, #tpu.memory_space<hbm>>, %arg3: memref<4096x4096xf32, #tpu.memory_space<hbm>>, %arg4: memref<2x4x4096xf32, #tpu.memory_space<vmem>>, %arg5: memref<2x4x4096xf32, #tpu.memory_space<vmem>>, %arg6: memref<!tpu.dma_semaphore, #tpu.memory_space<semaphore_mem>>, %arg7: memref<!tpu.dma_semaphore, #tpu.memory_space<semaphore_mem>>, %arg8: memref<!tpu.dma_semaphore, #tpu.memory_space<semaphore_mem>>, %arg9: memref<!tpu.dma_semaphore, #tpu.memory_space<semaphore_mem>>) attributes {dimension_semantics = [#tpu.dimension_semantics<core_parallel>, #tpu.dimension_semantics<subcore_parallel>], iteration_bounds = array<i64: 2, 16>, scalar_prefetch = 0 : i64, scratch_operands = 6 : i64, tpu.core_type = #tpu.core_type<sc_vector_subcore>, window_params = [{transform_indices = #map}, {transform_indices = #map}]} {
    %mul3A = arith.constant 2 : i32
    %mul3A_0 = arith.muli %arg1, %mul3A : i32
    %add3A = arith.addi %mul3A_0, %arg0 : i32
    %mul3A_1 = arith.constant 48 : i32
    %mul3A_2 = arith.muli %add3A, %mul3A_1 : i32
    %add3A_3 = arith.constant 2560 : i32
    %add3A_4 = arith.addi %add3A_3, %mul3A_2 : i32
    %add3A_5 = arith.constant 0 : i32
    %add3A_6 = arith.addi %add3A_4, %add3A_5 : i32
    %dma_start3A = arith.constant 0 : i32
    %dma_start3A_7 = arith.constant 0 : i32
    %dma_start3A_8 = arith.constant 0 : i32
    %dma_start3A_9 = tpu.memref_slice %arg4[%dma_start3A, %dma_start3A_7, %dma_start3A_8] : memref<2x4x4096xf32, #tpu.memory_space<vmem>> -> memref<1x4x4096xf32, #tpu.memory_space<vmem>>
    %dma_start3A_10 = tpu.memref_squeeze %dma_start3A_9 : memref<1x4x4096xf32, #tpu.memory_space<vmem>> -> memref<4x4096xf32, #tpu.memory_space<vmem>>
    %dma_start3A_11 = arith.constant 0 : i32
    %dma_start3A_12 = tpu.memref_slice %arg2[%add3A_6, %dma_start3A_11] : memref<4096x4096xf32, #tpu.memory_space<hbm>> -> memref<4x4096xf32, #tpu.memory_space<hbm>>
    %dma_start3A_13 = arith.constant 0 : i32
    %dma_start3A_14 = arith.constant 0 : i32
    %dma_start3A_15 = tpu.memref_slice %arg4[%dma_start3A, %dma_start3A_13, %dma_start3A_14] : memref<2x4x4096xf32, #tpu.memory_space<vmem>> -> memref<1x4x4096xf32, #tpu.memory_space<vmem>>
    %dma_start3A_16 = tpu.memref_squeeze %dma_start3A_15 : memref<1x4x4096xf32, #tpu.memory_space<vmem>> -> memref<4x4096xf32, #tpu.memory_space<vmem>>
    %dma_start3A_17 = arith.constant 0 : i32
    %dma_start3A_18 = tpu.memref_slice %arg2[%add3A_6, %dma_start3A_17] : memref<4096x4096xf32, #tpu.memory_space<hbm>> -> memref<4x4096xf32, #tpu.memory_space<hbm>>
    tpu.enqueue_dma source(%dma_start3A_18 : memref<4x4096xf32, #tpu.memory_space<hbm>>) target(%dma_start3A_16 : memref<4x4096xf32, #tpu.memory_space<vmem>>) target_semaphore(%arg6 : memref<!tpu.dma_semaphore, #tpu.memory_space<semaphore_mem>>)
    %add3A_19 = arith.constant 4 : i32
    %add3A_20 = arith.addi %add3A_4, %add3A_19 : i32
    %dma_start3A_21 = arith.constant 1 : i32
    %dma_start3A_22 = arith.constant 0 : i32
    %dma_start3A_23 = arith.constant 0 : i32
    %dma_start3A_24 = tpu.memref_slice %arg4[%dma_start3A_21, %dma_start3A_22, %dma_start3A_23] : memref<2x4x4096xf32, #tpu.memory_space<vmem>> -> memref<1x4x4096xf32, #tpu.memory_space<vmem>>
    %dma_start3A_25 = tpu.memref_squeeze %dma_start3A_24 : memref<1x4x4096xf32, #tpu.memory_space<vmem>> -> memref<4x4096xf32, #tpu.memory_space<vmem>>
    %dma_start3A_26 = arith.constant 0 : i32
    %dma_start3A_27 = tpu.memref_slice %arg2[%add3A_20, %dma_start3A_26] : memref<4096x4096xf32, #tpu.memory_space<hbm>> -> memref<4x4096xf32, #tpu.memory_space<hbm>>
    %dma_start3A_28 = arith.constant 0 : i32
    %dma_start3A_29 = arith.constant 0 : i32
    %dma_start3A_30 = tpu.memref_slice %arg4[%dma_start3A_21, %dma_start3A_28, %dma_start3A_29] : memref<2x4x4096xf32, #tpu.memory_space<vmem>> -> memref<1x4x4096xf32, #tpu.memory_space<vmem>>
    %dma_start3A_31 = tpu.memref_squeeze %dma_start3A_30 : memref<1x4x4096xf32, #tpu.memory_space<vmem>> -> memref<4x4096xf32, #tpu.memory_space<vmem>>
    %dma_start3A_32 = arith.constant 0 : i32
    %dma_start3A_33 = tpu.memref_slice %arg2[%add3A_20, %dma_start3A_32] : memref<4096x4096xf32, #tpu.memory_space<hbm>> -> memref<4x4096xf32, #tpu.memory_space<hbm>>
    tpu.enqueue_dma source(%dma_start3A_33 : memref<4x4096xf32, #tpu.memory_space<hbm>>) target(%dma_start3A_31 : memref<4x4096xf32, #tpu.memory_space<vmem>>) target_semaphore(%arg7 : memref<!tpu.dma_semaphore, #tpu.memory_space<semaphore_mem>>)
    %add3A_34 = arith.constant 0 : i32
    %add3A_35 = arith.addi %add3A_4, %add3A_34 : i32
    %dma_wait3A = arith.constant 0 : i32
    %dma_wait3A_36 = arith.constant 0 : i32
    %dma_wait3A_37 = arith.constant 0 : i32
    %dma_wait3A_38 = tpu.memref_slice %arg4[%dma_wait3A, %dma_wait3A_36, %dma_wait3A_37] : memref<2x4x4096xf32, #tpu.memory_space<vmem>> -> memref<1x4x4096xf32, #tpu.memory_space<vmem>>
    %dma_wait3A_39 = tpu.memref_squeeze %dma_wait3A_38 : memref<1x4x4096xf32, #tpu.memory_space<vmem>> -> memref<4x4096xf32, #tpu.memory_space<vmem>>
    %dma_wait3A_40 = arith.constant 0 : i32
    %dma_wait3A_41 = tpu.memref_slice %arg2[%add3A_35, %dma_wait3A_40] : memref<4096x4096xf32, #tpu.memory_space<hbm>> -> memref<4x4096xf32, #tpu.memory_space<hbm>>
    %dma_wait3A_42 = arith.constant 0 : i32
    %dma_wait3A_43 = arith.constant 0 : i32
    %dma_wait3A_44 = tpu.memref_slice %arg4[%dma_wait3A, %dma_wait3A_42, %dma_wait3A_43] : memref<2x4x4096xf32, #tpu.memory_space<vmem>> -> memref<1x4x4096xf32, #tpu.memory_space<vmem>>
    %dma_wait3A_45 = tpu.memref_squeeze %dma_wait3A_44 : memref<1x4x4096xf32, #tpu.memory_space<vmem>> -> memref<4x4096xf32, #tpu.memory_space<vmem>>
    %dma_wait3A_46 = arith.constant 0 : i32
    %dma_wait3A_47 = tpu.memref_slice %arg2[%add3A_35, %dma_wait3A_46] : memref<4096x4096xf32, #tpu.memory_space<hbm>> -> memref<4x4096xf32, #tpu.memory_space<hbm>>
    tpu.wait_dma2 semaphore(%arg6 : memref<!tpu.dma_semaphore, #tpu.memory_space<semaphore_mem>>) src(%dma_wait3A_47 : memref<4x4096xf32, #tpu.memory_space<hbm>>) dst(%dma_wait3A_45 : memref<4x4096xf32, #tpu.memory_space<vmem>>)
    %parallel_loop3A = arith.constant 0 : i32
    %parallel_loop3A_48 = arith.constant 256 : i32
    %parallel_loop3A_49 = arith.constant 1 : i32
    scf.for %parallel_loop3A_758 = %parallel_loop3A to %parallel_loop3A_48 step %parallel_loop3A_49  : i32 {
      %parallel_loop3A_759 = arith.constant 255 : i32
      %parallel_loop3A_760 = arith.subi %parallel_loop3A_759, %parallel_loop3A_758 : i32
      %parallel_loop3A_761 = arith.constant 16 : i32
      %parallel_loop3A_762 = arith.muli %parallel_loop3A_760, %parallel_loop3A_761 : i32
      %parallel_loop3A_763 = arith.constant 0 : i32
      %parallel_loop3A_764 = arith.constant 0 : i32
      %parallel_loop3A_765 = arith.index_cast %parallel_loop3A_763 : i32 to index
      %parallel_loop3A_766 = arith.index_cast %parallel_loop3A_764 : i32 to index
      %parallel_loop3A_767 = arith.index_cast %parallel_loop3A_762 : i32 to index
      %parallel_loop3A_768 = tpu.vector_load %arg4[%parallel_loop3A_765, %parallel_loop3A_766, %parallel_loop3A_767] {strides = array<i32>} : memref<2x4x4096xf32, #tpu.memory_space<vmem>>, vector<1x1x16xf32>,
      %parallel_loop3A_769 = vector.shape_cast %parallel_loop3A_768 : vector<1x1x16xf32> to vector<16xf32>
      %parallel_loop3A_770 = arith.constant 15 : i32
      %parallel_loop3A_771 = vector.broadcast %parallel_loop3A_770 : i32 to vector<16xi32>
      %parallel_loop3A_772 = tpu.iota {dimensions = array<i32: 0>} : vector<16xi32>
      %parallel_loop3A_773 = arith.subi %parallel_loop3A_771, %parallel_loop3A_772 : vector<16xi32>
      %parallel_loop3A_774 = tpu.dynamic_gather %parallel_loop3A_769[%parallel_loop3A_773] in [0] : vector<16xf32>, vector<16xi32> -> vector<16xf32>
      %parallel_loop3A_775 = arith.constant 16 : i32
      %parallel_loop3A_776 = arith.muli %parallel_loop3A_758, %parallel_loop3A_775 : i32
      %parallel_loop3A_777 = arith.constant 0 : i32
      %parallel_loop3A_778 = arith.constant 0 : i32
      %parallel_loop3A_779 = arith.index_cast %parallel_loop3A_777 : i32 to index
      %parallel_loop3A_780 = arith.index_cast %parallel_loop3A_778 : i32 to index
      %parallel_loop3A_781 = arith.index_cast %parallel_loop3A_776 : i32 to index
      %parallel_loop3A_782 = tpu.vector_load %arg5[%parallel_loop3A_779, %parallel_loop3A_780, %parallel_loop3A_781] {strides = array<i32>} : memref<2x4x4096xf32, #tpu.memory_space<vmem>>, vector<1x1x16xf32>,
      %parallel_loop3A_783 = vector.shape_cast %parallel_loop3A_782 : vector<1x1x16xf32> to vector<16xf32>
      %parallel_loop3A_784 = vector.shape_cast %parallel_loop3A_774 : vector<16xf32> to vector<1x1x16xf32>
      tpu.vector_store %arg5[%parallel_loop3A_779, %parallel_loop3A_780, %parallel_loop3A_781], %parallel_loop3A_784 {strides = array<i32>} : memref<2x4x4096xf32, #tpu.memory_space<vmem>>, vector<1x1x16xf32>,
      %parallel_loop3A_785 = arith.constant 0 : i32
      %parallel_loop3A_786 = arith.constant 1 : i32
      %parallel_loop3A_787 = arith.index_cast %parallel_loop3A_785 : i32 to index
      %parallel_loop3A_788 = arith.index_cast %parallel_loop3A_786 : i32 to index
      %parallel_loop3A_789 = arith.index_cast %parallel_loop3A_762 : i32 to index
      %parallel_loop3A_790 = tpu.vector_load %arg4[%parallel_loop3A_787, %parallel_loop3A_788, %parallel_loop3A_789] {strides = array<i32>} : memref<2x4x4096xf32, #tpu.memory_space<vmem>>, vector<1x1x16xf32>,
      %parallel_loop3A_791 = vector.shape_cast %parallel_loop3A_790 : vector<1x1x16xf32> to vector<16xf32>
      %parallel_loop3A_792 = arith.constant 15 : i32
      %parallel_loop3A_793 = vector.broadcast %parallel_loop3A_792 : i32 to vector<16xi32>
      %parallel_loop3A_794 = tpu.iota {dimensions = array<i32: 0>} : vector<16xi32>
      %parallel_loop3A_795 = arith.subi %parallel_loop3A_793, %parallel_loop3A_794 : vector<16xi32>
      %parallel_loop3A_796 = tpu.dynamic_gather %parallel_loop3A_791[%parallel_loop3A_795] in [0] : vector<16xf32>, vector<16xi32> -> vector<16xf32>
      %parallel_loop3A_797 = arith.constant 16 : i32
      %parallel_loop3A_798 = arith.muli %parallel_loop3A_758, %parallel_loop3A_797 : i32
      %parallel_loop3A_799 = arith.constant 0 : i32
      %parallel_loop3A_800 = arith.constant 1 : i32
      %parallel_loop3A_801 = arith.index_cast %parallel_loop3A_799 : i32 to index
      %parallel_loop3A_802 = arith.index_cast %parallel_loop3A_800 : i32 to index
      %parallel_loop3A_803 = arith.index_cast %parallel_loop3A_798 : i32 to index
      %parallel_loop3A_804 = tpu.vector_load %arg5[%parallel_loop3A_801, %parallel_loop3A_802, %parallel_loop3A_803] {strides = array<i32>} : memref<2x4x4096xf32, #tpu.memory_space<vmem>>, vector<1x1x16xf32>,
      %parallel_loop3A_805 = vector.shape_cast %parallel_loop3A_804 : vector<1x1x16xf32> to vector<16xf32>
      %parallel_loop3A_806 = vector.shape_cast %parallel_loop3A_796 : vector<16xf32> to vector<1x1x16xf32>
      tpu.vector_store %arg5[%parallel_loop3A_801, %parallel_loop3A_802, %parallel_loop3A_803], %parallel_loop3A_806 {strides = array<i32>} : memref<2x4x4096xf32, #tpu.memory_space<vmem>>, vector<1x1x16xf32>,
      %parallel_loop3A_807 = arith.constant 0 : i32
      %parallel_loop3A_808 = arith.constant 2 : i32
      %parallel_loop3A_809 = arith.index_cast %parallel_loop3A_807 : i32 to index
      %parallel_loop3A_810 = arith.index_cast %parallel_loop3A_808 : i32 to index
      %parallel_loop3A_811 = arith.index_cast %parallel_loop3A_762 : i32 to index
      %parallel_loop3A_812 = tpu.vector_load %arg4[%parallel_loop3A_809, %parallel_loop3A_810, %parallel_loop3A_811] {strides = array<i32>} : memref<2x4x4096xf32, #tpu.memory_space<vmem>>, vector<1x1x16xf32>,
      %parallel_loop3A_813 = vector.shape_cast %parallel_loop3A_812 : vector<1x1x16xf32> to vector<16xf32>
      %parallel_loop3A_814 = arith.constant 15 : i32
      %parallel_loop3A_815 = vector.broadcast %parallel_loop3A_814 : i32 to vector<16xi32>
      %parallel_loop3A_816 = tpu.iota {dimensions = array<i32: 0>} : vector<16xi32>
      %parallel_loop3A_817 = arith.subi %parallel_loop3A_815, %parallel_loop3A_816 : vector<16xi32>
      %parallel_loop3A_818 = tpu.dynamic_gather %parallel_loop3A_813[%parallel_loop3A_817] in [0] : vector<16xf32>, vector<16xi32> -> vector<16xf32>
      %parallel_loop3A_819 = arith.constant 16 : i32
      %parallel_loop3A_820 = arith.muli %parallel_loop3A_758, %parallel_loop3A_819 : i32
      %parallel_loop3A_821 = arith.constant 0 : i32
      %parallel_loop3A_822 = arith.constant 2 : i32
      %parallel_loop3A_823 = arith.index_cast %parallel_loop3A_821 : i32 to index
      %parallel_loop3A_824 = arith.index_cast %parallel_loop3A_822 : i32 to index
      %parallel_loop3A_825 = arith.index_cast %parallel_loop3A_820 : i32 to index
      %parallel_loop3A_826 = tpu.vector_load %arg5[%parallel_loop3A_823, %parallel_loop3A_824, %parallel_loop3A_825] {strides = array<i32>} : memref<2x4x4096xf32, #tpu.memory_space<vmem>>, vector<1x1x16xf32>,
      %parallel_loop3A_827 = vector.shape_cast %parallel_loop3A_826 : vector<1x1x16xf32> to vector<16xf32>
      %parallel_loop3A_828 = vector.shape_cast %parallel_loop3A_818 : vector<16xf32> to vector<1x1x16xf32>
      tpu.vector_store %arg5[%parallel_loop3A_823, %parallel_loop3A_824, %parallel_loop3A_825], %parallel_loop3A_828 {strides = array<i32>} : memref<2x4x4096xf32, #tpu.memory_space<vmem>>, vector<1x1x16xf32>,
      %parallel_loop3A_829 = arith.constant 0 : i32
      %parallel_loop3A_830 = arith.constant 3 : i32
      %parallel_loop3A_831 = arith.index_cast %parallel_loop3A_829 : i32 to index
      %parallel_loop3A_832 = arith.index_cast %parallel_loop3A_830 : i32 to index
      %parallel_loop3A_833 = arith.index_cast %parallel_loop3A_762 : i32 to index
      %parallel_loop3A_834 = tpu.vector_load %arg4[%parallel_loop3A_831, %parallel_loop3A_832, %parallel_loop3A_833] {strides = array<i32>} : memref<2x4x4096xf32, #tpu.memory_space<vmem>>, vector<1x1x16xf32>,
      %parallel_loop3A_835 = vector.shape_cast %parallel_loop3A_834 : vector<1x1x16xf32> to vector<16xf32>
      %parallel_loop3A_836 = arith.constant 15 : i32
      %parallel_loop3A_837 = vector.broadcast %parallel_loop3A_836 : i32 to vector<16xi32>
      %parallel_loop3A_838 = tpu.iota {dimensions = array<i32: 0>} : vector<16xi32>
      %parallel_loop3A_839 = arith.subi %parallel_loop3A_837, %parallel_loop3A_838 : vector<16xi32>
      %parallel_loop3A_840 = tpu.dynamic_gather %parallel_loop3A_835[%parallel_loop3A_839] in [0] : vector<16xf32>, vector<16xi32> -> vector<16xf32>
      %parallel_loop3A_841 = arith.constant 16 : i32
      %parallel_loop3A_842 = arith.muli %parallel_loop3A_758, %parallel_loop3A_841 : i32
      %parallel_loop3A_843 = arith.constant 0 : i32
      %parallel_loop3A_844 = arith.constant 3 : i32
      %parallel_loop3A_845 = arith.index_cast %parallel_loop3A_843 : i32 to index
      %parallel_loop3A_846 = arith.index_cast %parallel_loop3A_844 : i32 to index
      %parallel_loop3A_847 = arith.index_cast %parallel_loop3A_842 : i32 to index
      %parallel_loop3A_848 = tpu.vector_load %arg5[%parallel_loop3A_845, %parallel_loop3A_846, %parallel_loop3A_847] {strides = array<i32>} : memref<2x4x4096xf32, #tpu.memory_space<vmem>>, vector<1x1x16xf32>,
      %parallel_loop3A_849 = vector.shape_cast %parallel_loop3A_848 : vector<1x1x16xf32> to vector<16xf32>
      %parallel_loop3A_850 = vector.shape_cast %parallel_loop3A_840 : vector<16xf32> to vector<1x1x16xf32>
      tpu.vector_store %arg5[%parallel_loop3A_845, %parallel_loop3A_846, %parallel_loop3A_847], %parallel_loop3A_850 {strides = array<i32>} : memref<2x4x4096xf32, #tpu.memory_space<vmem>>, vector<1x1x16xf32>,
    } {sc.loop_unroll_factor = 8 : i64, sc.parallel_access}
    %add3A_50 = arith.constant 0 : i32
    %add3A_51 = arith.addi %add3A_4, %add3A_50 : i32
    %dma_start3A_52 = arith.constant 0 : i32
    %dma_start3A_53 = arith.constant 0 : i32
    %dma_start3A_54 = arith.constant 0 : i32
    %dma_start3A_55 = tpu.memref_slice %arg5[%dma_start3A_52, %dma_start3A_53, %dma_start3A_54] : memref<2x4x4096xf32, #tpu.memory_space<vmem>> -> memref<1x4x4096xf32, #tpu.memory_space<vmem>>
    %dma_start3A_56 = tpu.memref_squeeze %dma_start3A_55 : memref<1x4x4096xf32, #tpu.memory_space<vmem>> -> memref<4x4096xf32, #tpu.memory_space<vmem>>
    %dma_start3A_57 = arith.constant 0 : i32
    %dma_start3A_58 = tpu.memref_slice %arg3[%add3A_51, %dma_start3A_57] : memref<4096x4096xf32, #tpu.memory_space<hbm>> -> memref<4x4096xf32, #tpu.memory_space<hbm>>
    %dma_start3A_59 = arith.constant 0 : i32
    %dma_start3A_60 = tpu.memref_slice %arg3[%add3A_51, %dma_start3A_59] : memref<4096x4096xf32, #tpu.memory_space<hbm>> -> memref<4x4096xf32, #tpu.memory_space<hbm>>
    %dma_start3A_61 = arith.constant 0 : i32
    %dma_start3A_62 = arith.constant 0 : i32
    %dma_start3A_63 = tpu.memref_slice %arg5[%dma_start3A_52, %dma_start3A_61, %dma_start3A_62] : memref<2x4x4096xf32, #tpu.memory_space<vmem>> -> memref<1x4x4096xf32, #tpu.memory_space<vmem>>
    %dma_start3A_64 = tpu.memref_squeeze %dma_start3A_63 : memref<1x4x4096xf32, #tpu.memory_space<vmem>> -> memref<4x4096xf32, #tpu.memory_space<vmem>>
    tpu.enqueue_dma source(%dma_start3A_64 : memref<4x4096xf32, #tpu.memory_space<vmem>>) target(%dma_start3A_60 : memref<4x4096xf32, #tpu.memory_space<hbm>>) target_semaphore(%arg8 : memref<!tpu.dma_semaphore, #tpu.memory_space<semaphore_mem>>)
    %add3A_65 = arith.constant 8 : i32
    %add3A_66 = arith.addi %add3A_4, %add3A_65 : i32
    %dma_start3A_67 = arith.constant 0 : i32
    %dma_start3A_68 = arith.constant 0 : i32
    %dma_start3A_69 = arith.constant 0 : i32
    %dma_start3A_70 = tpu.memref_slice %arg4[%dma_start3A_67, %dma_start3A_68, %dma_start3A_69] : memref<2x4x4096xf32, #tpu.memory_space<vmem>> -> memref<1x4x4096xf32, #tpu.memory_space<vmem>>
    %dma_start3A_71 = tpu.memref_squeeze %dma_start3A_70 : memref<1x4x4096xf32, #tpu.memory_space<vmem>> -> memref<4x4096xf32, #tpu.memory_space<vmem>>
    %dma_start3A_72 = arith.constant 0 : i32
    %dma_start3A_73 = tpu.memref_slice %arg2[%add3A_66, %dma_start3A_72] : memref<4096x4096xf32, #tpu.memory_space<hbm>> -> memref<4x4096xf32, #tpu.memory_space<hbm>>
    %dma_start3A_74 = arith.constant 0 : i32
    %dma_start3A_75 = arith.constant 0 : i32
    %dma_start3A_76 = tpu.memref_slice %arg4[%dma_start3A_67, %dma_start3A_74, %dma_start3A_75] : memref<2x4x4096xf32, #tpu.memory_space<vmem>> -> memref<1x4x4096xf32, #tpu.memory_space<vmem>>
    %dma_start3A_77 = tpu.memref_squeeze %dma_start3A_76 : memref<1x4x4096xf32, #tpu.memory_space<vmem>> -> memref<4x4096xf32, #tpu.memory_space<vmem>>
    %dma_start3A_78 = arith.constant 0 : i32
    %dma_start3A_79 = tpu.memref_slice %arg2[%add3A_66, %dma_start3A_78] : memref<4096x4096xf32, #tpu.memory_space<hbm>> -> memref<4x4096xf32, #tpu.memory_space<hbm>>
    tpu.enqueue_dma source(%dma_start3A_79 : memref<4x4096xf32, #tpu.memory_space<hbm>>) target(%dma_start3A_77 : memref<4x4096xf32, #tpu.memory_space<vmem>>) target_semaphore(%arg6 : memref<!tpu.dma_semaphore, #tpu.memory_space<semaphore_mem>>)
    %add3A_80 = arith.constant 4 : i32
    %add3A_81 = arith.addi %add3A_4, %add3A_80 : i32
    %dma_wait3A_82 = arith.constant 1 : i32
    %dma_wait3A_83 = arith.constant 0 : i32
    %dma_wait3A_84 = arith.constant 0 : i32
    %dma_wait3A_85 = tpu.memref_slice %arg4[%dma_wait3A_82, %dma_wait3A_83, %dma_wait3A_84] : memref<2x4x4096xf32, #tpu.memory_space<vmem>> -> memref<1x4x4096xf32, #tpu.memory_space<vmem>>
    %dma_wait3A_86 = tpu.memref_squeeze %dma_wait3A_85 : memref<1x4x4096xf32, #tpu.memory_space<vmem>> -> memref<4x4096xf32, #tpu.memory_space<vmem>>
    %dma_wait3A_87 = arith.constant 0 : i32
    %dma_wait3A_88 = tpu.memref_slice %arg2[%add3A_81, %dma_wait3A_87] : memref<4096x4096xf32, #tpu.memory_space<hbm>> -> memref<4x4096xf32, #tpu.memory_space<hbm>>
    %dma_wait3A_89 = arith.constant 0 : i32
    %dma_wait3A_90 = arith.constant 0 : i32
    %dma_wait3A_91 = tpu.memref_slice %arg4[%dma_wait3A_82, %dma_wait3A_89, %dma_wait3A_90] : memref<2x4x4096xf32, #tpu.memory_space<vmem>> -> memref<1x4x4096xf32, #tpu.memory_space<vmem>>
    %dma_wait3A_92 = tpu.memref_squeeze %dma_wait3A_91 : memref<1x4x4096xf32, #tpu.memory_space<vmem>> -> memref<4x4096xf32, #tpu.memory_space<vmem>>
    %dma_wait3A_93 = arith.constant 0 : i32
    %dma_wait3A_94 = tpu.memref_slice %arg2[%add3A_81, %dma_wait3A_93] : memref<4096x4096xf32, #tpu.memory_space<hbm>> -> memref<4x4096xf32, #tpu.memory_space<hbm>>
    tpu.wait_dma2 semaphore(%arg7 : memref<!tpu.dma_semaphore, #tpu.memory_space<semaphore_mem>>) src(%dma_wait3A_94 : memref<4x4096xf32, #tpu.memory_space<hbm>>) dst(%dma_wait3A_92 : memref<4x4096xf32, #tpu.memory_space<vmem>>)
    %parallel_loop3A_95 = arith.constant 0 : i32
    %parallel_loop3A_96 = arith.constant 256 : i32
    %parallel_loop3A_97 = arith.constant 1 : i32
    scf.for %parallel_loop3A_758 = %parallel_loop3A_95 to %parallel_loop3A_96 step %parallel_loop3A_97  : i32 {
      %parallel_loop3A_759 = arith.constant 255 : i32
      %parallel_loop3A_760 = arith.subi %parallel_loop3A_759, %parallel_loop3A_758 : i32
      %parallel_loop3A_761 = arith.constant 16 : i32
      %parallel_loop3A_762 = arith.muli %parallel_loop3A_760, %parallel_loop3A_761 : i32
      %parallel_loop3A_763 = arith.constant 1 : i32
      %parallel_loop3A_764 = arith.constant 0 : i32
      %parallel_loop3A_765 = arith.index_cast %parallel_loop3A_763 : i32 to index
      %parallel_loop3A_766 = arith.index_cast %parallel_loop3A_764 : i32 to index
      %parallel_loop3A_767 = arith.index_cast %parallel_loop3A_762 : i32 to index
      %parallel_loop3A_768 = tpu.vector_load %arg4[%parallel_loop3A_765, %parallel_loop3A_766, %parallel_loop3A_767] {strides = array<i32>} : memref<2x4x4096xf32, #tpu.memory_space<vmem>>, vector<1x1x16xf32>,
      %parallel_loop3A_769 = vector.shape_cast %parallel_loop3A_768 : vector<1x1x16xf32> to vector<16xf32>
      %parallel_loop3A_770 = arith.constant 15 : i32
      %parallel_loop3A_771 = vector.broadcast %parallel_loop3A_770 : i32 to vector<16xi32>
      %parallel_loop3A_772 = tpu.iota {dimensions = array<i32: 0>} : vector<16xi32>
      %parallel_loop3A_773 = arith.subi %parallel_loop3A_771, %parallel_loop3A_772 : vector<16xi32>
      %parallel_loop3A_774 = tpu.dynamic_gather %parallel_loop3A_769[%parallel_loop3A_773] in [0] : vector<16xf32>, vector<16xi32> -> vector<16xf32>
      %parallel_loop3A_775 = arith.constant 16 : i32
      %parallel_loop3A_776 = arith.muli %parallel_loop3A_758, %parallel_loop3A_775 : i32
      %parallel_loop3A_777 = arith.constant 1 : i32
      %parallel_loop3A_778 = arith.constant 0 : i32
      %parallel_loop3A_779 = arith.index_cast %parallel_loop3A_777 : i32 to index
      %parallel_loop3A_780 = arith.index_cast %parallel_loop3A_778 : i32 to index
      %parallel_loop3A_781 = arith.index_cast %parallel_loop3A_776 : i32 to index
      %parallel_loop3A_782 = tpu.vector_load %arg5[%parallel_loop3A_779, %parallel_loop3A_780, %parallel_loop3A_781] {strides = array<i32>} : memref<2x4x4096xf32, #tpu.memory_space<vmem>>, vector<1x1x16xf32>,
      %parallel_loop3A_783 = vector.shape_cast %parallel_loop3A_782 : vector<1x1x16xf32> to vector<16xf32>
      %parallel_loop3A_784 = vector.shape_cast %parallel_loop3A_774 : vector<16xf32> to vector<1x1x16xf32>
      tpu.vector_store %arg5[%parallel_loop3A_779, %parallel_loop3A_780, %parallel_loop3A_781], %parallel_loop3A_784 {strides = array<i32>} : memref<2x4x4096xf32, #tpu.memory_space<vmem>>, vector<1x1x16xf32>,
      %parallel_loop3A_785 = arith.constant 1 : i32
      %parallel_loop3A_786 = arith.constant 1 : i32
      %parallel_loop3A_787 = arith.index_cast %parallel_loop3A_785 : i32 to index
      %parallel_loop3A_788 = arith.index_cast %parallel_loop3A_786 : i32 to index
      %parallel_loop3A_789 = arith.index_cast %parallel_loop3A_762 : i32 to index
      %parallel_loop3A_790 = tpu.vector_load %arg4[%parallel_loop3A_787, %parallel_loop3A_788, %parallel_loop3A_789] {strides = array<i32>} : memref<2x4x4096xf32, #tpu.memory_space<vmem>>, vector<1x1x16xf32>,
      %parallel_loop3A_791 = vector.shape_cast %parallel_loop3A_790 : vector<1x1x16xf32> to vector<16xf32>
      %parallel_loop3A_792 = arith.constant 15 : i32
      %parallel_loop3A_793 = vector.broadcast %parallel_loop3A_792 : i32 to vector<16xi32>
      %parallel_loop3A_794 = tpu.iota {dimensions = array<i32: 0>} : vector<16xi32>
      %parallel_loop3A_795 = arith.subi %parallel_loop3A_793, %parallel_loop3A_794 : vector<16xi32>
      %parallel_loop3A_796 = tpu.dynamic_gather %parallel_loop3A_791[%parallel_loop3A_795] in [0] : vector<16xf32>, vector<16xi32> -> vector<16xf32>
      %parallel_loop3A_797 = arith.constant 16 : i32
      %parallel_loop3A_798 = arith.muli %parallel_loop3A_758, %parallel_loop3A_797 : i32
      %parallel_loop3A_799 = arith.constant 1 : i32
      %parallel_loop3A_800 = arith.constant 1 : i32
      %parallel_loop3A_801 = arith.index_cast %parallel_loop3A_799 : i32 to index
      %parallel_loop3A_802 = arith.index_cast %parallel_loop3A_800 : i32 to index
      %parallel_loop3A_803 = arith.index_cast %parallel_loop3A_798 : i32 to index
      %parallel_loop3A_804 = tpu.vector_load %arg5[%parallel_loop3A_801, %parallel_loop3A_802, %parallel_loop3A_803] {strides = array<i32>} : memref<2x4x4096xf32, #tpu.memory_space<vmem>>, vector<1x1x16xf32>,
      %parallel_loop3A_805 = vector.shape_cast %parallel_loop3A_804 : vector<1x1x16xf32> to vector<16xf32>
      %parallel_loop3A_806 = vector.shape_cast %parallel_loop3A_796 : vector<16xf32> to vector<1x1x16xf32>
      tpu.vector_store %arg5[%parallel_loop3A_801, %parallel_loop3A_802, %parallel_loop3A_803], %parallel_loop3A_806 {strides = array<i32>} : memref<2x4x4096xf32, #tpu.memory_space<vmem>>, vector<1x1x16xf32>,
      %parallel_loop3A_807 = arith.constant 1 : i32
      %parallel_loop3A_808 = arith.constant 2 : i32
      %parallel_loop3A_809 = arith.index_cast %parallel_loop3A_807 : i32 to index
      %parallel_loop3A_810 = arith.index_cast %parallel_loop3A_808 : i32 to index
      %parallel_loop3A_811 = arith.index_cast %parallel_loop3A_762 : i32 to index
      %parallel_loop3A_812 = tpu.vector_load %arg4[%parallel_loop3A_809, %parallel_loop3A_810, %parallel_loop3A_811] {strides = array<i32>} : memref<2x4x4096xf32, #tpu.memory_space<vmem>>, vector<1x1x16xf32>,
      %parallel_loop3A_813 = vector.shape_cast %parallel_loop3A_812 : vector<1x1x16xf32> to vector<16xf32>
      %parallel_loop3A_814 = arith.constant 15 : i32
      %parallel_loop3A_815 = vector.broadcast %parallel_loop3A_814 : i32 to vector<16xi32>
      %parallel_loop3A_816 = tpu.iota {dimensions = array<i32: 0>} : vector<16xi32>
      %parallel_loop3A_817 = arith.subi %parallel_loop3A_815, %parallel_loop3A_816 : vector<16xi32>
      %parallel_loop3A_818 = tpu.dynamic_gather %parallel_loop3A_813[%parallel_loop3A_817] in [0] : vector<16xf32>, vector<16xi32> -> vector<16xf32>
      %parallel_loop3A_819 = arith.constant 16 : i32
      %parallel_loop3A_820 = arith.muli %parallel_loop3A_758, %parallel_loop3A_819 : i32
      %parallel_loop3A_821 = arith.constant 1 : i32
      %parallel_loop3A_822 = arith.constant 2 : i32
      %parallel_loop3A_823 = arith.index_cast %parallel_loop3A_821 : i32 to index
      %parallel_loop3A_824 = arith.index_cast %parallel_loop3A_822 : i32 to index
      %parallel_loop3A_825 = arith.index_cast %parallel_loop3A_820 : i32 to index
      %parallel_loop3A_826 = tpu.vector_load %arg5[%parallel_loop3A_823, %parallel_loop3A_824, %parallel_loop3A_825] {strides = array<i32>} : memref<2x4x4096xf32, #tpu.memory_space<vmem>>, vector<1x1x16xf32>,
      %parallel_loop3A_827 = vector.shape_cast %parallel_loop3A_826 : vector<1x1x16xf32> to vector<16xf32>
      %parallel_loop3A_828 = vector.shape_cast %parallel_loop3A_818 : vector<16xf32> to vector<1x1x16xf32>
      tpu.vector_store %arg5[%parallel_loop3A_823, %parallel_loop3A_824, %parallel_loop3A_825], %parallel_loop3A_828 {strides = array<i32>} : memref<2x4x4096xf32, #tpu.memory_space<vmem>>, vector<1x1x16xf32>,
      %parallel_loop3A_829 = arith.constant 1 : i32
      %parallel_loop3A_830 = arith.constant 3 : i32
      %parallel_loop3A_831 = arith.index_cast %parallel_loop3A_829 : i32 to index
      %parallel_loop3A_832 = arith.index_cast %parallel_loop3A_830 : i32 to index
      %parallel_loop3A_833 = arith.index_cast %parallel_loop3A_762 : i32 to index
      %parallel_loop3A_834 = tpu.vector_load %arg4[%parallel_loop3A_831, %parallel_loop3A_832, %parallel_loop3A_833] {strides = array<i32>} : memref<2x4x4096xf32, #tpu.memory_space<vmem>>, vector<1x1x16xf32>,
      %parallel_loop3A_835 = vector.shape_cast %parallel_loop3A_834 : vector<1x1x16xf32> to vector<16xf32>
      %parallel_loop3A_836 = arith.constant 15 : i32
      %parallel_loop3A_837 = vector.broadcast %parallel_loop3A_836 : i32 to vector<16xi32>
      %parallel_loop3A_838 = tpu.iota {dimensions = array<i32: 0>} : vector<16xi32>
      %parallel_loop3A_839 = arith.subi %parallel_loop3A_837, %parallel_loop3A_838 : vector<16xi32>
      %parallel_loop3A_840 = tpu.dynamic_gather %parallel_loop3A_835[%parallel_loop3A_839] in [0] : vector<16xf32>, vector<16xi32> -> vector<16xf32>
      %parallel_loop3A_841 = arith.constant 16 : i32
      %parallel_loop3A_842 = arith.muli %parallel_loop3A_758, %parallel_loop3A_841 : i32
      %parallel_loop3A_843 = arith.constant 1 : i32
      %parallel_loop3A_844 = arith.constant 3 : i32
      %parallel_loop3A_845 = arith.index_cast %parallel_loop3A_843 : i32 to index
      %parallel_loop3A_846 = arith.index_cast %parallel_loop3A_844 : i32 to index
      %parallel_loop3A_847 = arith.index_cast %parallel_loop3A_842 : i32 to index
      %parallel_loop3A_848 = tpu.vector_load %arg5[%parallel_loop3A_845, %parallel_loop3A_846, %parallel_loop3A_847] {strides = array<i32>} : memref<2x4x4096xf32, #tpu.memory_space<vmem>>, vector<1x1x16xf32>,
      %parallel_loop3A_849 = vector.shape_cast %parallel_loop3A_848 : vector<1x1x16xf32> to vector<16xf32>
      %parallel_loop3A_850 = vector.shape_cast %parallel_loop3A_840 : vector<16xf32> to vector<1x1x16xf32>
      tpu.vector_store %arg5[%parallel_loop3A_845, %parallel_loop3A_846, %parallel_loop3A_847], %parallel_loop3A_850 {strides = array<i32>} : memref<2x4x4096xf32, #tpu.memory_space<vmem>>, vector<1x1x16xf32>,
    } {sc.loop_unroll_factor = 8 : i64, sc.parallel_access}
    %add3A_98 = arith.constant 4 : i32
    %add3A_99 = arith.addi %add3A_4, %add3A_98 : i32
    %dma_start3A_100 = arith.constant 1 : i32
    %dma_start3A_101 = arith.constant 0 : i32
    %dma_start3A_102 = arith.constant 0 : i32
    %dma_start3A_103 = tpu.memref_slice %arg5[%dma_start3A_100, %dma_start3A_101, %dma_start3A_102] : memref<2x4x4096xf32, #tpu.memory_space<vmem>> -> memref<1x4x4096xf32, #tpu.memory_space<vmem>>
    %dma_start3A_104 = tpu.memref_squeeze %dma_start3A_103 : memref<1x4x4096xf32, #tpu.memory_space<vmem>> -> memref<4x4096xf32, #tpu.memory_space<vmem>>
    %dma_start3A_105 = arith.constant 0 : i32
    %dma_start3A_106 = tpu.memref_slice %arg3[%add3A_99, %dma_start3A_105] : memref<4096x4096xf32, #tpu.memory_space<hbm>> -> memref<4x4096xf32, #tpu.memory_space<hbm>>
    %dma_start3A_107 = arith.constant 0 : i32
    %dma_start3A_108 = tpu.memref_slice %arg3[%add3A_99, %dma_start3A_107] : memref<4096x4096xf32, #tpu.memory_space<hbm>> -> memref<4x4096xf32, #tpu.memory_space<hbm>>
    %dma_start3A_109 = arith.constant 0 : i32
    %dma_start3A_110 = arith.constant 0 : i32
    %dma_start3A_111 = tpu.memref_slice %arg5[%dma_start3A_100, %dma_start3A_109, %dma_start3A_110] : memref<2x4x4096xf32, #tpu.memory_space<vmem>> -> memref<1x4x4096xf32, #tpu.memory_space<vmem>>
    %dma_start3A_112 = tpu.memref_squeeze %dma_start3A_111 : memref<1x4x4096xf32, #tpu.memory_space<vmem>> -> memref<4x4096xf32, #tpu.memory_space<vmem>>
    tpu.enqueue_dma source(%dma_start3A_112 : memref<4x4096xf32, #tpu.memory_space<vmem>>) target(%dma_start3A_108 : memref<4x4096xf32, #tpu.memory_space<hbm>>) target_semaphore(%arg9 : memref<!tpu.dma_semaphore, #tpu.memory_space<semaphore_mem>>)
    %add3A_113 = arith.constant 12 : i32
    %add3A_114 = arith.addi %add3A_4, %add3A_113 : i32
    %dma_start3A_115 = arith.constant 1 : i32
    %dma_start3A_116 = arith.constant 0 : i32
    %dma_start3A_117 = arith.constant 0 : i32
    %dma_start3A_118 = tpu.memref_slice %arg4[%dma_start3A_115, %dma_start3A_116, %dma_start3A_117] : memref<2x4x4096xf32, #tpu.memory_space<vmem>> -> memref<1x4x4096xf32, #tpu.memory_space<vmem>>
    %dma_start3A_119 = tpu.memref_squeeze %dma_start3A_118 : memref<1x4x4096xf32, #tpu.memory_space<vmem>> -> memref<4x4096xf32, #tpu.memory_space<vmem>>
    %dma_start3A_120 = arith.constant 0 : i32
    %dma_start3A_121 = tpu.memref_slice %arg2[%add3A_114, %dma_start3A_120] : memref<4096x4096xf32, #tpu.memory_space<hbm>> -> memref<4x4096xf32, #tpu.memory_space<hbm>>
    %dma_start3A_122 = arith.constant 0 : i32
    %dma_start3A_123 = arith.constant 0 : i32
    %dma_start3A_124 = tpu.memref_slice %arg4[%dma_start3A_115, %dma_start3A_122, %dma_start3A_123] : memref<2x4x4096xf32, #tpu.memory_space<vmem>> -> memref<1x4x4096xf32, #tpu.memory_space<vmem>>
    %dma_start3A_125 = tpu.memref_squeeze %dma_start3A_124 : memref<1x4x4096xf32, #tpu.memory_space<vmem>> -> memref<4x4096xf32, #tpu.memory_space<vmem>>
    %dma_start3A_126 = arith.constant 0 : i32
    %dma_start3A_127 = tpu.memref_slice %arg2[%add3A_114, %dma_start3A_126] : memref<4096x4096xf32, #tpu.memory_space<hbm>> -> memref<4x4096xf32, #tpu.memory_space<hbm>>
    tpu.enqueue_dma source(%dma_start3A_127 : memref<4x4096xf32, #tpu.memory_space<hbm>>) target(%dma_start3A_125 : memref<4x4096xf32, #tpu.memory_space<vmem>>) target_semaphore(%arg7 : memref<!tpu.dma_semaphore, #tpu.memory_space<semaphore_mem>>)
    %add3A_128 = arith.constant 8 : i32
    %add3A_129 = arith.addi %add3A_4, %add3A_128 : i32
    %dma_wait3A_130 = arith.constant 0 : i32
    %dma_wait3A_131 = arith.constant 0 : i32
    %dma_wait3A_132 = arith.constant 0 : i32
    %dma_wait3A_133 = tpu.memref_slice %arg4[%dma_wait3A_130, %dma_wait3A_131, %dma_wait3A_132] : memref<2x4x4096xf32, #tpu.memory_space<vmem>> -> memref<1x4x4096xf32, #tpu.memory_space<vmem>>
    %dma_wait3A_134 = tpu.memref_squeeze %dma_wait3A_133 : memref<1x4x4096xf32, #tpu.memory_space<vmem>> -> memref<4x4096xf32, #tpu.memory_space<vmem>>
    %dma_wait3A_135 = arith.constant 0 : i32
    %dma_wait3A_136 = tpu.memref_slice %arg2[%add3A_129, %dma_wait3A_135] : memref<4096x4096xf32, #tpu.memory_space<hbm>> -> memref<4x4096xf32, #tpu.memory_space<hbm>>
    %dma_wait3A_137 = arith.constant 0 : i32
    %dma_wait3A_138 = arith.constant 0 : i32
    %dma_wait3A_139 = tpu.memref_slice %arg4[%dma_wait3A_130, %dma_wait3A_137, %dma_wait3A_138] : memref<2x4x4096xf32, #tpu.memory_space<vmem>> -> memref<1x4x4096xf32, #tpu.memory_space<vmem>>
    %dma_wait3A_140 = tpu.memref_squeeze %dma_wait3A_139 : memref<1x4x4096xf32, #tpu.memory_space<vmem>> -> memref<4x4096xf32, #tpu.memory_space<vmem>>
    %dma_wait3A_141 = arith.constant 0 : i32
    %dma_wait3A_142 = tpu.memref_slice %arg2[%add3A_129, %dma_wait3A_141] : memref<4096x4096xf32, #tpu.memory_space<hbm>> -> memref<4x4096xf32, #tpu.memory_space<hbm>>
    tpu.wait_dma2 semaphore(%arg6 : memref<!tpu.dma_semaphore, #tpu.memory_space<semaphore_mem>>) src(%dma_wait3A_142 : memref<4x4096xf32, #tpu.memory_space<hbm>>) dst(%dma_wait3A_140 : memref<4x4096xf32, #tpu.memory_space<vmem>>)
    %add3A_143 = arith.constant 0 : i32
    %add3A_144 = arith.addi %add3A_4, %add3A_143 : i32
    %dma_wait3A_145 = arith.constant 0 : i32
    %dma_wait3A_146 = arith.constant 0 : i32
    %dma_wait3A_147 = arith.constant 0 : i32
    %dma_wait3A_148 = tpu.memref_slice %arg5[%dma_wait3A_145, %dma_wait3A_146, %dma_wait3A_147] : memref<2x4x4096xf32, #tpu.memory_space<vmem>> -> memref<1x4x4096xf32, #tpu.memory_space<vmem>>
    %dma_wait3A_149 = tpu.memref_squeeze %dma_wait3A_148 : memref<1x4x4096xf32, #tpu.memory_space<vmem>> -> memref<4x4096xf32, #tpu.memory_space<vmem>>
    %dma_wait3A_150 = arith.constant 0 : i32
    %dma_wait3A_151 = tpu.memref_slice %arg3[%add3A_144, %dma_wait3A_150] : memref<4096x4096xf32, #tpu.memory_space<hbm>> -> memref<4x4096xf32, #tpu.memory_space<hbm>>
    %dma_wait3A_152 = arith.constant 0 : i32
    %dma_wait3A_153 = tpu.memref_slice %arg3[%add3A_144, %dma_wait3A_152] : memref<4096x4096xf32, #tpu.memory_space<hbm>> -> memref<4x4096xf32, #tpu.memory_space<hbm>>
    %dma_wait3A_154 = arith.constant 0 : i32
    %dma_wait3A_155 = arith.constant 0 : i32
    %dma_wait3A_156 = tpu.memref_slice %arg5[%dma_wait3A_145, %dma_wait3A_154, %dma_wait3A_155] : memref<2x4x4096xf32, #tpu.memory_space<vmem>> -> memref<1x4x4096xf32, #tpu.memory_space<vmem>>
    %dma_wait3A_157 = tpu.memref_squeeze %dma_wait3A_156 : memref<1x4x4096xf32, #tpu.memory_space<vmem>> -> memref<4x4096xf32, #tpu.memory_space<vmem>>
    tpu.wait_dma2 semaphore(%arg8 : memref<!tpu.dma_semaphore, #tpu.memory_space<semaphore_mem>>) src(%dma_wait3A_157 : memref<4x4096xf32, #tpu.memory_space<vmem>>) dst(%dma_wait3A_153 : memref<4x4096xf32, #tpu.memory_space<hbm>>)
    %parallel_loop3A_158 = arith.constant 0 : i32
    %parallel_loop3A_159 = arith.constant 256 : i32
    %parallel_loop3A_160 = arith.constant 1 : i32
    scf.for %parallel_loop3A_758 = %parallel_loop3A_158 to %parallel_loop3A_159 step %parallel_loop3A_160  : i32 {
      %parallel_loop3A_759 = arith.constant 255 : i32
      %parallel_loop3A_760 = arith.subi %parallel_loop3A_759, %parallel_loop3A_758 : i32
      %parallel_loop3A_761 = arith.constant 16 : i32
      %parallel_loop3A_762 = arith.muli %parallel_loop3A_760, %parallel_loop3A_761 : i32
      %parallel_loop3A_763 = arith.constant 0 : i32
      %parallel_loop3A_764 = arith.constant 0 : i32
      %parallel_loop3A_765 = arith.index_cast %parallel_loop3A_763 : i32 to index
      %parallel_loop3A_766 = arith.index_cast %parallel_loop3A_764 : i32 to index
      %parallel_loop3A_767 = arith.index_cast %parallel_loop3A_762 : i32 to index
      %parallel_loop3A_768 = tpu.vector_load %arg4[%parallel_loop3A_765, %parallel_loop3A_766, %parallel_loop3A_767] {strides = array<i32>} : memref<2x4x4096xf32, #tpu.memory_space<vmem>>, vector<1x1x16xf32>,
      %parallel_loop3A_769 = vector.shape_cast %parallel_loop3A_768 : vector<1x1x16xf32> to vector<16xf32>
      %parallel_loop3A_770 = arith.constant 15 : i32
      %parallel_loop3A_771 = vector.broadcast %parallel_loop3A_770 : i32 to vector<16xi32>
      %parallel_loop3A_772 = tpu.iota {dimensions = array<i32: 0>} : vector<16xi32>
      %parallel_loop3A_773 = arith.subi %parallel_loop3A_771, %parallel_loop3A_772 : vector<16xi32>
      %parallel_loop3A_774 = tpu.dynamic_gather %parallel_loop3A_769[%parallel_loop3A_773] in [0] : vector<16xf32>, vector<16xi32> -> vector<16xf32>
      %parallel_loop3A_775 = arith.constant 16 : i32
      %parallel_loop3A_776 = arith.muli %parallel_loop3A_758, %parallel_loop3A_775 : i32
      %parallel_loop3A_777 = arith.constant 0 : i32
      %parallel_loop3A_778 = arith.constant 0 : i32
      %parallel_loop3A_779 = arith.index_cast %parallel_loop3A_777 : i32 to index
      %parallel_loop3A_780 = arith.index_cast %parallel_loop3A_778 : i32 to index
      %parallel_loop3A_781 = arith.index_cast %parallel_loop3A_776 : i32 to index
      %parallel_loop3A_782 = tpu.vector_load %arg5[%parallel_loop3A_779, %parallel_loop3A_780, %parallel_loop3A_781] {strides = array<i32>} : memref<2x4x4096xf32, #tpu.memory_space<vmem>>, vector<1x1x16xf32>,
      %parallel_loop3A_783 = vector.shape_cast %parallel_loop3A_782 : vector<1x1x16xf32> to vector<16xf32>
      %parallel_loop3A_784 = vector.shape_cast %parallel_loop3A_774 : vector<16xf32> to vector<1x1x16xf32>
      tpu.vector_store %arg5[%parallel_loop3A_779, %parallel_loop3A_780, %parallel_loop3A_781], %parallel_loop3A_784 {strides = array<i32>} : memref<2x4x4096xf32, #tpu.memory_space<vmem>>, vector<1x1x16xf32>,
      %parallel_loop3A_785 = arith.constant 0 : i32
      %parallel_loop3A_786 = arith.constant 1 : i32
      %parallel_loop3A_787 = arith.index_cast %parallel_loop3A_785 : i32 to index
      %parallel_loop3A_788 = arith.index_cast %parallel_loop3A_786 : i32 to index
      %parallel_loop3A_789 = arith.index_cast %parallel_loop3A_762 : i32 to index
      %parallel_loop3A_790 = tpu.vector_load %arg4[%parallel_loop3A_787, %parallel_loop3A_788, %parallel_loop3A_789] {strides = array<i32>} : memref<2x4x4096xf32, #tpu.memory_space<vmem>>, vector<1x1x16xf32>,
      %parallel_loop3A_791 = vector.shape_cast %parallel_loop3A_790 : vector<1x1x16xf32> to vector<16xf32>
      %parallel_loop3A_792 = arith.constant 15 : i32
      %parallel_loop3A_793 = vector.broadcast %parallel_loop3A_792 : i32 to vector<16xi32>
      %parallel_loop3A_794 = tpu.iota {dimensions = array<i32: 0>} : vector<16xi32>
      %parallel_loop3A_795 = arith.subi %parallel_loop3A_793, %parallel_loop3A_794 : vector<16xi32>
      %parallel_loop3A_796 = tpu.dynamic_gather %parallel_loop3A_791[%parallel_loop3A_795] in [0] : vector<16xf32>, vector<16xi32> -> vector<16xf32>
      %parallel_loop3A_797 = arith.constant 16 : i32
      %parallel_loop3A_798 = arith.muli %parallel_loop3A_758, %parallel_loop3A_797 : i32
      %parallel_loop3A_799 = arith.constant 0 : i32
      %parallel_loop3A_800 = arith.constant 1 : i32
      %parallel_loop3A_801 = arith.index_cast %parallel_loop3A_799 : i32 to index
      %parallel_loop3A_802 = arith.index_cast %parallel_loop3A_800 : i32 to index
      %parallel_loop3A_803 = arith.index_cast %parallel_loop3A_798 : i32 to index
      %parallel_loop3A_804 = tpu.vector_load %arg5[%parallel_loop3A_801, %parallel_loop3A_802, %parallel_loop3A_803] {strides = array<i32>} : memref<2x4x4096xf32, #tpu.memory_space<vmem>>, vector<1x1x16xf32>,
      %parallel_loop3A_805 = vector.shape_cast %parallel_loop3A_804 : vector<1x1x16xf32> to vector<16xf32>
      %parallel_loop3A_806 = vector.shape_cast %parallel_loop3A_796 : vector<16xf32> to vector<1x1x16xf32>
      tpu.vector_store %arg5[%parallel_loop3A_801, %parallel_loop3A_802, %parallel_loop3A_803], %parallel_loop3A_806 {strides = array<i32>} : memref<2x4x4096xf32, #tpu.memory_space<vmem>>, vector<1x1x16xf32>,
      %parallel_loop3A_807 = arith.constant 0 : i32
      %parallel_loop3A_808 = arith.constant 2 : i32
      %parallel_loop3A_809 = arith.index_cast %parallel_loop3A_807 : i32 to index
      %parallel_loop3A_810 = arith.index_cast %parallel_loop3A_808 : i32 to index
      %parallel_loop3A_811 = arith.index_cast %parallel_loop3A_762 : i32 to index
      %parallel_loop3A_812 = tpu.vector_load %arg4[%parallel_loop3A_809, %parallel_loop3A_810, %parallel_loop3A_811] {strides = array<i32>} : memref<2x4x4096xf32, #tpu.memory_space<vmem>>, vector<1x1x16xf32>,
      %parallel_loop3A_813 = vector.shape_cast %parallel_loop3A_812 : vector<1x1x16xf32> to vector<16xf32>
      %parallel_loop3A_814 = arith.constant 15 : i32
      %parallel_loop3A_815 = vector.broadcast %parallel_loop3A_814 : i32 to vector<16xi32>
      %parallel_loop3A_816 = tpu.iota {dimensions = array<i32: 0>} : vector<16xi32>
      %parallel_loop3A_817 = arith.subi %parallel_loop3A_815, %parallel_loop3A_816 : vector<16xi32>
      %parallel_loop3A_818 = tpu.dynamic_gather %parallel_loop3A_813[%parallel_loop3A_817] in [0] : vector<16xf32>, vector<16xi32> -> vector<16xf32>
      %parallel_loop3A_819 = arith.constant 16 : i32
      %parallel_loop3A_820 = arith.muli %parallel_loop3A_758, %parallel_loop3A_819 : i32
      %parallel_loop3A_821 = arith.constant 0 : i32
      %parallel_loop3A_822 = arith.constant 2 : i32
      %parallel_loop3A_823 = arith.index_cast %parallel_loop3A_821 : i32 to index
      %parallel_loop3A_824 = arith.index_cast %parallel_loop3A_822 : i32 to index
      %parallel_loop3A_825 = arith.index_cast %parallel_loop3A_820 : i32 to index
      %parallel_loop3A_826 = tpu.vector_load %arg5[%parallel_loop3A_823, %parallel_loop3A_824, %parallel_loop3A_825] {strides = array<i32>} : memref<2x4x4096xf32, #tpu.memory_space<vmem>>, vector<1x1x16xf32>,
      %parallel_loop3A_827 = vector.shape_cast %parallel_loop3A_826 : vector<1x1x16xf32> to vector<16xf32>
      %parallel_loop3A_828 = vector.shape_cast %parallel_loop3A_818 : vector<16xf32> to vector<1x1x16xf32>
      tpu.vector_store %arg5[%parallel_loop3A_823, %parallel_loop3A_824, %parallel_loop3A_825], %parallel_loop3A_828 {strides = array<i32>} : memref<2x4x4096xf32, #tpu.memory_space<vmem>>, vector<1x1x16xf32>,
      %parallel_loop3A_829 = arith.constant 0 : i32
      %parallel_loop3A_830 = arith.constant 3 : i32
      %parallel_loop3A_831 = arith.index_cast %parallel_loop3A_829 : i32 to index
      %parallel_loop3A_832 = arith.index_cast %parallel_loop3A_830 : i32 to index
      %parallel_loop3A_833 = arith.index_cast %parallel_loop3A_762 : i32 to index
      %parallel_loop3A_834 = tpu.vector_load %arg4[%parallel_loop3A_831, %parallel_loop3A_832, %parallel_loop3A_833] {strides = array<i32>} : memref<2x4x4096xf32, #tpu.memory_space<vmem>>, vector<1x1x16xf32>,
      %parallel_loop3A_835 = vector.shape_cast %parallel_loop3A_834 : vector<1x1x16xf32> to vector<16xf32>
      %parallel_loop3A_836 = arith.constant 15 : i32
      %parallel_loop3A_837 = vector.broadcast %parallel_loop3A_836 : i32 to vector<16xi32>
      %parallel_loop3A_838 = tpu.iota {dimensions = array<i32: 0>} : vector<16xi32>
      %parallel_loop3A_839 = arith.subi %parallel_loop3A_837, %parallel_loop3A_838 : vector<16xi32>
      %parallel_loop3A_840 = tpu.dynamic_gather %parallel_loop3A_835[%parallel_loop3A_839] in [0] : vector<16xf32>, vector<16xi32> -> vector<16xf32>
      %parallel_loop3A_841 = arith.constant 16 : i32
      %parallel_loop3A_842 = arith.muli %parallel_loop3A_758, %parallel_loop3A_841 : i32
      %parallel_loop3A_843 = arith.constant 0 : i32
      %parallel_loop3A_844 = arith.constant 3 : i32
      %parallel_loop3A_845 = arith.index_cast %parallel_loop3A_843 : i32 to index
      %parallel_loop3A_846 = arith.index_cast %parallel_loop3A_844 : i32 to index
      %parallel_loop3A_847 = arith.index_cast %parallel_loop3A_842 : i32 to index
      %parallel_loop3A_848 = tpu.vector_load %arg5[%parallel_loop3A_845, %parallel_loop3A_846, %parallel_loop3A_847] {strides = array<i32>} : memref<2x4x4096xf32, #tpu.memory_space<vmem>>, vector<1x1x16xf32>,
      %parallel_loop3A_849 = vector.shape_cast %parallel_loop3A_848 : vector<1x1x16xf32> to vector<16xf32>
      %parallel_loop3A_850 = vector.shape_cast %parallel_loop3A_840 : vector<16xf32> to vector<1x1x16xf32>
      tpu.vector_store %arg5[%parallel_loop3A_845, %parallel_loop3A_846, %parallel_loop3A_847], %parallel_loop3A_850 {strides = array<i32>} : memref<2x4x4096xf32, #tpu.memory_space<vmem>>, vector<1x1x16xf32>,
    } {sc.loop_unroll_factor = 8 : i64, sc.parallel_access}
    %add3A_161 = arith.constant 8 : i32
    %add3A_162 = arith.addi %add3A_4, %add3A_161 : i32
    %dma_start3A_163 = arith.constant 0 : i32
    %dma_start3A_164 = arith.constant 0 : i32
    %dma_start3A_165 = arith.constant 0 : i32
    %dma_start3A_166 = tpu.memref_slice %arg5[%dma_start3A_163, %dma_start3A_164, %dma_start3A_165] : memref<2x4x4096xf32, #tpu.memory_space<vmem>> -> memref<1x4x4096xf32, #tpu.memory_space<vmem>>
    %dma_start3A_167 = tpu.memref_squeeze %dma_start3A_166 : memref<1x4x4096xf32, #tpu.memory_space<vmem>> -> memref<4x4096xf32, #tpu.memory_space<vmem>>
    %dma_start3A_168 = arith.constant 0 : i32
    %dma_start3A_169 = tpu.memref_slice %arg3[%add3A_162, %dma_start3A_168] : memref<4096x4096xf32, #tpu.memory_space<hbm>> -> memref<4x4096xf32, #tpu.memory_space<hbm>>
    %dma_start3A_170 = arith.constant 0 : i32
    %dma_start3A_171 = tpu.memref_slice %arg3[%add3A_162, %dma_start3A_170] : memref<4096x4096xf32, #tpu.memory_space<hbm>> -> memref<4x4096xf32, #tpu.memory_space<hbm>>
    %dma_start3A_172 = arith.constant 0 : i32
    %dma_start3A_173 = arith.constant 0 : i32
    %dma_start3A_174 = tpu.memref_slice %arg5[%dma_start3A_163, %dma_start3A_172, %dma_start3A_173] : memref<2x4x4096xf32, #tpu.memory_space<vmem>> -> memref<1x4x4096xf32, #tpu.memory_space<vmem>>
    %dma_start3A_175 = tpu.memref_squeeze %dma_start3A_174 : memref<1x4x4096xf32, #tpu.memory_space<vmem>> -> memref<4x4096xf32, #tpu.memory_space<vmem>>
    tpu.enqueue_dma source(%dma_start3A_175 : memref<4x4096xf32, #tpu.memory_space<vmem>>) target(%dma_start3A_171 : memref<4x4096xf32, #tpu.memory_space<hbm>>) target_semaphore(%arg8 : memref<!tpu.dma_semaphore, #tpu.memory_space<semaphore_mem>>)
    %add3A_176 = arith.constant 16 : i32
    %add3A_177 = arith.addi %add3A_4, %add3A_176 : i32
    %dma_start3A_178 = arith.constant 0 : i32
    %dma_start3A_179 = arith.constant 0 : i32
    %dma_start3A_180 = arith.constant 0 : i32
    %dma_start3A_181 = tpu.memref_slice %arg4[%dma_start3A_178, %dma_start3A_179, %dma_start3A_180] : memref<2x4x4096xf32, #tpu.memory_space<vmem>> -> memref<1x4x4096xf32, #tpu.memory_space<vmem>>
    %dma_start3A_182 = tpu.memref_squeeze %dma_start3A_181 : memref<1x4x4096xf32, #tpu.memory_space<vmem>> -> memref<4x4096xf32, #tpu.memory_space<vmem>>
    %dma_start3A_183 = arith.constant 0 : i32
    %dma_start3A_184 = tpu.memref_slice %arg2[%add3A_177, %dma_start3A_183] : memref<4096x4096xf32, #tpu.memory_space<hbm>> -> memref<4x4096xf32, #tpu.memory_space<hbm>>
    %dma_start3A_185 = arith.constant 0 : i32
    %dma_start3A_186 = arith.constant 0 : i32
    %dma_start3A_187 = tpu.memref_slice %arg4[%dma_start3A_178, %dma_start3A_185, %dma_start3A_186] : memref<2x4x4096xf32, #tpu.memory_space<vmem>> -> memref<1x4x4096xf32, #tpu.memory_space<vmem>>
    %dma_start3A_188 = tpu.memref_squeeze %dma_start3A_187 : memref<1x4x4096xf32, #tpu.memory_space<vmem>> -> memref<4x4096xf32, #tpu.memory_space<vmem>>
    %dma_start3A_189 = arith.constant 0 : i32
    %dma_start3A_190 = tpu.memref_slice %arg2[%add3A_177, %dma_start3A_189] : memref<4096x4096xf32, #tpu.memory_space<hbm>> -> memref<4x4096xf32, #tpu.memory_space<hbm>>
    tpu.enqueue_dma source(%dma_start3A_190 : memref<4x4096xf32, #tpu.memory_space<hbm>>) target(%dma_start3A_188 : memref<4x4096xf32, #tpu.memory_space<vmem>>) target_semaphore(%arg6 : memref<!tpu.dma_semaphore, #tpu.memory_space<semaphore_mem>>)
    %add3A_191 = arith.constant 12 : i32
    %add3A_192 = arith.addi %add3A_4, %add3A_191 : i32
    %dma_wait3A_193 = arith.constant 1 : i32
    %dma_wait3A_194 = arith.constant 0 : i32
    %dma_wait3A_195 = arith.constant 0 : i32
    %dma_wait3A_196 = tpu.memref_slice %arg4[%dma_wait3A_193, %dma_wait3A_194, %dma_wait3A_195] : memref<2x4x4096xf32, #tpu.memory_space<vmem>> -> memref<1x4x4096xf32, #tpu.memory_space<vmem>>
    %dma_wait3A_197 = tpu.memref_squeeze %dma_wait3A_196 : memref<1x4x4096xf32, #tpu.memory_space<vmem>> -> memref<4x4096xf32, #tpu.memory_space<vmem>>
    %dma_wait3A_198 = arith.constant 0 : i32
    %dma_wait3A_199 = tpu.memref_slice %arg2[%add3A_192, %dma_wait3A_198] : memref<4096x4096xf32, #tpu.memory_space<hbm>> -> memref<4x4096xf32, #tpu.memory_space<hbm>>
    %dma_wait3A_200 = arith.constant 0 : i32
    %dma_wait3A_201 = arith.constant 0 : i32
    %dma_wait3A_202 = tpu.memref_slice %arg4[%dma_wait3A_193, %dma_wait3A_200, %dma_wait3A_201] : memref<2x4x4096xf32, #tpu.memory_space<vmem>> -> memref<1x4x4096xf32, #tpu.memory_space<vmem>>
    %dma_wait3A_203 = tpu.memref_squeeze %dma_wait3A_202 : memref<1x4x4096xf32, #tpu.memory_space<vmem>> -> memref<4x4096xf32, #tpu.memory_space<vmem>>
    %dma_wait3A_204 = arith.constant 0 : i32
    %dma_wait3A_205 = tpu.memref_slice %arg2[%add3A_192, %dma_wait3A_204] : memref<4096x4096xf32, #tpu.memory_space<hbm>> -> memref<4x4096xf32, #tpu.memory_space<hbm>>
    tpu.wait_dma2 semaphore(%arg7 : memref<!tpu.dma_semaphore, #tpu.memory_space<semaphore_mem>>) src(%dma_wait3A_205 : memref<4x4096xf32, #tpu.memory_space<hbm>>) dst(%dma_wait3A_203 : memref<4x4096xf32, #tpu.memory_space<vmem>>)
    %add3A_206 = arith.constant 4 : i32
    %add3A_207 = arith.addi %add3A_4, %add3A_206 : i32
    %dma_wait3A_208 = arith.constant 1 : i32
    %dma_wait3A_209 = arith.constant 0 : i32
    %dma_wait3A_210 = arith.constant 0 : i32
    %dma_wait3A_211 = tpu.memref_slice %arg5[%dma_wait3A_208, %dma_wait3A_209, %dma_wait3A_210] : memref<2x4x4096xf32, #tpu.memory_space<vmem>> -> memref<1x4x4096xf32, #tpu.memory_space<vmem>>
    %dma_wait3A_212 = tpu.memref_squeeze %dma_wait3A_211 : memref<1x4x4096xf32, #tpu.memory_space<vmem>> -> memref<4x4096xf32, #tpu.memory_space<vmem>>
    %dma_wait3A_213 = arith.constant 0 : i32
    %dma_wait3A_214 = tpu.memref_slice %arg3[%add3A_207, %dma_wait3A_213] : memref<4096x4096xf32, #tpu.memory_space<hbm>> -> memref<4x4096xf32, #tpu.memory_space<hbm>>
    %dma_wait3A_215 = arith.constant 0 : i32
    %dma_wait3A_216 = tpu.memref_slice %arg3[%add3A_207, %dma_wait3A_215] : memref<4096x4096xf32, #tpu.memory_space<hbm>> -> memref<4x4096xf32, #tpu.memory_space<hbm>>
    %dma_wait3A_217 = arith.constant 0 : i32
    %dma_wait3A_218 = arith.constant 0 : i32
    %dma_wait3A_219 = tpu.memref_slice %arg5[%dma_wait3A_208, %dma_wait3A_217, %dma_wait3A_218] : memref<2x4x4096xf32, #tpu.memory_space<vmem>> -> memref<1x4x4096xf32, #tpu.memory_space<vmem>>
    %dma_wait3A_220 = tpu.memref_squeeze %dma_wait3A_219 : memref<1x4x4096xf32, #tpu.memory_space<vmem>> -> memref<4x4096xf32, #tpu.memory_space<vmem>>
    tpu.wait_dma2 semaphore(%arg9 : memref<!tpu.dma_semaphore, #tpu.memory_space<semaphore_mem>>) src(%dma_wait3A_220 : memref<4x4096xf32, #tpu.memory_space<vmem>>) dst(%dma_wait3A_216 : memref<4x4096xf32, #tpu.memory_space<hbm>>)
    %parallel_loop3A_221 = arith.constant 0 : i32
    %parallel_loop3A_222 = arith.constant 256 : i32
    %parallel_loop3A_223 = arith.constant 1 : i32
    scf.for %parallel_loop3A_758 = %parallel_loop3A_221 to %parallel_loop3A_222 step %parallel_loop3A_223  : i32 {
      %parallel_loop3A_759 = arith.constant 255 : i32
      %parallel_loop3A_760 = arith.subi %parallel_loop3A_759, %parallel_loop3A_758 : i32
      %parallel_loop3A_761 = arith.constant 16 : i32
      %parallel_loop3A_762 = arith.muli %parallel_loop3A_760, %parallel_loop3A_761 : i32
      %parallel_loop3A_763 = arith.constant 1 : i32
      %parallel_loop3A_764 = arith.constant 0 : i32
      %parallel_loop3A_765 = arith.index_cast %parallel_loop3A_763 : i32 to index
      %parallel_loop3A_766 = arith.index_cast %parallel_loop3A_764 : i32 to index
      %parallel_loop3A_767 = arith.index_cast %parallel_loop3A_762 : i32 to index
      %parallel_loop3A_768 = tpu.vector_load %arg4[%parallel_loop3A_765, %parallel_loop3A_766, %parallel_loop3A_767] {strides = array<i32>} : memref<2x4x4096xf32, #tpu.memory_space<vmem>>, vector<1x1x16xf32>,
      %parallel_loop3A_769 = vector.shape_cast %parallel_loop3A_768 : vector<1x1x16xf32> to vector<16xf32>
      %parallel_loop3A_770 = arith.constant 15 : i32
      %parallel_loop3A_771 = vector.broadcast %parallel_loop3A_770 : i32 to vector<16xi32>
      %parallel_loop3A_772 = tpu.iota {dimensions = array<i32: 0>} : vector<16xi32>
      %parallel_loop3A_773 = arith.subi %parallel_loop3A_771, %parallel_loop3A_772 : vector<16xi32>
      %parallel_loop3A_774 = tpu.dynamic_gather %parallel_loop3A_769[%parallel_loop3A_773] in [0] : vector<16xf32>, vector<16xi32> -> vector<16xf32>
      %parallel_loop3A_775 = arith.constant 16 : i32
      %parallel_loop3A_776 = arith.muli %parallel_loop3A_758, %parallel_loop3A_775 : i32
      %parallel_loop3A_777 = arith.constant 1 : i32
      %parallel_loop3A_778 = arith.constant 0 : i32
      %parallel_loop3A_779 = arith.index_cast %parallel_loop3A_777 : i32 to index
      %parallel_loop3A_780 = arith.index_cast %parallel_loop3A_778 : i32 to index
      %parallel_loop3A_781 = arith.index_cast %parallel_loop3A_776 : i32 to index
      %parallel_loop3A_782 = tpu.vector_load %arg5[%parallel_loop3A_779, %parallel_loop3A_780, %parallel_loop3A_781] {strides = array<i32>} : memref<2x4x4096xf32, #tpu.memory_space<vmem>>, vector<1x1x16xf32>,
      %parallel_loop3A_783 = vector.shape_cast %parallel_loop3A_782 : vector<1x1x16xf32> to vector<16xf32>
      %parallel_loop3A_784 = vector.shape_cast %parallel_loop3A_774 : vector<16xf32> to vector<1x1x16xf32>
      tpu.vector_store %arg5[%parallel_loop3A_779, %parallel_loop3A_780, %parallel_loop3A_781], %parallel_loop3A_784 {strides = array<i32>} : memref<2x4x4096xf32, #tpu.memory_space<vmem>>, vector<1x1x16xf32>,
      %parallel_loop3A_785 = arith.constant 1 : i32
      %parallel_loop3A_786 = arith.constant 1 : i32
      %parallel_loop3A_787 = arith.index_cast %parallel_loop3A_785 : i32 to index
      %parallel_loop3A_788 = arith.index_cast %parallel_loop3A_786 : i32 to index
      %parallel_loop3A_789 = arith.index_cast %parallel_loop3A_762 : i32 to index
      %parallel_loop3A_790 = tpu.vector_load %arg4[%parallel_loop3A_787, %parallel_loop3A_788, %parallel_loop3A_789] {strides = array<i32>} : memref<2x4x4096xf32, #tpu.memory_space<vmem>>, vector<1x1x16xf32>,
      %parallel_loop3A_791 = vector.shape_cast %parallel_loop3A_790 : vector<1x1x16xf32> to vector<16xf32>
      %parallel_loop3A_792 = arith.constant 15 : i32
      %parallel_loop3A_793 = vector.broadcast %parallel_loop3A_792 : i32 to vector<16xi32>
      %parallel_loop3A_794 = tpu.iota {dimensions = array<i32: 0>} : vector<16xi32>
      %parallel_loop3A_795 = arith.subi %parallel_loop3A_793, %parallel_loop3A_794 : vector<16xi32>
      %parallel_loop3A_796 = tpu.dynamic_gather %parallel_loop3A_791[%parallel_loop3A_795] in [0] : vector<16xf32>, vector<16xi32> -> vector<16xf32>
      %parallel_loop3A_797 = arith.constant 16 : i32
      %parallel_loop3A_798 = arith.muli %parallel_loop3A_758, %parallel_loop3A_797 : i32
      %parallel_loop3A_799 = arith.constant 1 : i32
      %parallel_loop3A_800 = arith.constant 1 : i32
      %parallel_loop3A_801 = arith.index_cast %parallel_loop3A_799 : i32 to index
      %parallel_loop3A_802 = arith.index_cast %parallel_loop3A_800 : i32 to index
      %parallel_loop3A_803 = arith.index_cast %parallel_loop3A_798 : i32 to index
      %parallel_loop3A_804 = tpu.vector_load %arg5[%parallel_loop3A_801, %parallel_loop3A_802, %parallel_loop3A_803] {strides = array<i32>} : memref<2x4x4096xf32, #tpu.memory_space<vmem>>, vector<1x1x16xf32>,
      %parallel_loop3A_805 = vector.shape_cast %parallel_loop3A_804 : vector<1x1x16xf32> to vector<16xf32>
      %parallel_loop3A_806 = vector.shape_cast %parallel_loop3A_796 : vector<16xf32> to vector<1x1x16xf32>
      tpu.vector_store %arg5[%parallel_loop3A_801, %parallel_loop3A_802, %parallel_loop3A_803], %parallel_loop3A_806 {strides = array<i32>} : memref<2x4x4096xf32, #tpu.memory_space<vmem>>, vector<1x1x16xf32>,
      %parallel_loop3A_807 = arith.constant 1 : i32
      %parallel_loop3A_808 = arith.constant 2 : i32
      %parallel_loop3A_809 = arith.index_cast %parallel_loop3A_807 : i32 to index
      %parallel_loop3A_810 = arith.index_cast %parallel_loop3A_808 : i32 to index
      %parallel_loop3A_811 = arith.index_cast %parallel_loop3A_762 : i32 to index
      %parallel_loop3A_812 = tpu.vector_load %arg4[%parallel_loop3A_809, %parallel_loop3A_810, %parallel_loop3A_811] {strides = array<i32>} : memref<2x4x4096xf32, #tpu.memory_space<vmem>>, vector<1x1x16xf32>,
      %parallel_loop3A_813 = vector.shape_cast %parallel_loop3A_812 : vector<1x1x16xf32> to vector<16xf32>
      %parallel_loop3A_814 = arith.constant 15 : i32
      %parallel_loop3A_815 = vector.broadcast %parallel_loop3A_814 : i32 to vector<16xi32>
      %parallel_loop3A_816 = tpu.iota {dimensions = array<i32: 0>} : vector<16xi32>
      %parallel_loop3A_817 = arith.subi %parallel_loop3A_815, %parallel_loop3A_816 : vector<16xi32>
      %parallel_loop3A_818 = tpu.dynamic_gather %parallel_loop3A_813[%parallel_loop3A_817] in [0] : vector<16xf32>, vector<16xi32> -> vector<16xf32>
      %parallel_loop3A_819 = arith.constant 16 : i32
      %parallel_loop3A_820 = arith.muli %parallel_loop3A_758, %parallel_loop3A_819 : i32
      %parallel_loop3A_821 = arith.constant 1 : i32
      %parallel_loop3A_822 = arith.constant 2 : i32
      %parallel_loop3A_823 = arith.index_cast %parallel_loop3A_821 : i32 to index
      %parallel_loop3A_824 = arith.index_cast %parallel_loop3A_822 : i32 to index
      %parallel_loop3A_825 = arith.index_cast %parallel_loop3A_820 : i32 to index
      %parallel_loop3A_826 = tpu.vector_load %arg5[%parallel_loop3A_823, %parallel_loop3A_824, %parallel_loop3A_825] {strides = array<i32>} : memref<2x4x4096xf32, #tpu.memory_space<vmem>>, vector<1x1x16xf32>,
      %parallel_loop3A_827 = vector.shape_cast %parallel_loop3A_826 : vector<1x1x16xf32> to vector<16xf32>
      %parallel_loop3A_828 = vector.shape_cast %parallel_loop3A_818 : vector<16xf32> to vector<1x1x16xf32>
      tpu.vector_store %arg5[%parallel_loop3A_823, %parallel_loop3A_824, %parallel_loop3A_825], %parallel_loop3A_828 {strides = array<i32>} : memref<2x4x4096xf32, #tpu.memory_space<vmem>>, vector<1x1x16xf32>,
      %parallel_loop3A_829 = arith.constant 1 : i32
      %parallel_loop3A_830 = arith.constant 3 : i32
      %parallel_loop3A_831 = arith.index_cast %parallel_loop3A_829 : i32 to index
      %parallel_loop3A_832 = arith.index_cast %parallel_loop3A_830 : i32 to index
      %parallel_loop3A_833 = arith.index_cast %parallel_loop3A_762 : i32 to index
      %parallel_loop3A_834 = tpu.vector_load %arg4[%parallel_loop3A_831, %parallel_loop3A_832, %parallel_loop3A_833] {strides = array<i32>} : memref<2x4x4096xf32, #tpu.memory_space<vmem>>, vector<1x1x16xf32>,
      %parallel_loop3A_835 = vector.shape_cast %parallel_loop3A_834 : vector<1x1x16xf32> to vector<16xf32>
      %parallel_loop3A_836 = arith.constant 15 : i32
      %parallel_loop3A_837 = vector.broadcast %parallel_loop3A_836 : i32 to vector<16xi32>
      %parallel_loop3A_838 = tpu.iota {dimensions = array<i32: 0>} : vector<16xi32>
      %parallel_loop3A_839 = arith.subi %parallel_loop3A_837, %parallel_loop3A_838 : vector<16xi32>
      %parallel_loop3A_840 = tpu.dynamic_gather %parallel_loop3A_835[%parallel_loop3A_839] in [0] : vector<16xf32>, vector<16xi32> -> vector<16xf32>
      %parallel_loop3A_841 = arith.constant 16 : i32
      %parallel_loop3A_842 = arith.muli %parallel_loop3A_758, %parallel_loop3A_841 : i32
      %parallel_loop3A_843 = arith.constant 1 : i32
      %parallel_loop3A_844 = arith.constant 3 : i32
      %parallel_loop3A_845 = arith.index_cast %parallel_loop3A_843 : i32 to index
      %parallel_loop3A_846 = arith.index_cast %parallel_loop3A_844 : i32 to index
      %parallel_loop3A_847 = arith.index_cast %parallel_loop3A_842 : i32 to index
      %parallel_loop3A_848 = tpu.vector_load %arg5[%parallel_loop3A_845, %parallel_loop3A_846, %parallel_loop3A_847] {strides = array<i32>} : memref<2x4x4096xf32, #tpu.memory_space<vmem>>, vector<1x1x16xf32>,
      %parallel_loop3A_849 = vector.shape_cast %parallel_loop3A_848 : vector<1x1x16xf32> to vector<16xf32>
      %parallel_loop3A_850 = vector.shape_cast %parallel_loop3A_840 : vector<16xf32> to vector<1x1x16xf32>
      tpu.vector_store %arg5[%parallel_loop3A_845, %parallel_loop3A_846, %parallel_loop3A_847], %parallel_loop3A_850 {strides = array<i32>} : memref<2x4x4096xf32, #tpu.memory_space<vmem>>, vector<1x1x16xf32>,
    } {sc.loop_unroll_factor = 8 : i64, sc.parallel_access}
    %add3A_224 = arith.constant 12 : i32
    %add3A_225 = arith.addi %add3A_4, %add3A_224 : i32
    %dma_start3A_226 = arith.constant 1 : i32
    %dma_start3A_227 = arith.constant 0 : i32
    %dma_start3A_228 = arith.constant 0 : i32
    %dma_start3A_229 = tpu.memref_slice %arg5[%dma_start3A_226, %dma_start3A_227, %dma_start3A_228] : memref<2x4x4096xf32, #tpu.memory_space<vmem>> -> memref<1x4x4096xf32, #tpu.memory_space<vmem>>
    %dma_start3A_230 = tpu.memref_squeeze %dma_start3A_229 : memref<1x4x4096xf32, #tpu.memory_space<vmem>> -> memref<4x4096xf32, #tpu.memory_space<vmem>>
    %dma_start3A_231 = arith.constant 0 : i32
    %dma_start3A_232 = tpu.memref_slice %arg3[%add3A_225, %dma_start3A_231] : memref<4096x4096xf32, #tpu.memory_space<hbm>> -> memref<4x4096xf32, #tpu.memory_space<hbm>>
    %dma_start3A_233 = arith.constant 0 : i32
    %dma_start3A_234 = tpu.memref_slice %arg3[%add3A_225, %dma_start3A_233] : memref<4096x4096xf32, #tpu.memory_space<hbm>> -> memref<4x4096xf32, #tpu.memory_space<hbm>>
    %dma_start3A_235 = arith.constant 0 : i32
    %dma_start3A_236 = arith.constant 0 : i32
    %dma_start3A_237 = tpu.memref_slice %arg5[%dma_start3A_226, %dma_start3A_235, %dma_start3A_236] : memref<2x4x4096xf32, #tpu.memory_space<vmem>> -> memref<1x4x4096xf32, #tpu.memory_space<vmem>>
    %dma_start3A_238 = tpu.memref_squeeze %dma_start3A_237 : memref<1x4x4096xf32, #tpu.memory_space<vmem>> -> memref<4x4096xf32, #tpu.memory_space<vmem>>
    tpu.enqueue_dma source(%dma_start3A_238 : memref<4x4096xf32, #tpu.memory_space<vmem>>) target(%dma_start3A_234 : memref<4x4096xf32, #tpu.memory_space<hbm>>) target_semaphore(%arg9 : memref<!tpu.dma_semaphore, #tpu.memory_space<semaphore_mem>>)
    %add3A_239 = arith.constant 20 : i32
    %add3A_240 = arith.addi %add3A_4, %add3A_239 : i32
    %dma_start3A_241 = arith.constant 1 : i32
    %dma_start3A_242 = arith.constant 0 : i32
    %dma_start3A_243 = arith.constant 0 : i32
    %dma_start3A_244 = tpu.memref_slice %arg4[%dma_start3A_241, %dma_start3A_242, %dma_start3A_243] : memref<2x4x4096xf32, #tpu.memory_space<vmem>> -> memref<1x4x4096xf32, #tpu.memory_space<vmem>>
    %dma_start3A_245 = tpu.memref_squeeze %dma_start3A_244 : memref<1x4x4096xf32, #tpu.memory_space<vmem>> -> memref<4x4096xf32, #tpu.memory_space<vmem>>
    %dma_start3A_246 = arith.constant 0 : i32
    %dma_start3A_247 = tpu.memref_slice %arg2[%add3A_240, %dma_start3A_246] : memref<4096x4096xf32, #tpu.memory_space<hbm>> -> memref<4x4096xf32, #tpu.memory_space<hbm>>
    %dma_start3A_248 = arith.constant 0 : i32
    %dma_start3A_249 = arith.constant 0 : i32
    %dma_start3A_250 = tpu.memref_slice %arg4[%dma_start3A_241, %dma_start3A_248, %dma_start3A_249] : memref<2x4x4096xf32, #tpu.memory_space<vmem>> -> memref<1x4x4096xf32, #tpu.memory_space<vmem>>
    %dma_start3A_251 = tpu.memref_squeeze %dma_start3A_250 : memref<1x4x4096xf32, #tpu.memory_space<vmem>> -> memref<4x4096xf32, #tpu.memory_space<vmem>>
    %dma_start3A_252 = arith.constant 0 : i32
    %dma_start3A_253 = tpu.memref_slice %arg2[%add3A_240, %dma_start3A_252] : memref<4096x4096xf32, #tpu.memory_space<hbm>> -> memref<4x4096xf32, #tpu.memory_space<hbm>>
    tpu.enqueue_dma source(%dma_start3A_253 : memref<4x4096xf32, #tpu.memory_space<hbm>>) target(%dma_start3A_251 : memref<4x4096xf32, #tpu.memory_space<vmem>>) target_semaphore(%arg7 : memref<!tpu.dma_semaphore, #tpu.memory_space<semaphore_mem>>)
    %add3A_254 = arith.constant 16 : i32
    %add3A_255 = arith.addi %add3A_4, %add3A_254 : i32
    %dma_wait3A_256 = arith.constant 0 : i32
    %dma_wait3A_257 = arith.constant 0 : i32
    %dma_wait3A_258 = arith.constant 0 : i32
    %dma_wait3A_259 = tpu.memref_slice %arg4[%dma_wait3A_256, %dma_wait3A_257, %dma_wait3A_258] : memref<2x4x4096xf32, #tpu.memory_space<vmem>> -> memref<1x4x4096xf32, #tpu.memory_space<vmem>>
    %dma_wait3A_260 = tpu.memref_squeeze %dma_wait3A_259 : memref<1x4x4096xf32, #tpu.memory_space<vmem>> -> memref<4x4096xf32, #tpu.memory_space<vmem>>
    %dma_wait3A_261 = arith.constant 0 : i32
    %dma_wait3A_262 = tpu.memref_slice %arg2[%add3A_255, %dma_wait3A_261] : memref<4096x4096xf32, #tpu.memory_space<hbm>> -> memref<4x4096xf32, #tpu.memory_space<hbm>>
    %dma_wait3A_263 = arith.constant 0 : i32
    %dma_wait3A_264 = arith.constant 0 : i32
    %dma_wait3A_265 = tpu.memref_slice %arg4[%dma_wait3A_256, %dma_wait3A_263, %dma_wait3A_264] : memref<2x4x4096xf32, #tpu.memory_space<vmem>> -> memref<1x4x4096xf32, #tpu.memory_space<vmem>>
    %dma_wait3A_266 = tpu.memref_squeeze %dma_wait3A_265 : memref<1x4x4096xf32, #tpu.memory_space<vmem>> -> memref<4x4096xf32, #tpu.memory_space<vmem>>
    %dma_wait3A_267 = arith.constant 0 : i32
    %dma_wait3A_268 = tpu.memref_slice %arg2[%add3A_255, %dma_wait3A_267] : memref<4096x4096xf32, #tpu.memory_space<hbm>> -> memref<4x4096xf32, #tpu.memory_space<hbm>>
    tpu.wait_dma2 semaphore(%arg6 : memref<!tpu.dma_semaphore, #tpu.memory_space<semaphore_mem>>) src(%dma_wait3A_268 : memref<4x4096xf32, #tpu.memory_space<hbm>>) dst(%dma_wait3A_266 : memref<4x4096xf32, #tpu.memory_space<vmem>>)
    %add3A_269 = arith.constant 8 : i32
    %add3A_270 = arith.addi %add3A_4, %add3A_269 : i32
    %dma_wait3A_271 = arith.constant 0 : i32
    %dma_wait3A_272 = arith.constant 0 : i32
    %dma_wait3A_273 = arith.constant 0 : i32
    %dma_wait3A_274 = tpu.memref_slice %arg5[%dma_wait3A_271, %dma_wait3A_272, %dma_wait3A_273] : memref<2x4x4096xf32, #tpu.memory_space<vmem>> -> memref<1x4x4096xf32, #tpu.memory_space<vmem>>
    %dma_wait3A_275 = tpu.memref_squeeze %dma_wait3A_274 : memref<1x4x4096xf32, #tpu.memory_space<vmem>> -> memref<4x4096xf32, #tpu.memory_space<vmem>>
    %dma_wait3A_276 = arith.constant 0 : i32
    %dma_wait3A_277 = tpu.memref_slice %arg3[%add3A_270, %dma_wait3A_276] : memref<4096x4096xf32, #tpu.memory_space<hbm>> -> memref<4x4096xf32, #tpu.memory_space<hbm>>
    %dma_wait3A_278 = arith.constant 0 : i32
    %dma_wait3A_279 = tpu.memref_slice %arg3[%add3A_270, %dma_wait3A_278] : memref<4096x4096xf32, #tpu.memory_space<hbm>> -> memref<4x4096xf32, #tpu.memory_space<hbm>>
    %dma_wait3A_280 = arith.constant 0 : i32
    %dma_wait3A_281 = arith.constant 0 : i32
    %dma_wait3A_282 = tpu.memref_slice %arg5[%dma_wait3A_271, %dma_wait3A_280, %dma_wait3A_281] : memref<2x4x4096xf32, #tpu.memory_space<vmem>> -> memref<1x4x4096xf32, #tpu.memory_space<vmem>>
    %dma_wait3A_283 = tpu.memref_squeeze %dma_wait3A_282 : memref<1x4x4096xf32, #tpu.memory_space<vmem>> -> memref<4x4096xf32, #tpu.memory_space<vmem>>
    tpu.wait_dma2 semaphore(%arg8 : memref<!tpu.dma_semaphore, #tpu.memory_space<semaphore_mem>>) src(%dma_wait3A_283 : memref<4x4096xf32, #tpu.memory_space<vmem>>) dst(%dma_wait3A_279 : memref<4x4096xf32, #tpu.memory_space<hbm>>)
    %parallel_loop3A_284 = arith.constant 0 : i32
    %parallel_loop3A_285 = arith.constant 256 : i32
    %parallel_loop3A_286 = arith.constant 1 : i32
    scf.for %parallel_loop3A_758 = %parallel_loop3A_284 to %parallel_loop3A_285 step %parallel_loop3A_286  : i32 {
      %parallel_loop3A_759 = arith.constant 255 : i32
      %parallel_loop3A_760 = arith.subi %parallel_loop3A_759, %parallel_loop3A_758 : i32
      %parallel_loop3A_761 = arith.constant 16 : i32
      %parallel_loop3A_762 = arith.muli %parallel_loop3A_760, %parallel_loop3A_761 : i32
      %parallel_loop3A_763 = arith.constant 0 : i32
      %parallel_loop3A_764 = arith.constant 0 : i32
      %parallel_loop3A_765 = arith.index_cast %parallel_loop3A_763 : i32 to index
      %parallel_loop3A_766 = arith.index_cast %parallel_loop3A_764 : i32 to index
      %parallel_loop3A_767 = arith.index_cast %parallel_loop3A_762 : i32 to index
      %parallel_loop3A_768 = tpu.vector_load %arg4[%parallel_loop3A_765, %parallel_loop3A_766, %parallel_loop3A_767] {strides = array<i32>} : memref<2x4x4096xf32, #tpu.memory_space<vmem>>, vector<1x1x16xf32>,
      %parallel_loop3A_769 = vector.shape_cast %parallel_loop3A_768 : vector<1x1x16xf32> to vector<16xf32>
      %parallel_loop3A_770 = arith.constant 15 : i32
      %parallel_loop3A_771 = vector.broadcast %parallel_loop3A_770 : i32 to vector<16xi32>
      %parallel_loop3A_772 = tpu.iota {dimensions = array<i32: 0>} : vector<16xi32>
      %parallel_loop3A_773 = arith.subi %parallel_loop3A_771, %parallel_loop3A_772 : vector<16xi32>
      %parallel_loop3A_774 = tpu.dynamic_gather %parallel_loop3A_769[%parallel_loop3A_773] in [0] : vector<16xf32>, vector<16xi32> -> vector<16xf32>
      %parallel_loop3A_775 = arith.constant 16 : i32
      %parallel_loop3A_776 = arith.muli %parallel_loop3A_758, %parallel_loop3A_775 : i32
      %parallel_loop3A_777 = arith.constant 0 : i32
      %parallel_loop3A_778 = arith.constant 0 : i32
      %parallel_loop3A_779 = arith.index_cast %parallel_loop3A_777 : i32 to index
      %parallel_loop3A_780 = arith.index_cast %parallel_loop3A_778 : i32 to index
      %parallel_loop3A_781 = arith.index_cast %parallel_loop3A_776 : i32 to index
      %parallel_loop3A_782 = tpu.vector_load %arg5[%parallel_loop3A_779, %parallel_loop3A_780, %parallel_loop3A_781] {strides = array<i32>} : memref<2x4x4096xf32, #tpu.memory_space<vmem>>, vector<1x1x16xf32>,
      %parallel_loop3A_783 = vector.shape_cast %parallel_loop3A_782 : vector<1x1x16xf32> to vector<16xf32>
      %parallel_loop3A_784 = vector.shape_cast %parallel_loop3A_774 : vector<16xf32> to vector<1x1x16xf32>
      tpu.vector_store %arg5[%parallel_loop3A_779, %parallel_loop3A_780, %parallel_loop3A_781], %parallel_loop3A_784 {strides = array<i32>} : memref<2x4x4096xf32, #tpu.memory_space<vmem>>, vector<1x1x16xf32>,
      %parallel_loop3A_785 = arith.constant 0 : i32
      %parallel_loop3A_786 = arith.constant 1 : i32
      %parallel_loop3A_787 = arith.index_cast %parallel_loop3A_785 : i32 to index
      %parallel_loop3A_788 = arith.index_cast %parallel_loop3A_786 : i32 to index
      %parallel_loop3A_789 = arith.index_cast %parallel_loop3A_762 : i32 to index
      %parallel_loop3A_790 = tpu.vector_load %arg4[%parallel_loop3A_787, %parallel_loop3A_788, %parallel_loop3A_789] {strides = array<i32>} : memref<2x4x4096xf32, #tpu.memory_space<vmem>>, vector<1x1x16xf32>,
      %parallel_loop3A_791 = vector.shape_cast %parallel_loop3A_790 : vector<1x1x16xf32> to vector<16xf32>
      %parallel_loop3A_792 = arith.constant 15 : i32
      %parallel_loop3A_793 = vector.broadcast %parallel_loop3A_792 : i32 to vector<16xi32>
      %parallel_loop3A_794 = tpu.iota {dimensions = array<i32: 0>} : vector<16xi32>
      %parallel_loop3A_795 = arith.subi %parallel_loop3A_793, %parallel_loop3A_794 : vector<16xi32>
      %parallel_loop3A_796 = tpu.dynamic_gather %parallel_loop3A_791[%parallel_loop3A_795] in [0] : vector<16xf32>, vector<16xi32> -> vector<16xf32>
      %parallel_loop3A_797 = arith.constant 16 : i32
      %parallel_loop3A_798 = arith.muli %parallel_loop3A_758, %parallel_loop3A_797 : i32
      %parallel_loop3A_799 = arith.constant 0 : i32
      %parallel_loop3A_800 = arith.constant 1 : i32
      %parallel_loop3A_801 = arith.index_cast %parallel_loop3A_799 : i32 to index
      %parallel_loop3A_802 = arith.index_cast %parallel_loop3A_800 : i32 to index
      %parallel_loop3A_803 = arith.index_cast %parallel_loop3A_798 : i32 to index
      %parallel_loop3A_804 = tpu.vector_load %arg5[%parallel_loop3A_801, %parallel_loop3A_802, %parallel_loop3A_803] {strides = array<i32>} : memref<2x4x4096xf32, #tpu.memory_space<vmem>>, vector<1x1x16xf32>,
      %parallel_loop3A_805 = vector.shape_cast %parallel_loop3A_804 : vector<1x1x16xf32> to vector<16xf32>
      %parallel_loop3A_806 = vector.shape_cast %parallel_loop3A_796 : vector<16xf32> to vector<1x1x16xf32>
      tpu.vector_store %arg5[%parallel_loop3A_801, %parallel_loop3A_802, %parallel_loop3A_803], %parallel_loop3A_806 {strides = array<i32>} : memref<2x4x4096xf32, #tpu.memory_space<vmem>>, vector<1x1x16xf32>,
      %parallel_loop3A_807 = arith.constant 0 : i32
      %parallel_loop3A_808 = arith.constant 2 : i32
      %parallel_loop3A_809 = arith.index_cast %parallel_loop3A_807 : i32 to index
      %parallel_loop3A_810 = arith.index_cast %parallel_loop3A_808 : i32 to index
      %parallel_loop3A_811 = arith.index_cast %parallel_loop3A_762 : i32 to index
      %parallel_loop3A_812 = tpu.vector_load %arg4[%parallel_loop3A_809, %parallel_loop3A_810, %parallel_loop3A_811] {strides = array<i32>} : memref<2x4x4096xf32, #tpu.memory_space<vmem>>, vector<1x1x16xf32>,
      %parallel_loop3A_813 = vector.shape_cast %parallel_loop3A_812 : vector<1x1x16xf32> to vector<16xf32>
      %parallel_loop3A_814 = arith.constant 15 : i32
      %parallel_loop3A_815 = vector.broadcast %parallel_loop3A_814 : i32 to vector<16xi32>
      %parallel_loop3A_816 = tpu.iota {dimensions = array<i32: 0>} : vector<16xi32>
      %parallel_loop3A_817 = arith.subi %parallel_loop3A_815, %parallel_loop3A_816 : vector<16xi32>
      %parallel_loop3A_818 = tpu.dynamic_gather %parallel_loop3A_813[%parallel_loop3A_817] in [0] : vector<16xf32>, vector<16xi32> -> vector<16xf32>
      %parallel_loop3A_819 = arith.constant 16 : i32
      %parallel_loop3A_820 = arith.muli %parallel_loop3A_758, %parallel_loop3A_819 : i32
      %parallel_loop3A_821 = arith.constant 0 : i32
      %parallel_loop3A_822 = arith.constant 2 : i32
      %parallel_loop3A_823 = arith.index_cast %parallel_loop3A_821 : i32 to index
      %parallel_loop3A_824 = arith.index_cast %parallel_loop3A_822 : i32 to index
      %parallel_loop3A_825 = arith.index_cast %parallel_loop3A_820 : i32 to index
      %parallel_loop3A_826 = tpu.vector_load %arg5[%parallel_loop3A_823, %parallel_loop3A_824, %parallel_loop3A_825] {strides = array<i32>} : memref<2x4x4096xf32, #tpu.memory_space<vmem>>, vector<1x1x16xf32>,
      %parallel_loop3A_827 = vector.shape_cast %parallel_loop3A_826 : vector<1x1x16xf32> to vector<16xf32>
      %parallel_loop3A_828 = vector.shape_cast %parallel_loop3A_818 : vector<16xf32> to vector<1x1x16xf32>
      tpu.vector_store %arg5[%parallel_loop3A_823, %parallel_loop3A_824, %parallel_loop3A_825], %parallel_loop3A_828 {strides = array<i32>} : memref<2x4x4096xf32, #tpu.memory_space<vmem>>, vector<1x1x16xf32>,
      %parallel_loop3A_829 = arith.constant 0 : i32
      %parallel_loop3A_830 = arith.constant 3 : i32
      %parallel_loop3A_831 = arith.index_cast %parallel_loop3A_829 : i32 to index
      %parallel_loop3A_832 = arith.index_cast %parallel_loop3A_830 : i32 to index
      %parallel_loop3A_833 = arith.index_cast %parallel_loop3A_762 : i32 to index
      %parallel_loop3A_834 = tpu.vector_load %arg4[%parallel_loop3A_831, %parallel_loop3A_832, %parallel_loop3A_833] {strides = array<i32>} : memref<2x4x4096xf32, #tpu.memory_space<vmem>>, vector<1x1x16xf32>,
      %parallel_loop3A_835 = vector.shape_cast %parallel_loop3A_834 : vector<1x1x16xf32> to vector<16xf32>
      %parallel_loop3A_836 = arith.constant 15 : i32
      %parallel_loop3A_837 = vector.broadcast %parallel_loop3A_836 : i32 to vector<16xi32>
      %parallel_loop3A_838 = tpu.iota {dimensions = array<i32: 0>} : vector<16xi32>
      %parallel_loop3A_839 = arith.subi %parallel_loop3A_837, %parallel_loop3A_838 : vector<16xi32>
      %parallel_loop3A_840 = tpu.dynamic_gather %parallel_loop3A_835[%parallel_loop3A_839] in [0] : vector<16xf32>, vector<16xi32> -> vector<16xf32>
      %parallel_loop3A_841 = arith.constant 16 : i32
      %parallel_loop3A_842 = arith.muli %parallel_loop3A_758, %parallel_loop3A_841 : i32
      %parallel_loop3A_843 = arith.constant 0 : i32
      %parallel_loop3A_844 = arith.constant 3 : i32
      %parallel_loop3A_845 = arith.index_cast %parallel_loop3A_843 : i32 to index
      %parallel_loop3A_846 = arith.index_cast %parallel_loop3A_844 : i32 to index
      %parallel_loop3A_847 = arith.index_cast %parallel_loop3A_842 : i32 to index
      %parallel_loop3A_848 = tpu.vector_load %arg5[%parallel_loop3A_845, %parallel_loop3A_846, %parallel_loop3A_847] {strides = array<i32>} : memref<2x4x4096xf32, #tpu.memory_space<vmem>>, vector<1x1x16xf32>,
      %parallel_loop3A_849 = vector.shape_cast %parallel_loop3A_848 : vector<1x1x16xf32> to vector<16xf32>
      %parallel_loop3A_850 = vector.shape_cast %parallel_loop3A_840 : vector<16xf32> to vector<1x1x16xf32>
      tpu.vector_store %arg5[%parallel_loop3A_845, %parallel_loop3A_846, %parallel_loop3A_847], %parallel_loop3A_850 {strides = array<i32>} : memref<2x4x4096xf32, #tpu.memory_space<vmem>>, vector<1x1x16xf32>,
    } {sc.loop_unroll_factor = 8 : i64, sc.parallel_access}
    %add3A_287 = arith.constant 16 : i32
    %add3A_288 = arith.addi %add3A_4, %add3A_287 : i32
    %dma_start3A_289 = arith.constant 0 : i32
    %dma_start3A_290 = arith.constant 0 : i32
    %dma_start3A_291 = arith.constant 0 : i32
    %dma_start3A_292 = tpu.memref_slice %arg5[%dma_start3A_289, %dma_start3A_290, %dma_start3A_291] : memref<2x4x4096xf32, #tpu.memory_space<vmem>> -> memref<1x4x4096xf32, #tpu.memory_space<vmem>>
    %dma_start3A_293 = tpu.memref_squeeze %dma_start3A_292 : memref<1x4x4096xf32, #tpu.memory_space<vmem>> -> memref<4x4096xf32, #tpu.memory_space<vmem>>
    %dma_start3A_294 = arith.constant 0 : i32
    %dma_start3A_295 = tpu.memref_slice %arg3[%add3A_288, %dma_start3A_294] : memref<4096x4096xf32, #tpu.memory_space<hbm>> -> memref<4x4096xf32, #tpu.memory_space<hbm>>
    %dma_start3A_296 = arith.constant 0 : i32
    %dma_start3A_297 = tpu.memref_slice %arg3[%add3A_288, %dma_start3A_296] : memref<4096x4096xf32, #tpu.memory_space<hbm>> -> memref<4x4096xf32, #tpu.memory_space<hbm>>
    %dma_start3A_298 = arith.constant 0 : i32
    %dma_start3A_299 = arith.constant 0 : i32
    %dma_start3A_300 = tpu.memref_slice %arg5[%dma_start3A_289, %dma_start3A_298, %dma_start3A_299] : memref<2x4x4096xf32, #tpu.memory_space<vmem>> -> memref<1x4x4096xf32, #tpu.memory_space<vmem>>
    %dma_start3A_301 = tpu.memref_squeeze %dma_start3A_300 : memref<1x4x4096xf32, #tpu.memory_space<vmem>> -> memref<4x4096xf32, #tpu.memory_space<vmem>>
    tpu.enqueue_dma source(%dma_start3A_301 : memref<4x4096xf32, #tpu.memory_space<vmem>>) target(%dma_start3A_297 : memref<4x4096xf32, #tpu.memory_space<hbm>>) target_semaphore(%arg8 : memref<!tpu.dma_semaphore, #tpu.memory_space<semaphore_mem>>)
    %add3A_302 = arith.constant 24 : i32
    %add3A_303 = arith.addi %add3A_4, %add3A_302 : i32
    %dma_start3A_304 = arith.constant 0 : i32
    %dma_start3A_305 = arith.constant 0 : i32
    %dma_start3A_306 = arith.constant 0 : i32
    %dma_start3A_307 = tpu.memref_slice %arg4[%dma_start3A_304, %dma_start3A_305, %dma_start3A_306] : memref<2x4x4096xf32, #tpu.memory_space<vmem>> -> memref<1x4x4096xf32, #tpu.memory_space<vmem>>
    %dma_start3A_308 = tpu.memref_squeeze %dma_start3A_307 : memref<1x4x4096xf32, #tpu.memory_space<vmem>> -> memref<4x4096xf32, #tpu.memory_space<vmem>>
    %dma_start3A_309 = arith.constant 0 : i32
    %dma_start3A_310 = tpu.memref_slice %arg2[%add3A_303, %dma_start3A_309] : memref<4096x4096xf32, #tpu.memory_space<hbm>> -> memref<4x4096xf32, #tpu.memory_space<hbm>>
    %dma_start3A_311 = arith.constant 0 : i32
    %dma_start3A_312 = arith.constant 0 : i32
    %dma_start3A_313 = tpu.memref_slice %arg4[%dma_start3A_304, %dma_start3A_311, %dma_start3A_312] : memref<2x4x4096xf32, #tpu.memory_space<vmem>> -> memref<1x4x4096xf32, #tpu.memory_space<vmem>>
    %dma_start3A_314 = tpu.memref_squeeze %dma_start3A_313 : memref<1x4x4096xf32, #tpu.memory_space<vmem>> -> memref<4x4096xf32, #tpu.memory_space<vmem>>
    %dma_start3A_315 = arith.constant 0 : i32
    %dma_start3A_316 = tpu.memref_slice %arg2[%add3A_303, %dma_start3A_315] : memref<4096x4096xf32, #tpu.memory_space<hbm>> -> memref<4x4096xf32, #tpu.memory_space<hbm>>
    tpu.enqueue_dma source(%dma_start3A_316 : memref<4x4096xf32, #tpu.memory_space<hbm>>) target(%dma_start3A_314 : memref<4x4096xf32, #tpu.memory_space<vmem>>) target_semaphore(%arg6 : memref<!tpu.dma_semaphore, #tpu.memory_space<semaphore_mem>>)
    %add3A_317 = arith.constant 20 : i32
    %add3A_318 = arith.addi %add3A_4, %add3A_317 : i32
    %dma_wait3A_319 = arith.constant 1 : i32
    %dma_wait3A_320 = arith.constant 0 : i32
    %dma_wait3A_321 = arith.constant 0 : i32
    %dma_wait3A_322 = tpu.memref_slice %arg4[%dma_wait3A_319, %dma_wait3A_320, %dma_wait3A_321] : memref<2x4x4096xf32, #tpu.memory_space<vmem>> -> memref<1x4x4096xf32, #tpu.memory_space<vmem>>
    %dma_wait3A_323 = tpu.memref_squeeze %dma_wait3A_322 : memref<1x4x4096xf32, #tpu.memory_space<vmem>> -> memref<4x4096xf32, #tpu.memory_space<vmem>>
    %dma_wait3A_324 = arith.constant 0 : i32
    %dma_wait3A_325 = tpu.memref_slice %arg2[%add3A_318, %dma_wait3A_324] : memref<4096x4096xf32, #tpu.memory_space<hbm>> -> memref<4x4096xf32, #tpu.memory_space<hbm>>
    %dma_wait3A_326 = arith.constant 0 : i32
    %dma_wait3A_327 = arith.constant 0 : i32
    %dma_wait3A_328 = tpu.memref_slice %arg4[%dma_wait3A_319, %dma_wait3A_326, %dma_wait3A_327] : memref<2x4x4096xf32, #tpu.memory_space<vmem>> -> memref<1x4x4096xf32, #tpu.memory_space<vmem>>
    %dma_wait3A_329 = tpu.memref_squeeze %dma_wait3A_328 : memref<1x4x4096xf32, #tpu.memory_space<vmem>> -> memref<4x4096xf32, #tpu.memory_space<vmem>>
    %dma_wait3A_330 = arith.constant 0 : i32
    %dma_wait3A_331 = tpu.memref_slice %arg2[%add3A_318, %dma_wait3A_330] : memref<4096x4096xf32, #tpu.memory_space<hbm>> -> memref<4x4096xf32, #tpu.memory_space<hbm>>
    tpu.wait_dma2 semaphore(%arg7 : memref<!tpu.dma_semaphore, #tpu.memory_space<semaphore_mem>>) src(%dma_wait3A_331 : memref<4x4096xf32, #tpu.memory_space<hbm>>) dst(%dma_wait3A_329 : memref<4x4096xf32, #tpu.memory_space<vmem>>)
    %add3A_332 = arith.constant 12 : i32
    %add3A_333 = arith.addi %add3A_4, %add3A_332 : i32
    %dma_wait3A_334 = arith.constant 1 : i32
    %dma_wait3A_335 = arith.constant 0 : i32
    %dma_wait3A_336 = arith.constant 0 : i32
    %dma_wait3A_337 = tpu.memref_slice %arg5[%dma_wait3A_334, %dma_wait3A_335, %dma_wait3A_336] : memref<2x4x4096xf32, #tpu.memory_space<vmem>> -> memref<1x4x4096xf32, #tpu.memory_space<vmem>>
    %dma_wait3A_338 = tpu.memref_squeeze %dma_wait3A_337 : memref<1x4x4096xf32, #tpu.memory_space<vmem>> -> memref<4x4096xf32, #tpu.memory_space<vmem>>
    %dma_wait3A_339 = arith.constant 0 : i32
    %dma_wait3A_340 = tpu.memref_slice %arg3[%add3A_333, %dma_wait3A_339] : memref<4096x4096xf32, #tpu.memory_space<hbm>> -> memref<4x4096xf32, #tpu.memory_space<hbm>>
    %dma_wait3A_341 = arith.constant 0 : i32
    %dma_wait3A_342 = tpu.memref_slice %arg3[%add3A_333, %dma_wait3A_341] : memref<4096x4096xf32, #tpu.memory_space<hbm>> -> memref<4x4096xf32, #tpu.memory_space<hbm>>
    %dma_wait3A_343 = arith.constant 0 : i32
    %dma_wait3A_344 = arith.constant 0 : i32
    %dma_wait3A_345 = tpu.memref_slice %arg5[%dma_wait3A_334, %dma_wait3A_343, %dma_wait3A_344] : memref<2x4x4096xf32, #tpu.memory_space<vmem>> -> memref<1x4x4096xf32, #tpu.memory_space<vmem>>
    %dma_wait3A_346 = tpu.memref_squeeze %dma_wait3A_345 : memref<1x4x4096xf32, #tpu.memory_space<vmem>> -> memref<4x4096xf32, #tpu.memory_space<vmem>>
    tpu.wait_dma2 semaphore(%arg9 : memref<!tpu.dma_semaphore, #tpu.memory_space<semaphore_mem>>) src(%dma_wait3A_346 : memref<4x4096xf32, #tpu.memory_space<vmem>>) dst(%dma_wait3A_342 : memref<4x4096xf32, #tpu.memory_space<hbm>>)
    %parallel_loop3A_347 = arith.constant 0 : i32
    %parallel_loop3A_348 = arith.constant 256 : i32
    %parallel_loop3A_349 = arith.constant 1 : i32
    scf.for %parallel_loop3A_758 = %parallel_loop3A_347 to %parallel_loop3A_348 step %parallel_loop3A_349  : i32 {
      %parallel_loop3A_759 = arith.constant 255 : i32
      %parallel_loop3A_760 = arith.subi %parallel_loop3A_759, %parallel_loop3A_758 : i32
      %parallel_loop3A_761 = arith.constant 16 : i32
      %parallel_loop3A_762 = arith.muli %parallel_loop3A_760, %parallel_loop3A_761 : i32
      %parallel_loop3A_763 = arith.constant 1 : i32
      %parallel_loop3A_764 = arith.constant 0 : i32
      %parallel_loop3A_765 = arith.index_cast %parallel_loop3A_763 : i32 to index
      %parallel_loop3A_766 = arith.index_cast %parallel_loop3A_764 : i32 to index
      %parallel_loop3A_767 = arith.index_cast %parallel_loop3A_762 : i32 to index
      %parallel_loop3A_768 = tpu.vector_load %arg4[%parallel_loop3A_765, %parallel_loop3A_766, %parallel_loop3A_767] {strides = array<i32>} : memref<2x4x4096xf32, #tpu.memory_space<vmem>>, vector<1x1x16xf32>,
      %parallel_loop3A_769 = vector.shape_cast %parallel_loop3A_768 : vector<1x1x16xf32> to vector<16xf32>
      %parallel_loop3A_770 = arith.constant 15 : i32
      %parallel_loop3A_771 = vector.broadcast %parallel_loop3A_770 : i32 to vector<16xi32>
      %parallel_loop3A_772 = tpu.iota {dimensions = array<i32: 0>} : vector<16xi32>
      %parallel_loop3A_773 = arith.subi %parallel_loop3A_771, %parallel_loop3A_772 : vector<16xi32>
      %parallel_loop3A_774 = tpu.dynamic_gather %parallel_loop3A_769[%parallel_loop3A_773] in [0] : vector<16xf32>, vector<16xi32> -> vector<16xf32>
      %parallel_loop3A_775 = arith.constant 16 : i32
      %parallel_loop3A_776 = arith.muli %parallel_loop3A_758, %parallel_loop3A_775 : i32
      %parallel_loop3A_777 = arith.constant 1 : i32
      %parallel_loop3A_778 = arith.constant 0 : i32
      %parallel_loop3A_779 = arith.index_cast %parallel_loop3A_777 : i32 to index
      %parallel_loop3A_780 = arith.index_cast %parallel_loop3A_778 : i32 to index
      %parallel_loop3A_781 = arith.index_cast %parallel_loop3A_776 : i32 to index
      %parallel_loop3A_782 = tpu.vector_load %arg5[%parallel_loop3A_779, %parallel_loop3A_780, %parallel_loop3A_781] {strides = array<i32>} : memref<2x4x4096xf32, #tpu.memory_space<vmem>>, vector<1x1x16xf32>,
      %parallel_loop3A_783 = vector.shape_cast %parallel_loop3A_782 : vector<1x1x16xf32> to vector<16xf32>
      %parallel_loop3A_784 = vector.shape_cast %parallel_loop3A_774 : vector<16xf32> to vector<1x1x16xf32>
      tpu.vector_store %arg5[%parallel_loop3A_779, %parallel_loop3A_780, %parallel_loop3A_781], %parallel_loop3A_784 {strides = array<i32>} : memref<2x4x4096xf32, #tpu.memory_space<vmem>>, vector<1x1x16xf32>,
      %parallel_loop3A_785 = arith.constant 1 : i32
      %parallel_loop3A_786 = arith.constant 1 : i32
      %parallel_loop3A_787 = arith.index_cast %parallel_loop3A_785 : i32 to index
      %parallel_loop3A_788 = arith.index_cast %parallel_loop3A_786 : i32 to index
      %parallel_loop3A_789 = arith.index_cast %parallel_loop3A_762 : i32 to index
      %parallel_loop3A_790 = tpu.vector_load %arg4[%parallel_loop3A_787, %parallel_loop3A_788, %parallel_loop3A_789] {strides = array<i32>} : memref<2x4x4096xf32, #tpu.memory_space<vmem>>, vector<1x1x16xf32>,
      %parallel_loop3A_791 = vector.shape_cast %parallel_loop3A_790 : vector<1x1x16xf32> to vector<16xf32>
      %parallel_loop3A_792 = arith.constant 15 : i32
      %parallel_loop3A_793 = vector.broadcast %parallel_loop3A_792 : i32 to vector<16xi32>
      %parallel_loop3A_794 = tpu.iota {dimensions = array<i32: 0>} : vector<16xi32>
      %parallel_loop3A_795 = arith.subi %parallel_loop3A_793, %parallel_loop3A_794 : vector<16xi32>
      %parallel_loop3A_796 = tpu.dynamic_gather %parallel_loop3A_791[%parallel_loop3A_795] in [0] : vector<16xf32>, vector<16xi32> -> vector<16xf32>
      %parallel_loop3A_797 = arith.constant 16 : i32
      %parallel_loop3A_798 = arith.muli %parallel_loop3A_758, %parallel_loop3A_797 : i32
      %parallel_loop3A_799 = arith.constant 1 : i32
      %parallel_loop3A_800 = arith.constant 1 : i32
      %parallel_loop3A_801 = arith.index_cast %parallel_loop3A_799 : i32 to index
      %parallel_loop3A_802 = arith.index_cast %parallel_loop3A_800 : i32 to index
      %parallel_loop3A_803 = arith.index_cast %parallel_loop3A_798 : i32 to index
      %parallel_loop3A_804 = tpu.vector_load %arg5[%parallel_loop3A_801, %parallel_loop3A_802, %parallel_loop3A_803] {strides = array<i32>} : memref<2x4x4096xf32, #tpu.memory_space<vmem>>, vector<1x1x16xf32>,
      %parallel_loop3A_805 = vector.shape_cast %parallel_loop3A_804 : vector<1x1x16xf32> to vector<16xf32>
      %parallel_loop3A_806 = vector.shape_cast %parallel_loop3A_796 : vector<16xf32> to vector<1x1x16xf32>
      tpu.vector_store %arg5[%parallel_loop3A_801, %parallel_loop3A_802, %parallel_loop3A_803], %parallel_loop3A_806 {strides = array<i32>} : memref<2x4x4096xf32, #tpu.memory_space<vmem>>, vector<1x1x16xf32>,
      %parallel_loop3A_807 = arith.constant 1 : i32
      %parallel_loop3A_808 = arith.constant 2 : i32
      %parallel_loop3A_809 = arith.index_cast %parallel_loop3A_807 : i32 to index
      %parallel_loop3A_810 = arith.index_cast %parallel_loop3A_808 : i32 to index
      %parallel_loop3A_811 = arith.index_cast %parallel_loop3A_762 : i32 to index
      %parallel_loop3A_812 = tpu.vector_load %arg4[%parallel_loop3A_809, %parallel_loop3A_810, %parallel_loop3A_811] {strides = array<i32>} : memref<2x4x4096xf32, #tpu.memory_space<vmem>>, vector<1x1x16xf32>,
      %parallel_loop3A_813 = vector.shape_cast %parallel_loop3A_812 : vector<1x1x16xf32> to vector<16xf32>
      %parallel_loop3A_814 = arith.constant 15 : i32
      %parallel_loop3A_815 = vector.broadcast %parallel_loop3A_814 : i32 to vector<16xi32>
      %parallel_loop3A_816 = tpu.iota {dimensions = array<i32: 0>} : vector<16xi32>
      %parallel_loop3A_817 = arith.subi %parallel_loop3A_815, %parallel_loop3A_816 : vector<16xi32>
      %parallel_loop3A_818 = tpu.dynamic_gather %parallel_loop3A_813[%parallel_loop3A_817] in [0] : vector<16xf32>, vector<16xi32> -> vector<16xf32>
      %parallel_loop3A_819 = arith.constant 16 : i32
      %parallel_loop3A_820 = arith.muli %parallel_loop3A_758, %parallel_loop3A_819 : i32
      %parallel_loop3A_821 = arith.constant 1 : i32
      %parallel_loop3A_822 = arith.constant 2 : i32
      %parallel_loop3A_823 = arith.index_cast %parallel_loop3A_821 : i32 to index
      %parallel_loop3A_824 = arith.index_cast %parallel_loop3A_822 : i32 to index
      %parallel_loop3A_825 = arith.index_cast %parallel_loop3A_820 : i32 to index
      %parallel_loop3A_826 = tpu.vector_load %arg5[%parallel_loop3A_823, %parallel_loop3A_824, %parallel_loop3A_825] {strides = array<i32>} : memref<2x4x4096xf32, #tpu.memory_space<vmem>>, vector<1x1x16xf32>,
      %parallel_loop3A_827 = vector.shape_cast %parallel_loop3A_826 : vector<1x1x16xf32> to vector<16xf32>
      %parallel_loop3A_828 = vector.shape_cast %parallel_loop3A_818 : vector<16xf32> to vector<1x1x16xf32>
      tpu.vector_store %arg5[%parallel_loop3A_823, %parallel_loop3A_824, %parallel_loop3A_825], %parallel_loop3A_828 {strides = array<i32>} : memref<2x4x4096xf32, #tpu.memory_space<vmem>>, vector<1x1x16xf32>,
      %parallel_loop3A_829 = arith.constant 1 : i32
      %parallel_loop3A_830 = arith.constant 3 : i32
      %parallel_loop3A_831 = arith.index_cast %parallel_loop3A_829 : i32 to index
      %parallel_loop3A_832 = arith.index_cast %parallel_loop3A_830 : i32 to index
      %parallel_loop3A_833 = arith.index_cast %parallel_loop3A_762 : i32 to index
      %parallel_loop3A_834 = tpu.vector_load %arg4[%parallel_loop3A_831, %parallel_loop3A_832, %parallel_loop3A_833] {strides = array<i32>} : memref<2x4x4096xf32, #tpu.memory_space<vmem>>, vector<1x1x16xf32>,
      %parallel_loop3A_835 = vector.shape_cast %parallel_loop3A_834 : vector<1x1x16xf32> to vector<16xf32>
      %parallel_loop3A_836 = arith.constant 15 : i32
      %parallel_loop3A_837 = vector.broadcast %parallel_loop3A_836 : i32 to vector<16xi32>
      %parallel_loop3A_838 = tpu.iota {dimensions = array<i32: 0>} : vector<16xi32>
      %parallel_loop3A_839 = arith.subi %parallel_loop3A_837, %parallel_loop3A_838 : vector<16xi32>
      %parallel_loop3A_840 = tpu.dynamic_gather %parallel_loop3A_835[%parallel_loop3A_839] in [0] : vector<16xf32>, vector<16xi32> -> vector<16xf32>
      %parallel_loop3A_841 = arith.constant 16 : i32
      %parallel_loop3A_842 = arith.muli %parallel_loop3A_758, %parallel_loop3A_841 : i32
      %parallel_loop3A_843 = arith.constant 1 : i32
      %parallel_loop3A_844 = arith.constant 3 : i32
      %parallel_loop3A_845 = arith.index_cast %parallel_loop3A_843 : i32 to index
      %parallel_loop3A_846 = arith.index_cast %parallel_loop3A_844 : i32 to index
      %parallel_loop3A_847 = arith.index_cast %parallel_loop3A_842 : i32 to index
      %parallel_loop3A_848 = tpu.vector_load %arg5[%parallel_loop3A_845, %parallel_loop3A_846, %parallel_loop3A_847] {strides = array<i32>} : memref<2x4x4096xf32, #tpu.memory_space<vmem>>, vector<1x1x16xf32>,
      %parallel_loop3A_849 = vector.shape_cast %parallel_loop3A_848 : vector<1x1x16xf32> to vector<16xf32>
      %parallel_loop3A_850 = vector.shape_cast %parallel_loop3A_840 : vector<16xf32> to vector<1x1x16xf32>
      tpu.vector_store %arg5[%parallel_loop3A_845, %parallel_loop3A_846, %parallel_loop3A_847], %parallel_loop3A_850 {strides = array<i32>} : memref<2x4x4096xf32, #tpu.memory_space<vmem>>, vector<1x1x16xf32>,
    } {sc.loop_unroll_factor = 8 : i64, sc.parallel_access}
    %add3A_350 = arith.constant 20 : i32
    %add3A_351 = arith.addi %add3A_4, %add3A_350 : i32
    %dma_start3A_352 = arith.constant 1 : i32
    %dma_start3A_353 = arith.constant 0 : i32
    %dma_start3A_354 = arith.constant 0 : i32
    %dma_start3A_355 = tpu.memref_slice %arg5[%dma_start3A_352, %dma_start3A_353, %dma_start3A_354] : memref<2x4x4096xf32, #tpu.memory_space<vmem>> -> memref<1x4x4096xf32, #tpu.memory_space<vmem>>
    %dma_start3A_356 = tpu.memref_squeeze %dma_start3A_355 : memref<1x4x4096xf32, #tpu.memory_space<vmem>> -> memref<4x4096xf32, #tpu.memory_space<vmem>>
    %dma_start3A_357 = arith.constant 0 : i32
    %dma_start3A_358 = tpu.memref_slice %arg3[%add3A_351, %dma_start3A_357] : memref<4096x4096xf32, #tpu.memory_space<hbm>> -> memref<4x4096xf32, #tpu.memory_space<hbm>>
    %dma_start3A_359 = arith.constant 0 : i32
    %dma_start3A_360 = tpu.memref_slice %arg3[%add3A_351, %dma_start3A_359] : memref<4096x4096xf32, #tpu.memory_space<hbm>> -> memref<4x4096xf32, #tpu.memory_space<hbm>>
    %dma_start3A_361 = arith.constant 0 : i32
    %dma_start3A_362 = arith.constant 0 : i32
    %dma_start3A_363 = tpu.memref_slice %arg5[%dma_start3A_352, %dma_start3A_361, %dma_start3A_362] : memref<2x4x4096xf32, #tpu.memory_space<vmem>> -> memref<1x4x4096xf32, #tpu.memory_space<vmem>>
    %dma_start3A_364 = tpu.memref_squeeze %dma_start3A_363 : memref<1x4x4096xf32, #tpu.memory_space<vmem>> -> memref<4x4096xf32, #tpu.memory_space<vmem>>
    tpu.enqueue_dma source(%dma_start3A_364 : memref<4x4096xf32, #tpu.memory_space<vmem>>) target(%dma_start3A_360 : memref<4x4096xf32, #tpu.memory_space<hbm>>) target_semaphore(%arg9 : memref<!tpu.dma_semaphore, #tpu.memory_space<semaphore_mem>>)
    %add3A_365 = arith.constant 28 : i32
    %add3A_366 = arith.addi %add3A_4, %add3A_365 : i32
    %dma_start3A_367 = arith.constant 1 : i32
    %dma_start3A_368 = arith.constant 0 : i32
    %dma_start3A_369 = arith.constant 0 : i32
    %dma_start3A_370 = tpu.memref_slice %arg4[%dma_start3A_367, %dma_start3A_368, %dma_start3A_369] : memref<2x4x4096xf32, #tpu.memory_space<vmem>> -> memref<1x4x4096xf32, #tpu.memory_space<vmem>>
    %dma_start3A_371 = tpu.memref_squeeze %dma_start3A_370 : memref<1x4x4096xf32, #tpu.memory_space<vmem>> -> memref<4x4096xf32, #tpu.memory_space<vmem>>
    %dma_start3A_372 = arith.constant 0 : i32
    %dma_start3A_373 = tpu.memref_slice %arg2[%add3A_366, %dma_start3A_372] : memref<4096x4096xf32, #tpu.memory_space<hbm>> -> memref<4x4096xf32, #tpu.memory_space<hbm>>
    %dma_start3A_374 = arith.constant 0 : i32
    %dma_start3A_375 = arith.constant 0 : i32
    %dma_start3A_376 = tpu.memref_slice %arg4[%dma_start3A_367, %dma_start3A_374, %dma_start3A_375] : memref<2x4x4096xf32, #tpu.memory_space<vmem>> -> memref<1x4x4096xf32, #tpu.memory_space<vmem>>
    %dma_start3A_377 = tpu.memref_squeeze %dma_start3A_376 : memref<1x4x4096xf32, #tpu.memory_space<vmem>> -> memref<4x4096xf32, #tpu.memory_space<vmem>>
    %dma_start3A_378 = arith.constant 0 : i32
    %dma_start3A_379 = tpu.memref_slice %arg2[%add3A_366, %dma_start3A_378] : memref<4096x4096xf32, #tpu.memory_space<hbm>> -> memref<4x4096xf32, #tpu.memory_space<hbm>>
    tpu.enqueue_dma source(%dma_start3A_379 : memref<4x4096xf32, #tpu.memory_space<hbm>>) target(%dma_start3A_377 : memref<4x4096xf32, #tpu.memory_space<vmem>>) target_semaphore(%arg7 : memref<!tpu.dma_semaphore, #tpu.memory_space<semaphore_mem>>)
    %add3A_380 = arith.constant 24 : i32
    %add3A_381 = arith.addi %add3A_4, %add3A_380 : i32
    %dma_wait3A_382 = arith.constant 0 : i32
    %dma_wait3A_383 = arith.constant 0 : i32
    %dma_wait3A_384 = arith.constant 0 : i32
    %dma_wait3A_385 = tpu.memref_slice %arg4[%dma_wait3A_382, %dma_wait3A_383, %dma_wait3A_384] : memref<2x4x4096xf32, #tpu.memory_space<vmem>> -> memref<1x4x4096xf32, #tpu.memory_space<vmem>>
    %dma_wait3A_386 = tpu.memref_squeeze %dma_wait3A_385 : memref<1x4x4096xf32, #tpu.memory_space<vmem>> -> memref<4x4096xf32, #tpu.memory_space<vmem>>
    %dma_wait3A_387 = arith.constant 0 : i32
    %dma_wait3A_388 = tpu.memref_slice %arg2[%add3A_381, %dma_wait3A_387] : memref<4096x4096xf32, #tpu.memory_space<hbm>> -> memref<4x4096xf32, #tpu.memory_space<hbm>>
    %dma_wait3A_389 = arith.constant 0 : i32
    %dma_wait3A_390 = arith.constant 0 : i32
    %dma_wait3A_391 = tpu.memref_slice %arg4[%dma_wait3A_382, %dma_wait3A_389, %dma_wait3A_390] : memref<2x4x4096xf32, #tpu.memory_space<vmem>> -> memref<1x4x4096xf32, #tpu.memory_space<vmem>>
    %dma_wait3A_392 = tpu.memref_squeeze %dma_wait3A_391 : memref<1x4x4096xf32, #tpu.memory_space<vmem>> -> memref<4x4096xf32, #tpu.memory_space<vmem>>
    %dma_wait3A_393 = arith.constant 0 : i32
    %dma_wait3A_394 = tpu.memref_slice %arg2[%add3A_381, %dma_wait3A_393] : memref<4096x4096xf32, #tpu.memory_space<hbm>> -> memref<4x4096xf32, #tpu.memory_space<hbm>>
    tpu.wait_dma2 semaphore(%arg6 : memref<!tpu.dma_semaphore, #tpu.memory_space<semaphore_mem>>) src(%dma_wait3A_394 : memref<4x4096xf32, #tpu.memory_space<hbm>>) dst(%dma_wait3A_392 : memref<4x4096xf32, #tpu.memory_space<vmem>>)
    %add3A_395 = arith.constant 16 : i32
    %add3A_396 = arith.addi %add3A_4, %add3A_395 : i32
    %dma_wait3A_397 = arith.constant 0 : i32
    %dma_wait3A_398 = arith.constant 0 : i32
    %dma_wait3A_399 = arith.constant 0 : i32
    %dma_wait3A_400 = tpu.memref_slice %arg5[%dma_wait3A_397, %dma_wait3A_398, %dma_wait3A_399] : memref<2x4x4096xf32, #tpu.memory_space<vmem>> -> memref<1x4x4096xf32, #tpu.memory_space<vmem>>
    %dma_wait3A_401 = tpu.memref_squeeze %dma_wait3A_400 : memref<1x4x4096xf32, #tpu.memory_space<vmem>> -> memref<4x4096xf32, #tpu.memory_space<vmem>>
    %dma_wait3A_402 = arith.constant 0 : i32
    %dma_wait3A_403 = tpu.memref_slice %arg3[%add3A_396, %dma_wait3A_402] : memref<4096x4096xf32, #tpu.memory_space<hbm>> -> memref<4x4096xf32, #tpu.memory_space<hbm>>
    %dma_wait3A_404 = arith.constant 0 : i32
    %dma_wait3A_405 = tpu.memref_slice %arg3[%add3A_396, %dma_wait3A_404] : memref<4096x4096xf32, #tpu.memory_space<hbm>> -> memref<4x4096xf32, #tpu.memory_space<hbm>>
    %dma_wait3A_406 = arith.constant 0 : i32
    %dma_wait3A_407 = arith.constant 0 : i32
    %dma_wait3A_408 = tpu.memref_slice %arg5[%dma_wait3A_397, %dma_wait3A_406, %dma_wait3A_407] : memref<2x4x4096xf32, #tpu.memory_space<vmem>> -> memref<1x4x4096xf32, #tpu.memory_space<vmem>>
    %dma_wait3A_409 = tpu.memref_squeeze %dma_wait3A_408 : memref<1x4x4096xf32, #tpu.memory_space<vmem>> -> memref<4x4096xf32, #tpu.memory_space<vmem>>
    tpu.wait_dma2 semaphore(%arg8 : memref<!tpu.dma_semaphore, #tpu.memory_space<semaphore_mem>>) src(%dma_wait3A_409 : memref<4x4096xf32, #tpu.memory_space<vmem>>) dst(%dma_wait3A_405 : memref<4x4096xf32, #tpu.memory_space<hbm>>)
    %parallel_loop3A_410 = arith.constant 0 : i32
    %parallel_loop3A_411 = arith.constant 256 : i32
    %parallel_loop3A_412 = arith.constant 1 : i32
    scf.for %parallel_loop3A_758 = %parallel_loop3A_410 to %parallel_loop3A_411 step %parallel_loop3A_412  : i32 {
      %parallel_loop3A_759 = arith.constant 255 : i32
      %parallel_loop3A_760 = arith.subi %parallel_loop3A_759, %parallel_loop3A_758 : i32
      %parallel_loop3A_761 = arith.constant 16 : i32
      %parallel_loop3A_762 = arith.muli %parallel_loop3A_760, %parallel_loop3A_761 : i32
      %parallel_loop3A_763 = arith.constant 0 : i32
      %parallel_loop3A_764 = arith.constant 0 : i32
      %parallel_loop3A_765 = arith.index_cast %parallel_loop3A_763 : i32 to index
      %parallel_loop3A_766 = arith.index_cast %parallel_loop3A_764 : i32 to index
      %parallel_loop3A_767 = arith.index_cast %parallel_loop3A_762 : i32 to index
      %parallel_loop3A_768 = tpu.vector_load %arg4[%parallel_loop3A_765, %parallel_loop3A_766, %parallel_loop3A_767] {strides = array<i32>} : memref<2x4x4096xf32, #tpu.memory_space<vmem>>, vector<1x1x16xf32>,
      %parallel_loop3A_769 = vector.shape_cast %parallel_loop3A_768 : vector<1x1x16xf32> to vector<16xf32>
      %parallel_loop3A_770 = arith.constant 15 : i32
      %parallel_loop3A_771 = vector.broadcast %parallel_loop3A_770 : i32 to vector<16xi32>
      %parallel_loop3A_772 = tpu.iota {dimensions = array<i32: 0>} : vector<16xi32>
      %parallel_loop3A_773 = arith.subi %parallel_loop3A_771, %parallel_loop3A_772 : vector<16xi32>
      %parallel_loop3A_774 = tpu.dynamic_gather %parallel_loop3A_769[%parallel_loop3A_773] in [0] : vector<16xf32>, vector<16xi32> -> vector<16xf32>
      %parallel_loop3A_775 = arith.constant 16 : i32
      %parallel_loop3A_776 = arith.muli %parallel_loop3A_758, %parallel_loop3A_775 : i32
      %parallel_loop3A_777 = arith.constant 0 : i32
      %parallel_loop3A_778 = arith.constant 0 : i32
      %parallel_loop3A_779 = arith.index_cast %parallel_loop3A_777 : i32 to index
      %parallel_loop3A_780 = arith.index_cast %parallel_loop3A_778 : i32 to index
      %parallel_loop3A_781 = arith.index_cast %parallel_loop3A_776 : i32 to index
      %parallel_loop3A_782 = tpu.vector_load %arg5[%parallel_loop3A_779, %parallel_loop3A_780, %parallel_loop3A_781] {strides = array<i32>} : memref<2x4x4096xf32, #tpu.memory_space<vmem>>, vector<1x1x16xf32>,
      %parallel_loop3A_783 = vector.shape_cast %parallel_loop3A_782 : vector<1x1x16xf32> to vector<16xf32>
      %parallel_loop3A_784 = vector.shape_cast %parallel_loop3A_774 : vector<16xf32> to vector<1x1x16xf32>
      tpu.vector_store %arg5[%parallel_loop3A_779, %parallel_loop3A_780, %parallel_loop3A_781], %parallel_loop3A_784 {strides = array<i32>} : memref<2x4x4096xf32, #tpu.memory_space<vmem>>, vector<1x1x16xf32>,
      %parallel_loop3A_785 = arith.constant 0 : i32
      %parallel_loop3A_786 = arith.constant 1 : i32
      %parallel_loop3A_787 = arith.index_cast %parallel_loop3A_785 : i32 to index
      %parallel_loop3A_788 = arith.index_cast %parallel_loop3A_786 : i32 to index
      %parallel_loop3A_789 = arith.index_cast %parallel_loop3A_762 : i32 to index
      %parallel_loop3A_790 = tpu.vector_load %arg4[%parallel_loop3A_787, %parallel_loop3A_788, %parallel_loop3A_789] {strides = array<i32>} : memref<2x4x4096xf32, #tpu.memory_space<vmem>>, vector<1x1x16xf32>,
      %parallel_loop3A_791 = vector.shape_cast %parallel_loop3A_790 : vector<1x1x16xf32> to vector<16xf32>
      %parallel_loop3A_792 = arith.constant 15 : i32
      %parallel_loop3A_793 = vector.broadcast %parallel_loop3A_792 : i32 to vector<16xi32>
      %parallel_loop3A_794 = tpu.iota {dimensions = array<i32: 0>} : vector<16xi32>
      %parallel_loop3A_795 = arith.subi %parallel_loop3A_793, %parallel_loop3A_794 : vector<16xi32>
      %parallel_loop3A_796 = tpu.dynamic_gather %parallel_loop3A_791[%parallel_loop3A_795] in [0] : vector<16xf32>, vector<16xi32> -> vector<16xf32>
      %parallel_loop3A_797 = arith.constant 16 : i32
      %parallel_loop3A_798 = arith.muli %parallel_loop3A_758, %parallel_loop3A_797 : i32
      %parallel_loop3A_799 = arith.constant 0 : i32
      %parallel_loop3A_800 = arith.constant 1 : i32
      %parallel_loop3A_801 = arith.index_cast %parallel_loop3A_799 : i32 to index
      %parallel_loop3A_802 = arith.index_cast %parallel_loop3A_800 : i32 to index
      %parallel_loop3A_803 = arith.index_cast %parallel_loop3A_798 : i32 to index
      %parallel_loop3A_804 = tpu.vector_load %arg5[%parallel_loop3A_801, %parallel_loop3A_802, %parallel_loop3A_803] {strides = array<i32>} : memref<2x4x4096xf32, #tpu.memory_space<vmem>>, vector<1x1x16xf32>,
      %parallel_loop3A_805 = vector.shape_cast %parallel_loop3A_804 : vector<1x1x16xf32> to vector<16xf32>
      %parallel_loop3A_806 = vector.shape_cast %parallel_loop3A_796 : vector<16xf32> to vector<1x1x16xf32>
      tpu.vector_store %arg5[%parallel_loop3A_801, %parallel_loop3A_802, %parallel_loop3A_803], %parallel_loop3A_806 {strides = array<i32>} : memref<2x4x4096xf32, #tpu.memory_space<vmem>>, vector<1x1x16xf32>,
      %parallel_loop3A_807 = arith.constant 0 : i32
      %parallel_loop3A_808 = arith.constant 2 : i32
      %parallel_loop3A_809 = arith.index_cast %parallel_loop3A_807 : i32 to index
      %parallel_loop3A_810 = arith.index_cast %parallel_loop3A_808 : i32 to index
      %parallel_loop3A_811 = arith.index_cast %parallel_loop3A_762 : i32 to index
      %parallel_loop3A_812 = tpu.vector_load %arg4[%parallel_loop3A_809, %parallel_loop3A_810, %parallel_loop3A_811] {strides = array<i32>} : memref<2x4x4096xf32, #tpu.memory_space<vmem>>, vector<1x1x16xf32>,
      %parallel_loop3A_813 = vector.shape_cast %parallel_loop3A_812 : vector<1x1x16xf32> to vector<16xf32>
      %parallel_loop3A_814 = arith.constant 15 : i32
      %parallel_loop3A_815 = vector.broadcast %parallel_loop3A_814 : i32 to vector<16xi32>
      %parallel_loop3A_816 = tpu.iota {dimensions = array<i32: 0>} : vector<16xi32>
      %parallel_loop3A_817 = arith.subi %parallel_loop3A_815, %parallel_loop3A_816 : vector<16xi32>
      %parallel_loop3A_818 = tpu.dynamic_gather %parallel_loop3A_813[%parallel_loop3A_817] in [0] : vector<16xf32>, vector<16xi32> -> vector<16xf32>
      %parallel_loop3A_819 = arith.constant 16 : i32
      %parallel_loop3A_820 = arith.muli %parallel_loop3A_758, %parallel_loop3A_819 : i32
      %parallel_loop3A_821 = arith.constant 0 : i32
      %parallel_loop3A_822 = arith.constant 2 : i32
      %parallel_loop3A_823 = arith.index_cast %parallel_loop3A_821 : i32 to index
      %parallel_loop3A_824 = arith.index_cast %parallel_loop3A_822 : i32 to index
      %parallel_loop3A_825 = arith.index_cast %parallel_loop3A_820 : i32 to index
      %parallel_loop3A_826 = tpu.vector_load %arg5[%parallel_loop3A_823, %parallel_loop3A_824, %parallel_loop3A_825] {strides = array<i32>} : memref<2x4x4096xf32, #tpu.memory_space<vmem>>, vector<1x1x16xf32>,
      %parallel_loop3A_827 = vector.shape_cast %parallel_loop3A_826 : vector<1x1x16xf32> to vector<16xf32>
      %parallel_loop3A_828 = vector.shape_cast %parallel_loop3A_818 : vector<16xf32> to vector<1x1x16xf32>
      tpu.vector_store %arg5[%parallel_loop3A_823, %parallel_loop3A_824, %parallel_loop3A_825], %parallel_loop3A_828 {strides = array<i32>} : memref<2x4x4096xf32, #tpu.memory_space<vmem>>, vector<1x1x16xf32>,
      %parallel_loop3A_829 = arith.constant 0 : i32
      %parallel_loop3A_830 = arith.constant 3 : i32
      %parallel_loop3A_831 = arith.index_cast %parallel_loop3A_829 : i32 to index
      %parallel_loop3A_832 = arith.index_cast %parallel_loop3A_830 : i32 to index
      %parallel_loop3A_833 = arith.index_cast %parallel_loop3A_762 : i32 to index
      %parallel_loop3A_834 = tpu.vector_load %arg4[%parallel_loop3A_831, %parallel_loop3A_832, %parallel_loop3A_833] {strides = array<i32>} : memref<2x4x4096xf32, #tpu.memory_space<vmem>>, vector<1x1x16xf32>,
      %parallel_loop3A_835 = vector.shape_cast %parallel_loop3A_834 : vector<1x1x16xf32> to vector<16xf32>
      %parallel_loop3A_836 = arith.constant 15 : i32
      %parallel_loop3A_837 = vector.broadcast %parallel_loop3A_836 : i32 to vector<16xi32>
      %parallel_loop3A_838 = tpu.iota {dimensions = array<i32: 0>} : vector<16xi32>
      %parallel_loop3A_839 = arith.subi %parallel_loop3A_837, %parallel_loop3A_838 : vector<16xi32>
      %parallel_loop3A_840 = tpu.dynamic_gather %parallel_loop3A_835[%parallel_loop3A_839] in [0] : vector<16xf32>, vector<16xi32> -> vector<16xf32>
      %parallel_loop3A_841 = arith.constant 16 : i32
      %parallel_loop3A_842 = arith.muli %parallel_loop3A_758, %parallel_loop3A_841 : i32
      %parallel_loop3A_843 = arith.constant 0 : i32
      %parallel_loop3A_844 = arith.constant 3 : i32
      %parallel_loop3A_845 = arith.index_cast %parallel_loop3A_843 : i32 to index
      %parallel_loop3A_846 = arith.index_cast %parallel_loop3A_844 : i32 to index
      %parallel_loop3A_847 = arith.index_cast %parallel_loop3A_842 : i32 to index
      %parallel_loop3A_848 = tpu.vector_load %arg5[%parallel_loop3A_845, %parallel_loop3A_846, %parallel_loop3A_847] {strides = array<i32>} : memref<2x4x4096xf32, #tpu.memory_space<vmem>>, vector<1x1x16xf32>,
      %parallel_loop3A_849 = vector.shape_cast %parallel_loop3A_848 : vector<1x1x16xf32> to vector<16xf32>
      %parallel_loop3A_850 = vector.shape_cast %parallel_loop3A_840 : vector<16xf32> to vector<1x1x16xf32>
      tpu.vector_store %arg5[%parallel_loop3A_845, %parallel_loop3A_846, %parallel_loop3A_847], %parallel_loop3A_850 {strides = array<i32>} : memref<2x4x4096xf32, #tpu.memory_space<vmem>>, vector<1x1x16xf32>,
    } {sc.loop_unroll_factor = 8 : i64, sc.parallel_access}
    %add3A_413 = arith.constant 24 : i32
    %add3A_414 = arith.addi %add3A_4, %add3A_413 : i32
    %dma_start3A_415 = arith.constant 0 : i32
    %dma_start3A_416 = arith.constant 0 : i32
    %dma_start3A_417 = arith.constant 0 : i32
    %dma_start3A_418 = tpu.memref_slice %arg5[%dma_start3A_415, %dma_start3A_416, %dma_start3A_417] : memref<2x4x4096xf32, #tpu.memory_space<vmem>> -> memref<1x4x4096xf32, #tpu.memory_space<vmem>>
    %dma_start3A_419 = tpu.memref_squeeze %dma_start3A_418 : memref<1x4x4096xf32, #tpu.memory_space<vmem>> -> memref<4x4096xf32, #tpu.memory_space<vmem>>
    %dma_start3A_420 = arith.constant 0 : i32
    %dma_start3A_421 = tpu.memref_slice %arg3[%add3A_414, %dma_start3A_420] : memref<4096x4096xf32, #tpu.memory_space<hbm>> -> memref<4x4096xf32, #tpu.memory_space<hbm>>
    %dma_start3A_422 = arith.constant 0 : i32
    %dma_start3A_423 = tpu.memref_slice %arg3[%add3A_414, %dma_start3A_422] : memref<4096x4096xf32, #tpu.memory_space<hbm>> -> memref<4x4096xf32, #tpu.memory_space<hbm>>
    %dma_start3A_424 = arith.constant 0 : i32
    %dma_start3A_425 = arith.constant 0 : i32
    %dma_start3A_426 = tpu.memref_slice %arg5[%dma_start3A_415, %dma_start3A_424, %dma_start3A_425] : memref<2x4x4096xf32, #tpu.memory_space<vmem>> -> memref<1x4x4096xf32, #tpu.memory_space<vmem>>
    %dma_start3A_427 = tpu.memref_squeeze %dma_start3A_426 : memref<1x4x4096xf32, #tpu.memory_space<vmem>> -> memref<4x4096xf32, #tpu.memory_space<vmem>>
    tpu.enqueue_dma source(%dma_start3A_427 : memref<4x4096xf32, #tpu.memory_space<vmem>>) target(%dma_start3A_423 : memref<4x4096xf32, #tpu.memory_space<hbm>>) target_semaphore(%arg8 : memref<!tpu.dma_semaphore, #tpu.memory_space<semaphore_mem>>)
    %add3A_428 = arith.constant 32 : i32
    %add3A_429 = arith.addi %add3A_4, %add3A_428 : i32
    %dma_start3A_430 = arith.constant 0 : i32
    %dma_start3A_431 = arith.constant 0 : i32
    %dma_start3A_432 = arith.constant 0 : i32
    %dma_start3A_433 = tpu.memref_slice %arg4[%dma_start3A_430, %dma_start3A_431, %dma_start3A_432] : memref<2x4x4096xf32, #tpu.memory_space<vmem>> -> memref<1x4x4096xf32, #tpu.memory_space<vmem>>
    %dma_start3A_434 = tpu.memref_squeeze %dma_start3A_433 : memref<1x4x4096xf32, #tpu.memory_space<vmem>> -> memref<4x4096xf32, #tpu.memory_space<vmem>>
    %dma_start3A_435 = arith.constant 0 : i32
    %dma_start3A_436 = tpu.memref_slice %arg2[%add3A_429, %dma_start3A_435] : memref<4096x4096xf32, #tpu.memory_space<hbm>> -> memref<4x4096xf32, #tpu.memory_space<hbm>>
    %dma_start3A_437 = arith.constant 0 : i32
    %dma_start3A_438 = arith.constant 0 : i32
    %dma_start3A_439 = tpu.memref_slice %arg4[%dma_start3A_430, %dma_start3A_437, %dma_start3A_438] : memref<2x4x4096xf32, #tpu.memory_space<vmem>> -> memref<1x4x4096xf32, #tpu.memory_space<vmem>>
    %dma_start3A_440 = tpu.memref_squeeze %dma_start3A_439 : memref<1x4x4096xf32, #tpu.memory_space<vmem>> -> memref<4x4096xf32, #tpu.memory_space<vmem>>
    %dma_start3A_441 = arith.constant 0 : i32
    %dma_start3A_442 = tpu.memref_slice %arg2[%add3A_429, %dma_start3A_441] : memref<4096x4096xf32, #tpu.memory_space<hbm>> -> memref<4x4096xf32, #tpu.memory_space<hbm>>
    tpu.enqueue_dma source(%dma_start3A_442 : memref<4x4096xf32, #tpu.memory_space<hbm>>) target(%dma_start3A_440 : memref<4x4096xf32, #tpu.memory_space<vmem>>) target_semaphore(%arg6 : memref<!tpu.dma_semaphore, #tpu.memory_space<semaphore_mem>>)
    %add3A_443 = arith.constant 28 : i32
    %add3A_444 = arith.addi %add3A_4, %add3A_443 : i32
    %dma_wait3A_445 = arith.constant 1 : i32
    %dma_wait3A_446 = arith.constant 0 : i32
    %dma_wait3A_447 = arith.constant 0 : i32
    %dma_wait3A_448 = tpu.memref_slice %arg4[%dma_wait3A_445, %dma_wait3A_446, %dma_wait3A_447] : memref<2x4x4096xf32, #tpu.memory_space<vmem>> -> memref<1x4x4096xf32, #tpu.memory_space<vmem>>
    %dma_wait3A_449 = tpu.memref_squeeze %dma_wait3A_448 : memref<1x4x4096xf32, #tpu.memory_space<vmem>> -> memref<4x4096xf32, #tpu.memory_space<vmem>>
    %dma_wait3A_450 = arith.constant 0 : i32
    %dma_wait3A_451 = tpu.memref_slice %arg2[%add3A_444, %dma_wait3A_450] : memref<4096x4096xf32, #tpu.memory_space<hbm>> -> memref<4x4096xf32, #tpu.memory_space<hbm>>
    %dma_wait3A_452 = arith.constant 0 : i32
    %dma_wait3A_453 = arith.constant 0 : i32
    %dma_wait3A_454 = tpu.memref_slice %arg4[%dma_wait3A_445, %dma_wait3A_452, %dma_wait3A_453] : memref<2x4x4096xf32, #tpu.memory_space<vmem>> -> memref<1x4x4096xf32, #tpu.memory_space<vmem>>
    %dma_wait3A_455 = tpu.memref_squeeze %dma_wait3A_454 : memref<1x4x4096xf32, #tpu.memory_space<vmem>> -> memref<4x4096xf32, #tpu.memory_space<vmem>>
    %dma_wait3A_456 = arith.constant 0 : i32
    %dma_wait3A_457 = tpu.memref_slice %arg2[%add3A_444, %dma_wait3A_456] : memref<4096x4096xf32, #tpu.memory_space<hbm>> -> memref<4x4096xf32, #tpu.memory_space<hbm>>
    tpu.wait_dma2 semaphore(%arg7 : memref<!tpu.dma_semaphore, #tpu.memory_space<semaphore_mem>>) src(%dma_wait3A_457 : memref<4x4096xf32, #tpu.memory_space<hbm>>) dst(%dma_wait3A_455 : memref<4x4096xf32, #tpu.memory_space<vmem>>)
    %add3A_458 = arith.constant 20 : i32
    %add3A_459 = arith.addi %add3A_4, %add3A_458 : i32
    %dma_wait3A_460 = arith.constant 1 : i32
    %dma_wait3A_461 = arith.constant 0 : i32
    %dma_wait3A_462 = arith.constant 0 : i32
    %dma_wait3A_463 = tpu.memref_slice %arg5[%dma_wait3A_460, %dma_wait3A_461, %dma_wait3A_462] : memref<2x4x4096xf32, #tpu.memory_space<vmem>> -> memref<1x4x4096xf32, #tpu.memory_space<vmem>>
    %dma_wait3A_464 = tpu.memref_squeeze %dma_wait3A_463 : memref<1x4x4096xf32, #tpu.memory_space<vmem>> -> memref<4x4096xf32, #tpu.memory_space<vmem>>
    %dma_wait3A_465 = arith.constant 0 : i32
    %dma_wait3A_466 = tpu.memref_slice %arg3[%add3A_459, %dma_wait3A_465] : memref<4096x4096xf32, #tpu.memory_space<hbm>> -> memref<4x4096xf32, #tpu.memory_space<hbm>>
    %dma_wait3A_467 = arith.constant 0 : i32
    %dma_wait3A_468 = tpu.memref_slice %arg3[%add3A_459, %dma_wait3A_467] : memref<4096x4096xf32, #tpu.memory_space<hbm>> -> memref<4x4096xf32, #tpu.memory_space<hbm>>
    %dma_wait3A_469 = arith.constant 0 : i32
    %dma_wait3A_470 = arith.constant 0 : i32
    %dma_wait3A_471 = tpu.memref_slice %arg5[%dma_wait3A_460, %dma_wait3A_469, %dma_wait3A_470] : memref<2x4x4096xf32, #tpu.memory_space<vmem>> -> memref<1x4x4096xf32, #tpu.memory_space<vmem>>
    %dma_wait3A_472 = tpu.memref_squeeze %dma_wait3A_471 : memref<1x4x4096xf32, #tpu.memory_space<vmem>> -> memref<4x4096xf32, #tpu.memory_space<vmem>>
    tpu.wait_dma2 semaphore(%arg9 : memref<!tpu.dma_semaphore, #tpu.memory_space<semaphore_mem>>) src(%dma_wait3A_472 : memref<4x4096xf32, #tpu.memory_space<vmem>>) dst(%dma_wait3A_468 : memref<4x4096xf32, #tpu.memory_space<hbm>>)
    %parallel_loop3A_473 = arith.constant 0 : i32
    %parallel_loop3A_474 = arith.constant 256 : i32
    %parallel_loop3A_475 = arith.constant 1 : i32
    scf.for %parallel_loop3A_758 = %parallel_loop3A_473 to %parallel_loop3A_474 step %parallel_loop3A_475  : i32 {
      %parallel_loop3A_759 = arith.constant 255 : i32
      %parallel_loop3A_760 = arith.subi %parallel_loop3A_759, %parallel_loop3A_758 : i32
      %parallel_loop3A_761 = arith.constant 16 : i32
      %parallel_loop3A_762 = arith.muli %parallel_loop3A_760, %parallel_loop3A_761 : i32
      %parallel_loop3A_763 = arith.constant 1 : i32
      %parallel_loop3A_764 = arith.constant 0 : i32
      %parallel_loop3A_765 = arith.index_cast %parallel_loop3A_763 : i32 to index
      %parallel_loop3A_766 = arith.index_cast %parallel_loop3A_764 : i32 to index
      %parallel_loop3A_767 = arith.index_cast %parallel_loop3A_762 : i32 to index
      %parallel_loop3A_768 = tpu.vector_load %arg4[%parallel_loop3A_765, %parallel_loop3A_766, %parallel_loop3A_767] {strides = array<i32>} : memref<2x4x4096xf32, #tpu.memory_space<vmem>>, vector<1x1x16xf32>,
      %parallel_loop3A_769 = vector.shape_cast %parallel_loop3A_768 : vector<1x1x16xf32> to vector<16xf32>
      %parallel_loop3A_770 = arith.constant 15 : i32
      %parallel_loop3A_771 = vector.broadcast %parallel_loop3A_770 : i32 to vector<16xi32>
      %parallel_loop3A_772 = tpu.iota {dimensions = array<i32: 0>} : vector<16xi32>
      %parallel_loop3A_773 = arith.subi %parallel_loop3A_771, %parallel_loop3A_772 : vector<16xi32>
      %parallel_loop3A_774 = tpu.dynamic_gather %parallel_loop3A_769[%parallel_loop3A_773] in [0] : vector<16xf32>, vector<16xi32> -> vector<16xf32>
      %parallel_loop3A_775 = arith.constant 16 : i32
      %parallel_loop3A_776 = arith.muli %parallel_loop3A_758, %parallel_loop3A_775 : i32
      %parallel_loop3A_777 = arith.constant 1 : i32
      %parallel_loop3A_778 = arith.constant 0 : i32
      %parallel_loop3A_779 = arith.index_cast %parallel_loop3A_777 : i32 to index
      %parallel_loop3A_780 = arith.index_cast %parallel_loop3A_778 : i32 to index
      %parallel_loop3A_781 = arith.index_cast %parallel_loop3A_776 : i32 to index
      %parallel_loop3A_782 = tpu.vector_load %arg5[%parallel_loop3A_779, %parallel_loop3A_780, %parallel_loop3A_781] {strides = array<i32>} : memref<2x4x4096xf32, #tpu.memory_space<vmem>>, vector<1x1x16xf32>,
      %parallel_loop3A_783 = vector.shape_cast %parallel_loop3A_782 : vector<1x1x16xf32> to vector<16xf32>
      %parallel_loop3A_784 = vector.shape_cast %parallel_loop3A_774 : vector<16xf32> to vector<1x1x16xf32>
      tpu.vector_store %arg5[%parallel_loop3A_779, %parallel_loop3A_780, %parallel_loop3A_781], %parallel_loop3A_784 {strides = array<i32>} : memref<2x4x4096xf32, #tpu.memory_space<vmem>>, vector<1x1x16xf32>,
      %parallel_loop3A_785 = arith.constant 1 : i32
      %parallel_loop3A_786 = arith.constant 1 : i32
      %parallel_loop3A_787 = arith.index_cast %parallel_loop3A_785 : i32 to index
      %parallel_loop3A_788 = arith.index_cast %parallel_loop3A_786 : i32 to index
      %parallel_loop3A_789 = arith.index_cast %parallel_loop3A_762 : i32 to index
      %parallel_loop3A_790 = tpu.vector_load %arg4[%parallel_loop3A_787, %parallel_loop3A_788, %parallel_loop3A_789] {strides = array<i32>} : memref<2x4x4096xf32, #tpu.memory_space<vmem>>, vector<1x1x16xf32>,
      %parallel_loop3A_791 = vector.shape_cast %parallel_loop3A_790 : vector<1x1x16xf32> to vector<16xf32>
      %parallel_loop3A_792 = arith.constant 15 : i32
      %parallel_loop3A_793 = vector.broadcast %parallel_loop3A_792 : i32 to vector<16xi32>
      %parallel_loop3A_794 = tpu.iota {dimensions = array<i32: 0>} : vector<16xi32>
      %parallel_loop3A_795 = arith.subi %parallel_loop3A_793, %parallel_loop3A_794 : vector<16xi32>
      %parallel_loop3A_796 = tpu.dynamic_gather %parallel_loop3A_791[%parallel_loop3A_795] in [0] : vector<16xf32>, vector<16xi32> -> vector<16xf32>
      %parallel_loop3A_797 = arith.constant 16 : i32
      %parallel_loop3A_798 = arith.muli %parallel_loop3A_758, %parallel_loop3A_797 : i32
      %parallel_loop3A_799 = arith.constant 1 : i32
      %parallel_loop3A_800 = arith.constant 1 : i32
      %parallel_loop3A_801 = arith.index_cast %parallel_loop3A_799 : i32 to index
      %parallel_loop3A_802 = arith.index_cast %parallel_loop3A_800 : i32 to index
      %parallel_loop3A_803 = arith.index_cast %parallel_loop3A_798 : i32 to index
      %parallel_loop3A_804 = tpu.vector_load %arg5[%parallel_loop3A_801, %parallel_loop3A_802, %parallel_loop3A_803] {strides = array<i32>} : memref<2x4x4096xf32, #tpu.memory_space<vmem>>, vector<1x1x16xf32>,
      %parallel_loop3A_805 = vector.shape_cast %parallel_loop3A_804 : vector<1x1x16xf32> to vector<16xf32>
      %parallel_loop3A_806 = vector.shape_cast %parallel_loop3A_796 : vector<16xf32> to vector<1x1x16xf32>
      tpu.vector_store %arg5[%parallel_loop3A_801, %parallel_loop3A_802, %parallel_loop3A_803], %parallel_loop3A_806 {strides = array<i32>} : memref<2x4x4096xf32, #tpu.memory_space<vmem>>, vector<1x1x16xf32>,
      %parallel_loop3A_807 = arith.constant 1 : i32
      %parallel_loop3A_808 = arith.constant 2 : i32
      %parallel_loop3A_809 = arith.index_cast %parallel_loop3A_807 : i32 to index
      %parallel_loop3A_810 = arith.index_cast %parallel_loop3A_808 : i32 to index
      %parallel_loop3A_811 = arith.index_cast %parallel_loop3A_762 : i32 to index
      %parallel_loop3A_812 = tpu.vector_load %arg4[%parallel_loop3A_809, %parallel_loop3A_810, %parallel_loop3A_811] {strides = array<i32>} : memref<2x4x4096xf32, #tpu.memory_space<vmem>>, vector<1x1x16xf32>,
      %parallel_loop3A_813 = vector.shape_cast %parallel_loop3A_812 : vector<1x1x16xf32> to vector<16xf32>
      %parallel_loop3A_814 = arith.constant 15 : i32
      %parallel_loop3A_815 = vector.broadcast %parallel_loop3A_814 : i32 to vector<16xi32>
      %parallel_loop3A_816 = tpu.iota {dimensions = array<i32: 0>} : vector<16xi32>
      %parallel_loop3A_817 = arith.subi %parallel_loop3A_815, %parallel_loop3A_816 : vector<16xi32>
      %parallel_loop3A_818 = tpu.dynamic_gather %parallel_loop3A_813[%parallel_loop3A_817] in [0] : vector<16xf32>, vector<16xi32> -> vector<16xf32>
      %parallel_loop3A_819 = arith.constant 16 : i32
      %parallel_loop3A_820 = arith.muli %parallel_loop3A_758, %parallel_loop3A_819 : i32
      %parallel_loop3A_821 = arith.constant 1 : i32
      %parallel_loop3A_822 = arith.constant 2 : i32
      %parallel_loop3A_823 = arith.index_cast %parallel_loop3A_821 : i32 to index
      %parallel_loop3A_824 = arith.index_cast %parallel_loop3A_822 : i32 to index
      %parallel_loop3A_825 = arith.index_cast %parallel_loop3A_820 : i32 to index
      %parallel_loop3A_826 = tpu.vector_load %arg5[%parallel_loop3A_823, %parallel_loop3A_824, %parallel_loop3A_825] {strides = array<i32>} : memref<2x4x4096xf32, #tpu.memory_space<vmem>>, vector<1x1x16xf32>,
      %parallel_loop3A_827 = vector.shape_cast %parallel_loop3A_826 : vector<1x1x16xf32> to vector<16xf32>
      %parallel_loop3A_828 = vector.shape_cast %parallel_loop3A_818 : vector<16xf32> to vector<1x1x16xf32>
      tpu.vector_store %arg5[%parallel_loop3A_823, %parallel_loop3A_824, %parallel_loop3A_825], %parallel_loop3A_828 {strides = array<i32>} : memref<2x4x4096xf32, #tpu.memory_space<vmem>>, vector<1x1x16xf32>,
      %parallel_loop3A_829 = arith.constant 1 : i32
      %parallel_loop3A_830 = arith.constant 3 : i32
      %parallel_loop3A_831 = arith.index_cast %parallel_loop3A_829 : i32 to index
      %parallel_loop3A_832 = arith.index_cast %parallel_loop3A_830 : i32 to index
      %parallel_loop3A_833 = arith.index_cast %parallel_loop3A_762 : i32 to index
      %parallel_loop3A_834 = tpu.vector_load %arg4[%parallel_loop3A_831, %parallel_loop3A_832, %parallel_loop3A_833] {strides = array<i32>} : memref<2x4x4096xf32, #tpu.memory_space<vmem>>, vector<1x1x16xf32>,
      %parallel_loop3A_835 = vector.shape_cast %parallel_loop3A_834 : vector<1x1x16xf32> to vector<16xf32>
      %parallel_loop3A_836 = arith.constant 15 : i32
      %parallel_loop3A_837 = vector.broadcast %parallel_loop3A_836 : i32 to vector<16xi32>
      %parallel_loop3A_838 = tpu.iota {dimensions = array<i32: 0>} : vector<16xi32>
      %parallel_loop3A_839 = arith.subi %parallel_loop3A_837, %parallel_loop3A_838 : vector<16xi32>
      %parallel_loop3A_840 = tpu.dynamic_gather %parallel_loop3A_835[%parallel_loop3A_839] in [0] : vector<16xf32>, vector<16xi32> -> vector<16xf32>
      %parallel_loop3A_841 = arith.constant 16 : i32
      %parallel_loop3A_842 = arith.muli %parallel_loop3A_758, %parallel_loop3A_841 : i32
      %parallel_loop3A_843 = arith.constant 1 : i32
      %parallel_loop3A_844 = arith.constant 3 : i32
      %parallel_loop3A_845 = arith.index_cast %parallel_loop3A_843 : i32 to index
      %parallel_loop3A_846 = arith.index_cast %parallel_loop3A_844 : i32 to index
      %parallel_loop3A_847 = arith.index_cast %parallel_loop3A_842 : i32 to index
      %parallel_loop3A_848 = tpu.vector_load %arg5[%parallel_loop3A_845, %parallel_loop3A_846, %parallel_loop3A_847] {strides = array<i32>} : memref<2x4x4096xf32, #tpu.memory_space<vmem>>, vector<1x1x16xf32>,
      %parallel_loop3A_849 = vector.shape_cast %parallel_loop3A_848 : vector<1x1x16xf32> to vector<16xf32>
      %parallel_loop3A_850 = vector.shape_cast %parallel_loop3A_840 : vector<16xf32> to vector<1x1x16xf32>
      tpu.vector_store %arg5[%parallel_loop3A_845, %parallel_loop3A_846, %parallel_loop3A_847], %parallel_loop3A_850 {strides = array<i32>} : memref<2x4x4096xf32, #tpu.memory_space<vmem>>, vector<1x1x16xf32>,
    } {sc.loop_unroll_factor = 8 : i64, sc.parallel_access}
    %add3A_476 = arith.constant 28 : i32
    %add3A_477 = arith.addi %add3A_4, %add3A_476 : i32
    %dma_start3A_478 = arith.constant 1 : i32
    %dma_start3A_479 = arith.constant 0 : i32
    %dma_start3A_480 = arith.constant 0 : i32
    %dma_start3A_481 = tpu.memref_slice %arg5[%dma_start3A_478, %dma_start3A_479, %dma_start3A_480] : memref<2x4x4096xf32, #tpu.memory_space<vmem>> -> memref<1x4x4096xf32, #tpu.memory_space<vmem>>
    %dma_start3A_482 = tpu.memref_squeeze %dma_start3A_481 : memref<1x4x4096xf32, #tpu.memory_space<vmem>> -> memref<4x4096xf32, #tpu.memory_space<vmem>>
    %dma_start3A_483 = arith.constant 0 : i32
    %dma_start3A_484 = tpu.memref_slice %arg3[%add3A_477, %dma_start3A_483] : memref<4096x4096xf32, #tpu.memory_space<hbm>> -> memref<4x4096xf32, #tpu.memory_space<hbm>>
    %dma_start3A_485 = arith.constant 0 : i32
    %dma_start3A_486 = tpu.memref_slice %arg3[%add3A_477, %dma_start3A_485] : memref<4096x4096xf32, #tpu.memory_space<hbm>> -> memref<4x4096xf32, #tpu.memory_space<hbm>>
    %dma_start3A_487 = arith.constant 0 : i32
    %dma_start3A_488 = arith.constant 0 : i32
    %dma_start3A_489 = tpu.memref_slice %arg5[%dma_start3A_478, %dma_start3A_487, %dma_start3A_488] : memref<2x4x4096xf32, #tpu.memory_space<vmem>> -> memref<1x4x4096xf32, #tpu.memory_space<vmem>>
    %dma_start3A_490 = tpu.memref_squeeze %dma_start3A_489 : memref<1x4x4096xf32, #tpu.memory_space<vmem>> -> memref<4x4096xf32, #tpu.memory_space<vmem>>
    tpu.enqueue_dma source(%dma_start3A_490 : memref<4x4096xf32, #tpu.memory_space<vmem>>) target(%dma_start3A_486 : memref<4x4096xf32, #tpu.memory_space<hbm>>) target_semaphore(%arg9 : memref<!tpu.dma_semaphore, #tpu.memory_space<semaphore_mem>>)
    %add3A_491 = arith.constant 36 : i32
    %add3A_492 = arith.addi %add3A_4, %add3A_491 : i32
    %dma_start3A_493 = arith.constant 1 : i32
    %dma_start3A_494 = arith.constant 0 : i32
    %dma_start3A_495 = arith.constant 0 : i32
    %dma_start3A_496 = tpu.memref_slice %arg4[%dma_start3A_493, %dma_start3A_494, %dma_start3A_495] : memref<2x4x4096xf32, #tpu.memory_space<vmem>> -> memref<1x4x4096xf32, #tpu.memory_space<vmem>>
    %dma_start3A_497 = tpu.memref_squeeze %dma_start3A_496 : memref<1x4x4096xf32, #tpu.memory_space<vmem>> -> memref<4x4096xf32, #tpu.memory_space<vmem>>
    %dma_start3A_498 = arith.constant 0 : i32
    %dma_start3A_499 = tpu.memref_slice %arg2[%add3A_492, %dma_start3A_498] : memref<4096x4096xf32, #tpu.memory_space<hbm>> -> memref<4x4096xf32, #tpu.memory_space<hbm>>
    %dma_start3A_500 = arith.constant 0 : i32
    %dma_start3A_501 = arith.constant 0 : i32
    %dma_start3A_502 = tpu.memref_slice %arg4[%dma_start3A_493, %dma_start3A_500, %dma_start3A_501] : memref<2x4x4096xf32, #tpu.memory_space<vmem>> -> memref<1x4x4096xf32, #tpu.memory_space<vmem>>
    %dma_start3A_503 = tpu.memref_squeeze %dma_start3A_502 : memref<1x4x4096xf32, #tpu.memory_space<vmem>> -> memref<4x4096xf32, #tpu.memory_space<vmem>>
    %dma_start3A_504 = arith.constant 0 : i32
    %dma_start3A_505 = tpu.memref_slice %arg2[%add3A_492, %dma_start3A_504] : memref<4096x4096xf32, #tpu.memory_space<hbm>> -> memref<4x4096xf32, #tpu.memory_space<hbm>>
    tpu.enqueue_dma source(%dma_start3A_505 : memref<4x4096xf32, #tpu.memory_space<hbm>>) target(%dma_start3A_503 : memref<4x4096xf32, #tpu.memory_space<vmem>>) target_semaphore(%arg7 : memref<!tpu.dma_semaphore, #tpu.memory_space<semaphore_mem>>)
    %add3A_506 = arith.constant 32 : i32
    %add3A_507 = arith.addi %add3A_4, %add3A_506 : i32
    %dma_wait3A_508 = arith.constant 0 : i32
    %dma_wait3A_509 = arith.constant 0 : i32
    %dma_wait3A_510 = arith.constant 0 : i32
    %dma_wait3A_511 = tpu.memref_slice %arg4[%dma_wait3A_508, %dma_wait3A_509, %dma_wait3A_510] : memref<2x4x4096xf32, #tpu.memory_space<vmem>> -> memref<1x4x4096xf32, #tpu.memory_space<vmem>>
    %dma_wait3A_512 = tpu.memref_squeeze %dma_wait3A_511 : memref<1x4x4096xf32, #tpu.memory_space<vmem>> -> memref<4x4096xf32, #tpu.memory_space<vmem>>
    %dma_wait3A_513 = arith.constant 0 : i32
    %dma_wait3A_514 = tpu.memref_slice %arg2[%add3A_507, %dma_wait3A_513] : memref<4096x4096xf32, #tpu.memory_space<hbm>> -> memref<4x4096xf32, #tpu.memory_space<hbm>>
    %dma_wait3A_515 = arith.constant 0 : i32
    %dma_wait3A_516 = arith.constant 0 : i32
    %dma_wait3A_517 = tpu.memref_slice %arg4[%dma_wait3A_508, %dma_wait3A_515, %dma_wait3A_516] : memref<2x4x4096xf32, #tpu.memory_space<vmem>> -> memref<1x4x4096xf32, #tpu.memory_space<vmem>>
    %dma_wait3A_518 = tpu.memref_squeeze %dma_wait3A_517 : memref<1x4x4096xf32, #tpu.memory_space<vmem>> -> memref<4x4096xf32, #tpu.memory_space<vmem>>
    %dma_wait3A_519 = arith.constant 0 : i32
    %dma_wait3A_520 = tpu.memref_slice %arg2[%add3A_507, %dma_wait3A_519] : memref<4096x4096xf32, #tpu.memory_space<hbm>> -> memref<4x4096xf32, #tpu.memory_space<hbm>>
    tpu.wait_dma2 semaphore(%arg6 : memref<!tpu.dma_semaphore, #tpu.memory_space<semaphore_mem>>) src(%dma_wait3A_520 : memref<4x4096xf32, #tpu.memory_space<hbm>>) dst(%dma_wait3A_518 : memref<4x4096xf32, #tpu.memory_space<vmem>>)
    %add3A_521 = arith.constant 24 : i32
    %add3A_522 = arith.addi %add3A_4, %add3A_521 : i32
    %dma_wait3A_523 = arith.constant 0 : i32
    %dma_wait3A_524 = arith.constant 0 : i32
    %dma_wait3A_525 = arith.constant 0 : i32
    %dma_wait3A_526 = tpu.memref_slice %arg5[%dma_wait3A_523, %dma_wait3A_524, %dma_wait3A_525] : memref<2x4x4096xf32, #tpu.memory_space<vmem>> -> memref<1x4x4096xf32, #tpu.memory_space<vmem>>
    %dma_wait3A_527 = tpu.memref_squeeze %dma_wait3A_526 : memref<1x4x4096xf32, #tpu.memory_space<vmem>> -> memref<4x4096xf32, #tpu.memory_space<vmem>>
    %dma_wait3A_528 = arith.constant 0 : i32
    %dma_wait3A_529 = tpu.memref_slice %arg3[%add3A_522, %dma_wait3A_528] : memref<4096x4096xf32, #tpu.memory_space<hbm>> -> memref<4x4096xf32, #tpu.memory_space<hbm>>
    %dma_wait3A_530 = arith.constant 0 : i32
    %dma_wait3A_531 = tpu.memref_slice %arg3[%add3A_522, %dma_wait3A_530] : memref<4096x4096xf32, #tpu.memory_space<hbm>> -> memref<4x4096xf32, #tpu.memory_space<hbm>>
    %dma_wait3A_532 = arith.constant 0 : i32
    %dma_wait3A_533 = arith.constant 0 : i32
    %dma_wait3A_534 = tpu.memref_slice %arg5[%dma_wait3A_523, %dma_wait3A_532, %dma_wait3A_533] : memref<2x4x4096xf32, #tpu.memory_space<vmem>> -> memref<1x4x4096xf32, #tpu.memory_space<vmem>>
    %dma_wait3A_535 = tpu.memref_squeeze %dma_wait3A_534 : memref<1x4x4096xf32, #tpu.memory_space<vmem>> -> memref<4x4096xf32, #tpu.memory_space<vmem>>
    tpu.wait_dma2 semaphore(%arg8 : memref<!tpu.dma_semaphore, #tpu.memory_space<semaphore_mem>>) src(%dma_wait3A_535 : memref<4x4096xf32, #tpu.memory_space<vmem>>) dst(%dma_wait3A_531 : memref<4x4096xf32, #tpu.memory_space<hbm>>)
    %parallel_loop3A_536 = arith.constant 0 : i32
    %parallel_loop3A_537 = arith.constant 256 : i32
    %parallel_loop3A_538 = arith.constant 1 : i32
    scf.for %parallel_loop3A_758 = %parallel_loop3A_536 to %parallel_loop3A_537 step %parallel_loop3A_538  : i32 {
      %parallel_loop3A_759 = arith.constant 255 : i32
      %parallel_loop3A_760 = arith.subi %parallel_loop3A_759, %parallel_loop3A_758 : i32
      %parallel_loop3A_761 = arith.constant 16 : i32
      %parallel_loop3A_762 = arith.muli %parallel_loop3A_760, %parallel_loop3A_761 : i32
      %parallel_loop3A_763 = arith.constant 0 : i32
      %parallel_loop3A_764 = arith.constant 0 : i32
      %parallel_loop3A_765 = arith.index_cast %parallel_loop3A_763 : i32 to index
      %parallel_loop3A_766 = arith.index_cast %parallel_loop3A_764 : i32 to index
      %parallel_loop3A_767 = arith.index_cast %parallel_loop3A_762 : i32 to index
      %parallel_loop3A_768 = tpu.vector_load %arg4[%parallel_loop3A_765, %parallel_loop3A_766, %parallel_loop3A_767] {strides = array<i32>} : memref<2x4x4096xf32, #tpu.memory_space<vmem>>, vector<1x1x16xf32>,
      %parallel_loop3A_769 = vector.shape_cast %parallel_loop3A_768 : vector<1x1x16xf32> to vector<16xf32>
      %parallel_loop3A_770 = arith.constant 15 : i32
      %parallel_loop3A_771 = vector.broadcast %parallel_loop3A_770 : i32 to vector<16xi32>
      %parallel_loop3A_772 = tpu.iota {dimensions = array<i32: 0>} : vector<16xi32>
      %parallel_loop3A_773 = arith.subi %parallel_loop3A_771, %parallel_loop3A_772 : vector<16xi32>
      %parallel_loop3A_774 = tpu.dynamic_gather %parallel_loop3A_769[%parallel_loop3A_773] in [0] : vector<16xf32>, vector<16xi32> -> vector<16xf32>
      %parallel_loop3A_775 = arith.constant 16 : i32
      %parallel_loop3A_776 = arith.muli %parallel_loop3A_758, %parallel_loop3A_775 : i32
      %parallel_loop3A_777 = arith.constant 0 : i32
      %parallel_loop3A_778 = arith.constant 0 : i32
      %parallel_loop3A_779 = arith.index_cast %parallel_loop3A_777 : i32 to index
      %parallel_loop3A_780 = arith.index_cast %parallel_loop3A_778 : i32 to index
      %parallel_loop3A_781 = arith.index_cast %parallel_loop3A_776 : i32 to index
      %parallel_loop3A_782 = tpu.vector_load %arg5[%parallel_loop3A_779, %parallel_loop3A_780, %parallel_loop3A_781] {strides = array<i32>} : memref<2x4x4096xf32, #tpu.memory_space<vmem>>, vector<1x1x16xf32>,
      %parallel_loop3A_783 = vector.shape_cast %parallel_loop3A_782 : vector<1x1x16xf32> to vector<16xf32>
      %parallel_loop3A_784 = vector.shape_cast %parallel_loop3A_774 : vector<16xf32> to vector<1x1x16xf32>
      tpu.vector_store %arg5[%parallel_loop3A_779, %parallel_loop3A_780, %parallel_loop3A_781], %parallel_loop3A_784 {strides = array<i32>} : memref<2x4x4096xf32, #tpu.memory_space<vmem>>, vector<1x1x16xf32>,
      %parallel_loop3A_785 = arith.constant 0 : i32
      %parallel_loop3A_786 = arith.constant 1 : i32
      %parallel_loop3A_787 = arith.index_cast %parallel_loop3A_785 : i32 to index
      %parallel_loop3A_788 = arith.index_cast %parallel_loop3A_786 : i32 to index
      %parallel_loop3A_789 = arith.index_cast %parallel_loop3A_762 : i32 to index
      %parallel_loop3A_790 = tpu.vector_load %arg4[%parallel_loop3A_787, %parallel_loop3A_788, %parallel_loop3A_789] {strides = array<i32>} : memref<2x4x4096xf32, #tpu.memory_space<vmem>>, vector<1x1x16xf32>,
      %parallel_loop3A_791 = vector.shape_cast %parallel_loop3A_790 : vector<1x1x16xf32> to vector<16xf32>
      %parallel_loop3A_792 = arith.constant 15 : i32
      %parallel_loop3A_793 = vector.broadcast %parallel_loop3A_792 : i32 to vector<16xi32>
      %parallel_loop3A_794 = tpu.iota {dimensions = array<i32: 0>} : vector<16xi32>
      %parallel_loop3A_795 = arith.subi %parallel_loop3A_793, %parallel_loop3A_794 : vector<16xi32>
      %parallel_loop3A_796 = tpu.dynamic_gather %parallel_loop3A_791[%parallel_loop3A_795] in [0] : vector<16xf32>, vector<16xi32> -> vector<16xf32>
      %parallel_loop3A_797 = arith.constant 16 : i32
      %parallel_loop3A_798 = arith.muli %parallel_loop3A_758, %parallel_loop3A_797 : i32
      %parallel_loop3A_799 = arith.constant 0 : i32
      %parallel_loop3A_800 = arith.constant 1 : i32
      %parallel_loop3A_801 = arith.index_cast %parallel_loop3A_799 : i32 to index
      %parallel_loop3A_802 = arith.index_cast %parallel_loop3A_800 : i32 to index
      %parallel_loop3A_803 = arith.index_cast %parallel_loop3A_798 : i32 to index
      %parallel_loop3A_804 = tpu.vector_load %arg5[%parallel_loop3A_801, %parallel_loop3A_802, %parallel_loop3A_803] {strides = array<i32>} : memref<2x4x4096xf32, #tpu.memory_space<vmem>>, vector<1x1x16xf32>,
      %parallel_loop3A_805 = vector.shape_cast %parallel_loop3A_804 : vector<1x1x16xf32> to vector<16xf32>
      %parallel_loop3A_806 = vector.shape_cast %parallel_loop3A_796 : vector<16xf32> to vector<1x1x16xf32>
      tpu.vector_store %arg5[%parallel_loop3A_801, %parallel_loop3A_802, %parallel_loop3A_803], %parallel_loop3A_806 {strides = array<i32>} : memref<2x4x4096xf32, #tpu.memory_space<vmem>>, vector<1x1x16xf32>,
      %parallel_loop3A_807 = arith.constant 0 : i32
      %parallel_loop3A_808 = arith.constant 2 : i32
      %parallel_loop3A_809 = arith.index_cast %parallel_loop3A_807 : i32 to index
      %parallel_loop3A_810 = arith.index_cast %parallel_loop3A_808 : i32 to index
      %parallel_loop3A_811 = arith.index_cast %parallel_loop3A_762 : i32 to index
      %parallel_loop3A_812 = tpu.vector_load %arg4[%parallel_loop3A_809, %parallel_loop3A_810, %parallel_loop3A_811] {strides = array<i32>} : memref<2x4x4096xf32, #tpu.memory_space<vmem>>, vector<1x1x16xf32>,
      %parallel_loop3A_813 = vector.shape_cast %parallel_loop3A_812 : vector<1x1x16xf32> to vector<16xf32>
      %parallel_loop3A_814 = arith.constant 15 : i32
      %parallel_loop3A_815 = vector.broadcast %parallel_loop3A_814 : i32 to vector<16xi32>
      %parallel_loop3A_816 = tpu.iota {dimensions = array<i32: 0>} : vector<16xi32>
      %parallel_loop3A_817 = arith.subi %parallel_loop3A_815, %parallel_loop3A_816 : vector<16xi32>
      %parallel_loop3A_818 = tpu.dynamic_gather %parallel_loop3A_813[%parallel_loop3A_817] in [0] : vector<16xf32>, vector<16xi32> -> vector<16xf32>
      %parallel_loop3A_819 = arith.constant 16 : i32
      %parallel_loop3A_820 = arith.muli %parallel_loop3A_758, %parallel_loop3A_819 : i32
      %parallel_loop3A_821 = arith.constant 0 : i32
      %parallel_loop3A_822 = arith.constant 2 : i32
      %parallel_loop3A_823 = arith.index_cast %parallel_loop3A_821 : i32 to index
      %parallel_loop3A_824 = arith.index_cast %parallel_loop3A_822 : i32 to index
      %parallel_loop3A_825 = arith.index_cast %parallel_loop3A_820 : i32 to index
      %parallel_loop3A_826 = tpu.vector_load %arg5[%parallel_loop3A_823, %parallel_loop3A_824, %parallel_loop3A_825] {strides = array<i32>} : memref<2x4x4096xf32, #tpu.memory_space<vmem>>, vector<1x1x16xf32>,
      %parallel_loop3A_827 = vector.shape_cast %parallel_loop3A_826 : vector<1x1x16xf32> to vector<16xf32>
      %parallel_loop3A_828 = vector.shape_cast %parallel_loop3A_818 : vector<16xf32> to vector<1x1x16xf32>
      tpu.vector_store %arg5[%parallel_loop3A_823, %parallel_loop3A_824, %parallel_loop3A_825], %parallel_loop3A_828 {strides = array<i32>} : memref<2x4x4096xf32, #tpu.memory_space<vmem>>, vector<1x1x16xf32>,
      %parallel_loop3A_829 = arith.constant 0 : i32
      %parallel_loop3A_830 = arith.constant 3 : i32
      %parallel_loop3A_831 = arith.index_cast %parallel_loop3A_829 : i32 to index
      %parallel_loop3A_832 = arith.index_cast %parallel_loop3A_830 : i32 to index
      %parallel_loop3A_833 = arith.index_cast %parallel_loop3A_762 : i32 to index
      %parallel_loop3A_834 = tpu.vector_load %arg4[%parallel_loop3A_831, %parallel_loop3A_832, %parallel_loop3A_833] {strides = array<i32>} : memref<2x4x4096xf32, #tpu.memory_space<vmem>>, vector<1x1x16xf32>,
      %parallel_loop3A_835 = vector.shape_cast %parallel_loop3A_834 : vector<1x1x16xf32> to vector<16xf32>
      %parallel_loop3A_836 = arith.constant 15 : i32
      %parallel_loop3A_837 = vector.broadcast %parallel_loop3A_836 : i32 to vector<16xi32>
      %parallel_loop3A_838 = tpu.iota {dimensions = array<i32: 0>} : vector<16xi32>
      %parallel_loop3A_839 = arith.subi %parallel_loop3A_837, %parallel_loop3A_838 : vector<16xi32>
      %parallel_loop3A_840 = tpu.dynamic_gather %parallel_loop3A_835[%parallel_loop3A_839] in [0] : vector<16xf32>, vector<16xi32> -> vector<16xf32>
      %parallel_loop3A_841 = arith.constant 16 : i32
      %parallel_loop3A_842 = arith.muli %parallel_loop3A_758, %parallel_loop3A_841 : i32
      %parallel_loop3A_843 = arith.constant 0 : i32
      %parallel_loop3A_844 = arith.constant 3 : i32
      %parallel_loop3A_845 = arith.index_cast %parallel_loop3A_843 : i32 to index
      %parallel_loop3A_846 = arith.index_cast %parallel_loop3A_844 : i32 to index
      %parallel_loop3A_847 = arith.index_cast %parallel_loop3A_842 : i32 to index
      %parallel_loop3A_848 = tpu.vector_load %arg5[%parallel_loop3A_845, %parallel_loop3A_846, %parallel_loop3A_847] {strides = array<i32>} : memref<2x4x4096xf32, #tpu.memory_space<vmem>>, vector<1x1x16xf32>,
      %parallel_loop3A_849 = vector.shape_cast %parallel_loop3A_848 : vector<1x1x16xf32> to vector<16xf32>
      %parallel_loop3A_850 = vector.shape_cast %parallel_loop3A_840 : vector<16xf32> to vector<1x1x16xf32>
      tpu.vector_store %arg5[%parallel_loop3A_845, %parallel_loop3A_846, %parallel_loop3A_847], %parallel_loop3A_850 {strides = array<i32>} : memref<2x4x4096xf32, #tpu.memory_space<vmem>>, vector<1x1x16xf32>,
    } {sc.loop_unroll_factor = 8 : i64, sc.parallel_access}
    %add3A_539 = arith.constant 32 : i32
    %add3A_540 = arith.addi %add3A_4, %add3A_539 : i32
    %dma_start3A_541 = arith.constant 0 : i32
    %dma_start3A_542 = arith.constant 0 : i32
    %dma_start3A_543 = arith.constant 0 : i32
    %dma_start3A_544 = tpu.memref_slice %arg5[%dma_start3A_541, %dma_start3A_542, %dma_start3A_543] : memref<2x4x4096xf32, #tpu.memory_space<vmem>> -> memref<1x4x4096xf32, #tpu.memory_space<vmem>>
    %dma_start3A_545 = tpu.memref_squeeze %dma_start3A_544 : memref<1x4x4096xf32, #tpu.memory_space<vmem>> -> memref<4x4096xf32, #tpu.memory_space<vmem>>
    %dma_start3A_546 = arith.constant 0 : i32
    %dma_start3A_547 = tpu.memref_slice %arg3[%add3A_540, %dma_start3A_546] : memref<4096x4096xf32, #tpu.memory_space<hbm>> -> memref<4x4096xf32, #tpu.memory_space<hbm>>
    %dma_start3A_548 = arith.constant 0 : i32
    %dma_start3A_549 = tpu.memref_slice %arg3[%add3A_540, %dma_start3A_548] : memref<4096x4096xf32, #tpu.memory_space<hbm>> -> memref<4x4096xf32, #tpu.memory_space<hbm>>
    %dma_start3A_550 = arith.constant 0 : i32
    %dma_start3A_551 = arith.constant 0 : i32
    %dma_start3A_552 = tpu.memref_slice %arg5[%dma_start3A_541, %dma_start3A_550, %dma_start3A_551] : memref<2x4x4096xf32, #tpu.memory_space<vmem>> -> memref<1x4x4096xf32, #tpu.memory_space<vmem>>
    %dma_start3A_553 = tpu.memref_squeeze %dma_start3A_552 : memref<1x4x4096xf32, #tpu.memory_space<vmem>> -> memref<4x4096xf32, #tpu.memory_space<vmem>>
    tpu.enqueue_dma source(%dma_start3A_553 : memref<4x4096xf32, #tpu.memory_space<vmem>>) target(%dma_start3A_549 : memref<4x4096xf32, #tpu.memory_space<hbm>>) target_semaphore(%arg8 : memref<!tpu.dma_semaphore, #tpu.memory_space<semaphore_mem>>)
    %add3A_554 = arith.constant 40 : i32
    %add3A_555 = arith.addi %add3A_4, %add3A_554 : i32
    %dma_start3A_556 = arith.constant 0 : i32
    %dma_start3A_557 = arith.constant 0 : i32
    %dma_start3A_558 = arith.constant 0 : i32
    %dma_start3A_559 = tpu.memref_slice %arg4[%dma_start3A_556, %dma_start3A_557, %dma_start3A_558] : memref<2x4x4096xf32, #tpu.memory_space<vmem>> -> memref<1x4x4096xf32, #tpu.memory_space<vmem>>
    %dma_start3A_560 = tpu.memref_squeeze %dma_start3A_559 : memref<1x4x4096xf32, #tpu.memory_space<vmem>> -> memref<4x4096xf32, #tpu.memory_space<vmem>>
    %dma_start3A_561 = arith.constant 0 : i32
    %dma_start3A_562 = tpu.memref_slice %arg2[%add3A_555, %dma_start3A_561] : memref<4096x4096xf32, #tpu.memory_space<hbm>> -> memref<4x4096xf32, #tpu.memory_space<hbm>>
    %dma_start3A_563 = arith.constant 0 : i32
    %dma_start3A_564 = arith.constant 0 : i32
    %dma_start3A_565 = tpu.memref_slice %arg4[%dma_start3A_556, %dma_start3A_563, %dma_start3A_564] : memref<2x4x4096xf32, #tpu.memory_space<vmem>> -> memref<1x4x4096xf32, #tpu.memory_space<vmem>>
    %dma_start3A_566 = tpu.memref_squeeze %dma_start3A_565 : memref<1x4x4096xf32, #tpu.memory_space<vmem>> -> memref<4x4096xf32, #tpu.memory_space<vmem>>
    %dma_start3A_567 = arith.constant 0 : i32
    %dma_start3A_568 = tpu.memref_slice %arg2[%add3A_555, %dma_start3A_567] : memref<4096x4096xf32, #tpu.memory_space<hbm>> -> memref<4x4096xf32, #tpu.memory_space<hbm>>
    tpu.enqueue_dma source(%dma_start3A_568 : memref<4x4096xf32, #tpu.memory_space<hbm>>) target(%dma_start3A_566 : memref<4x4096xf32, #tpu.memory_space<vmem>>) target_semaphore(%arg6 : memref<!tpu.dma_semaphore, #tpu.memory_space<semaphore_mem>>)
    %add3A_569 = arith.constant 36 : i32
    %add3A_570 = arith.addi %add3A_4, %add3A_569 : i32
    %dma_wait3A_571 = arith.constant 1 : i32
    %dma_wait3A_572 = arith.constant 0 : i32
    %dma_wait3A_573 = arith.constant 0 : i32
    %dma_wait3A_574 = tpu.memref_slice %arg4[%dma_wait3A_571, %dma_wait3A_572, %dma_wait3A_573] : memref<2x4x4096xf32, #tpu.memory_space<vmem>> -> memref<1x4x4096xf32, #tpu.memory_space<vmem>>
    %dma_wait3A_575 = tpu.memref_squeeze %dma_wait3A_574 : memref<1x4x4096xf32, #tpu.memory_space<vmem>> -> memref<4x4096xf32, #tpu.memory_space<vmem>>
    %dma_wait3A_576 = arith.constant 0 : i32
    %dma_wait3A_577 = tpu.memref_slice %arg2[%add3A_570, %dma_wait3A_576] : memref<4096x4096xf32, #tpu.memory_space<hbm>> -> memref<4x4096xf32, #tpu.memory_space<hbm>>
    %dma_wait3A_578 = arith.constant 0 : i32
    %dma_wait3A_579 = arith.constant 0 : i32
    %dma_wait3A_580 = tpu.memref_slice %arg4[%dma_wait3A_571, %dma_wait3A_578, %dma_wait3A_579] : memref<2x4x4096xf32, #tpu.memory_space<vmem>> -> memref<1x4x4096xf32, #tpu.memory_space<vmem>>
    %dma_wait3A_581 = tpu.memref_squeeze %dma_wait3A_580 : memref<1x4x4096xf32, #tpu.memory_space<vmem>> -> memref<4x4096xf32, #tpu.memory_space<vmem>>
    %dma_wait3A_582 = arith.constant 0 : i32
    %dma_wait3A_583 = tpu.memref_slice %arg2[%add3A_570, %dma_wait3A_582] : memref<4096x4096xf32, #tpu.memory_space<hbm>> -> memref<4x4096xf32, #tpu.memory_space<hbm>>
    tpu.wait_dma2 semaphore(%arg7 : memref<!tpu.dma_semaphore, #tpu.memory_space<semaphore_mem>>) src(%dma_wait3A_583 : memref<4x4096xf32, #tpu.memory_space<hbm>>) dst(%dma_wait3A_581 : memref<4x4096xf32, #tpu.memory_space<vmem>>)
    %add3A_584 = arith.constant 28 : i32
    %add3A_585 = arith.addi %add3A_4, %add3A_584 : i32
    %dma_wait3A_586 = arith.constant 1 : i32
    %dma_wait3A_587 = arith.constant 0 : i32
    %dma_wait3A_588 = arith.constant 0 : i32
    %dma_wait3A_589 = tpu.memref_slice %arg5[%dma_wait3A_586, %dma_wait3A_587, %dma_wait3A_588] : memref<2x4x4096xf32, #tpu.memory_space<vmem>> -> memref<1x4x4096xf32, #tpu.memory_space<vmem>>
    %dma_wait3A_590 = tpu.memref_squeeze %dma_wait3A_589 : memref<1x4x4096xf32, #tpu.memory_space<vmem>> -> memref<4x4096xf32, #tpu.memory_space<vmem>>
    %dma_wait3A_591 = arith.constant 0 : i32
    %dma_wait3A_592 = tpu.memref_slice %arg3[%add3A_585, %dma_wait3A_591] : memref<4096x4096xf32, #tpu.memory_space<hbm>> -> memref<4x4096xf32, #tpu.memory_space<hbm>>
    %dma_wait3A_593 = arith.constant 0 : i32
    %dma_wait3A_594 = tpu.memref_slice %arg3[%add3A_585, %dma_wait3A_593] : memref<4096x4096xf32, #tpu.memory_space<hbm>> -> memref<4x4096xf32, #tpu.memory_space<hbm>>
    %dma_wait3A_595 = arith.constant 0 : i32
    %dma_wait3A_596 = arith.constant 0 : i32
    %dma_wait3A_597 = tpu.memref_slice %arg5[%dma_wait3A_586, %dma_wait3A_595, %dma_wait3A_596] : memref<2x4x4096xf32, #tpu.memory_space<vmem>> -> memref<1x4x4096xf32, #tpu.memory_space<vmem>>
    %dma_wait3A_598 = tpu.memref_squeeze %dma_wait3A_597 : memref<1x4x4096xf32, #tpu.memory_space<vmem>> -> memref<4x4096xf32, #tpu.memory_space<vmem>>
    tpu.wait_dma2 semaphore(%arg9 : memref<!tpu.dma_semaphore, #tpu.memory_space<semaphore_mem>>) src(%dma_wait3A_598 : memref<4x4096xf32, #tpu.memory_space<vmem>>) dst(%dma_wait3A_594 : memref<4x4096xf32, #tpu.memory_space<hbm>>)
    %parallel_loop3A_599 = arith.constant 0 : i32
    %parallel_loop3A_600 = arith.constant 256 : i32
    %parallel_loop3A_601 = arith.constant 1 : i32
    scf.for %parallel_loop3A_758 = %parallel_loop3A_599 to %parallel_loop3A_600 step %parallel_loop3A_601  : i32 {
      %parallel_loop3A_759 = arith.constant 255 : i32
      %parallel_loop3A_760 = arith.subi %parallel_loop3A_759, %parallel_loop3A_758 : i32
      %parallel_loop3A_761 = arith.constant 16 : i32
      %parallel_loop3A_762 = arith.muli %parallel_loop3A_760, %parallel_loop3A_761 : i32
      %parallel_loop3A_763 = arith.constant 1 : i32
      %parallel_loop3A_764 = arith.constant 0 : i32
      %parallel_loop3A_765 = arith.index_cast %parallel_loop3A_763 : i32 to index
      %parallel_loop3A_766 = arith.index_cast %parallel_loop3A_764 : i32 to index
      %parallel_loop3A_767 = arith.index_cast %parallel_loop3A_762 : i32 to index
      %parallel_loop3A_768 = tpu.vector_load %arg4[%parallel_loop3A_765, %parallel_loop3A_766, %parallel_loop3A_767] {strides = array<i32>} : memref<2x4x4096xf32, #tpu.memory_space<vmem>>, vector<1x1x16xf32>,
      %parallel_loop3A_769 = vector.shape_cast %parallel_loop3A_768 : vector<1x1x16xf32> to vector<16xf32>
      %parallel_loop3A_770 = arith.constant 15 : i32
      %parallel_loop3A_771 = vector.broadcast %parallel_loop3A_770 : i32 to vector<16xi32>
      %parallel_loop3A_772 = tpu.iota {dimensions = array<i32: 0>} : vector<16xi32>
      %parallel_loop3A_773 = arith.subi %parallel_loop3A_771, %parallel_loop3A_772 : vector<16xi32>
      %parallel_loop3A_774 = tpu.dynamic_gather %parallel_loop3A_769[%parallel_loop3A_773] in [0] : vector<16xf32>, vector<16xi32> -> vector<16xf32>
      %parallel_loop3A_775 = arith.constant 16 : i32
      %parallel_loop3A_776 = arith.muli %parallel_loop3A_758, %parallel_loop3A_775 : i32
      %parallel_loop3A_777 = arith.constant 1 : i32
      %parallel_loop3A_778 = arith.constant 0 : i32
      %parallel_loop3A_779 = arith.index_cast %parallel_loop3A_777 : i32 to index
      %parallel_loop3A_780 = arith.index_cast %parallel_loop3A_778 : i32 to index
      %parallel_loop3A_781 = arith.index_cast %parallel_loop3A_776 : i32 to index
      %parallel_loop3A_782 = tpu.vector_load %arg5[%parallel_loop3A_779, %parallel_loop3A_780, %parallel_loop3A_781] {strides = array<i32>} : memref<2x4x4096xf32, #tpu.memory_space<vmem>>, vector<1x1x16xf32>,
      %parallel_loop3A_783 = vector.shape_cast %parallel_loop3A_782 : vector<1x1x16xf32> to vector<16xf32>
      %parallel_loop3A_784 = vector.shape_cast %parallel_loop3A_774 : vector<16xf32> to vector<1x1x16xf32>
      tpu.vector_store %arg5[%parallel_loop3A_779, %parallel_loop3A_780, %parallel_loop3A_781], %parallel_loop3A_784 {strides = array<i32>} : memref<2x4x4096xf32, #tpu.memory_space<vmem>>, vector<1x1x16xf32>,
      %parallel_loop3A_785 = arith.constant 1 : i32
      %parallel_loop3A_786 = arith.constant 1 : i32
      %parallel_loop3A_787 = arith.index_cast %parallel_loop3A_785 : i32 to index
      %parallel_loop3A_788 = arith.index_cast %parallel_loop3A_786 : i32 to index
      %parallel_loop3A_789 = arith.index_cast %parallel_loop3A_762 : i32 to index
      %parallel_loop3A_790 = tpu.vector_load %arg4[%parallel_loop3A_787, %parallel_loop3A_788, %parallel_loop3A_789] {strides = array<i32>} : memref<2x4x4096xf32, #tpu.memory_space<vmem>>, vector<1x1x16xf32>,
      %parallel_loop3A_791 = vector.shape_cast %parallel_loop3A_790 : vector<1x1x16xf32> to vector<16xf32>
      %parallel_loop3A_792 = arith.constant 15 : i32
      %parallel_loop3A_793 = vector.broadcast %parallel_loop3A_792 : i32 to vector<16xi32>
      %parallel_loop3A_794 = tpu.iota {dimensions = array<i32: 0>} : vector<16xi32>
      %parallel_loop3A_795 = arith.subi %parallel_loop3A_793, %parallel_loop3A_794 : vector<16xi32>
      %parallel_loop3A_796 = tpu.dynamic_gather %parallel_loop3A_791[%parallel_loop3A_795] in [0] : vector<16xf32>, vector<16xi32> -> vector<16xf32>
      %parallel_loop3A_797 = arith.constant 16 : i32
      %parallel_loop3A_798 = arith.muli %parallel_loop3A_758, %parallel_loop3A_797 : i32
      %parallel_loop3A_799 = arith.constant 1 : i32
      %parallel_loop3A_800 = arith.constant 1 : i32
      %parallel_loop3A_801 = arith.index_cast %parallel_loop3A_799 : i32 to index
      %parallel_loop3A_802 = arith.index_cast %parallel_loop3A_800 : i32 to index
      %parallel_loop3A_803 = arith.index_cast %parallel_loop3A_798 : i32 to index
      %parallel_loop3A_804 = tpu.vector_load %arg5[%parallel_loop3A_801, %parallel_loop3A_802, %parallel_loop3A_803] {strides = array<i32>} : memref<2x4x4096xf32, #tpu.memory_space<vmem>>, vector<1x1x16xf32>,
      %parallel_loop3A_805 = vector.shape_cast %parallel_loop3A_804 : vector<1x1x16xf32> to vector<16xf32>
      %parallel_loop3A_806 = vector.shape_cast %parallel_loop3A_796 : vector<16xf32> to vector<1x1x16xf32>
      tpu.vector_store %arg5[%parallel_loop3A_801, %parallel_loop3A_802, %parallel_loop3A_803], %parallel_loop3A_806 {strides = array<i32>} : memref<2x4x4096xf32, #tpu.memory_space<vmem>>, vector<1x1x16xf32>,
      %parallel_loop3A_807 = arith.constant 1 : i32
      %parallel_loop3A_808 = arith.constant 2 : i32
      %parallel_loop3A_809 = arith.index_cast %parallel_loop3A_807 : i32 to index
      %parallel_loop3A_810 = arith.index_cast %parallel_loop3A_808 : i32 to index
      %parallel_loop3A_811 = arith.index_cast %parallel_loop3A_762 : i32 to index
      %parallel_loop3A_812 = tpu.vector_load %arg4[%parallel_loop3A_809, %parallel_loop3A_810, %parallel_loop3A_811] {strides = array<i32>} : memref<2x4x4096xf32, #tpu.memory_space<vmem>>, vector<1x1x16xf32>,
      %parallel_loop3A_813 = vector.shape_cast %parallel_loop3A_812 : vector<1x1x16xf32> to vector<16xf32>
      %parallel_loop3A_814 = arith.constant 15 : i32
      %parallel_loop3A_815 = vector.broadcast %parallel_loop3A_814 : i32 to vector<16xi32>
      %parallel_loop3A_816 = tpu.iota {dimensions = array<i32: 0>} : vector<16xi32>
      %parallel_loop3A_817 = arith.subi %parallel_loop3A_815, %parallel_loop3A_816 : vector<16xi32>
      %parallel_loop3A_818 = tpu.dynamic_gather %parallel_loop3A_813[%parallel_loop3A_817] in [0] : vector<16xf32>, vector<16xi32> -> vector<16xf32>
      %parallel_loop3A_819 = arith.constant 16 : i32
      %parallel_loop3A_820 = arith.muli %parallel_loop3A_758, %parallel_loop3A_819 : i32
      %parallel_loop3A_821 = arith.constant 1 : i32
      %parallel_loop3A_822 = arith.constant 2 : i32
      %parallel_loop3A_823 = arith.index_cast %parallel_loop3A_821 : i32 to index
      %parallel_loop3A_824 = arith.index_cast %parallel_loop3A_822 : i32 to index
      %parallel_loop3A_825 = arith.index_cast %parallel_loop3A_820 : i32 to index
      %parallel_loop3A_826 = tpu.vector_load %arg5[%parallel_loop3A_823, %parallel_loop3A_824, %parallel_loop3A_825] {strides = array<i32>} : memref<2x4x4096xf32, #tpu.memory_space<vmem>>, vector<1x1x16xf32>,
      %parallel_loop3A_827 = vector.shape_cast %parallel_loop3A_826 : vector<1x1x16xf32> to vector<16xf32>
      %parallel_loop3A_828 = vector.shape_cast %parallel_loop3A_818 : vector<16xf32> to vector<1x1x16xf32>
      tpu.vector_store %arg5[%parallel_loop3A_823, %parallel_loop3A_824, %parallel_loop3A_825], %parallel_loop3A_828 {strides = array<i32>} : memref<2x4x4096xf32, #tpu.memory_space<vmem>>, vector<1x1x16xf32>,
      %parallel_loop3A_829 = arith.constant 1 : i32
      %parallel_loop3A_830 = arith.constant 3 : i32
      %parallel_loop3A_831 = arith.index_cast %parallel_loop3A_829 : i32 to index
      %parallel_loop3A_832 = arith.index_cast %parallel_loop3A_830 : i32 to index
      %parallel_loop3A_833 = arith.index_cast %parallel_loop3A_762 : i32 to index
      %parallel_loop3A_834 = tpu.vector_load %arg4[%parallel_loop3A_831, %parallel_loop3A_832, %parallel_loop3A_833] {strides = array<i32>} : memref<2x4x4096xf32, #tpu.memory_space<vmem>>, vector<1x1x16xf32>,
      %parallel_loop3A_835 = vector.shape_cast %parallel_loop3A_834 : vector<1x1x16xf32> to vector<16xf32>
      %parallel_loop3A_836 = arith.constant 15 : i32
      %parallel_loop3A_837 = vector.broadcast %parallel_loop3A_836 : i32 to vector<16xi32>
      %parallel_loop3A_838 = tpu.iota {dimensions = array<i32: 0>} : vector<16xi32>
      %parallel_loop3A_839 = arith.subi %parallel_loop3A_837, %parallel_loop3A_838 : vector<16xi32>
      %parallel_loop3A_840 = tpu.dynamic_gather %parallel_loop3A_835[%parallel_loop3A_839] in [0] : vector<16xf32>, vector<16xi32> -> vector<16xf32>
      %parallel_loop3A_841 = arith.constant 16 : i32
      %parallel_loop3A_842 = arith.muli %parallel_loop3A_758, %parallel_loop3A_841 : i32
      %parallel_loop3A_843 = arith.constant 1 : i32
      %parallel_loop3A_844 = arith.constant 3 : i32
      %parallel_loop3A_845 = arith.index_cast %parallel_loop3A_843 : i32 to index
      %parallel_loop3A_846 = arith.index_cast %parallel_loop3A_844 : i32 to index
      %parallel_loop3A_847 = arith.index_cast %parallel_loop3A_842 : i32 to index
      %parallel_loop3A_848 = tpu.vector_load %arg5[%parallel_loop3A_845, %parallel_loop3A_846, %parallel_loop3A_847] {strides = array<i32>} : memref<2x4x4096xf32, #tpu.memory_space<vmem>>, vector<1x1x16xf32>,
      %parallel_loop3A_849 = vector.shape_cast %parallel_loop3A_848 : vector<1x1x16xf32> to vector<16xf32>
      %parallel_loop3A_850 = vector.shape_cast %parallel_loop3A_840 : vector<16xf32> to vector<1x1x16xf32>
      tpu.vector_store %arg5[%parallel_loop3A_845, %parallel_loop3A_846, %parallel_loop3A_847], %parallel_loop3A_850 {strides = array<i32>} : memref<2x4x4096xf32, #tpu.memory_space<vmem>>, vector<1x1x16xf32>,
    } {sc.loop_unroll_factor = 8 : i64, sc.parallel_access}
    %add3A_602 = arith.constant 36 : i32
    %add3A_603 = arith.addi %add3A_4, %add3A_602 : i32
    %dma_start3A_604 = arith.constant 1 : i32
    %dma_start3A_605 = arith.constant 0 : i32
    %dma_start3A_606 = arith.constant 0 : i32
    %dma_start3A_607 = tpu.memref_slice %arg5[%dma_start3A_604, %dma_start3A_605, %dma_start3A_606] : memref<2x4x4096xf32, #tpu.memory_space<vmem>> -> memref<1x4x4096xf32, #tpu.memory_space<vmem>>
    %dma_start3A_608 = tpu.memref_squeeze %dma_start3A_607 : memref<1x4x4096xf32, #tpu.memory_space<vmem>> -> memref<4x4096xf32, #tpu.memory_space<vmem>>
    %dma_start3A_609 = arith.constant 0 : i32
    %dma_start3A_610 = tpu.memref_slice %arg3[%add3A_603, %dma_start3A_609] : memref<4096x4096xf32, #tpu.memory_space<hbm>> -> memref<4x4096xf32, #tpu.memory_space<hbm>>
    %dma_start3A_611 = arith.constant 0 : i32
    %dma_start3A_612 = tpu.memref_slice %arg3[%add3A_603, %dma_start3A_611] : memref<4096x4096xf32, #tpu.memory_space<hbm>> -> memref<4x4096xf32, #tpu.memory_space<hbm>>
    %dma_start3A_613 = arith.constant 0 : i32
    %dma_start3A_614 = arith.constant 0 : i32
    %dma_start3A_615 = tpu.memref_slice %arg5[%dma_start3A_604, %dma_start3A_613, %dma_start3A_614] : memref<2x4x4096xf32, #tpu.memory_space<vmem>> -> memref<1x4x4096xf32, #tpu.memory_space<vmem>>
    %dma_start3A_616 = tpu.memref_squeeze %dma_start3A_615 : memref<1x4x4096xf32, #tpu.memory_space<vmem>> -> memref<4x4096xf32, #tpu.memory_space<vmem>>
    tpu.enqueue_dma source(%dma_start3A_616 : memref<4x4096xf32, #tpu.memory_space<vmem>>) target(%dma_start3A_612 : memref<4x4096xf32, #tpu.memory_space<hbm>>) target_semaphore(%arg9 : memref<!tpu.dma_semaphore, #tpu.memory_space<semaphore_mem>>)
    %add3A_617 = arith.constant 44 : i32
    %add3A_618 = arith.addi %add3A_4, %add3A_617 : i32
    %dma_start3A_619 = arith.constant 1 : i32
    %dma_start3A_620 = arith.constant 0 : i32
    %dma_start3A_621 = arith.constant 0 : i32
    %dma_start3A_622 = tpu.memref_slice %arg4[%dma_start3A_619, %dma_start3A_620, %dma_start3A_621] : memref<2x4x4096xf32, #tpu.memory_space<vmem>> -> memref<1x4x4096xf32, #tpu.memory_space<vmem>>
    %dma_start3A_623 = tpu.memref_squeeze %dma_start3A_622 : memref<1x4x4096xf32, #tpu.memory_space<vmem>> -> memref<4x4096xf32, #tpu.memory_space<vmem>>
    %dma_start3A_624 = arith.constant 0 : i32
    %dma_start3A_625 = tpu.memref_slice %arg2[%add3A_618, %dma_start3A_624] : memref<4096x4096xf32, #tpu.memory_space<hbm>> -> memref<4x4096xf32, #tpu.memory_space<hbm>>
    %dma_start3A_626 = arith.constant 0 : i32
    %dma_start3A_627 = arith.constant 0 : i32
    %dma_start3A_628 = tpu.memref_slice %arg4[%dma_start3A_619, %dma_start3A_626, %dma_start3A_627] : memref<2x4x4096xf32, #tpu.memory_space<vmem>> -> memref<1x4x4096xf32, #tpu.memory_space<vmem>>
    %dma_start3A_629 = tpu.memref_squeeze %dma_start3A_628 : memref<1x4x4096xf32, #tpu.memory_space<vmem>> -> memref<4x4096xf32, #tpu.memory_space<vmem>>
    %dma_start3A_630 = arith.constant 0 : i32
    %dma_start3A_631 = tpu.memref_slice %arg2[%add3A_618, %dma_start3A_630] : memref<4096x4096xf32, #tpu.memory_space<hbm>> -> memref<4x4096xf32, #tpu.memory_space<hbm>>
    tpu.enqueue_dma source(%dma_start3A_631 : memref<4x4096xf32, #tpu.memory_space<hbm>>) target(%dma_start3A_629 : memref<4x4096xf32, #tpu.memory_space<vmem>>) target_semaphore(%arg7 : memref<!tpu.dma_semaphore, #tpu.memory_space<semaphore_mem>>)
    %add3A_632 = arith.constant 40 : i32
    %add3A_633 = arith.addi %add3A_4, %add3A_632 : i32
    %dma_wait3A_634 = arith.constant 0 : i32
    %dma_wait3A_635 = arith.constant 0 : i32
    %dma_wait3A_636 = arith.constant 0 : i32
    %dma_wait3A_637 = tpu.memref_slice %arg4[%dma_wait3A_634, %dma_wait3A_635, %dma_wait3A_636] : memref<2x4x4096xf32, #tpu.memory_space<vmem>> -> memref<1x4x4096xf32, #tpu.memory_space<vmem>>
    %dma_wait3A_638 = tpu.memref_squeeze %dma_wait3A_637 : memref<1x4x4096xf32, #tpu.memory_space<vmem>> -> memref<4x4096xf32, #tpu.memory_space<vmem>>
    %dma_wait3A_639 = arith.constant 0 : i32
    %dma_wait3A_640 = tpu.memref_slice %arg2[%add3A_633, %dma_wait3A_639] : memref<4096x4096xf32, #tpu.memory_space<hbm>> -> memref<4x4096xf32, #tpu.memory_space<hbm>>
    %dma_wait3A_641 = arith.constant 0 : i32
    %dma_wait3A_642 = arith.constant 0 : i32
    %dma_wait3A_643 = tpu.memref_slice %arg4[%dma_wait3A_634, %dma_wait3A_641, %dma_wait3A_642] : memref<2x4x4096xf32, #tpu.memory_space<vmem>> -> memref<1x4x4096xf32, #tpu.memory_space<vmem>>
    %dma_wait3A_644 = tpu.memref_squeeze %dma_wait3A_643 : memref<1x4x4096xf32, #tpu.memory_space<vmem>> -> memref<4x4096xf32, #tpu.memory_space<vmem>>
    %dma_wait3A_645 = arith.constant 0 : i32
    %dma_wait3A_646 = tpu.memref_slice %arg2[%add3A_633, %dma_wait3A_645] : memref<4096x4096xf32, #tpu.memory_space<hbm>> -> memref<4x4096xf32, #tpu.memory_space<hbm>>
    tpu.wait_dma2 semaphore(%arg6 : memref<!tpu.dma_semaphore, #tpu.memory_space<semaphore_mem>>) src(%dma_wait3A_646 : memref<4x4096xf32, #tpu.memory_space<hbm>>) dst(%dma_wait3A_644 : memref<4x4096xf32, #tpu.memory_space<vmem>>)
    %add3A_647 = arith.constant 32 : i32
    %add3A_648 = arith.addi %add3A_4, %add3A_647 : i32
    %dma_wait3A_649 = arith.constant 0 : i32
    %dma_wait3A_650 = arith.constant 0 : i32
    %dma_wait3A_651 = arith.constant 0 : i32
    %dma_wait3A_652 = tpu.memref_slice %arg5[%dma_wait3A_649, %dma_wait3A_650, %dma_wait3A_651] : memref<2x4x4096xf32, #tpu.memory_space<vmem>> -> memref<1x4x4096xf32, #tpu.memory_space<vmem>>
    %dma_wait3A_653 = tpu.memref_squeeze %dma_wait3A_652 : memref<1x4x4096xf32, #tpu.memory_space<vmem>> -> memref<4x4096xf32, #tpu.memory_space<vmem>>
    %dma_wait3A_654 = arith.constant 0 : i32
    %dma_wait3A_655 = tpu.memref_slice %arg3[%add3A_648, %dma_wait3A_654] : memref<4096x4096xf32, #tpu.memory_space<hbm>> -> memref<4x4096xf32, #tpu.memory_space<hbm>>
    %dma_wait3A_656 = arith.constant 0 : i32
    %dma_wait3A_657 = tpu.memref_slice %arg3[%add3A_648, %dma_wait3A_656] : memref<4096x4096xf32, #tpu.memory_space<hbm>> -> memref<4x4096xf32, #tpu.memory_space<hbm>>
    %dma_wait3A_658 = arith.constant 0 : i32
    %dma_wait3A_659 = arith.constant 0 : i32
    %dma_wait3A_660 = tpu.memref_slice %arg5[%dma_wait3A_649, %dma_wait3A_658, %dma_wait3A_659] : memref<2x4x4096xf32, #tpu.memory_space<vmem>> -> memref<1x4x4096xf32, #tpu.memory_space<vmem>>
    %dma_wait3A_661 = tpu.memref_squeeze %dma_wait3A_660 : memref<1x4x4096xf32, #tpu.memory_space<vmem>> -> memref<4x4096xf32, #tpu.memory_space<vmem>>
    tpu.wait_dma2 semaphore(%arg8 : memref<!tpu.dma_semaphore, #tpu.memory_space<semaphore_mem>>) src(%dma_wait3A_661 : memref<4x4096xf32, #tpu.memory_space<vmem>>) dst(%dma_wait3A_657 : memref<4x4096xf32, #tpu.memory_space<hbm>>)
    %parallel_loop3A_662 = arith.constant 0 : i32
    %parallel_loop3A_663 = arith.constant 256 : i32
    %parallel_loop3A_664 = arith.constant 1 : i32
    scf.for %parallel_loop3A_758 = %parallel_loop3A_662 to %parallel_loop3A_663 step %parallel_loop3A_664  : i32 {
      %parallel_loop3A_759 = arith.constant 255 : i32
      %parallel_loop3A_760 = arith.subi %parallel_loop3A_759, %parallel_loop3A_758 : i32
      %parallel_loop3A_761 = arith.constant 16 : i32
      %parallel_loop3A_762 = arith.muli %parallel_loop3A_760, %parallel_loop3A_761 : i32
      %parallel_loop3A_763 = arith.constant 0 : i32
      %parallel_loop3A_764 = arith.constant 0 : i32
      %parallel_loop3A_765 = arith.index_cast %parallel_loop3A_763 : i32 to index
      %parallel_loop3A_766 = arith.index_cast %parallel_loop3A_764 : i32 to index
      %parallel_loop3A_767 = arith.index_cast %parallel_loop3A_762 : i32 to index
      %parallel_loop3A_768 = tpu.vector_load %arg4[%parallel_loop3A_765, %parallel_loop3A_766, %parallel_loop3A_767] {strides = array<i32>} : memref<2x4x4096xf32, #tpu.memory_space<vmem>>, vector<1x1x16xf32>,
      %parallel_loop3A_769 = vector.shape_cast %parallel_loop3A_768 : vector<1x1x16xf32> to vector<16xf32>
      %parallel_loop3A_770 = arith.constant 15 : i32
      %parallel_loop3A_771 = vector.broadcast %parallel_loop3A_770 : i32 to vector<16xi32>
      %parallel_loop3A_772 = tpu.iota {dimensions = array<i32: 0>} : vector<16xi32>
      %parallel_loop3A_773 = arith.subi %parallel_loop3A_771, %parallel_loop3A_772 : vector<16xi32>
      %parallel_loop3A_774 = tpu.dynamic_gather %parallel_loop3A_769[%parallel_loop3A_773] in [0] : vector<16xf32>, vector<16xi32> -> vector<16xf32>
      %parallel_loop3A_775 = arith.constant 16 : i32
      %parallel_loop3A_776 = arith.muli %parallel_loop3A_758, %parallel_loop3A_775 : i32
      %parallel_loop3A_777 = arith.constant 0 : i32
      %parallel_loop3A_778 = arith.constant 0 : i32
      %parallel_loop3A_779 = arith.index_cast %parallel_loop3A_777 : i32 to index
      %parallel_loop3A_780 = arith.index_cast %parallel_loop3A_778 : i32 to index
      %parallel_loop3A_781 = arith.index_cast %parallel_loop3A_776 : i32 to index
      %parallel_loop3A_782 = tpu.vector_load %arg5[%parallel_loop3A_779, %parallel_loop3A_780, %parallel_loop3A_781] {strides = array<i32>} : memref<2x4x4096xf32, #tpu.memory_space<vmem>>, vector<1x1x16xf32>,
      %parallel_loop3A_783 = vector.shape_cast %parallel_loop3A_782 : vector<1x1x16xf32> to vector<16xf32>
      %parallel_loop3A_784 = vector.shape_cast %parallel_loop3A_774 : vector<16xf32> to vector<1x1x16xf32>
      tpu.vector_store %arg5[%parallel_loop3A_779, %parallel_loop3A_780, %parallel_loop3A_781], %parallel_loop3A_784 {strides = array<i32>} : memref<2x4x4096xf32, #tpu.memory_space<vmem>>, vector<1x1x16xf32>,
      %parallel_loop3A_785 = arith.constant 0 : i32
      %parallel_loop3A_786 = arith.constant 1 : i32
      %parallel_loop3A_787 = arith.index_cast %parallel_loop3A_785 : i32 to index
      %parallel_loop3A_788 = arith.index_cast %parallel_loop3A_786 : i32 to index
      %parallel_loop3A_789 = arith.index_cast %parallel_loop3A_762 : i32 to index
      %parallel_loop3A_790 = tpu.vector_load %arg4[%parallel_loop3A_787, %parallel_loop3A_788, %parallel_loop3A_789] {strides = array<i32>} : memref<2x4x4096xf32, #tpu.memory_space<vmem>>, vector<1x1x16xf32>,
      %parallel_loop3A_791 = vector.shape_cast %parallel_loop3A_790 : vector<1x1x16xf32> to vector<16xf32>
      %parallel_loop3A_792 = arith.constant 15 : i32
      %parallel_loop3A_793 = vector.broadcast %parallel_loop3A_792 : i32 to vector<16xi32>
      %parallel_loop3A_794 = tpu.iota {dimensions = array<i32: 0>} : vector<16xi32>
      %parallel_loop3A_795 = arith.subi %parallel_loop3A_793, %parallel_loop3A_794 : vector<16xi32>
      %parallel_loop3A_796 = tpu.dynamic_gather %parallel_loop3A_791[%parallel_loop3A_795] in [0] : vector<16xf32>, vector<16xi32> -> vector<16xf32>
      %parallel_loop3A_797 = arith.constant 16 : i32
      %parallel_loop3A_798 = arith.muli %parallel_loop3A_758, %parallel_loop3A_797 : i32
      %parallel_loop3A_799 = arith.constant 0 : i32
      %parallel_loop3A_800 = arith.constant 1 : i32
      %parallel_loop3A_801 = arith.index_cast %parallel_loop3A_799 : i32 to index
      %parallel_loop3A_802 = arith.index_cast %parallel_loop3A_800 : i32 to index
      %parallel_loop3A_803 = arith.index_cast %parallel_loop3A_798 : i32 to index
      %parallel_loop3A_804 = tpu.vector_load %arg5[%parallel_loop3A_801, %parallel_loop3A_802, %parallel_loop3A_803] {strides = array<i32>} : memref<2x4x4096xf32, #tpu.memory_space<vmem>>, vector<1x1x16xf32>,
      %parallel_loop3A_805 = vector.shape_cast %parallel_loop3A_804 : vector<1x1x16xf32> to vector<16xf32>
      %parallel_loop3A_806 = vector.shape_cast %parallel_loop3A_796 : vector<16xf32> to vector<1x1x16xf32>
      tpu.vector_store %arg5[%parallel_loop3A_801, %parallel_loop3A_802, %parallel_loop3A_803], %parallel_loop3A_806 {strides = array<i32>} : memref<2x4x4096xf32, #tpu.memory_space<vmem>>, vector<1x1x16xf32>,
      %parallel_loop3A_807 = arith.constant 0 : i32
      %parallel_loop3A_808 = arith.constant 2 : i32
      %parallel_loop3A_809 = arith.index_cast %parallel_loop3A_807 : i32 to index
      %parallel_loop3A_810 = arith.index_cast %parallel_loop3A_808 : i32 to index
      %parallel_loop3A_811 = arith.index_cast %parallel_loop3A_762 : i32 to index
      %parallel_loop3A_812 = tpu.vector_load %arg4[%parallel_loop3A_809, %parallel_loop3A_810, %parallel_loop3A_811] {strides = array<i32>} : memref<2x4x4096xf32, #tpu.memory_space<vmem>>, vector<1x1x16xf32>,
      %parallel_loop3A_813 = vector.shape_cast %parallel_loop3A_812 : vector<1x1x16xf32> to vector<16xf32>
      %parallel_loop3A_814 = arith.constant 15 : i32
      %parallel_loop3A_815 = vector.broadcast %parallel_loop3A_814 : i32 to vector<16xi32>
      %parallel_loop3A_816 = tpu.iota {dimensions = array<i32: 0>} : vector<16xi32>
      %parallel_loop3A_817 = arith.subi %parallel_loop3A_815, %parallel_loop3A_816 : vector<16xi32>
      %parallel_loop3A_818 = tpu.dynamic_gather %parallel_loop3A_813[%parallel_loop3A_817] in [0] : vector<16xf32>, vector<16xi32> -> vector<16xf32>
      %parallel_loop3A_819 = arith.constant 16 : i32
      %parallel_loop3A_820 = arith.muli %parallel_loop3A_758, %parallel_loop3A_819 : i32
      %parallel_loop3A_821 = arith.constant 0 : i32
      %parallel_loop3A_822 = arith.constant 2 : i32
      %parallel_loop3A_823 = arith.index_cast %parallel_loop3A_821 : i32 to index
      %parallel_loop3A_824 = arith.index_cast %parallel_loop3A_822 : i32 to index
      %parallel_loop3A_825 = arith.index_cast %parallel_loop3A_820 : i32 to index
      %parallel_loop3A_826 = tpu.vector_load %arg5[%parallel_loop3A_823, %parallel_loop3A_824, %parallel_loop3A_825] {strides = array<i32>} : memref<2x4x4096xf32, #tpu.memory_space<vmem>>, vector<1x1x16xf32>,
      %parallel_loop3A_827 = vector.shape_cast %parallel_loop3A_826 : vector<1x1x16xf32> to vector<16xf32>
      %parallel_loop3A_828 = vector.shape_cast %parallel_loop3A_818 : vector<16xf32> to vector<1x1x16xf32>
      tpu.vector_store %arg5[%parallel_loop3A_823, %parallel_loop3A_824, %parallel_loop3A_825], %parallel_loop3A_828 {strides = array<i32>} : memref<2x4x4096xf32, #tpu.memory_space<vmem>>, vector<1x1x16xf32>,
      %parallel_loop3A_829 = arith.constant 0 : i32
      %parallel_loop3A_830 = arith.constant 3 : i32
      %parallel_loop3A_831 = arith.index_cast %parallel_loop3A_829 : i32 to index
      %parallel_loop3A_832 = arith.index_cast %parallel_loop3A_830 : i32 to index
      %parallel_loop3A_833 = arith.index_cast %parallel_loop3A_762 : i32 to index
      %parallel_loop3A_834 = tpu.vector_load %arg4[%parallel_loop3A_831, %parallel_loop3A_832, %parallel_loop3A_833] {strides = array<i32>} : memref<2x4x4096xf32, #tpu.memory_space<vmem>>, vector<1x1x16xf32>,
      %parallel_loop3A_835 = vector.shape_cast %parallel_loop3A_834 : vector<1x1x16xf32> to vector<16xf32>
      %parallel_loop3A_836 = arith.constant 15 : i32
      %parallel_loop3A_837 = vector.broadcast %parallel_loop3A_836 : i32 to vector<16xi32>
      %parallel_loop3A_838 = tpu.iota {dimensions = array<i32: 0>} : vector<16xi32>
      %parallel_loop3A_839 = arith.subi %parallel_loop3A_837, %parallel_loop3A_838 : vector<16xi32>
      %parallel_loop3A_840 = tpu.dynamic_gather %parallel_loop3A_835[%parallel_loop3A_839] in [0] : vector<16xf32>, vector<16xi32> -> vector<16xf32>
      %parallel_loop3A_841 = arith.constant 16 : i32
      %parallel_loop3A_842 = arith.muli %parallel_loop3A_758, %parallel_loop3A_841 : i32
      %parallel_loop3A_843 = arith.constant 0 : i32
      %parallel_loop3A_844 = arith.constant 3 : i32
      %parallel_loop3A_845 = arith.index_cast %parallel_loop3A_843 : i32 to index
      %parallel_loop3A_846 = arith.index_cast %parallel_loop3A_844 : i32 to index
      %parallel_loop3A_847 = arith.index_cast %parallel_loop3A_842 : i32 to index
      %parallel_loop3A_848 = tpu.vector_load %arg5[%parallel_loop3A_845, %parallel_loop3A_846, %parallel_loop3A_847] {strides = array<i32>} : memref<2x4x4096xf32, #tpu.memory_space<vmem>>, vector<1x1x16xf32>,
      %parallel_loop3A_849 = vector.shape_cast %parallel_loop3A_848 : vector<1x1x16xf32> to vector<16xf32>
      %parallel_loop3A_850 = vector.shape_cast %parallel_loop3A_840 : vector<16xf32> to vector<1x1x16xf32>
      tpu.vector_store %arg5[%parallel_loop3A_845, %parallel_loop3A_846, %parallel_loop3A_847], %parallel_loop3A_850 {strides = array<i32>} : memref<2x4x4096xf32, #tpu.memory_space<vmem>>, vector<1x1x16xf32>,
    } {sc.loop_unroll_factor = 8 : i64, sc.parallel_access}
    %add3A_665 = arith.constant 40 : i32
    %add3A_666 = arith.addi %add3A_4, %add3A_665 : i32
    %dma_start3A_667 = arith.constant 0 : i32
    %dma_start3A_668 = arith.constant 0 : i32
    %dma_start3A_669 = arith.constant 0 : i32
    %dma_start3A_670 = tpu.memref_slice %arg5[%dma_start3A_667, %dma_start3A_668, %dma_start3A_669] : memref<2x4x4096xf32, #tpu.memory_space<vmem>> -> memref<1x4x4096xf32, #tpu.memory_space<vmem>>
    %dma_start3A_671 = tpu.memref_squeeze %dma_start3A_670 : memref<1x4x4096xf32, #tpu.memory_space<vmem>> -> memref<4x4096xf32, #tpu.memory_space<vmem>>
    %dma_start3A_672 = arith.constant 0 : i32
    %dma_start3A_673 = tpu.memref_slice %arg3[%add3A_666, %dma_start3A_672] : memref<4096x4096xf32, #tpu.memory_space<hbm>> -> memref<4x4096xf32, #tpu.memory_space<hbm>>
    %dma_start3A_674 = arith.constant 0 : i32
    %dma_start3A_675 = tpu.memref_slice %arg3[%add3A_666, %dma_start3A_674] : memref<4096x4096xf32, #tpu.memory_space<hbm>> -> memref<4x4096xf32, #tpu.memory_space<hbm>>
    %dma_start3A_676 = arith.constant 0 : i32
    %dma_start3A_677 = arith.constant 0 : i32
    %dma_start3A_678 = tpu.memref_slice %arg5[%dma_start3A_667, %dma_start3A_676, %dma_start3A_677] : memref<2x4x4096xf32, #tpu.memory_space<vmem>> -> memref<1x4x4096xf32, #tpu.memory_space<vmem>>
    %dma_start3A_679 = tpu.memref_squeeze %dma_start3A_678 : memref<1x4x4096xf32, #tpu.memory_space<vmem>> -> memref<4x4096xf32, #tpu.memory_space<vmem>>
    tpu.enqueue_dma source(%dma_start3A_679 : memref<4x4096xf32, #tpu.memory_space<vmem>>) target(%dma_start3A_675 : memref<4x4096xf32, #tpu.memory_space<hbm>>) target_semaphore(%arg8 : memref<!tpu.dma_semaphore, #tpu.memory_space<semaphore_mem>>)
    %add3A_680 = arith.constant 44 : i32
    %add3A_681 = arith.addi %add3A_4, %add3A_680 : i32
    %dma_wait3A_682 = arith.constant 1 : i32
    %dma_wait3A_683 = arith.constant 0 : i32
    %dma_wait3A_684 = arith.constant 0 : i32
    %dma_wait3A_685 = tpu.memref_slice %arg4[%dma_wait3A_682, %dma_wait3A_683, %dma_wait3A_684] : memref<2x4x4096xf32, #tpu.memory_space<vmem>> -> memref<1x4x4096xf32, #tpu.memory_space<vmem>>
    %dma_wait3A_686 = tpu.memref_squeeze %dma_wait3A_685 : memref<1x4x4096xf32, #tpu.memory_space<vmem>> -> memref<4x4096xf32, #tpu.memory_space<vmem>>
    %dma_wait3A_687 = arith.constant 0 : i32
    %dma_wait3A_688 = tpu.memref_slice %arg2[%add3A_681, %dma_wait3A_687] : memref<4096x4096xf32, #tpu.memory_space<hbm>> -> memref<4x4096xf32, #tpu.memory_space<hbm>>
    %dma_wait3A_689 = arith.constant 0 : i32
    %dma_wait3A_690 = arith.constant 0 : i32
    %dma_wait3A_691 = tpu.memref_slice %arg4[%dma_wait3A_682, %dma_wait3A_689, %dma_wait3A_690] : memref<2x4x4096xf32, #tpu.memory_space<vmem>> -> memref<1x4x4096xf32, #tpu.memory_space<vmem>>
    %dma_wait3A_692 = tpu.memref_squeeze %dma_wait3A_691 : memref<1x4x4096xf32, #tpu.memory_space<vmem>> -> memref<4x4096xf32, #tpu.memory_space<vmem>>
    %dma_wait3A_693 = arith.constant 0 : i32
    %dma_wait3A_694 = tpu.memref_slice %arg2[%add3A_681, %dma_wait3A_693] : memref<4096x4096xf32, #tpu.memory_space<hbm>> -> memref<4x4096xf32, #tpu.memory_space<hbm>>
    tpu.wait_dma2 semaphore(%arg7 : memref<!tpu.dma_semaphore, #tpu.memory_space<semaphore_mem>>) src(%dma_wait3A_694 : memref<4x4096xf32, #tpu.memory_space<hbm>>) dst(%dma_wait3A_692 : memref<4x4096xf32, #tpu.memory_space<vmem>>)
    %add3A_695 = arith.constant 36 : i32
    %add3A_696 = arith.addi %add3A_4, %add3A_695 : i32
    %dma_wait3A_697 = arith.constant 1 : i32
    %dma_wait3A_698 = arith.constant 0 : i32
    %dma_wait3A_699 = arith.constant 0 : i32
    %dma_wait3A_700 = tpu.memref_slice %arg5[%dma_wait3A_697, %dma_wait3A_698, %dma_wait3A_699] : memref<2x4x4096xf32, #tpu.memory_space<vmem>> -> memref<1x4x4096xf32, #tpu.memory_space<vmem>>
    %dma_wait3A_701 = tpu.memref_squeeze %dma_wait3A_700 : memref<1x4x4096xf32, #tpu.memory_space<vmem>> -> memref<4x4096xf32, #tpu.memory_space<vmem>>
    %dma_wait3A_702 = arith.constant 0 : i32
    %dma_wait3A_703 = tpu.memref_slice %arg3[%add3A_696, %dma_wait3A_702] : memref<4096x4096xf32, #tpu.memory_space<hbm>> -> memref<4x4096xf32, #tpu.memory_space<hbm>>
    %dma_wait3A_704 = arith.constant 0 : i32
    %dma_wait3A_705 = tpu.memref_slice %arg3[%add3A_696, %dma_wait3A_704] : memref<4096x4096xf32, #tpu.memory_space<hbm>> -> memref<4x4096xf32, #tpu.memory_space<hbm>>
    %dma_wait3A_706 = arith.constant 0 : i32
    %dma_wait3A_707 = arith.constant 0 : i32
    %dma_wait3A_708 = tpu.memref_slice %arg5[%dma_wait3A_697, %dma_wait3A_706, %dma_wait3A_707] : memref<2x4x4096xf32, #tpu.memory_space<vmem>> -> memref<1x4x4096xf32, #tpu.memory_space<vmem>>
    %dma_wait3A_709 = tpu.memref_squeeze %dma_wait3A_708 : memref<1x4x4096xf32, #tpu.memory_space<vmem>> -> memref<4x4096xf32, #tpu.memory_space<vmem>>
    tpu.wait_dma2 semaphore(%arg9 : memref<!tpu.dma_semaphore, #tpu.memory_space<semaphore_mem>>) src(%dma_wait3A_709 : memref<4x4096xf32, #tpu.memory_space<vmem>>) dst(%dma_wait3A_705 : memref<4x4096xf32, #tpu.memory_space<hbm>>)
    %parallel_loop3A_710 = arith.constant 0 : i32
    %parallel_loop3A_711 = arith.constant 256 : i32
    %parallel_loop3A_712 = arith.constant 1 : i32
    scf.for %parallel_loop3A_758 = %parallel_loop3A_710 to %parallel_loop3A_711 step %parallel_loop3A_712  : i32 {
      %parallel_loop3A_759 = arith.constant 255 : i32
      %parallel_loop3A_760 = arith.subi %parallel_loop3A_759, %parallel_loop3A_758 : i32
      %parallel_loop3A_761 = arith.constant 16 : i32
      %parallel_loop3A_762 = arith.muli %parallel_loop3A_760, %parallel_loop3A_761 : i32
      %parallel_loop3A_763 = arith.constant 1 : i32
      %parallel_loop3A_764 = arith.constant 0 : i32
      %parallel_loop3A_765 = arith.index_cast %parallel_loop3A_763 : i32 to index
      %parallel_loop3A_766 = arith.index_cast %parallel_loop3A_764 : i32 to index
      %parallel_loop3A_767 = arith.index_cast %parallel_loop3A_762 : i32 to index
      %parallel_loop3A_768 = tpu.vector_load %arg4[%parallel_loop3A_765, %parallel_loop3A_766, %parallel_loop3A_767] {strides = array<i32>} : memref<2x4x4096xf32, #tpu.memory_space<vmem>>, vector<1x1x16xf32>,
      %parallel_loop3A_769 = vector.shape_cast %parallel_loop3A_768 : vector<1x1x16xf32> to vector<16xf32>
      %parallel_loop3A_770 = arith.constant 15 : i32
      %parallel_loop3A_771 = vector.broadcast %parallel_loop3A_770 : i32 to vector<16xi32>
      %parallel_loop3A_772 = tpu.iota {dimensions = array<i32: 0>} : vector<16xi32>
      %parallel_loop3A_773 = arith.subi %parallel_loop3A_771, %parallel_loop3A_772 : vector<16xi32>
      %parallel_loop3A_774 = tpu.dynamic_gather %parallel_loop3A_769[%parallel_loop3A_773] in [0] : vector<16xf32>, vector<16xi32> -> vector<16xf32>
      %parallel_loop3A_775 = arith.constant 16 : i32
      %parallel_loop3A_776 = arith.muli %parallel_loop3A_758, %parallel_loop3A_775 : i32
      %parallel_loop3A_777 = arith.constant 1 : i32
      %parallel_loop3A_778 = arith.constant 0 : i32
      %parallel_loop3A_779 = arith.index_cast %parallel_loop3A_777 : i32 to index
      %parallel_loop3A_780 = arith.index_cast %parallel_loop3A_778 : i32 to index
      %parallel_loop3A_781 = arith.index_cast %parallel_loop3A_776 : i32 to index
      %parallel_loop3A_782 = tpu.vector_load %arg5[%parallel_loop3A_779, %parallel_loop3A_780, %parallel_loop3A_781] {strides = array<i32>} : memref<2x4x4096xf32, #tpu.memory_space<vmem>>, vector<1x1x16xf32>,
      %parallel_loop3A_783 = vector.shape_cast %parallel_loop3A_782 : vector<1x1x16xf32> to vector<16xf32>
      %parallel_loop3A_784 = vector.shape_cast %parallel_loop3A_774 : vector<16xf32> to vector<1x1x16xf32>
      tpu.vector_store %arg5[%parallel_loop3A_779, %parallel_loop3A_780, %parallel_loop3A_781], %parallel_loop3A_784 {strides = array<i32>} : memref<2x4x4096xf32, #tpu.memory_space<vmem>>, vector<1x1x16xf32>,
      %parallel_loop3A_785 = arith.constant 1 : i32
      %parallel_loop3A_786 = arith.constant 1 : i32
      %parallel_loop3A_787 = arith.index_cast %parallel_loop3A_785 : i32 to index
      %parallel_loop3A_788 = arith.index_cast %parallel_loop3A_786 : i32 to index
      %parallel_loop3A_789 = arith.index_cast %parallel_loop3A_762 : i32 to index
      %parallel_loop3A_790 = tpu.vector_load %arg4[%parallel_loop3A_787, %parallel_loop3A_788, %parallel_loop3A_789] {strides = array<i32>} : memref<2x4x4096xf32, #tpu.memory_space<vmem>>, vector<1x1x16xf32>,
      %parallel_loop3A_791 = vector.shape_cast %parallel_loop3A_790 : vector<1x1x16xf32> to vector<16xf32>
      %parallel_loop3A_792 = arith.constant 15 : i32
      %parallel_loop3A_793 = vector.broadcast %parallel_loop3A_792 : i32 to vector<16xi32>
      %parallel_loop3A_794 = tpu.iota {dimensions = array<i32: 0>} : vector<16xi32>
      %parallel_loop3A_795 = arith.subi %parallel_loop3A_793, %parallel_loop3A_794 : vector<16xi32>
      %parallel_loop3A_796 = tpu.dynamic_gather %parallel_loop3A_791[%parallel_loop3A_795] in [0] : vector<16xf32>, vector<16xi32> -> vector<16xf32>
      %parallel_loop3A_797 = arith.constant 16 : i32
      %parallel_loop3A_798 = arith.muli %parallel_loop3A_758, %parallel_loop3A_797 : i32
      %parallel_loop3A_799 = arith.constant 1 : i32
      %parallel_loop3A_800 = arith.constant 1 : i32
      %parallel_loop3A_801 = arith.index_cast %parallel_loop3A_799 : i32 to index
      %parallel_loop3A_802 = arith.index_cast %parallel_loop3A_800 : i32 to index
      %parallel_loop3A_803 = arith.index_cast %parallel_loop3A_798 : i32 to index
      %parallel_loop3A_804 = tpu.vector_load %arg5[%parallel_loop3A_801, %parallel_loop3A_802, %parallel_loop3A_803] {strides = array<i32>} : memref<2x4x4096xf32, #tpu.memory_space<vmem>>, vector<1x1x16xf32>,
      %parallel_loop3A_805 = vector.shape_cast %parallel_loop3A_804 : vector<1x1x16xf32> to vector<16xf32>
      %parallel_loop3A_806 = vector.shape_cast %parallel_loop3A_796 : vector<16xf32> to vector<1x1x16xf32>
      tpu.vector_store %arg5[%parallel_loop3A_801, %parallel_loop3A_802, %parallel_loop3A_803], %parallel_loop3A_806 {strides = array<i32>} : memref<2x4x4096xf32, #tpu.memory_space<vmem>>, vector<1x1x16xf32>,
      %parallel_loop3A_807 = arith.constant 1 : i32
      %parallel_loop3A_808 = arith.constant 2 : i32
      %parallel_loop3A_809 = arith.index_cast %parallel_loop3A_807 : i32 to index
      %parallel_loop3A_810 = arith.index_cast %parallel_loop3A_808 : i32 to index
      %parallel_loop3A_811 = arith.index_cast %parallel_loop3A_762 : i32 to index
      %parallel_loop3A_812 = tpu.vector_load %arg4[%parallel_loop3A_809, %parallel_loop3A_810, %parallel_loop3A_811] {strides = array<i32>} : memref<2x4x4096xf32, #tpu.memory_space<vmem>>, vector<1x1x16xf32>,
      %parallel_loop3A_813 = vector.shape_cast %parallel_loop3A_812 : vector<1x1x16xf32> to vector<16xf32>
      %parallel_loop3A_814 = arith.constant 15 : i32
      %parallel_loop3A_815 = vector.broadcast %parallel_loop3A_814 : i32 to vector<16xi32>
      %parallel_loop3A_816 = tpu.iota {dimensions = array<i32: 0>} : vector<16xi32>
      %parallel_loop3A_817 = arith.subi %parallel_loop3A_815, %parallel_loop3A_816 : vector<16xi32>
      %parallel_loop3A_818 = tpu.dynamic_gather %parallel_loop3A_813[%parallel_loop3A_817] in [0] : vector<16xf32>, vector<16xi32> -> vector<16xf32>
      %parallel_loop3A_819 = arith.constant 16 : i32
      %parallel_loop3A_820 = arith.muli %parallel_loop3A_758, %parallel_loop3A_819 : i32
      %parallel_loop3A_821 = arith.constant 1 : i32
      %parallel_loop3A_822 = arith.constant 2 : i32
      %parallel_loop3A_823 = arith.index_cast %parallel_loop3A_821 : i32 to index
      %parallel_loop3A_824 = arith.index_cast %parallel_loop3A_822 : i32 to index
      %parallel_loop3A_825 = arith.index_cast %parallel_loop3A_820 : i32 to index
      %parallel_loop3A_826 = tpu.vector_load %arg5[%parallel_loop3A_823, %parallel_loop3A_824, %parallel_loop3A_825] {strides = array<i32>} : memref<2x4x4096xf32, #tpu.memory_space<vmem>>, vector<1x1x16xf32>,
      %parallel_loop3A_827 = vector.shape_cast %parallel_loop3A_826 : vector<1x1x16xf32> to vector<16xf32>
      %parallel_loop3A_828 = vector.shape_cast %parallel_loop3A_818 : vector<16xf32> to vector<1x1x16xf32>
      tpu.vector_store %arg5[%parallel_loop3A_823, %parallel_loop3A_824, %parallel_loop3A_825], %parallel_loop3A_828 {strides = array<i32>} : memref<2x4x4096xf32, #tpu.memory_space<vmem>>, vector<1x1x16xf32>,
      %parallel_loop3A_829 = arith.constant 1 : i32
      %parallel_loop3A_830 = arith.constant 3 : i32
      %parallel_loop3A_831 = arith.index_cast %parallel_loop3A_829 : i32 to index
      %parallel_loop3A_832 = arith.index_cast %parallel_loop3A_830 : i32 to index
      %parallel_loop3A_833 = arith.index_cast %parallel_loop3A_762 : i32 to index
      %parallel_loop3A_834 = tpu.vector_load %arg4[%parallel_loop3A_831, %parallel_loop3A_832, %parallel_loop3A_833] {strides = array<i32>} : memref<2x4x4096xf32, #tpu.memory_space<vmem>>, vector<1x1x16xf32>,
      %parallel_loop3A_835 = vector.shape_cast %parallel_loop3A_834 : vector<1x1x16xf32> to vector<16xf32>
      %parallel_loop3A_836 = arith.constant 15 : i32
      %parallel_loop3A_837 = vector.broadcast %parallel_loop3A_836 : i32 to vector<16xi32>
      %parallel_loop3A_838 = tpu.iota {dimensions = array<i32: 0>} : vector<16xi32>
      %parallel_loop3A_839 = arith.subi %parallel_loop3A_837, %parallel_loop3A_838 : vector<16xi32>
      %parallel_loop3A_840 = tpu.dynamic_gather %parallel_loop3A_835[%parallel_loop3A_839] in [0] : vector<16xf32>, vector<16xi32> -> vector<16xf32>
      %parallel_loop3A_841 = arith.constant 16 : i32
      %parallel_loop3A_842 = arith.muli %parallel_loop3A_758, %parallel_loop3A_841 : i32
      %parallel_loop3A_843 = arith.constant 1 : i32
      %parallel_loop3A_844 = arith.constant 3 : i32
      %parallel_loop3A_845 = arith.index_cast %parallel_loop3A_843 : i32 to index
      %parallel_loop3A_846 = arith.index_cast %parallel_loop3A_844 : i32 to index
      %parallel_loop3A_847 = arith.index_cast %parallel_loop3A_842 : i32 to index
      %parallel_loop3A_848 = tpu.vector_load %arg5[%parallel_loop3A_845, %parallel_loop3A_846, %parallel_loop3A_847] {strides = array<i32>} : memref<2x4x4096xf32, #tpu.memory_space<vmem>>, vector<1x1x16xf32>,
      %parallel_loop3A_849 = vector.shape_cast %parallel_loop3A_848 : vector<1x1x16xf32> to vector<16xf32>
      %parallel_loop3A_850 = vector.shape_cast %parallel_loop3A_840 : vector<16xf32> to vector<1x1x16xf32>
      tpu.vector_store %arg5[%parallel_loop3A_845, %parallel_loop3A_846, %parallel_loop3A_847], %parallel_loop3A_850 {strides = array<i32>} : memref<2x4x4096xf32, #tpu.memory_space<vmem>>, vector<1x1x16xf32>,
    } {sc.loop_unroll_factor = 8 : i64, sc.parallel_access}
    %add3A_713 = arith.constant 44 : i32
    %add3A_714 = arith.addi %add3A_4, %add3A_713 : i32
    %dma_start3A_715 = arith.constant 1 : i32
    %dma_start3A_716 = arith.constant 0 : i32
    %dma_start3A_717 = arith.constant 0 : i32
    %dma_start3A_718 = tpu.memref_slice %arg5[%dma_start3A_715, %dma_start3A_716, %dma_start3A_717] : memref<2x4x4096xf32, #tpu.memory_space<vmem>> -> memref<1x4x4096xf32, #tpu.memory_space<vmem>>
    %dma_start3A_719 = tpu.memref_squeeze %dma_start3A_718 : memref<1x4x4096xf32, #tpu.memory_space<vmem>> -> memref<4x4096xf32, #tpu.memory_space<vmem>>
    %dma_start3A_720 = arith.constant 0 : i32
    %dma_start3A_721 = tpu.memref_slice %arg3[%add3A_714, %dma_start3A_720] : memref<4096x4096xf32, #tpu.memory_space<hbm>> -> memref<4x4096xf32, #tpu.memory_space<hbm>>
    %dma_start3A_722 = arith.constant 0 : i32
    %dma_start3A_723 = tpu.memref_slice %arg3[%add3A_714, %dma_start3A_722] : memref<4096x4096xf32, #tpu.memory_space<hbm>> -> memref<4x4096xf32, #tpu.memory_space<hbm>>
    %dma_start3A_724 = arith.constant 0 : i32
    %dma_start3A_725 = arith.constant 0 : i32
    %dma_start3A_726 = tpu.memref_slice %arg5[%dma_start3A_715, %dma_start3A_724, %dma_start3A_725] : memref<2x4x4096xf32, #tpu.memory_space<vmem>> -> memref<1x4x4096xf32, #tpu.memory_space<vmem>>
    %dma_start3A_727 = tpu.memref_squeeze %dma_start3A_726 : memref<1x4x4096xf32, #tpu.memory_space<vmem>> -> memref<4x4096xf32, #tpu.memory_space<vmem>>
    tpu.enqueue_dma source(%dma_start3A_727 : memref<4x4096xf32, #tpu.memory_space<vmem>>) target(%dma_start3A_723 : memref<4x4096xf32, #tpu.memory_space<hbm>>) target_semaphore(%arg9 : memref<!tpu.dma_semaphore, #tpu.memory_space<semaphore_mem>>)
    %add3A_728 = arith.constant 40 : i32
    %add3A_729 = arith.addi %add3A_4, %add3A_728 : i32
    %dma_wait3A_730 = arith.constant 0 : i32
    %dma_wait3A_731 = arith.constant 0 : i32
    %dma_wait3A_732 = arith.constant 0 : i32
    %dma_wait3A_733 = tpu.memref_slice %arg5[%dma_wait3A_730, %dma_wait3A_731, %dma_wait3A_732] : memref<2x4x4096xf32, #tpu.memory_space<vmem>> -> memref<1x4x4096xf32, #tpu.memory_space<vmem>>
    %dma_wait3A_734 = tpu.memref_squeeze %dma_wait3A_733 : memref<1x4x4096xf32, #tpu.memory_space<vmem>> -> memref<4x4096xf32, #tpu.memory_space<vmem>>
    %dma_wait3A_735 = arith.constant 0 : i32
    %dma_wait3A_736 = tpu.memref_slice %arg3[%add3A_729, %dma_wait3A_735] : memref<4096x4096xf32, #tpu.memory_space<hbm>> -> memref<4x4096xf32, #tpu.memory_space<hbm>>
    %dma_wait3A_737 = arith.constant 0 : i32
    %dma_wait3A_738 = tpu.memref_slice %arg3[%add3A_729, %dma_wait3A_737] : memref<4096x4096xf32, #tpu.memory_space<hbm>> -> memref<4x4096xf32, #tpu.memory_space<hbm>>
    %dma_wait3A_739 = arith.constant 0 : i32
    %dma_wait3A_740 = arith.constant 0 : i32
    %dma_wait3A_741 = tpu.memref_slice %arg5[%dma_wait3A_730, %dma_wait3A_739, %dma_wait3A_740] : memref<2x4x4096xf32, #tpu.memory_space<vmem>> -> memref<1x4x4096xf32, #tpu.memory_space<vmem>>
    %dma_wait3A_742 = tpu.memref_squeeze %dma_wait3A_741 : memref<1x4x4096xf32, #tpu.memory_space<vmem>> -> memref<4x4096xf32, #tpu.memory_space<vmem>>
    tpu.wait_dma2 semaphore(%arg8 : memref<!tpu.dma_semaphore, #tpu.memory_space<semaphore_mem>>) src(%dma_wait3A_742 : memref<4x4096xf32, #tpu.memory_space<vmem>>) dst(%dma_wait3A_738 : memref<4x4096xf32, #tpu.memory_space<hbm>>)
    %add3A_743 = arith.constant 44 : i32
    %add3A_744 = arith.addi %add3A_4, %add3A_743 : i32
    %dma_wait3A_745 = arith.constant 1 : i32
    %dma_wait3A_746 = arith.constant 0 : i32
    %dma_wait3A_747 = arith.constant 0 : i32
    %dma_wait3A_748 = tpu.memref_slice %arg5[%dma_wait3A_745, %dma_wait3A_746, %dma_wait3A_747] : memref<2x4x4096xf32, #tpu.memory_space<vmem>> -> memref<1x4x4096xf32, #tpu.memory_space<vmem>>
    %dma_wait3A_749 = tpu.memref_squeeze %dma_wait3A_748 : memref<1x4x4096xf32, #tpu.memory_space<vmem>> -> memref<4x4096xf32, #tpu.memory_space<vmem>>
    %dma_wait3A_750 = arith.constant 0 : i32
    %dma_wait3A_751 = tpu.memref_slice %arg3[%add3A_744, %dma_wait3A_750] : memref<4096x4096xf32, #tpu.memory_space<hbm>> -> memref<4x4096xf32, #tpu.memory_space<hbm>>
    %dma_wait3A_752 = arith.constant 0 : i32
    %dma_wait3A_753 = tpu.memref_slice %arg3[%add3A_744, %dma_wait3A_752] : memref<4096x4096xf32, #tpu.memory_space<hbm>> -> memref<4x4096xf32, #tpu.memory_space<hbm>>
    %dma_wait3A_754 = arith.constant 0 : i32
    %dma_wait3A_755 = arith.constant 0 : i32
    %dma_wait3A_756 = tpu.memref_slice %arg5[%dma_wait3A_745, %dma_wait3A_754, %dma_wait3A_755] : memref<2x4x4096xf32, #tpu.memory_space<vmem>> -> memref<1x4x4096xf32, #tpu.memory_space<vmem>>
    %dma_wait3A_757 = tpu.memref_squeeze %dma_wait3A_756 : memref<1x4x4096xf32, #tpu.memory_space<vmem>> -> memref<4x4096xf32, #tpu.memory_space<vmem>>
    tpu.wait_dma2 semaphore(%arg9 : memref<!tpu.dma_semaphore, #tpu.memory_space<semaphore_mem>>) src(%dma_wait3A_757 : memref<4x4096xf32, #tpu.memory_space<vmem>>) dst(%dma_wait3A_753 : memref<4x4096xf32, #tpu.memory_space<hbm>>)
    return
  }
}

module attributes {stable_mosaic.version = 14 : i64} {
  func.func @_flip_block_tc(%arg0: i32, %arg1: memref<512x4096xf32, #tpu.memory_space<vmem>>, %arg2: memref<4096x4096xf32, #tpu.memory_space<any>>, %arg3: memref<128x128xf32, #tpu.memory_space<vmem>>, %arg4: memref<512x4096xf32, #tpu.memory_space<vmem>>) attributes {dimension_semantics = [#tpu.dimension_semantics<arbitrary>], iteration_bounds = array<i64: 5>, scalar_prefetch = 0 : i64, scratch_operands = 0 : i64, tpu.core_type = #tpu.core_type<tc>, window_params = [{transform_indices = @transform_0, window_bounds = array<i64: 512, 4096>}, {}, {pipeline_mode = #tpu.pipeline_mode<synchronous>, transform_indices = @transform_2, window_bounds = array<i64: 128, 128>}, {transform_indices = @transform_3, window_bounds = array<i64: 512, 4096>}]} {
    %get3A = arith.constant 0 : index
    %get3A_0 = arith.constant 0 : index
    %get3A_1 = vector.load %arg3[%get3A, %get3A_0] : memref<128x128xf32, #tpu.memory_space<vmem>>, vector<128x128xf32>
    %get3A_2 = arith.constant 0 : index
    %get3A_3 = arith.constant 3968 : index
    %get3A_4 = vector.load %arg1[%get3A_2, %get3A_3] : memref<512x4096xf32, #tpu.memory_space<vmem>>, vector<512x128xf32>
    %dot_general3A = arith.constant dense<0.000000e+00> : vector<512x128xf32>
    %dot_general3A_5 = tpu.matmul %get3A_4, %get3A_1, %dot_general3A {dimension_numbers = #tpu.dot_dimension_numbers<[1], [0], [0], [1], [0, 0, 1, 1], [], []>, transpose_lhs_hint = false} : vector<512x128xf32>, vector<128x128xf32>, vector<512x128xf32> -> vector<512x128xf32>
    %swap3A = arith.constant 0 : index
    %swap3A_6 = arith.constant 0 : index
    %swap3A_7 = vector.load %arg4[%swap3A, %swap3A_6] : memref<512x4096xf32, #tpu.memory_space<vmem>>, vector<512x128xf32>
    tpu.vector_store %arg4[%swap3A, %swap3A_6], %dot_general3A_5 {strides = array<i32>} : memref<512x4096xf32, #tpu.memory_space<vmem>>, vector<512x128xf32>,
    %get3A_8 = arith.constant 0 : index
    %get3A_9 = arith.constant 3840 : index
    %get3A_10 = vector.load %arg1[%get3A_8, %get3A_9] : memref<512x4096xf32, #tpu.memory_space<vmem>>, vector<512x128xf32>
    %dot_general3A_11 = arith.constant dense<0.000000e+00> : vector<512x128xf32>
    %dot_general3A_12 = tpu.matmul %get3A_10, %get3A_1, %dot_general3A_11 {dimension_numbers = #tpu.dot_dimension_numbers<[1], [0], [0], [1], [0, 0, 1, 1], [], []>, transpose_lhs_hint = false} : vector<512x128xf32>, vector<128x128xf32>, vector<512x128xf32> -> vector<512x128xf32>
    %swap3A_13 = arith.constant 0 : index
    %swap3A_14 = arith.constant 128 : index
    %swap3A_15 = vector.load %arg4[%swap3A_13, %swap3A_14] : memref<512x4096xf32, #tpu.memory_space<vmem>>, vector<512x128xf32>
    tpu.vector_store %arg4[%swap3A_13, %swap3A_14], %dot_general3A_12 {strides = array<i32>} : memref<512x4096xf32, #tpu.memory_space<vmem>>, vector<512x128xf32>,
    %get3A_16 = arith.constant 0 : index
    %get3A_17 = arith.constant 3712 : index
    %get3A_18 = vector.load %arg1[%get3A_16, %get3A_17] : memref<512x4096xf32, #tpu.memory_space<vmem>>, vector<512x128xf32>
    %dot_general3A_19 = arith.constant dense<0.000000e+00> : vector<512x128xf32>
    %dot_general3A_20 = tpu.matmul %get3A_18, %get3A_1, %dot_general3A_19 {dimension_numbers = #tpu.dot_dimension_numbers<[1], [0], [0], [1], [0, 0, 1, 1], [], []>, transpose_lhs_hint = false} : vector<512x128xf32>, vector<128x128xf32>, vector<512x128xf32> -> vector<512x128xf32>
    %swap3A_21 = arith.constant 0 : index
    %swap3A_22 = arith.constant 256 : index
    %swap3A_23 = vector.load %arg4[%swap3A_21, %swap3A_22] : memref<512x4096xf32, #tpu.memory_space<vmem>>, vector<512x128xf32>
    tpu.vector_store %arg4[%swap3A_21, %swap3A_22], %dot_general3A_20 {strides = array<i32>} : memref<512x4096xf32, #tpu.memory_space<vmem>>, vector<512x128xf32>,
    %get3A_24 = arith.constant 0 : index
    %get3A_25 = arith.constant 3584 : index
    %get3A_26 = vector.load %arg1[%get3A_24, %get3A_25] : memref<512x4096xf32, #tpu.memory_space<vmem>>, vector<512x128xf32>
    %dot_general3A_27 = arith.constant dense<0.000000e+00> : vector<512x128xf32>
    %dot_general3A_28 = tpu.matmul %get3A_26, %get3A_1, %dot_general3A_27 {dimension_numbers = #tpu.dot_dimension_numbers<[1], [0], [0], [1], [0, 0, 1, 1], [], []>, transpose_lhs_hint = false} : vector<512x128xf32>, vector<128x128xf32>, vector<512x128xf32> -> vector<512x128xf32>
    %swap3A_29 = arith.constant 0 : index
    %swap3A_30 = arith.constant 384 : index
    %swap3A_31 = vector.load %arg4[%swap3A_29, %swap3A_30] : memref<512x4096xf32, #tpu.memory_space<vmem>>, vector<512x128xf32>
    tpu.vector_store %arg4[%swap3A_29, %swap3A_30], %dot_general3A_28 {strides = array<i32>} : memref<512x4096xf32, #tpu.memory_space<vmem>>, vector<512x128xf32>,
    %get3A_32 = arith.constant 0 : index
    %get3A_33 = arith.constant 3456 : index
    %get3A_34 = vector.load %arg1[%get3A_32, %get3A_33] : memref<512x4096xf32, #tpu.memory_space<vmem>>, vector<512x128xf32>
    %dot_general3A_35 = arith.constant dense<0.000000e+00> : vector<512x128xf32>
    %dot_general3A_36 = tpu.matmul %get3A_34, %get3A_1, %dot_general3A_35 {dimension_numbers = #tpu.dot_dimension_numbers<[1], [0], [0], [1], [0, 0, 1, 1], [], []>, transpose_lhs_hint = false} : vector<512x128xf32>, vector<128x128xf32>, vector<512x128xf32> -> vector<512x128xf32>
    %swap3A_37 = arith.constant 0 : index
    %swap3A_38 = arith.constant 512 : index
    %swap3A_39 = vector.load %arg4[%swap3A_37, %swap3A_38] : memref<512x4096xf32, #tpu.memory_space<vmem>>, vector<512x128xf32>
    tpu.vector_store %arg4[%swap3A_37, %swap3A_38], %dot_general3A_36 {strides = array<i32>} : memref<512x4096xf32, #tpu.memory_space<vmem>>, vector<512x128xf32>,
    %get3A_40 = arith.constant 0 : index
    %get3A_41 = arith.constant 3328 : index
    %get3A_42 = vector.load %arg1[%get3A_40, %get3A_41] : memref<512x4096xf32, #tpu.memory_space<vmem>>, vector<512x128xf32>
    %dot_general3A_43 = arith.constant dense<0.000000e+00> : vector<512x128xf32>
    %dot_general3A_44 = tpu.matmul %get3A_42, %get3A_1, %dot_general3A_43 {dimension_numbers = #tpu.dot_dimension_numbers<[1], [0], [0], [1], [0, 0, 1, 1], [], []>, transpose_lhs_hint = false} : vector<512x128xf32>, vector<128x128xf32>, vector<512x128xf32> -> vector<512x128xf32>
    %swap3A_45 = arith.constant 0 : index
    %swap3A_46 = arith.constant 640 : index
    %swap3A_47 = vector.load %arg4[%swap3A_45, %swap3A_46] : memref<512x4096xf32, #tpu.memory_space<vmem>>, vector<512x128xf32>
    tpu.vector_store %arg4[%swap3A_45, %swap3A_46], %dot_general3A_44 {strides = array<i32>} : memref<512x4096xf32, #tpu.memory_space<vmem>>, vector<512x128xf32>,
    %get3A_48 = arith.constant 0 : index
    %get3A_49 = arith.constant 3200 : index
    %get3A_50 = vector.load %arg1[%get3A_48, %get3A_49] : memref<512x4096xf32, #tpu.memory_space<vmem>>, vector<512x128xf32>
    %dot_general3A_51 = arith.constant dense<0.000000e+00> : vector<512x128xf32>
    %dot_general3A_52 = tpu.matmul %get3A_50, %get3A_1, %dot_general3A_51 {dimension_numbers = #tpu.dot_dimension_numbers<[1], [0], [0], [1], [0, 0, 1, 1], [], []>, transpose_lhs_hint = false} : vector<512x128xf32>, vector<128x128xf32>, vector<512x128xf32> -> vector<512x128xf32>
    %swap3A_53 = arith.constant 0 : index
    %swap3A_54 = arith.constant 768 : index
    %swap3A_55 = vector.load %arg4[%swap3A_53, %swap3A_54] : memref<512x4096xf32, #tpu.memory_space<vmem>>, vector<512x128xf32>
    tpu.vector_store %arg4[%swap3A_53, %swap3A_54], %dot_general3A_52 {strides = array<i32>} : memref<512x4096xf32, #tpu.memory_space<vmem>>, vector<512x128xf32>,
    %get3A_56 = arith.constant 0 : index
    %get3A_57 = arith.constant 3072 : index
    %get3A_58 = vector.load %arg1[%get3A_56, %get3A_57] : memref<512x4096xf32, #tpu.memory_space<vmem>>, vector<512x128xf32>
    %dot_general3A_59 = arith.constant dense<0.000000e+00> : vector<512x128xf32>
    %dot_general3A_60 = tpu.matmul %get3A_58, %get3A_1, %dot_general3A_59 {dimension_numbers = #tpu.dot_dimension_numbers<[1], [0], [0], [1], [0, 0, 1, 1], [], []>, transpose_lhs_hint = false} : vector<512x128xf32>, vector<128x128xf32>, vector<512x128xf32> -> vector<512x128xf32>
    %swap3A_61 = arith.constant 0 : index
    %swap3A_62 = arith.constant 896 : index
    %swap3A_63 = vector.load %arg4[%swap3A_61, %swap3A_62] : memref<512x4096xf32, #tpu.memory_space<vmem>>, vector<512x128xf32>
    tpu.vector_store %arg4[%swap3A_61, %swap3A_62], %dot_general3A_60 {strides = array<i32>} : memref<512x4096xf32, #tpu.memory_space<vmem>>, vector<512x128xf32>,
    %get3A_64 = arith.constant 0 : index
    %get3A_65 = arith.constant 2944 : index
    %get3A_66 = vector.load %arg1[%get3A_64, %get3A_65] : memref<512x4096xf32, #tpu.memory_space<vmem>>, vector<512x128xf32>
    %dot_general3A_67 = arith.constant dense<0.000000e+00> : vector<512x128xf32>
    %dot_general3A_68 = tpu.matmul %get3A_66, %get3A_1, %dot_general3A_67 {dimension_numbers = #tpu.dot_dimension_numbers<[1], [0], [0], [1], [0, 0, 1, 1], [], []>, transpose_lhs_hint = false} : vector<512x128xf32>, vector<128x128xf32>, vector<512x128xf32> -> vector<512x128xf32>
    %swap3A_69 = arith.constant 0 : index
    %swap3A_70 = arith.constant 1024 : index
    %swap3A_71 = vector.load %arg4[%swap3A_69, %swap3A_70] : memref<512x4096xf32, #tpu.memory_space<vmem>>, vector<512x128xf32>
    tpu.vector_store %arg4[%swap3A_69, %swap3A_70], %dot_general3A_68 {strides = array<i32>} : memref<512x4096xf32, #tpu.memory_space<vmem>>, vector<512x128xf32>,
    %get3A_72 = arith.constant 0 : index
    %get3A_73 = arith.constant 2816 : index
    %get3A_74 = vector.load %arg1[%get3A_72, %get3A_73] : memref<512x4096xf32, #tpu.memory_space<vmem>>, vector<512x128xf32>
    %dot_general3A_75 = arith.constant dense<0.000000e+00> : vector<512x128xf32>
    %dot_general3A_76 = tpu.matmul %get3A_74, %get3A_1, %dot_general3A_75 {dimension_numbers = #tpu.dot_dimension_numbers<[1], [0], [0], [1], [0, 0, 1, 1], [], []>, transpose_lhs_hint = false} : vector<512x128xf32>, vector<128x128xf32>, vector<512x128xf32> -> vector<512x128xf32>
    %swap3A_77 = arith.constant 0 : index
    %swap3A_78 = arith.constant 1152 : index
    %swap3A_79 = vector.load %arg4[%swap3A_77, %swap3A_78] : memref<512x4096xf32, #tpu.memory_space<vmem>>, vector<512x128xf32>
    tpu.vector_store %arg4[%swap3A_77, %swap3A_78], %dot_general3A_76 {strides = array<i32>} : memref<512x4096xf32, #tpu.memory_space<vmem>>, vector<512x128xf32>,
    %get3A_80 = arith.constant 0 : index
    %get3A_81 = arith.constant 2688 : index
    %get3A_82 = vector.load %arg1[%get3A_80, %get3A_81] : memref<512x4096xf32, #tpu.memory_space<vmem>>, vector<512x128xf32>
    %dot_general3A_83 = arith.constant dense<0.000000e+00> : vector<512x128xf32>
    %dot_general3A_84 = tpu.matmul %get3A_82, %get3A_1, %dot_general3A_83 {dimension_numbers = #tpu.dot_dimension_numbers<[1], [0], [0], [1], [0, 0, 1, 1], [], []>, transpose_lhs_hint = false} : vector<512x128xf32>, vector<128x128xf32>, vector<512x128xf32> -> vector<512x128xf32>
    %swap3A_85 = arith.constant 0 : index
    %swap3A_86 = arith.constant 1280 : index
    %swap3A_87 = vector.load %arg4[%swap3A_85, %swap3A_86] : memref<512x4096xf32, #tpu.memory_space<vmem>>, vector<512x128xf32>
    tpu.vector_store %arg4[%swap3A_85, %swap3A_86], %dot_general3A_84 {strides = array<i32>} : memref<512x4096xf32, #tpu.memory_space<vmem>>, vector<512x128xf32>,
    %get3A_88 = arith.constant 0 : index
    %get3A_89 = arith.constant 2560 : index
    %get3A_90 = vector.load %arg1[%get3A_88, %get3A_89] : memref<512x4096xf32, #tpu.memory_space<vmem>>, vector<512x128xf32>
    %dot_general3A_91 = arith.constant dense<0.000000e+00> : vector<512x128xf32>
    %dot_general3A_92 = tpu.matmul %get3A_90, %get3A_1, %dot_general3A_91 {dimension_numbers = #tpu.dot_dimension_numbers<[1], [0], [0], [1], [0, 0, 1, 1], [], []>, transpose_lhs_hint = false} : vector<512x128xf32>, vector<128x128xf32>, vector<512x128xf32> -> vector<512x128xf32>
    %swap3A_93 = arith.constant 0 : index
    %swap3A_94 = arith.constant 1408 : index
    %swap3A_95 = vector.load %arg4[%swap3A_93, %swap3A_94] : memref<512x4096xf32, #tpu.memory_space<vmem>>, vector<512x128xf32>
    tpu.vector_store %arg4[%swap3A_93, %swap3A_94], %dot_general3A_92 {strides = array<i32>} : memref<512x4096xf32, #tpu.memory_space<vmem>>, vector<512x128xf32>,
    %get3A_96 = arith.constant 0 : index
    %get3A_97 = arith.constant 2432 : index
    %get3A_98 = vector.load %arg1[%get3A_96, %get3A_97] : memref<512x4096xf32, #tpu.memory_space<vmem>>, vector<512x128xf32>
    %dot_general3A_99 = arith.constant dense<0.000000e+00> : vector<512x128xf32>
    %dot_general3A_100 = tpu.matmul %get3A_98, %get3A_1, %dot_general3A_99 {dimension_numbers = #tpu.dot_dimension_numbers<[1], [0], [0], [1], [0, 0, 1, 1], [], []>, transpose_lhs_hint = false} : vector<512x128xf32>, vector<128x128xf32>, vector<512x128xf32> -> vector<512x128xf32>
    %swap3A_101 = arith.constant 0 : index
    %swap3A_102 = arith.constant 1536 : index
    %swap3A_103 = vector.load %arg4[%swap3A_101, %swap3A_102] : memref<512x4096xf32, #tpu.memory_space<vmem>>, vector<512x128xf32>
    tpu.vector_store %arg4[%swap3A_101, %swap3A_102], %dot_general3A_100 {strides = array<i32>} : memref<512x4096xf32, #tpu.memory_space<vmem>>, vector<512x128xf32>,
    %get3A_104 = arith.constant 0 : index
    %get3A_105 = arith.constant 2304 : index
    %get3A_106 = vector.load %arg1[%get3A_104, %get3A_105] : memref<512x4096xf32, #tpu.memory_space<vmem>>, vector<512x128xf32>
    %dot_general3A_107 = arith.constant dense<0.000000e+00> : vector<512x128xf32>
    %dot_general3A_108 = tpu.matmul %get3A_106, %get3A_1, %dot_general3A_107 {dimension_numbers = #tpu.dot_dimension_numbers<[1], [0], [0], [1], [0, 0, 1, 1], [], []>, transpose_lhs_hint = false} : vector<512x128xf32>, vector<128x128xf32>, vector<512x128xf32> -> vector<512x128xf32>
    %swap3A_109 = arith.constant 0 : index
    %swap3A_110 = arith.constant 1664 : index
    %swap3A_111 = vector.load %arg4[%swap3A_109, %swap3A_110] : memref<512x4096xf32, #tpu.memory_space<vmem>>, vector<512x128xf32>
    tpu.vector_store %arg4[%swap3A_109, %swap3A_110], %dot_general3A_108 {strides = array<i32>} : memref<512x4096xf32, #tpu.memory_space<vmem>>, vector<512x128xf32>,
    %get3A_112 = arith.constant 0 : index
    %get3A_113 = arith.constant 2176 : index
    %get3A_114 = vector.load %arg1[%get3A_112, %get3A_113] : memref<512x4096xf32, #tpu.memory_space<vmem>>, vector<512x128xf32>
    %dot_general3A_115 = arith.constant dense<0.000000e+00> : vector<512x128xf32>
    %dot_general3A_116 = tpu.matmul %get3A_114, %get3A_1, %dot_general3A_115 {dimension_numbers = #tpu.dot_dimension_numbers<[1], [0], [0], [1], [0, 0, 1, 1], [], []>, transpose_lhs_hint = false} : vector<512x128xf32>, vector<128x128xf32>, vector<512x128xf32> -> vector<512x128xf32>
    %swap3A_117 = arith.constant 0 : index
    %swap3A_118 = arith.constant 1792 : index
    %swap3A_119 = vector.load %arg4[%swap3A_117, %swap3A_118] : memref<512x4096xf32, #tpu.memory_space<vmem>>, vector<512x128xf32>
    tpu.vector_store %arg4[%swap3A_117, %swap3A_118], %dot_general3A_116 {strides = array<i32>} : memref<512x4096xf32, #tpu.memory_space<vmem>>, vector<512x128xf32>,
    %get3A_120 = arith.constant 0 : index
    %get3A_121 = arith.constant 2048 : index
    %get3A_122 = vector.load %arg1[%get3A_120, %get3A_121] : memref<512x4096xf32, #tpu.memory_space<vmem>>, vector<512x128xf32>
    %dot_general3A_123 = arith.constant dense<0.000000e+00> : vector<512x128xf32>
    %dot_general3A_124 = tpu.matmul %get3A_122, %get3A_1, %dot_general3A_123 {dimension_numbers = #tpu.dot_dimension_numbers<[1], [0], [0], [1], [0, 0, 1, 1], [], []>, transpose_lhs_hint = false} : vector<512x128xf32>, vector<128x128xf32>, vector<512x128xf32> -> vector<512x128xf32>
    %swap3A_125 = arith.constant 0 : index
    %swap3A_126 = arith.constant 1920 : index
    %swap3A_127 = vector.load %arg4[%swap3A_125, %swap3A_126] : memref<512x4096xf32, #tpu.memory_space<vmem>>, vector<512x128xf32>
    tpu.vector_store %arg4[%swap3A_125, %swap3A_126], %dot_general3A_124 {strides = array<i32>} : memref<512x4096xf32, #tpu.memory_space<vmem>>, vector<512x128xf32>,
    %get3A_128 = arith.constant 0 : index
    %get3A_129 = arith.constant 1920 : index
    %get3A_130 = vector.load %arg1[%get3A_128, %get3A_129] : memref<512x4096xf32, #tpu.memory_space<vmem>>, vector<512x128xf32>
    %dot_general3A_131 = arith.constant dense<0.000000e+00> : vector<512x128xf32>
    %dot_general3A_132 = tpu.matmul %get3A_130, %get3A_1, %dot_general3A_131 {dimension_numbers = #tpu.dot_dimension_numbers<[1], [0], [0], [1], [0, 0, 1, 1], [], []>, transpose_lhs_hint = false} : vector<512x128xf32>, vector<128x128xf32>, vector<512x128xf32> -> vector<512x128xf32>
    %swap3A_133 = arith.constant 0 : index
    %swap3A_134 = arith.constant 2048 : index
    %swap3A_135 = vector.load %arg4[%swap3A_133, %swap3A_134] : memref<512x4096xf32, #tpu.memory_space<vmem>>, vector<512x128xf32>
    tpu.vector_store %arg4[%swap3A_133, %swap3A_134], %dot_general3A_132 {strides = array<i32>} : memref<512x4096xf32, #tpu.memory_space<vmem>>, vector<512x128xf32>,
    %get3A_136 = arith.constant 0 : index
    %get3A_137 = arith.constant 1792 : index
    %get3A_138 = vector.load %arg1[%get3A_136, %get3A_137] : memref<512x4096xf32, #tpu.memory_space<vmem>>, vector<512x128xf32>
    %dot_general3A_139 = arith.constant dense<0.000000e+00> : vector<512x128xf32>
    %dot_general3A_140 = tpu.matmul %get3A_138, %get3A_1, %dot_general3A_139 {dimension_numbers = #tpu.dot_dimension_numbers<[1], [0], [0], [1], [0, 0, 1, 1], [], []>, transpose_lhs_hint = false} : vector<512x128xf32>, vector<128x128xf32>, vector<512x128xf32> -> vector<512x128xf32>
    %swap3A_141 = arith.constant 0 : index
    %swap3A_142 = arith.constant 2176 : index
    %swap3A_143 = vector.load %arg4[%swap3A_141, %swap3A_142] : memref<512x4096xf32, #tpu.memory_space<vmem>>, vector<512x128xf32>
    tpu.vector_store %arg4[%swap3A_141, %swap3A_142], %dot_general3A_140 {strides = array<i32>} : memref<512x4096xf32, #tpu.memory_space<vmem>>, vector<512x128xf32>,
    %get3A_144 = arith.constant 0 : index
    %get3A_145 = arith.constant 1664 : index
    %get3A_146 = vector.load %arg1[%get3A_144, %get3A_145] : memref<512x4096xf32, #tpu.memory_space<vmem>>, vector<512x128xf32>
    %dot_general3A_147 = arith.constant dense<0.000000e+00> : vector<512x128xf32>
    %dot_general3A_148 = tpu.matmul %get3A_146, %get3A_1, %dot_general3A_147 {dimension_numbers = #tpu.dot_dimension_numbers<[1], [0], [0], [1], [0, 0, 1, 1], [], []>, transpose_lhs_hint = false} : vector<512x128xf32>, vector<128x128xf32>, vector<512x128xf32> -> vector<512x128xf32>
    %swap3A_149 = arith.constant 0 : index
    %swap3A_150 = arith.constant 2304 : index
    %swap3A_151 = vector.load %arg4[%swap3A_149, %swap3A_150] : memref<512x4096xf32, #tpu.memory_space<vmem>>, vector<512x128xf32>
    tpu.vector_store %arg4[%swap3A_149, %swap3A_150], %dot_general3A_148 {strides = array<i32>} : memref<512x4096xf32, #tpu.memory_space<vmem>>, vector<512x128xf32>,
    %get3A_152 = arith.constant 0 : index
    %get3A_153 = arith.constant 1536 : index
    %get3A_154 = vector.load %arg1[%get3A_152, %get3A_153] : memref<512x4096xf32, #tpu.memory_space<vmem>>, vector<512x128xf32>
    %dot_general3A_155 = arith.constant dense<0.000000e+00> : vector<512x128xf32>
    %dot_general3A_156 = tpu.matmul %get3A_154, %get3A_1, %dot_general3A_155 {dimension_numbers = #tpu.dot_dimension_numbers<[1], [0], [0], [1], [0, 0, 1, 1], [], []>, transpose_lhs_hint = false} : vector<512x128xf32>, vector<128x128xf32>, vector<512x128xf32> -> vector<512x128xf32>
    %swap3A_157 = arith.constant 0 : index
    %swap3A_158 = arith.constant 2432 : index
    %swap3A_159 = vector.load %arg4[%swap3A_157, %swap3A_158] : memref<512x4096xf32, #tpu.memory_space<vmem>>, vector<512x128xf32>
    tpu.vector_store %arg4[%swap3A_157, %swap3A_158], %dot_general3A_156 {strides = array<i32>} : memref<512x4096xf32, #tpu.memory_space<vmem>>, vector<512x128xf32>,
    %get3A_160 = arith.constant 0 : index
    %get3A_161 = arith.constant 1408 : index
    %get3A_162 = vector.load %arg1[%get3A_160, %get3A_161] : memref<512x4096xf32, #tpu.memory_space<vmem>>, vector<512x128xf32>
    %dot_general3A_163 = arith.constant dense<0.000000e+00> : vector<512x128xf32>
    %dot_general3A_164 = tpu.matmul %get3A_162, %get3A_1, %dot_general3A_163 {dimension_numbers = #tpu.dot_dimension_numbers<[1], [0], [0], [1], [0, 0, 1, 1], [], []>, transpose_lhs_hint = false} : vector<512x128xf32>, vector<128x128xf32>, vector<512x128xf32> -> vector<512x128xf32>
    %swap3A_165 = arith.constant 0 : index
    %swap3A_166 = arith.constant 2560 : index
    %swap3A_167 = vector.load %arg4[%swap3A_165, %swap3A_166] : memref<512x4096xf32, #tpu.memory_space<vmem>>, vector<512x128xf32>
    tpu.vector_store %arg4[%swap3A_165, %swap3A_166], %dot_general3A_164 {strides = array<i32>} : memref<512x4096xf32, #tpu.memory_space<vmem>>, vector<512x128xf32>,
    %get3A_168 = arith.constant 0 : index
    %get3A_169 = arith.constant 1280 : index
    %get3A_170 = vector.load %arg1[%get3A_168, %get3A_169] : memref<512x4096xf32, #tpu.memory_space<vmem>>, vector<512x128xf32>
    %dot_general3A_171 = arith.constant dense<0.000000e+00> : vector<512x128xf32>
    %dot_general3A_172 = tpu.matmul %get3A_170, %get3A_1, %dot_general3A_171 {dimension_numbers = #tpu.dot_dimension_numbers<[1], [0], [0], [1], [0, 0, 1, 1], [], []>, transpose_lhs_hint = false} : vector<512x128xf32>, vector<128x128xf32>, vector<512x128xf32> -> vector<512x128xf32>
    %swap3A_173 = arith.constant 0 : index
    %swap3A_174 = arith.constant 2688 : index
    %swap3A_175 = vector.load %arg4[%swap3A_173, %swap3A_174] : memref<512x4096xf32, #tpu.memory_space<vmem>>, vector<512x128xf32>
    tpu.vector_store %arg4[%swap3A_173, %swap3A_174], %dot_general3A_172 {strides = array<i32>} : memref<512x4096xf32, #tpu.memory_space<vmem>>, vector<512x128xf32>,
    %get3A_176 = arith.constant 0 : index
    %get3A_177 = arith.constant 1152 : index
    %get3A_178 = vector.load %arg1[%get3A_176, %get3A_177] : memref<512x4096xf32, #tpu.memory_space<vmem>>, vector<512x128xf32>
    %dot_general3A_179 = arith.constant dense<0.000000e+00> : vector<512x128xf32>
    %dot_general3A_180 = tpu.matmul %get3A_178, %get3A_1, %dot_general3A_179 {dimension_numbers = #tpu.dot_dimension_numbers<[1], [0], [0], [1], [0, 0, 1, 1], [], []>, transpose_lhs_hint = false} : vector<512x128xf32>, vector<128x128xf32>, vector<512x128xf32> -> vector<512x128xf32>
    %swap3A_181 = arith.constant 0 : index
    %swap3A_182 = arith.constant 2816 : index
    %swap3A_183 = vector.load %arg4[%swap3A_181, %swap3A_182] : memref<512x4096xf32, #tpu.memory_space<vmem>>, vector<512x128xf32>
    tpu.vector_store %arg4[%swap3A_181, %swap3A_182], %dot_general3A_180 {strides = array<i32>} : memref<512x4096xf32, #tpu.memory_space<vmem>>, vector<512x128xf32>,
    %get3A_184 = arith.constant 0 : index
    %get3A_185 = arith.constant 1024 : index
    %get3A_186 = vector.load %arg1[%get3A_184, %get3A_185] : memref<512x4096xf32, #tpu.memory_space<vmem>>, vector<512x128xf32>
    %dot_general3A_187 = arith.constant dense<0.000000e+00> : vector<512x128xf32>
    %dot_general3A_188 = tpu.matmul %get3A_186, %get3A_1, %dot_general3A_187 {dimension_numbers = #tpu.dot_dimension_numbers<[1], [0], [0], [1], [0, 0, 1, 1], [], []>, transpose_lhs_hint = false} : vector<512x128xf32>, vector<128x128xf32>, vector<512x128xf32> -> vector<512x128xf32>
    %swap3A_189 = arith.constant 0 : index
    %swap3A_190 = arith.constant 2944 : index
    %swap3A_191 = vector.load %arg4[%swap3A_189, %swap3A_190] : memref<512x4096xf32, #tpu.memory_space<vmem>>, vector<512x128xf32>
    tpu.vector_store %arg4[%swap3A_189, %swap3A_190], %dot_general3A_188 {strides = array<i32>} : memref<512x4096xf32, #tpu.memory_space<vmem>>, vector<512x128xf32>,
    %get3A_192 = arith.constant 0 : index
    %get3A_193 = arith.constant 896 : index
    %get3A_194 = vector.load %arg1[%get3A_192, %get3A_193] : memref<512x4096xf32, #tpu.memory_space<vmem>>, vector<512x128xf32>
    %dot_general3A_195 = arith.constant dense<0.000000e+00> : vector<512x128xf32>
    %dot_general3A_196 = tpu.matmul %get3A_194, %get3A_1, %dot_general3A_195 {dimension_numbers = #tpu.dot_dimension_numbers<[1], [0], [0], [1], [0, 0, 1, 1], [], []>, transpose_lhs_hint = false} : vector<512x128xf32>, vector<128x128xf32>, vector<512x128xf32> -> vector<512x128xf32>
    %swap3A_197 = arith.constant 0 : index
    %swap3A_198 = arith.constant 3072 : index
    %swap3A_199 = vector.load %arg4[%swap3A_197, %swap3A_198] : memref<512x4096xf32, #tpu.memory_space<vmem>>, vector<512x128xf32>
    tpu.vector_store %arg4[%swap3A_197, %swap3A_198], %dot_general3A_196 {strides = array<i32>} : memref<512x4096xf32, #tpu.memory_space<vmem>>, vector<512x128xf32>,
    %get3A_200 = arith.constant 0 : index
    %get3A_201 = arith.constant 768 : index
    %get3A_202 = vector.load %arg1[%get3A_200, %get3A_201] : memref<512x4096xf32, #tpu.memory_space<vmem>>, vector<512x128xf32>
    %dot_general3A_203 = arith.constant dense<0.000000e+00> : vector<512x128xf32>
    %dot_general3A_204 = tpu.matmul %get3A_202, %get3A_1, %dot_general3A_203 {dimension_numbers = #tpu.dot_dimension_numbers<[1], [0], [0], [1], [0, 0, 1, 1], [], []>, transpose_lhs_hint = false} : vector<512x128xf32>, vector<128x128xf32>, vector<512x128xf32> -> vector<512x128xf32>
    %swap3A_205 = arith.constant 0 : index
    %swap3A_206 = arith.constant 3200 : index
    %swap3A_207 = vector.load %arg4[%swap3A_205, %swap3A_206] : memref<512x4096xf32, #tpu.memory_space<vmem>>, vector<512x128xf32>
    tpu.vector_store %arg4[%swap3A_205, %swap3A_206], %dot_general3A_204 {strides = array<i32>} : memref<512x4096xf32, #tpu.memory_space<vmem>>, vector<512x128xf32>,
    %get3A_208 = arith.constant 0 : index
    %get3A_209 = arith.constant 640 : index
    %get3A_210 = vector.load %arg1[%get3A_208, %get3A_209] : memref<512x4096xf32, #tpu.memory_space<vmem>>, vector<512x128xf32>
    %dot_general3A_211 = arith.constant dense<0.000000e+00> : vector<512x128xf32>
    %dot_general3A_212 = tpu.matmul %get3A_210, %get3A_1, %dot_general3A_211 {dimension_numbers = #tpu.dot_dimension_numbers<[1], [0], [0], [1], [0, 0, 1, 1], [], []>, transpose_lhs_hint = false} : vector<512x128xf32>, vector<128x128xf32>, vector<512x128xf32> -> vector<512x128xf32>
    %swap3A_213 = arith.constant 0 : index
    %swap3A_214 = arith.constant 3328 : index
    %swap3A_215 = vector.load %arg4[%swap3A_213, %swap3A_214] : memref<512x4096xf32, #tpu.memory_space<vmem>>, vector<512x128xf32>
    tpu.vector_store %arg4[%swap3A_213, %swap3A_214], %dot_general3A_212 {strides = array<i32>} : memref<512x4096xf32, #tpu.memory_space<vmem>>, vector<512x128xf32>,
    %get3A_216 = arith.constant 0 : index
    %get3A_217 = arith.constant 512 : index
    %get3A_218 = vector.load %arg1[%get3A_216, %get3A_217] : memref<512x4096xf32, #tpu.memory_space<vmem>>, vector<512x128xf32>
    %dot_general3A_219 = arith.constant dense<0.000000e+00> : vector<512x128xf32>
    %dot_general3A_220 = tpu.matmul %get3A_218, %get3A_1, %dot_general3A_219 {dimension_numbers = #tpu.dot_dimension_numbers<[1], [0], [0], [1], [0, 0, 1, 1], [], []>, transpose_lhs_hint = false} : vector<512x128xf32>, vector<128x128xf32>, vector<512x128xf32> -> vector<512x128xf32>
    %swap3A_221 = arith.constant 0 : index
    %swap3A_222 = arith.constant 3456 : index
    %swap3A_223 = vector.load %arg4[%swap3A_221, %swap3A_222] : memref<512x4096xf32, #tpu.memory_space<vmem>>, vector<512x128xf32>
    tpu.vector_store %arg4[%swap3A_221, %swap3A_222], %dot_general3A_220 {strides = array<i32>} : memref<512x4096xf32, #tpu.memory_space<vmem>>, vector<512x128xf32>,
    %get3A_224 = arith.constant 0 : index
    %get3A_225 = arith.constant 384 : index
    %get3A_226 = vector.load %arg1[%get3A_224, %get3A_225] : memref<512x4096xf32, #tpu.memory_space<vmem>>, vector<512x128xf32>
    %dot_general3A_227 = arith.constant dense<0.000000e+00> : vector<512x128xf32>
    %dot_general3A_228 = tpu.matmul %get3A_226, %get3A_1, %dot_general3A_227 {dimension_numbers = #tpu.dot_dimension_numbers<[1], [0], [0], [1], [0, 0, 1, 1], [], []>, transpose_lhs_hint = false} : vector<512x128xf32>, vector<128x128xf32>, vector<512x128xf32> -> vector<512x128xf32>
    %swap3A_229 = arith.constant 0 : index
    %swap3A_230 = arith.constant 3584 : index
    %swap3A_231 = vector.load %arg4[%swap3A_229, %swap3A_230] : memref<512x4096xf32, #tpu.memory_space<vmem>>, vector<512x128xf32>
    tpu.vector_store %arg4[%swap3A_229, %swap3A_230], %dot_general3A_228 {strides = array<i32>} : memref<512x4096xf32, #tpu.memory_space<vmem>>, vector<512x128xf32>,
    %get3A_232 = arith.constant 0 : index
    %get3A_233 = arith.constant 256 : index
    %get3A_234 = vector.load %arg1[%get3A_232, %get3A_233] : memref<512x4096xf32, #tpu.memory_space<vmem>>, vector<512x128xf32>
    %dot_general3A_235 = arith.constant dense<0.000000e+00> : vector<512x128xf32>
    %dot_general3A_236 = tpu.matmul %get3A_234, %get3A_1, %dot_general3A_235 {dimension_numbers = #tpu.dot_dimension_numbers<[1], [0], [0], [1], [0, 0, 1, 1], [], []>, transpose_lhs_hint = false} : vector<512x128xf32>, vector<128x128xf32>, vector<512x128xf32> -> vector<512x128xf32>
    %swap3A_237 = arith.constant 0 : index
    %swap3A_238 = arith.constant 3712 : index
    %swap3A_239 = vector.load %arg4[%swap3A_237, %swap3A_238] : memref<512x4096xf32, #tpu.memory_space<vmem>>, vector<512x128xf32>
    tpu.vector_store %arg4[%swap3A_237, %swap3A_238], %dot_general3A_236 {strides = array<i32>} : memref<512x4096xf32, #tpu.memory_space<vmem>>, vector<512x128xf32>,
    %get3A_240 = arith.constant 0 : index
    %get3A_241 = arith.constant 128 : index
    %get3A_242 = vector.load %arg1[%get3A_240, %get3A_241] : memref<512x4096xf32, #tpu.memory_space<vmem>>, vector<512x128xf32>
    %dot_general3A_243 = arith.constant dense<0.000000e+00> : vector<512x128xf32>
    %dot_general3A_244 = tpu.matmul %get3A_242, %get3A_1, %dot_general3A_243 {dimension_numbers = #tpu.dot_dimension_numbers<[1], [0], [0], [1], [0, 0, 1, 1], [], []>, transpose_lhs_hint = false} : vector<512x128xf32>, vector<128x128xf32>, vector<512x128xf32> -> vector<512x128xf32>
    %swap3A_245 = arith.constant 0 : index
    %swap3A_246 = arith.constant 3840 : index
    %swap3A_247 = vector.load %arg4[%swap3A_245, %swap3A_246] : memref<512x4096xf32, #tpu.memory_space<vmem>>, vector<512x128xf32>
    tpu.vector_store %arg4[%swap3A_245, %swap3A_246], %dot_general3A_244 {strides = array<i32>} : memref<512x4096xf32, #tpu.memory_space<vmem>>, vector<512x128xf32>,
    %get3A_248 = arith.constant 0 : index
    %get3A_249 = arith.constant 0 : index
    %get3A_250 = vector.load %arg1[%get3A_248, %get3A_249] : memref<512x4096xf32, #tpu.memory_space<vmem>>, vector<512x128xf32>
    %dot_general3A_251 = arith.constant dense<0.000000e+00> : vector<512x128xf32>
    %dot_general3A_252 = tpu.matmul %get3A_250, %get3A_1, %dot_general3A_251 {dimension_numbers = #tpu.dot_dimension_numbers<[1], [0], [0], [1], [0, 0, 1, 1], [], []>, transpose_lhs_hint = false} : vector<512x128xf32>, vector<128x128xf32>, vector<512x128xf32> -> vector<512x128xf32>
    %swap3A_253 = arith.constant 0 : index
    %swap3A_254 = arith.constant 3968 : index
    %swap3A_255 = vector.load %arg4[%swap3A_253, %swap3A_254] : memref<512x4096xf32, #tpu.memory_space<vmem>>, vector<512x128xf32>
    tpu.vector_store %arg4[%swap3A_253, %swap3A_254], %dot_general3A_252 {strides = array<i32>} : memref<512x4096xf32, #tpu.memory_space<vmem>>, vector<512x128xf32>,
    return
  }
  func.func @transform_0(%arg0: i32) -> (i32, i32) {
    %c0_i32 = arith.constant 0 : i32
    %c0_i32_0 = arith.constant 0 : i32
    return %arg0, %c0_i32 : i32, i32
  }
  func.func @transform_2(%arg0: i32) -> (i32, i32) {
    %c0_i32 = arith.constant 0 : i32
    %c0_i32_0 = arith.constant 0 : i32
    %c0_i32_1 = arith.constant 0 : i32
    return %c0_i32, %c0_i32_0 : i32, i32
  }
  func.func @transform_3(%arg0: i32) -> (i32, i32) {
    %c0_i32 = arith.constant 0 : i32
    %c0_i32_0 = arith.constant 0 : i32
    return %arg0, %c0_i32 : i32, i32
  }
}

</mosaic_0001>

<sc_bundles>
// kernel: kernel.4.cloned.1.call-start
scs
__scs_entry_jumppad:
0x0: {  	(pc) =	sbr.rel $0x88, $3  }
0x1: {  	(tag) =	ssettag $0x0;
	lr =	simm.s32 $0x1  }
0x2: {  	[smem:$0x3FA0] =	sst lr;
	_ =	strace $0xD0000000  }
0x3: {  	_ = 	snop  }
0x4: {  	_ = 	snop  }
0x5: {  	_ = 	snop  }
0x6: {  	_ = 	snop  }
0x7: {  	_ = 	snop  }
__scs_overlays_trampoline_lowered:
0x8: {  	[smem:$0x3FAF] =	sst s0  }
0x9: {  	[smem:$0x3FB0] =	sst s1  }
0xa: {  	[smem:$0x3FB1] =	sst s2  }
0xb: {  	[smem:$0x3FB2] =	sst s3  }
0xc: {  	[smem:$0x3FB3] =	sst s4  }
0xd: {  	[smem:$0x3FB4] =	sst s5  }
0xe: {  	[smem:$0x3FB5] =	sst s6  }
0xf: {  	[smem:$0x3FB6] =	sst s7  }
0x10: {  	[smem:$0x3FB7] =	sst s8  }
0x11: {  	[smem:$0x3FB8] =	sst s9;
	s0 =	simm.s32 @!p0 $0x0  }
0x12: {  	s1 =	sld [smem:$0x3F9E];
	s0 =	simm.s32 @p0 $0x1  }
0x13: {  	[smem:$0x3FB9] =	sst s0;
	s0 =	simm.s32 @!p1 $0x0  }
0x14: {  	s2 =	sld [smem:$0x3F9D];
	s0 =	simm.s32 @p1 $0x1  }
0x15: {  	[smem:$0x3FBA] =	sst s0;
	s0 =	simm.s32 @!p2 $0x0  }
0x16: {  	s3 =	sld [smem:$0x3FDB];
	s0 =	simm.s32 @p2 $0x1  }
0x17: {  	s4 =	simm.s32 $0x1BF5;
	[smem:$0x3FBC] =	sst s0  }
0x18: {  	s0 =	sld [smem:$0x3F9F];
	_ =	swait.ge [sflag:s4], $0x0  }
0x19: {  	s7 =	sld [smem:$0x3FA0]  }
0x1a: {  	s8 =	sadd.s32 $0xFFFFE003, lr  }
0x1b: {  	s9 =	sadd.s32 $0xFFFFFEF7, lr;
	s5 =	simm.s32 $0xFFFFFFFF;
	p2 =	slt.u32 s8, $0xFFFFF086  }
0x1c: {  	p1 =	slt.u32 s9, $0xF7A;
	s5 =	simm.s32 @!p2 $0x0  }
0x1d: {  	s5 =	simm.s32 @p1 $0x1;
	p0 =	seq.s32 s7, s2  }
0x1e: {  	s7 =	smul.u32 @!p0 $0xF7A, s2;
	p2 =	seq.s32 @!p0 s5, $0x0  }
0x1f: {  	s9 =	smul.u32 $0xF7A, s1;
	s8 =	simm.s32 @!p0 $0x1BF5;
	p2 =	por !p2, p0  }
0x20: {  	[sflag:s8] =	ssyncset.s32 @!p0 $0xFFFFF086;
	s6 =	sadd.s32 @!p0 s3, s7;
	s7 =	simm.s32 @!p0 $0x108  }
0x21: {  	s3 =	sadd.s32 s3, s9;
	s6 =	sadd.s32 @!p0 $0x88, s6;
	s7 =	simm.s32 @p2 $0x1082  }
0x22: {  	[simem:s7], [sflag:s8] =	dma.local @!p0 [hbm:s6], $0xF7A  }
0x23: {  	s9 =	sor.u32 $0xD0000000, s2;
	s6 =	simm.s32 $0x108;
	_ =	swait.ge @!p0 [sflag:s8], $0x0  }
0x24: {  	s3 =	sadd.s32 $0x88, s3;
	s6 =	simm.s32 @!p1 $0x1082;
	[sflag:s4] =	ssyncset.s32 $0xFFFFF086  }
0x25: {  	[simem:s6], [sflag:s4] =	dma.local [hbm:s3], $0xF7A  }
0x26: {  	[smem:$0x3FA0] =	sst s1;
	(tag) =	ssettag s2;
	_ =	strace s9  }
0x27: {  	s1 =	sld [smem:$0x3FB0]  }
0x28: {  	s2 =	sld [smem:$0x3FB1]  }
0x29: {  	s4 =	sld [smem:$0x3FB3]  }
0x2a: {  	p0 =	seq.s32 s5, $0x0;
	s5 =	sld [smem:$0x3FB4]  }
0x2b: {  	s6 =	sld [smem:$0x3FB5]  }
0x2c: {  	s7 =	sld [smem:$0x3FB6]  }
0x2d: {  	s3 =	simm.s32 $0x108;
	s8 =	sld [smem:$0x3FB7]  }
0x2e: {  	s3 =	simm.s32 @!p0 $0x1082;
	s9 =	sld [smem:$0x3FB8]  }
0x2f: {  	lr =	sadd.s32 s0, s3;
	s0 =	sld [smem:$0x3FAF]  }
0x30: {  	s3 =	sld [smem:$0x3FB2]  }
0x31: {  	[smem:$0x3FBB] =	sst s10  }
0x32: {  	s10 =	sld [smem:$0x3FB9];
	_ =	sdelay $0x3  }
0x33: {  	p0 =	seq.s32 s10, $0x1;
	s10 =	sld [smem:$0x3FBB];
	_ =	sdelay $0x3  }
0x34: {  	[smem:$0x3FBB] =	sst s10  }
0x35: {  	s10 =	sld [smem:$0x3FBA];
	_ =	sdelay $0x3  }
0x36: {  	p1 =	seq.s32 s10, $0x1;
	s10 =	sld [smem:$0x3FBB];
	_ =	sdelay $0x3  }
0x37: {  	[smem:$0x3FBB] =	sst s10  }
0x38: {  	s10 =	sld [smem:$0x3FBC]  }
0x39: {  	_ = 	snop;
	(pc) =	sbr.ind lr, $3  }
0x3a: {  	_ = 	snop  }
0x3b: {  	_ = 	snop  }
0x3c: {  	p2 =	seq.s32 s10, $0x1;
	s10 =	sld [smem:$0x3FBB]  }
0x3d: {  	_ =	shalt  }
0x3e: {  	_ =	shalt  }
0x3f: {  	_ =	shalt  }
0x40: {  	_ =	shalt  }
0x41: {  	_ =	shalt  }
0x42: {  	_ =	shalt  }
0x43: {  	_ =	shalt  }
0x44: {  	_ =	shalt  }
0x45: {  	_ =	shalt  }
0x46: {  	_ =	shalt  }
0x47: {  	_ =	shalt  }
0x48: {  	_ =	shalt  }
0x49: {  	_ =	shalt  }
0x4a: {  	_ =	shalt  }
0x4b: {  	_ =	shalt  }
0x4c: {  	_ =	shalt  }
0x4d: {  	_ =	shalt  }
0x4e: {  	_ =	shalt  }
0x4f: {  	_ =	shalt  }
0x50: {  	_ =	shalt  }
0x51: {  	_ =	shalt  }
0x52: {  	_ =	shalt  }
0x53: {  	_ =	shalt  }
0x54: {  	_ =	shalt  }
0x55: {  	_ =	shalt  }
0x56: {  	_ =	shalt  }
0x57: {  	_ =	shalt  }
0x58: {  	_ =	shalt  }
0x59: {  	_ =	shalt  }
0x5a: {  	_ =	shalt  }
0x5b: {  	_ =	shalt  }
0x5c: {  	_ =	shalt  }
0x5d: {  	_ =	shalt  }
0x5e: {  	_ =	shalt  }
0x5f: {  	_ =	shalt  }
0x60: {  	_ =	shalt  }
0x61: {  	_ =	shalt  }
0x62: {  	_ =	shalt  }
0x63: {  	_ =	shalt  }
0x64: {  	_ =	shalt  }
0x65: {  	_ =	shalt  }
0x66: {  	_ =	shalt  }
0x67: {  	_ =	shalt  }
0x68: {  	_ =	shalt  }
0x69: {  	_ =	shalt  }
0x6a: {  	_ =	shalt  }
0x6b: {  	_ =	shalt  }
0x6c: {  	_ =	shalt  }
0x6d: {  	_ =	shalt  }
0x6e: {  	_ =	shalt  }
0x6f: {  	_ =	shalt  }
0x70: {  	_ =	shalt  }
0x71: {  	_ =	shalt  }
0x72: {  	_ =	shalt  }
0x73: {  	_ =	shalt  }
0x74: {  	_ =	shalt  }
0x75: {  	_ =	shalt  }
0x76: {  	_ =	shalt  }
0x77: {  	_ =	shalt  }
0x78: {  	_ =	shalt  }
0x79: {  	_ =	shalt  }
0x7a: {  	_ =	shalt  }
0x7b: {  	_ =	shalt  }
0x7c: {  	_ =	shalt  }
0x7d: {  	_ =	shalt  }
0x7e: {  	_ =	shalt  }
0x7f: {  	_ =	shalt  }
0x80: {  	_ =	shalt  }
0x81: {  	_ =	shalt  }
0x82: {  	_ =	shalt  }
0x83: {  	_ =	shalt  }
0x84: {  	_ =	shalt  }
0x85: {  	_ =	shalt  }
0x86: {  	_ =	shalt  }
0x87: {  	_ =	shalt  }
.Lfunc_end0:
.L_simem_size_0:
called_computation_lowered:
.L_overlay_start_0:
0x88: {  	s2 =	sld [smem:$0x3FD9]  }
0x89: {  	s3 =	sld [smem:$0x3FFE];
	_ =	sdelay $0x1  }
0x8a: {  	s1 =	srdreg.scid  }
0x8b: {  	s0 =	sand.u32 $0x1, s1  }
0x8c: {  	s18 =	sshll.u32 s0, $0xA;
	s2 =	sadd.s32 s3, s2  }
0x8d: {  	s2 =	sadd.s32 s2, s18  }
0x8e: {  	[smem:$0x3FC7] =	sst s2  }
0x8f: {  	_ = 	snop  }
0x90: {  	s2 =	sld [smem:$0x3FC9]  }
0x91: {  	s19 =	sld [smem:$0x3FD0];
	(tm) =	ssettm $0x1  }
0x92: {  	s4 =	sld [smem:$0x3FFB];
	_ =	sdelay $0x3  }
0x93: {  	_ =	strace s4  }
0x94: {  	s4 =	sld [smem:$0x3FFC];
	_ =	sdelay $0x3  }
0x95: {  	_ =	strace s4  }
0x96: {  	s4 =	sld [smem:$0x3FFD];
	_ =	sdelay $0x3  }
0x97: {  	_ =	strace s4  }
0x98: {  	_ =	strace $0x8FFFFFFF  }
0x99: {  	s20 =	sld [smem:$0x3FDB];
	_ =	sdelay $0x1  }
0x9a: {  	s5 =	simm.s32 $_scs_section_size  }
0x9b: {  	s6 =	simm.s32 $_size__tile_overlayer_lowered;
	s7 =	simm.s32 $_tile_overlayer_lowered  }
0x9c: {  	s23 =	simm.s32 $0x1BFF;
	s22 =	sshll.u32 s7, $0x1;
	s4 =	sadd.s32 s5, s20  }
0x9d: {  	s8 =	simm.s32 $0x0;
	s21 =	sshll.u32 s6, $0x1;
	s6 =	sadd.s32 s22, s4  }
0x9e: {  	[timem:s8], [sflag:s23] =	dma.local [hbm:s6], s21  }
0x9f: {  	_ =	swait.ge [sflag:s23], s21  }
0xa0: {  	s5 =	ssub.s32 $0x0, s21;
	[sflag:s23] =	ssyncset.done $0x0  }
0xa1: {  	[sflag:s23] =	ssyncadd.s32 s5;
	_ =	sdelay $0x1  }
0xa2: {  	s24 =	simm.s32 $0x1B8B  }
0xa3: {  	_ =	swait.ge [sflag:s24], $0x1  }
0xa4: {  	[sflag:s24] =	ssyncset.done $0x0  }
0xa5: {  	s25 =	simm.s32 $0x1B8E;
	[sflag:s24] =	ssyncadd.s32 $0xFFFFFFFF  }
0xa6: {  	s26 =	simm.s32 $execute0_lowered;
	[smem:$0x3FD2] =	sst s25  }
0xa7: {  	s5 =	sshll.u32 s26, $0x1;
	_ =	strace $0x80000046;
	[dreg:$0x1] =	wrdreg $0xFFFFFFFF  }
0xa8: {  	s28 =	simm.s32 $_size_execute0_lowered;
	s4 =	sadd.s32 s4, s5;
	[dreg:$0x0] =	wrdreg $0x0  }
0xa9: {  	s5 =	sshll.u32 s28, $0x1;
	[dreg:$0x2] =	wrdreg s4  }
0xaa: {  	[dreg:$0x3] =	wrdreg s5  }
0xab: {  	[dreg:$0x4] =	wrdreg $0xC0  }
0xac: {  	_ =	task [dreg:s8], $0x5FFFF  }
0xad: {  	[dreg:$0x1] =	wrdreg $0xFFFFFFFF  }
0xae: {  	[dreg:$0x0] =	wrdreg $0x60  }
0xaf: {  	[dreg:$0x2] =	wrdreg s2  }
0xb0: {  	[dreg:$0x3] =	wrdreg s19  }
0xb1: {  	[dreg:$0x4] =	wrdreg $0x9  }
0xb2: {  	_ =	task.clear_ibuf [dreg:s8], $0x5FFFF;
	_ =	strace $0x90000046  }
0xb3: {  	s29 =	simm.s32 $0x9;
	_ =	strace $0x80000048  }
0xb4: {  	_ =	swait.ge [sflag:s29], $0x1  }
0xb5: {  	[sflag:s29] =	ssyncadd.s32 $0xFFFFFFFF  }
0xb6: {  	_ =	strace $0x90000048  }
0xb7: {  	_ =	sfence  }
0xb8: {  	s30 =	sld [smem:$0x0];
	_ =	sdelay $0x2  }
0xb9: {  	s31 =	sshll.u32 s1, $0xD;
	s1 =	sshrl.u32 s1, $0x2  }
0xba: {  	s3 =	sand.u32 $0x4000, s31;
	s1 =	sadd.s32 s1, s30  }
0xbb: {  	s0 =	sor.u32 s3, s0;
	s1 =	sshll.u32 s1, $0x11  }
0xbc: {  	s0 =	sor.u32 s1, s0  }
0xbd: {  	s0 =	sadd.s32 $0x8F2B, s0  }
0xbe: {  	[sflag:s0] =	ssyncadd.remote.s32 $0x1  }
0xbf: {  	_ =	sfence.sel $0xFFFF  }
0xc0: {  	[dreg:$0x0] =	wrdreg $0xFFFFFFFF;
	(pc) =	sbr.abs _section_cstart, $3  }
0xc1: {  	[dreg:$0x1] =	wrdreg $0xFFFFFFFF  }
0xc2: {  	_ =	task.clear_ibuf [dreg:s8], $0x2FFFF;
	_ =	strace $0x9FFFFFFF  }
0xc3: {  	(tm) =	ssettm $0x7FFFFFFF  }
tec
execute0_lowered:
.L_overlay_start_1:
0x0: {  	(tag) =	ssettag $0x1  }
0x1: {  	s0 =	srdreg.scid;
	s1 =	stileid.u32  }
0x2: {  	s0 =	sand.u32 $0x1, s0;
	s1 =	sshll.u32 s1, $0x1  }
0x3: {  	s2 =	rddreg [dreg:$0x0];
	s29 =	simm.s32 $0x200;
	s1 =	sor.u32 s0, s1  }
0x4: {  	s30 =	simm.s32 $0x400;
	s0 =	ssub.s32 $0x2, s0;
	s3 =	smul.u32 $0x30000, s1  }
0x5: {  	s31 =	simm.s32 $0x4000;
	s1 =	simm.s32 $0x0;
	s5 =	sshrl.u32 s0, $0x1  }
0x6: {  	[smem:$0x7FF] =	sst s1;
	s0 =	ssub.s32 s0, s5;
	s3 =	sshrl.u32 s3, $0x3  }
0x7: {  	s28 =	smax.u32 s0, $0x1;
	s0 =	simm.s32 $0x8000;
	s13 =	sadd.s32 $0x140000, s3  }
0x8: {  	s4 =	rddreg [dreg:$0x1];
	s14 =	sadd.s32 $0x140040, s3;
	s17 =	sadd.s32 $0x141040, s3  }
0x9: {  	s7 =	sadd.s32 $0x141000, s3;
	s18 =	sadd.s32 $0x142000, s3;
	s21 =	sadd.s32 $0x142040, s3  }
0xa: {  	s22 =	sadd.s32 $0x143000, s3;
	s23 =	sadd.s32 $0x143040, s3;
	s24 =	sadd.s32 $0x144000, s3  }
0xb: {  	s25 =	sadd.s32 $0x144040, s3;
	s26 =	sadd.s32 $0x145000, s3;
	s6 =	sadd.s32 s2, s13  }
0xc: {  	s3 =	sadd.s32 $0x145040, s3;
	s8 =	sadd.s32 s2, s14;
	[dreg:$0x3] =	wrdreg s6  }
0xd: {  	s5 =	sadd.s32 s4, s13;
	s15 =	sadd.s32 s2, s7;
	[dreg:$0x4] =	wrdreg s8  }
0xe: {  	s16 =	sadd.s32 s4, s14;
	s19 =	sadd.s32 s2, s17;
	[dreg:$0x5] =	wrdreg s5  }
0xf: {  	s7 =	sadd.s32 s4, s7;
	s20 =	sadd.s32 s2, s18;
	[dreg:$0x6] =	wrdreg s15  }
0x10: {  	s10 =	sadd.s32 s4, s17;
	s11 =	sadd.s32 s2, s21;
	[dreg:$0x7] =	wrdreg s16  }
0x11: {  	s12 =	sadd.s32 s4, s18;
	s13 =	sadd.s32 s2, s22;
	[dreg:$0x8] =	wrdreg s19  }
0x12: {  	s14 =	sadd.s32 s4, s21;
	s17 =	sadd.s32 s2, s24;
	[dreg:$0x9] =	wrdreg s7  }
0x13: {  	s18 =	sadd.s32 s4, s23;
	s21 =	sadd.s32 s2, s25;
	[dreg:$0xa] =	wrdreg s20  }
0x14: {  	s15 =	sadd.s32 s2, s23;
	s16 =	sadd.s32 s4, s22;
	s19 =	sadd.s32 s4, s24  }
0x15: {  	v0 =	vlaneseq.u32;
	s22 =	sadd.s32 s4, s25;
	s23 =	sadd.s32 s2, s26;
	s24 =	sadd.s32 s2, s3  }
0x16: {  	v0 =	vmul.u32 $0xFFFFFFFF, v0;
	s25 =	sadd.s32 s4, s26;
	s26 =	sadd.s32 s4, s3;
	s20 =	simm.s32 $0x1  }
0x17: {  	s2 =	simm.s32 $0x2;
	s3 =	simm.s32 $0xC000;
	s4 =	simm.s32 $0x3  }
0x18: {  	v0 =	vadd.s32 $0xF, v0;
	s5 =	simm.s32 $0x4;
	s6 =	simm.s32 $0x0;
	_ =	strace $0x80000047  }
.LBB2_1:
0x19: {  	s7 =	rddreg [dreg:$0x3]  }
0x1a: {  	[tilespmem:s1], [sflag:$0x1] =	stream.strided.gather [hbm4b:s7+s29], $0x4000, s30, s29, $0x38;
	[tilespmem:$0x10000] =	vst v63  }
0x1b: {  	s9 =	rddreg [dreg:$0x4]  }
0x1c: {  	[tilespmem:s31], [sflag:$0x2] =	stream.strided.gather [hbm4b:s9+s29], $0x4000, s30, s29, $0x38;
	[tilespmem:$0x10000] =	vst v63  }
0x1d: {  	_ =	swait.ge [sflag:s20], $0x4000  }
0x1e: {  	[sflag:s20] =	ssyncset.done $0x0  }
0x1f: {  	s9 =	simm.s32 $0x3FF0;
	[sflag:s20] =	ssyncadd.s32 $0xFFFFC000  }
0x20: {  	v1 =	vld [tilespmem:s9+$0xFFFFFE10]  }
0x21: {  	v2 =	vld [tilespmem:s9+$0xFFFFFE70]  }
0x22: {  	v3 =	vld [tilespmem:s9+$0xFFFFFE60]  }
0x23: {  	v4 =	vld [tilespmem:s9+$0xFFFFFE50]  }
0x24: {  	v5 =	vld [tilespmem:s9+$0xFFFFFE40]  }
0x25: {  	v6 =	vld [tilespmem:s9+$0xFFFFFE30];
	v1 =	vperm.xlane v1, v0  }
0x26: {  	s7 =	simm.s32 $0x8100;
	v7 =	vld [tilespmem:s9+$0xFFFFFE20];
	v2 =	vperm.xlane v2, v0  }
0x27: {  	v8 =	vld [tilespmem:s9+$0xFFFFFE80];
	v3 =	vperm.xlane v3, v0;
	[tilespmem:s7+$0xFFFFFF70] =	vst v1  }
0x28: {  	[tilespmem:s7+$0xFFFFFF10] =	vst v2;
	v1 =	vperm.xlane v4, v0;
	v2 =	vld [tilespmem:s9+$0xFFFFFE90]  }
0x29: {  	[tilespmem:s7+$0xFFFFFF20] =	vst v3;
	v3 =	vperm.xlane v5, v0;
	v4 =	vld [tilespmem:s9+$0xFFFFFEF0]  }
0x2a: {  	v5 =	vld [tilespmem:s9+$0xFFFFFEE0];
	[tilespmem:s7+$0xFFFFFF30] =	vst v1;
	v1 =	vperm.xlane v6, v0  }
0x2b: {  	[tilespmem:s7+$0xFFFFFF40] =	vst v3;
	v3 =	vperm.xlane v7, v0;
	v6 =	vld [tilespmem:s9+$0xFFFFFED0]  }
0x2c: {  	v7 =	vperm.xlane v8, v0;
	v8 =	vld [tilespmem:s9+$0xFFFFFEC0];
	[tilespmem:s7+$0xFFFFFF50] =	vst v1  }
0x2d: {  	[tilespmem:s7+$0xFFFFFF60] =	vst v3;
	v1 =	vld [tilespmem:s9+$0xFFFFFEB0];
	v2 =	vperm.xlane v2, v0  }
0x2e: {  	[tilespmem:s7+$0xFFFFFF00] =	vst v7;
	v3 =	vperm.xlane v4, v0;
	v4 =	vld [tilespmem:s9+$0xFFFFFEA0]  }
0x2f: {  	v7 =	vld [tilespmem:s9+$0xFFFFFF00];
	v5 =	vperm.xlane v5, v0;
	[tilespmem:s7+$0xFFFFFFF0] =	vst v2  }
0x30: {  	[tilespmem:s7+$0xFFFFFF90] =	vst v3;
	v2 =	vperm.xlane v6, v0;
	v3 =	vld [tilespmem:s9+$0xFFFFFF10]  }
0x31: {  	[tilespmem:s7+$0xFFFFFFA0] =	vst v5;
	v5 =	vperm.xlane v8, v0;
	v6 =	vld [tilespmem:s9+$0xFFFFFF70]  }
0x32: {  	v8 =	vld [tilespmem:s9+$0xFFFFFF60];
	[tilespmem:s7+$0xFFFFFFB0] =	vst v2;
	v1 =	vperm.xlane v1, v0  }
0x33: {  	[tilespmem:s7+$0xFFFFFFC0] =	vst v5;
	v2 =	vld [tilespmem:s9+$0xFFFFFF50];
	v4 =	vperm.xlane v4, v0  }
0x34: {  	v5 =	vperm.xlane v7, v0;
	v7 =	vld [tilespmem:s9+$0xFFFFFF40];
	[tilespmem:s7+$0xFFFFFFD0] =	vst v1  }
0x35: {  	v1 =	vld [tilespmem:s9+$0xFFFFFF30];
	[tilespmem:s7+$0xFFFFFFE0] =	vst v4;
	v3 =	vperm.xlane v3, v0  }
0x36: {  	[tilespmem:s7+$0xFFFFFF80] =	vst v5;
	v4 =	vperm.xlane v6, v0;
	v5 =	vld [tilespmem:s9+$0xFFFFFF20]  }
0x37: {  	v6 =	vld [tilespmem:s9+$0xFFFFFF80];
	v8 =	vperm.xlane v8, v0;
	[tilespmem:s7+$0x70] =	vst v3  }
0x38: {  	[tilespmem:s7+$0x10] =	vst v4;
	v2 =	vperm.xlane v2, v0;
	v4 =	vld [tilespmem:s9+$0xFFFFFF90]  }
0x39: {  	[tilespmem:s7+$0x20] =	vst v8;
	v3 =	vperm.xlane v7, v0;
	v9 =	vld [tilespmem:s9+$0xFFFFFFF0]  }
0x3a: {  	v8 =	vld [tilespmem:s9+$0xFFFFFFE0];
	[tilespmem:s7+$0x30] =	vst v2;
	v2 =	vperm.xlane v1, v0  }
0x3b: {  	[tilespmem:s7+$0x40] =	vst v3;
	v1 =	vld [tilespmem:s9+$0xFFFFFFD0];
	v5 =	vperm.xlane v5, v0  }
0x3c: {  	v6 =	vperm.xlane v6, v0;
	v3 =	vld [tilespmem:s9+$0xFFFFFFC0];
	[tilespmem:s7+$0x50] =	vst v2  }
0x3d: {  	v2 =	vld [tilespmem:s9+$0xFFFFFFB0];
	[tilespmem:s7+$0x60] =	vst v5;
	v10 =	vperm.xlane v4, v0  }
0x3e: {  	[tilespmem:s7+$0x0] =	vst v6;
	v4 =	vld [tilespmem:s9+$0xFFFFFFA0];
	v7 =	vperm.xlane v9, v0  }
0x3f: {  	s8 =	simm.s32 $0x0;
	v5 =	vld [tilespmem:s9+$0x0];
	v6 =	vperm.xlane v8, v0;
	s9 =	simm.s32 $0x3DF0;
	[tilespmem:s7+$0xF0] =	vst v10  }
.LBB2_2:
0x40: {  	v8 =	vld [tilespmem:s9+$0xFFFFFE10];
	s8 =	sadd.s32 $0x8, s8;
	[tilespmem:s7+$0x90] =	vst v7;
	v1 =	vperm.xlane v1, v0  }
0x41: {  	v7 =	vld [tilespmem:s9+$0xFFFFFE70];
	p0 =	slt.u32 s8, $0xF8;
	[tilespmem:s7+$0xA0] =	vst v6;
	v3 =	vperm.xlane v3, v0  }
0x42: {  	v6 =	vld [tilespmem:s9+$0xFFFFFE60];
	[tilespmem:s7+$0xB0] =	vst v1;
	v1 =	vperm.xlane v2, v0  }
0x43: {  	v2 =	vld [tilespmem:s9+$0xFFFFFE50];
	[tilespmem:s7+$0xC0] =	vst v3;
	v3 =	vperm.xlane v4, v0  }
0x44: {  	v4 =	vld [tilespmem:s9+$0xFFFFFE40];
	v5 =	vperm.xlane v5, v0;
	[tilespmem:s7+$0xD0] =	vst v1  }
0x45: {  	v1 =	vld [tilespmem:s9+$0xFFFFFE30];
	v8 =	vperm.xlane v8, v0;
	[tilespmem:s7+$0xE0] =	vst v3  }
0x46: {  	v3 =	vperm.xlane v7, v0;
	v7 =	vld [tilespmem:s9+$0xFFFFFE20];
	[tilespmem:s7+$0x80] =	vst v5;
	s7 =	sadd.s32 $0x200, s7  }
0x47: {  	v5 =	vld [tilespmem:s9+$0xFFFFFE80];
	v6 =	vperm.xlane v6, v0;
	[tilespmem:s7+$0xFFFFFF70] =	vst v8  }
0x48: {  	[tilespmem:s7+$0xFFFFFF10] =	vst v3;
	v2 =	vperm.xlane v2, v0;
	v3 =	vld [tilespmem:s9+$0xFFFFFE90]  }
0x49: {  	v8 =	vld [tilespmem:s9+$0xFFFFFEF0];
	[tilespmem:s7+$0xFFFFFF20] =	vst v6;
	v4 =	vperm.xlane v4, v0  }
0x4a: {  	v6 =	vld [tilespmem:s9+$0xFFFFFEE0];
	[tilespmem:s7+$0xFFFFFF30] =	vst v2;
	v1 =	vperm.xlane v1, v0  }
0x4b: {  	v2 =	vld [tilespmem:s9+$0xFFFFFED0];
	[tilespmem:s7+$0xFFFFFF40] =	vst v4;
	v4 =	vperm.xlane v7, v0  }
0x4c: {  	v5 =	vperm.xlane v5, v0;
	v7 =	vld [tilespmem:s9+$0xFFFFFEC0];
	[tilespmem:s7+$0xFFFFFF50] =	vst v1  }
0x4d: {  	v1 =	vld [tilespmem:s9+$0xFFFFFEB0];
	[tilespmem:s7+$0xFFFFFF60] =	vst v4;
	v3 =	vperm.xlane v3, v0  }
0x4e: {  	[tilespmem:s7+$0xFFFFFF00] =	vst v5;
	v4 =	vperm.xlane v8, v0;
	v5 =	vld [tilespmem:s9+$0xFFFFFEA0]  }
0x4f: {  	v8 =	vld [tilespmem:s9+$0xFFFFFF00];
	v6 =	vperm.xlane v6, v0;
	[tilespmem:s7+$0xFFFFFFF0] =	vst v3  }
0x50: {  	[tilespmem:s7+$0xFFFFFF90] =	vst v4;
	v2 =	vperm.xlane v2, v0;
	v3 =	vld [tilespmem:s9+$0xFFFFFF10]  }
0x51: {  	v4 =	vld [tilespmem:s9+$0xFFFFFF70];
	[tilespmem:s7+$0xFFFFFFA0] =	vst v6;
	v6 =	vperm.xlane v7, v0  }
0x52: {  	v7 =	vld [tilespmem:s9+$0xFFFFFF60];
	[tilespmem:s7+$0xFFFFFFB0] =	vst v2;
	v1 =	vperm.xlane v1, v0  }
0x53: {  	v2 =	vld [tilespmem:s9+$0xFFFFFF50];
	[tilespmem:s7+$0xFFFFFFC0] =	vst v6;
	v5 =	vperm.xlane v5, v0  }
0x54: {  	v6 =	vperm.xlane v8, v0;
	v8 =	vld [tilespmem:s9+$0xFFFFFF40];
	[tilespmem:s7+$0xFFFFFFD0] =	vst v1  }
0x55: {  	v1 =	vld [tilespmem:s9+$0xFFFFFF30];
	[tilespmem:s7+$0xFFFFFFE0] =	vst v5;
	v3 =	vperm.xlane v3, v0  }
0x56: {  	[tilespmem:s7+$0xFFFFFF80] =	vst v6;
	v4 =	vperm.xlane v4, v0;
	v5 =	vld [tilespmem:s9+$0xFFFFFF20]  }
0x57: {  	v6 =	vld [tilespmem:s9+$0xFFFFFF80];
	v7 =	vperm.xlane v7, v0;
	[tilespmem:s7+$0x70] =	vst v3  }
0x58: {  	[tilespmem:s7+$0x10] =	vst v4;
	v2 =	vperm.xlane v2, v0;
	v4 =	vld [tilespmem:s9+$0xFFFFFF90]  }
0x59: {  	v9 =	vld [tilespmem:s9+$0xFFFFFFF0];
	[tilespmem:s7+$0x20] =	vst v7;
	v3 =	vperm.xlane v8, v0  }
0x5a: {  	v8 =	vld [tilespmem:s9+$0xFFFFFFE0];
	[tilespmem:s7+$0x30] =	vst v2;
	v2 =	vperm.xlane v1, v0  }
.Ltmp0:
0x5b: {  	v1 =	vld [tilespmem:s9+$0xFFFFFFD0];
	[tilespmem:s7+$0x40] =	vst v3;
	v5 =	vperm.xlane v5, v0;
	(pc) =	sbr.rel @p0 .LBB2_2-.Ltmp0, $4  }
0x5c: {  	v6 =	vperm.xlane v6, v0;
	v3 =	vld [tilespmem:s9+$0xFFFFFFC0];
	[tilespmem:s7+$0x50] =	vst v2  }
0x5d: {  	v2 =	vld [tilespmem:s9+$0xFFFFFFB0];
	[tilespmem:s7+$0x60] =	vst v5;
	v10 =	vperm.xlane v4, v0  }
0x5e: {  	[tilespmem:s7+$0x0] =	vst v6;
	v7 =	vperm.xlane v9, v0;
	v4 =	vld [tilespmem:s9+$0xFFFFFFA0]  }
0x5f: {  	v5 =	vld [tilespmem:s9+$0x0];
	v6 =	vperm.xlane v8, v0;
	[tilespmem:s7+$0xF0] =	vst v10;
	s9 =	sadd.s32 $0xFFFFFE00, s9  }
0x60: {  	[tilespmem:s7+$0x90] =	vst v7;
	v1 =	vperm.xlane v1, v0  }
0x61: {  	[tilespmem:s7+$0xA0] =	vst v6;
	v3 =	vperm.xlane v3, v0  }
0x62: {  	[tilespmem:s7+$0xB0] =	vst v1;
	v1 =	vperm.xlane v2, v0  }
0x63: {  	[tilespmem:s7+$0xC0] =	vst v3;
	v2 =	vperm.xlane v4, v0  }
0x64: {  	v3 =	vperm.xlane v5, v0;
	[tilespmem:s7+$0xD0] =	vst v1  }
0x65: {  	[tilespmem:s7+$0xE0] =	vst v2  }
0x66: {  	[tilespmem:s7+$0x80] =	vst v3  }
0x67: {  	s7 =	rddreg [dreg:$0x5]  }
0x68: {  	[hbm4b:s7+s29] =	stream.strided.scatter [tilespmem:s0], [sflag:$0x3], $0x4000, s30, s29, $0x38;
	[tilespmem:$0x10000] =	vst v63  }
0x69: {  	s9 =	rddreg [dreg:$0x6]  }
0x6a: {  	[tilespmem:s1], [sflag:$0x1] =	stream.strided.gather [hbm4b:s9+s29], $0x4000, s30, s29, $0x38;
	[tilespmem:$0x10000] =	vst v63  }
0x6b: {  	_ =	swait.ge [sflag:s2], $0x4000  }
0x6c: {  	[sflag:s2] =	ssyncset.done $0x0  }
0x6d: {  	s9 =	simm.s32 $0x7E00;
	[sflag:s2] =	ssyncadd.s32 $0xFFFFC000  }
0x6e: {  	v1 =	vld [tilespmem:s9+$0x0]  }
0x6f: {  	v2 =	vld [tilespmem:s9+$0x60]  }
0x70: {  	v3 =	vld [tilespmem:s9+$0x50]  }
0x71: {  	v4 =	vld [tilespmem:s9+$0x40]  }
0x72: {  	v5 =	vld [tilespmem:s9+$0x30]  }
0x73: {  	v6 =	vld [tilespmem:s9+$0x20];
	v1 =	vperm.xlane v1, v0  }
0x74: {  	s7 =	simm.s32 $0xC1F0;
	v7 =	vld [tilespmem:s9+$0x10];
	v2 =	vperm.xlane v2, v0  }
0x75: {  	v8 =	vld [tilespmem:s9+$0x70];
	v3 =	vperm.xlane v3, v0;
	[tilespmem:s7+$0xFFFFFE80] =	vst v1  }
0x76: {  	[tilespmem:s7+$0xFFFFFE20] =	vst v2;
	v1 =	vperm.xlane v4, v0;
	v2 =	vld [tilespmem:s9+$0x80]  }
0x77: {  	[tilespmem:s7+$0xFFFFFE30] =	vst v3;
	v3 =	vperm.xlane v5, v0;
	v4 =	vld [tilespmem:s9+$0xE0]  }
0x78: {  	v5 =	vld [tilespmem:s9+$0xD0];
	[tilespmem:s7+$0xFFFFFE40] =	vst v1;
	v1 =	vperm.xlane v6, v0  }
0x79: {  	[tilespmem:s7+$0xFFFFFE50] =	vst v3;
	v3 =	vperm.xlane v7, v0;
	v6 =	vld [tilespmem:s9+$0xC0]  }
0x7a: {  	v7 =	vperm.xlane v8, v0;
	v8 =	vld [tilespmem:s9+$0xB0];
	[tilespmem:s7+$0xFFFFFE60] =	vst v1  }
0x7b: {  	[tilespmem:s7+$0xFFFFFE70] =	vst v3;
	v1 =	vld [tilespmem:s9+$0xA0];
	v2 =	vperm.xlane v2, v0  }
0x7c: {  	[tilespmem:s7+$0xFFFFFE10] =	vst v7;
	v3 =	vperm.xlane v4, v0;
	v4 =	vld [tilespmem:s9+$0x90]  }
0x7d: {  	v7 =	vld [tilespmem:s9+$0xF0];
	v5 =	vperm.xlane v5, v0;
	[tilespmem:s7+$0xFFFFFF00] =	vst v2  }
0x7e: {  	[tilespmem:s7+$0xFFFFFEA0] =	vst v3;
	v2 =	vperm.xlane v6, v0;
	v3 =	vld [tilespmem:s9+$0x100]  }
0x7f: {  	[tilespmem:s7+$0xFFFFFEB0] =	vst v5;
	v5 =	vperm.xlane v8, v0;
	v6 =	vld [tilespmem:s9+$0x160]  }
0x80: {  	v8 =	vld [tilespmem:s9+$0x150];
	[tilespmem:s7+$0xFFFFFEC0] =	vst v2;
	v1 =	vperm.xlane v1, v0  }
0x81: {  	[tilespmem:s7+$0xFFFFFED0] =	vst v5;
	v2 =	vld [tilespmem:s9+$0x140];
	v4 =	vperm.xlane v4, v0  }
0x82: {  	v5 =	vperm.xlane v7, v0;
	v7 =	vld [tilespmem:s9+$0x130];
	[tilespmem:s7+$0xFFFFFEE0] =	vst v1  }
0x83: {  	v1 =	vld [tilespmem:s9+$0x120];
	[tilespmem:s7+$0xFFFFFEF0] =	vst v4;
	v3 =	vperm.xlane v3, v0  }
0x84: {  	[tilespmem:s7+$0xFFFFFE90] =	vst v5;
	v4 =	vperm.xlane v6, v0;
	v5 =	vld [tilespmem:s9+$0x110]  }
0x85: {  	v6 =	vld [tilespmem:s9+$0x170];
	v8 =	vperm.xlane v8, v0;
	[tilespmem:s7+$0xFFFFFF80] =	vst v3  }
0x86: {  	[tilespmem:s7+$0xFFFFFF20] =	vst v4;
	v2 =	vperm.xlane v2, v0;
	v4 =	vld [tilespmem:s9+$0x180]  }
0x87: {  	[tilespmem:s7+$0xFFFFFF30] =	vst v8;
	v3 =	vperm.xlane v7, v0;
	v9 =	vld [tilespmem:s9+$0x1E0]  }
0x88: {  	v8 =	vld [tilespmem:s9+$0x1D0];
	[tilespmem:s7+$0xFFFFFF40] =	vst v2;
	v2 =	vperm.xlane v1, v0  }
0x89: {  	[tilespmem:s7+$0xFFFFFF50] =	vst v3;
	v1 =	vld [tilespmem:s9+$0x1C0];
	v5 =	vperm.xlane v5, v0  }
0x8a: {  	v6 =	vperm.xlane v6, v0;
	v3 =	vld [tilespmem:s9+$0x1B0];
	[tilespmem:s7+$0xFFFFFF60] =	vst v2  }
0x8b: {  	v2 =	vld [tilespmem:s9+$0x1A0];
	[tilespmem:s7+$0xFFFFFF70] =	vst v5;
	v10 =	vperm.xlane v4, v0  }
0x8c: {  	[tilespmem:s7+$0xFFFFFF10] =	vst v6;
	v4 =	vld [tilespmem:s9+$0x190];
	v7 =	vperm.xlane v9, v0  }
0x8d: {  	s8 =	simm.s32 $0x0;
	v5 =	vld [tilespmem:s9+$0x1F0];
	v6 =	vperm.xlane v8, v0;
	s9 =	simm.s32 $0x7C00;
	[tilespmem:s7+$0x0] =	vst v10  }
.LBB2_4:
0x8e: {  	v8 =	vld [tilespmem:s9+$0x0];
	s8 =	sadd.s32 $0x8, s8;
	[tilespmem:s7+$0xFFFFFFA0] =	vst v7;
	v1 =	vperm.xlane v1, v0  }
0x8f: {  	v7 =	vld [tilespmem:s9+$0x60];
	p0 =	slt.u32 s8, $0xF8;
	[tilespmem:s7+$0xFFFFFFB0] =	vst v6;
	v3 =	vperm.xlane v3, v0  }
0x90: {  	v6 =	vld [tilespmem:s9+$0x50];
	[tilespmem:s7+$0xFFFFFFC0] =	vst v1;
	v1 =	vperm.xlane v2, v0  }
0x91: {  	v2 =	vld [tilespmem:s9+$0x40];
	[tilespmem:s7+$0xFFFFFFD0] =	vst v3;
	v3 =	vperm.xlane v4, v0  }
0x92: {  	v4 =	vld [tilespmem:s9+$0x30];
	v5 =	vperm.xlane v5, v0;
	[tilespmem:s7+$0xFFFFFFE0] =	vst v1  }
0x93: {  	v1 =	vld [tilespmem:s9+$0x20];
	v8 =	vperm.xlane v8, v0;
	[tilespmem:s7+$0xFFFFFFF0] =	vst v3  }
0x94: {  	v3 =	vperm.xlane v7, v0;
	v7 =	vld [tilespmem:s9+$0x10];
	[tilespmem:s7+$0xFFFFFF90] =	vst v5;
	s7 =	sadd.s32 $0x200, s7  }
0x95: {  	v5 =	vld [tilespmem:s9+$0x70];
	v6 =	vperm.xlane v6, v0;
	[tilespmem:s7+$0xFFFFFE80] =	vst v8  }
0x96: {  	[tilespmem:s7+$0xFFFFFE20] =	vst v3;
	v2 =	vperm.xlane v2, v0;
	v3 =	vld [tilespmem:s9+$0x80]  }
0x97: {  	v8 =	vld [tilespmem:s9+$0xE0];
	[tilespmem:s7+$0xFFFFFE30] =	vst v6;
	v4 =	vperm.xlane v4, v0  }
0x98: {  	v6 =	vld [tilespmem:s9+$0xD0];
	[tilespmem:s7+$0xFFFFFE40] =	vst v2;
	v1 =	vperm.xlane v1, v0  }
0x99: {  	v2 =	vld [tilespmem:s9+$0xC0];
	[tilespmem:s7+$0xFFFFFE50] =	vst v4;
	v4 =	vperm.xlane v7, v0  }
0x9a: {  	v5 =	vperm.xlane v5, v0;
	v7 =	vld [tilespmem:s9+$0xB0];
	[tilespmem:s7+$0xFFFFFE60] =	vst v1  }
0x9b: {  	v1 =	vld [tilespmem:s9+$0xA0];
	[tilespmem:s7+$0xFFFFFE70] =	vst v4;
	v3 =	vperm.xlane v3, v0  }
0x9c: {  	[tilespmem:s7+$0xFFFFFE10] =	vst v5;
	v4 =	vperm.xlane v8, v0;
	v5 =	vld [tilespmem:s9+$0x90]  }
0x9d: {  	v8 =	vld [tilespmem:s9+$0xF0];
	v6 =	vperm.xlane v6, v0;
	[tilespmem:s7+$0xFFFFFF00] =	vst v3  }
0x9e: {  	[tilespmem:s7+$0xFFFFFEA0] =	vst v4;
	v2 =	vperm.xlane v2, v0;
	v3 =	vld [tilespmem:s9+$0x100]  }
0x9f: {  	v4 =	vld [tilespmem:s9+$0x160];
	[tilespmem:s7+$0xFFFFFEB0] =	vst v6;
	v6 =	vperm.xlane v7, v0  }
0xa0: {  	v7 =	vld [tilespmem:s9+$0x150];
	[tilespmem:s7+$0xFFFFFEC0] =	vst v2;
	v1 =	vperm.xlane v1, v0  }
0xa1: {  	v2 =	vld [tilespmem:s9+$0x140];
	[tilespmem:s7+$0xFFFFFED0] =	vst v6;
	v5 =	vperm.xlane v5, v0  }
0xa2: {  	v6 =	vperm.xlane v8, v0;
	v8 =	vld [tilespmem:s9+$0x130];
	[tilespmem:s7+$0xFFFFFEE0] =	vst v1  }
0xa3: {  	v1 =	vld [tilespmem:s9+$0x120];
	[tilespmem:s7+$0xFFFFFEF0] =	vst v5;
	v3 =	vperm.xlane v3, v0  }
0xa4: {  	[tilespmem:s7+$0xFFFFFE90] =	vst v6;
	v4 =	vperm.xlane v4, v0;
	v5 =	vld [tilespmem:s9+$0x110]  }
0xa5: {  	v6 =	vld [tilespmem:s9+$0x170];
	v7 =	vperm.xlane v7, v0;
	[tilespmem:s7+$0xFFFFFF80] =	vst v3  }
0xa6: {  	[tilespmem:s7+$0xFFFFFF20] =	vst v4;
	v2 =	vperm.xlane v2, v0;
	v4 =	vld [tilespmem:s9+$0x180]  }
0xa7: {  	v9 =	vld [tilespmem:s9+$0x1E0];
	[tilespmem:s7+$0xFFFFFF30] =	vst v7;
	v3 =	vperm.xlane v8, v0  }
0xa8: {  	v8 =	vld [tilespmem:s9+$0x1D0];
	[tilespmem:s7+$0xFFFFFF40] =	vst v2;
	v2 =	vperm.xlane v1, v0  }
.Ltmp1:
0xa9: {  	v1 =	vld [tilespmem:s9+$0x1C0];
	[tilespmem:s7+$0xFFFFFF50] =	vst v3;
	v5 =	vperm.xlane v5, v0;
	(pc) =	sbr.rel @p0 .LBB2_4-.Ltmp1, $4  }
0xaa: {  	v6 =	vperm.xlane v6, v0;
	v3 =	vld [tilespmem:s9+$0x1B0];
	[tilespmem:s7+$0xFFFFFF60] =	vst v2  }
0xab: {  	v2 =	vld [tilespmem:s9+$0x1A0];
	[tilespmem:s7+$0xFFFFFF70] =	vst v5;
	v10 =	vperm.xlane v4, v0  }
0xac: {  	[tilespmem:s7+$0xFFFFFF10] =	vst v6;
	v7 =	vperm.xlane v9, v0;
	v4 =	vld [tilespmem:s9+$0x190]  }
0xad: {  	v5 =	vld [tilespmem:s9+$0x1F0];
	v6 =	vperm.xlane v8, v0;
	[tilespmem:s7+$0x0] =	vst v10;
	s9 =	sadd.s32 $0xFFFFFE00, s9  }
0xae: {  	[tilespmem:s7+$0xFFFFFFA0] =	vst v7;
	v1 =	vperm.xlane v1, v0  }
0xaf: {  	[tilespmem:s7+$0xFFFFFFB0] =	vst v6;
	v3 =	vperm.xlane v3, v0  }
0xb0: {  	[tilespmem:s7+$0xFFFFFFC0] =	vst v1;
	v1 =	vperm.xlane v2, v0  }
0xb1: {  	[tilespmem:s7+$0xFFFFFFD0] =	vst v3;
	v2 =	vperm.xlane v4, v0  }
0xb2: {  	v3 =	vperm.xlane v5, v0;
	[tilespmem:s7+$0xFFFFFFE0] =	vst v1  }
0xb3: {  	[tilespmem:s7+$0xFFFFFFF0] =	vst v2  }
0xb4: {  	[tilespmem:s7+$0xFFFFFF90] =	vst v3  }
0xb5: {  	s7 =	rddreg [dreg:$0x7]  }
0xb6: {  	[hbm4b:s7+s29] =	stream.strided.scatter [tilespmem:s3], [sflag:$0x4], $0x4000, s30, s29, $0x38;
	[tilespmem:$0x10000] =	vst v63  }
0xb7: {  	s9 =	rddreg [dreg:$0x8]  }
0xb8: {  	[tilespmem:s31], [sflag:$0x2] =	stream.strided.gather [hbm4b:s9+s29], $0x4000, s30, s29, $0x38;
	[tilespmem:$0x10000] =	vst v63  }
0xb9: {  	_ =	swait.ge [sflag:s20], $0x4000  }
0xba: {  	[sflag:s20] =	ssyncset.done $0x0  }
0xbb: {  	[sflag:s20] =	ssyncadd.s32 $0xFFFFC000  }
0xbc: {  	_ =	swait.ge [sflag:s4], $0x4000  }
0xbd: {  	[sflag:s4] =	ssyncset.done $0x0  }
0xbe: {  	s9 =	simm.s32 $0x3FF0;
	[sflag:s4] =	ssyncadd.s32 $0xFFFFC000  }
0xbf: {  	v1 =	vld [tilespmem:s9+$0xFFFFFE10]  }
0xc0: {  	v2 =	vld [tilespmem:s9+$0xFFFFFE70]  }
0xc1: {  	v3 =	vld [tilespmem:s9+$0xFFFFFE60]  }
0xc2: {  	v4 =	vld [tilespmem:s9+$0xFFFFFE50]  }
0xc3: {  	v5 =	vld [tilespmem:s9+$0xFFFFFE40]  }
0xc4: {  	v6 =	vld [tilespmem:s9+$0xFFFFFE30];
	v1 =	vperm.xlane v1, v0  }
0xc5: {  	s7 =	simm.s32 $0x8100;
	v7 =	vld [tilespmem:s9+$0xFFFFFE20];
	v2 =	vperm.xlane v2, v0  }
0xc6: {  	v8 =	vld [tilespmem:s9+$0xFFFFFE80];
	v3 =	vperm.xlane v3, v0;
	[tilespmem:s7+$0xFFFFFF70] =	vst v1  }
0xc7: {  	[tilespmem:s7+$0xFFFFFF10] =	vst v2;
	v1 =	vperm.xlane v4, v0;
	v2 =	vld [tilespmem:s9+$0xFFFFFE90]  }
0xc8: {  	[tilespmem:s7+$0xFFFFFF20] =	vst v3;
	v3 =	vperm.xlane v5, v0;
	v4 =	vld [tilespmem:s9+$0xFFFFFEF0]  }
0xc9: {  	v5 =	vld [tilespmem:s9+$0xFFFFFEE0];
	[tilespmem:s7+$0xFFFFFF30] =	vst v1;
	v1 =	vperm.xlane v6, v0  }
0xca: {  	[tilespmem:s7+$0xFFFFFF40] =	vst v3;
	v3 =	vperm.xlane v7, v0;
	v6 =	vld [tilespmem:s9+$0xFFFFFED0]  }
0xcb: {  	v7 =	vperm.xlane v8, v0;
	v8 =	vld [tilespmem:s9+$0xFFFFFEC0];
	[tilespmem:s7+$0xFFFFFF50] =	vst v1  }
0xcc: {  	[tilespmem:s7+$0xFFFFFF60] =	vst v3;
	v1 =	vld [tilespmem:s9+$0xFFFFFEB0];
	v2 =	vperm.xlane v2, v0  }
0xcd: {  	[tilespmem:s7+$0xFFFFFF00] =	vst v7;
	v3 =	vperm.xlane v4, v0;
	v4 =	vld [tilespmem:s9+$0xFFFFFEA0]  }
0xce: {  	v7 =	vld [tilespmem:s9+$0xFFFFFF00];
	v5 =	vperm.xlane v5, v0;
	[tilespmem:s7+$0xFFFFFFF0] =	vst v2  }
0xcf: {  	[tilespmem:s7+$0xFFFFFF90] =	vst v3;
	v2 =	vperm.xlane v6, v0;
	v3 =	vld [tilespmem:s9+$0xFFFFFF10]  }
0xd0: {  	[tilespmem:s7+$0xFFFFFFA0] =	vst v5;
	v5 =	vperm.xlane v8, v0;
	v6 =	vld [tilespmem:s9+$0xFFFFFF70]  }
0xd1: {  	v8 =	vld [tilespmem:s9+$0xFFFFFF60];
	[tilespmem:s7+$0xFFFFFFB0] =	vst v2;
	v1 =	vperm.xlane v1, v0  }
0xd2: {  	[tilespmem:s7+$0xFFFFFFC0] =	vst v5;
	v2 =	vld [tilespmem:s9+$0xFFFFFF50];
	v4 =	vperm.xlane v4, v0  }
0xd3: {  	v5 =	vperm.xlane v7, v0;
	v7 =	vld [tilespmem:s9+$0xFFFFFF40];
	[tilespmem:s7+$0xFFFFFFD0] =	vst v1  }
0xd4: {  	v1 =	vld [tilespmem:s9+$0xFFFFFF30];
	[tilespmem:s7+$0xFFFFFFE0] =	vst v4;
	v3 =	vperm.xlane v3, v0  }
0xd5: {  	[tilespmem:s7+$0xFFFFFF80] =	vst v5;
	v4 =	vperm.xlane v6, v0;
	v5 =	vld [tilespmem:s9+$0xFFFFFF20]  }
0xd6: {  	v6 =	vld [tilespmem:s9+$0xFFFFFF80];
	v8 =	vperm.xlane v8, v0;
	[tilespmem:s7+$0x70] =	vst v3  }
0xd7: {  	[tilespmem:s7+$0x10] =	vst v4;
	v2 =	vperm.xlane v2, v0;
	v4 =	vld [tilespmem:s9+$0xFFFFFF90]  }
0xd8: {  	[tilespmem:s7+$0x20] =	vst v8;
	v3 =	vperm.xlane v7, v0;
	v9 =	vld [tilespmem:s9+$0xFFFFFFF0]  }
0xd9: {  	v8 =	vld [tilespmem:s9+$0xFFFFFFE0];
	[tilespmem:s7+$0x30] =	vst v2;
	v2 =	vperm.xlane v1, v0  }
0xda: {  	[tilespmem:s7+$0x40] =	vst v3;
	v1 =	vld [tilespmem:s9+$0xFFFFFFD0];
	v5 =	vperm.xlane v5, v0  }
0xdb: {  	v6 =	vperm.xlane v6, v0;
	v3 =	vld [tilespmem:s9+$0xFFFFFFC0];
	[tilespmem:s7+$0x50] =	vst v2  }
0xdc: {  	v2 =	vld [tilespmem:s9+$0xFFFFFFB0];
	[tilespmem:s7+$0x60] =	vst v5;
	v10 =	vperm.xlane v4, v0  }
0xdd: {  	[tilespmem:s7+$0x0] =	vst v6;
	v4 =	vld [tilespmem:s9+$0xFFFFFFA0];
	v7 =	vperm.xlane v9, v0  }
0xde: {  	s8 =	simm.s32 $0x0;
	v5 =	vld [tilespmem:s9+$0x0];
	v6 =	vperm.xlane v8, v0;
	s9 =	simm.s32 $0x3DF0;
	[tilespmem:s7+$0xF0] =	vst v10  }
.LBB2_6:
0xdf: {  	v8 =	vld [tilespmem:s9+$0xFFFFFE10];
	s8 =	sadd.s32 $0x8, s8;
	[tilespmem:s7+$0x90] =	vst v7;
	v1 =	vperm.xlane v1, v0  }
0xe0: {  	v7 =	vld [tilespmem:s9+$0xFFFFFE70];
	p0 =	slt.u32 s8, $0xF8;
	[tilespmem:s7+$0xA0] =	vst v6;
	v3 =	vperm.xlane v3, v0  }
0xe1: {  	v6 =	vld [tilespmem:s9+$0xFFFFFE60];
	[tilespmem:s7+$0xB0] =	vst v1;
	v1 =	vperm.xlane v2, v0  }
0xe2: {  	v2 =	vld [tilespmem:s9+$0xFFFFFE50];
	[tilespmem:s7+$0xC0] =	vst v3;
	v3 =	vperm.xlane v4, v0  }
0xe3: {  	v4 =	vld [tilespmem:s9+$0xFFFFFE40];
	v5 =	vperm.xlane v5, v0;
	[tilespmem:s7+$0xD0] =	vst v1  }
0xe4: {  	v1 =	vld [tilespmem:s9+$0xFFFFFE30];
	v8 =	vperm.xlane v8, v0;
	[tilespmem:s7+$0xE0] =	vst v3  }
0xe5: {  	v3 =	vperm.xlane v7, v0;
	v7 =	vld [tilespmem:s9+$0xFFFFFE20];
	[tilespmem:s7+$0x80] =	vst v5;
	s7 =	sadd.s32 $0x200, s7  }
0xe6: {  	v5 =	vld [tilespmem:s9+$0xFFFFFE80];
	v6 =	vperm.xlane v6, v0;
	[tilespmem:s7+$0xFFFFFF70] =	vst v8  }
0xe7: {  	[tilespmem:s7+$0xFFFFFF10] =	vst v3;
	v2 =	vperm.xlane v2, v0;
	v3 =	vld [tilespmem:s9+$0xFFFFFE90]  }
0xe8: {  	v8 =	vld [tilespmem:s9+$0xFFFFFEF0];
	[tilespmem:s7+$0xFFFFFF20] =	vst v6;
	v4 =	vperm.xlane v4, v0  }
0xe9: {  	v6 =	vld [tilespmem:s9+$0xFFFFFEE0];
	[tilespmem:s7+$0xFFFFFF30] =	vst v2;
	v1 =	vperm.xlane v1, v0  }
0xea: {  	v2 =	vld [tilespmem:s9+$0xFFFFFED0];
	[tilespmem:s7+$0xFFFFFF40] =	vst v4;
	v4 =	vperm.xlane v7, v0  }
0xeb: {  	v5 =	vperm.xlane v5, v0;
	v7 =	vld [tilespmem:s9+$0xFFFFFEC0];
	[tilespmem:s7+$0xFFFFFF50] =	vst v1  }
0xec: {  	v1 =	vld [tilespmem:s9+$0xFFFFFEB0];
	[tilespmem:s7+$0xFFFFFF60] =	vst v4;
	v3 =	vperm.xlane v3, v0  }
0xed: {  	[tilespmem:s7+$0xFFFFFF00] =	vst v5;
	v4 =	vperm.xlane v8, v0;
	v5 =	vld [tilespmem:s9+$0xFFFFFEA0]  }
0xee: {  	v8 =	vld [tilespmem:s9+$0xFFFFFF00];
	v6 =	vperm.xlane v6, v0;
	[tilespmem:s7+$0xFFFFFFF0] =	vst v3  }
0xef: {  	[tilespmem:s7+$0xFFFFFF90] =	vst v4;
	v2 =	vperm.xlane v2, v0;
	v3 =	vld [tilespmem:s9+$0xFFFFFF10]  }
0xf0: {  	v4 =	vld [tilespmem:s9+$0xFFFFFF70];
	[tilespmem:s7+$0xFFFFFFA0] =	vst v6;
	v6 =	vperm.xlane v7, v0  }
0xf1: {  	v7 =	vld [tilespmem:s9+$0xFFFFFF60];
	[tilespmem:s7+$0xFFFFFFB0] =	vst v2;
	v1 =	vperm.xlane v1, v0  }
0xf2: {  	v2 =	vld [tilespmem:s9+$0xFFFFFF50];
	[tilespmem:s7+$0xFFFFFFC0] =	vst v6;
	v5 =	vperm.xlane v5, v0  }
0xf3: {  	v6 =	vperm.xlane v8, v0;
	v8 =	vld [tilespmem:s9+$0xFFFFFF40];
	[tilespmem:s7+$0xFFFFFFD0] =	vst v1  }
0xf4: {  	v1 =	vld [tilespmem:s9+$0xFFFFFF30];
	[tilespmem:s7+$0xFFFFFFE0] =	vst v5;
	v3 =	vperm.xlane v3, v0  }
0xf5: {  	[tilespmem:s7+$0xFFFFFF80] =	vst v6;
	v4 =	vperm.xlane v4, v0;
	v5 =	vld [tilespmem:s9+$0xFFFFFF20]  }
0xf6: {  	v6 =	vld [tilespmem:s9+$0xFFFFFF80];
	v7 =	vperm.xlane v7, v0;
	[tilespmem:s7+$0x70] =	vst v3  }
0xf7: {  	[tilespmem:s7+$0x10] =	vst v4;
	v2 =	vperm.xlane v2, v0;
	v4 =	vld [tilespmem:s9+$0xFFFFFF90]  }
0xf8: {  	v9 =	vld [tilespmem:s9+$0xFFFFFFF0];
	[tilespmem:s7+$0x20] =	vst v7;
	v3 =	vperm.xlane v8, v0  }
0xf9: {  	v8 =	vld [tilespmem:s9+$0xFFFFFFE0];
	[tilespmem:s7+$0x30] =	vst v2;
	v2 =	vperm.xlane v1, v0  }
.Ltmp2:
0xfa: {  	v1 =	vld [tilespmem:s9+$0xFFFFFFD0];
	[tilespmem:s7+$0x40] =	vst v3;
	v5 =	vperm.xlane v5, v0;
	(pc) =	sbr.rel @p0 .LBB2_6-.Ltmp2, $4  }
0xfb: {  	v6 =	vperm.xlane v6, v0;
	v3 =	vld [tilespmem:s9+$0xFFFFFFC0];
	[tilespmem:s7+$0x50] =	vst v2  }
0xfc: {  	v2 =	vld [tilespmem:s9+$0xFFFFFFB0];
	[tilespmem:s7+$0x60] =	vst v5;
	v10 =	vperm.xlane v4, v0  }
0xfd: {  	[tilespmem:s7+$0x0] =	vst v6;
	v7 =	vperm.xlane v9, v0;
	v4 =	vld [tilespmem:s9+$0xFFFFFFA0]  }
0xfe: {  	v5 =	vld [tilespmem:s9+$0x0];
	v6 =	vperm.xlane v8, v0;
	[tilespmem:s7+$0xF0] =	vst v10;
	s9 =	sadd.s32 $0xFFFFFE00, s9  }
0xff: {  	[tilespmem:s7+$0x90] =	vst v7;
	v1 =	vperm.xlane v1, v0  }
0x100: {  	[tilespmem:s7+$0xA0] =	vst v6;
	v3 =	vperm.xlane v3, v0  }
0x101: {  	[tilespmem:s7+$0xB0] =	vst v1;
	v1 =	vperm.xlane v2, v0  }
0x102: {  	[tilespmem:s7+$0xC0] =	vst v3;
	v2 =	vperm.xlane v4, v0  }
0x103: {  	v3 =	vperm.xlane v5, v0;
	[tilespmem:s7+$0xD0] =	vst v1  }
0x104: {  	[tilespmem:s7+$0xE0] =	vst v2  }
0x105: {  	[tilespmem:s7+$0x80] =	vst v3  }
0x106: {  	s7 =	rddreg [dreg:$0x9]  }
0x107: {  	[hbm4b:s7+s29] =	stream.strided.scatter [tilespmem:s0], [sflag:$0x3], $0x4000, s30, s29, $0x38;
	[tilespmem:$0x10000] =	vst v63  }
0x108: {  	s9 =	rddreg [dreg:$0xa]  }
0x109: {  	[tilespmem:s1], [sflag:$0x1] =	stream.strided.gather [hbm4b:s9+s29], $0x4000, s30, s29, $0x38;
	[tilespmem:$0x10000] =	vst v63  }
0x10a: {  	_ =	swait.ge [sflag:s2], $0x4000  }
0x10b: {  	[sflag:s2] =	ssyncset.done $0x0  }
0x10c: {  	[sflag:s2] =	ssyncadd.s32 $0xFFFFC000  }
0x10d: {  	_ =	swait.ge [sflag:s5], $0x4000  }
0x10e: {  	[sflag:s5] =	ssyncset.done $0x0  }
0x10f: {  	s9 =	simm.s32 $0x7E00;
	[sflag:s5] =	ssyncadd.s32 $0xFFFFC000  }
0x110: {  	v1 =	vld [tilespmem:s9+$0x0]  }
0x111: {  	v2 =	vld [tilespmem:s9+$0x60]  }
0x112: {  	v3 =	vld [tilespmem:s9+$0x50]  }
0x113: {  	v4 =	vld [tilespmem:s9+$0x40]  }
0x114: {  	v5 =	vld [tilespmem:s9+$0x30]  }
0x115: {  	v6 =	vld [tilespmem:s9+$0x20];
	v1 =	vperm.xlane v1, v0  }
0x116: {  	s7 =	simm.s32 $0xC1F0;
	v7 =	vld [tilespmem:s9+$0x10];
	v2 =	vperm.xlane v2, v0  }
0x117: {  	v8 =	vld [tilespmem:s9+$0x70];
	v3 =	vperm.xlane v3, v0;
	[tilespmem:s7+$0xFFFFFE80] =	vst v1  }
0x118: {  	[tilespmem:s7+$0xFFFFFE20] =	vst v2;
	v1 =	vperm.xlane v4, v0;
	v2 =	vld [tilespmem:s9+$0x80]  }
0x119: {  	[tilespmem:s7+$0xFFFFFE30] =	vst v3;
	v3 =	vperm.xlane v5, v0;
	v4 =	vld [tilespmem:s9+$0xE0]  }
0x11a: {  	v5 =	vld [tilespmem:s9+$0xD0];
	[tilespmem:s7+$0xFFFFFE40] =	vst v1;
	v1 =	vperm.xlane v6, v0  }
0x11b: {  	[tilespmem:s7+$0xFFFFFE50] =	vst v3;
	v3 =	vperm.xlane v7, v0;
	v6 =	vld [tilespmem:s9+$0xC0]  }
0x11c: {  	v7 =	vperm.xlane v8, v0;
	v8 =	vld [tilespmem:s9+$0xB0];
	[tilespmem:s7+$0xFFFFFE60] =	vst v1  }
0x11d: {  	[tilespmem:s7+$0xFFFFFE70] =	vst v3;
	v1 =	vld [tilespmem:s9+$0xA0];
	v2 =	vperm.xlane v2, v0  }
0x11e: {  	[tilespmem:s7+$0xFFFFFE10] =	vst v7;
	v3 =	vperm.xlane v4, v0;
	v4 =	vld [tilespmem:s9+$0x90]  }
0x11f: {  	v7 =	vld [tilespmem:s9+$0xF0];
	v5 =	vperm.xlane v5, v0;
	[tilespmem:s7+$0xFFFFFF00] =	vst v2  }
0x120: {  	[tilespmem:s7+$0xFFFFFEA0] =	vst v3;
	v2 =	vperm.xlane v6, v0;
	v3 =	vld [tilespmem:s9+$0x100]  }
0x121: {  	[tilespmem:s7+$0xFFFFFEB0] =	vst v5;
	v5 =	vperm.xlane v8, v0;
	v6 =	vld [tilespmem:s9+$0x160]  }
0x122: {  	v8 =	vld [tilespmem:s9+$0x150];
	[tilespmem:s7+$0xFFFFFEC0] =	vst v2;
	v1 =	vperm.xlane v1, v0  }
0x123: {  	[tilespmem:s7+$0xFFFFFED0] =	vst v5;
	v2 =	vld [tilespmem:s9+$0x140];
	v4 =	vperm.xlane v4, v0  }
0x124: {  	v5 =	vperm.xlane v7, v0;
	v7 =	vld [tilespmem:s9+$0x130];
	[tilespmem:s7+$0xFFFFFEE0] =	vst v1  }
0x125: {  	v1 =	vld [tilespmem:s9+$0x120];
	[tilespmem:s7+$0xFFFFFEF0] =	vst v4;
	v3 =	vperm.xlane v3, v0  }
0x126: {  	[tilespmem:s7+$0xFFFFFE90] =	vst v5;
	v4 =	vperm.xlane v6, v0;
	v5 =	vld [tilespmem:s9+$0x110]  }
0x127: {  	v6 =	vld [tilespmem:s9+$0x170];
	v8 =	vperm.xlane v8, v0;
	[tilespmem:s7+$0xFFFFFF80] =	vst v3  }
0x128: {  	[tilespmem:s7+$0xFFFFFF20] =	vst v4;
	v2 =	vperm.xlane v2, v0;
	v4 =	vld [tilespmem:s9+$0x180]  }
0x129: {  	[tilespmem:s7+$0xFFFFFF30] =	vst v8;
	v3 =	vperm.xlane v7, v0;
	v9 =	vld [tilespmem:s9+$0x1E0]  }
0x12a: {  	v8 =	vld [tilespmem:s9+$0x1D0];
	[tilespmem:s7+$0xFFFFFF40] =	vst v2;
	v2 =	vperm.xlane v1, v0  }
0x12b: {  	[tilespmem:s7+$0xFFFFFF50] =	vst v3;
	v1 =	vld [tilespmem:s9+$0x1C0];
	v5 =	vperm.xlane v5, v0  }
0x12c: {  	v6 =	vperm.xlane v6, v0;
	v3 =	vld [tilespmem:s9+$0x1B0];
	[tilespmem:s7+$0xFFFFFF60] =	vst v2  }
0x12d: {  	v2 =	vld [tilespmem:s9+$0x1A0];
	[tilespmem:s7+$0xFFFFFF70] =	vst v5;
	v10 =	vperm.xlane v4, v0  }
0x12e: {  	[tilespmem:s7+$0xFFFFFF10] =	vst v6;
	v4 =	vld [tilespmem:s9+$0x190];
	v7 =	vperm.xlane v9, v0  }
0x12f: {  	s8 =	simm.s32 $0x0;
	v5 =	vld [tilespmem:s9+$0x1F0];
	v6 =	vperm.xlane v8, v0;
	s9 =	simm.s32 $0x7C00;
	[tilespmem:s7+$0x0] =	vst v10  }
.LBB2_8:
0x130: {  	v8 =	vld [tilespmem:s9+$0x0];
	s8 =	sadd.s32 $0x8, s8;
	[tilespmem:s7+$0xFFFFFFA0] =	vst v7;
	v1 =	vperm.xlane v1, v0  }
0x131: {  	v7 =	vld [tilespmem:s9+$0x60];
	p0 =	slt.u32 s8, $0xF8;
	[tilespmem:s7+$0xFFFFFFB0] =	vst v6;
	v3 =	vperm.xlane v3, v0  }
0x132: {  	v6 =	vld [tilespmem:s9+$0x50];
	[tilespmem:s7+$0xFFFFFFC0] =	vst v1;
	v1 =	vperm.xlane v2, v0  }
0x133: {  	v2 =	vld [tilespmem:s9+$0x40];
	[tilespmem:s7+$0xFFFFFFD0] =	vst v3;
	v3 =	vperm.xlane v4, v0  }
0x134: {  	v4 =	vld [tilespmem:s9+$0x30];
	v5 =	vperm.xlane v5, v0;
	[tilespmem:s7+$0xFFFFFFE0] =	vst v1  }
0x135: {  	v1 =	vld [tilespmem:s9+$0x20];
	v8 =	vperm.xlane v8, v0;
	[tilespmem:s7+$0xFFFFFFF0] =	vst v3  }
0x136: {  	v3 =	vperm.xlane v7, v0;
	v7 =	vld [tilespmem:s9+$0x10];
	[tilespmem:s7+$0xFFFFFF90] =	vst v5;
	s7 =	sadd.s32 $0x200, s7  }
0x137: {  	v5 =	vld [tilespmem:s9+$0x70];
	v6 =	vperm.xlane v6, v0;
	[tilespmem:s7+$0xFFFFFE80] =	vst v8  }
0x138: {  	[tilespmem:s7+$0xFFFFFE20] =	vst v3;
	v2 =	vperm.xlane v2, v0;
	v3 =	vld [tilespmem:s9+$0x80]  }
0x139: {  	v8 =	vld [tilespmem:s9+$0xE0];
	[tilespmem:s7+$0xFFFFFE30] =	vst v6;
	v4 =	vperm.xlane v4, v0  }
0x13a: {  	v6 =	vld [tilespmem:s9+$0xD0];
	[tilespmem:s7+$0xFFFFFE40] =	vst v2;
	v1 =	vperm.xlane v1, v0  }
0x13b: {  	v2 =	vld [tilespmem:s9+$0xC0];
	[tilespmem:s7+$0xFFFFFE50] =	vst v4;
	v4 =	vperm.xlane v7, v0  }
0x13c: {  	v5 =	vperm.xlane v5, v0;
	v7 =	vld [tilespmem:s9+$0xB0];
	[tilespmem:s7+$0xFFFFFE60] =	vst v1  }
0x13d: {  	v1 =	vld [tilespmem:s9+$0xA0];
	[tilespmem:s7+$0xFFFFFE70] =	vst v4;
	v3 =	vperm.xlane v3, v0  }
0x13e: {  	[tilespmem:s7+$0xFFFFFE10] =	vst v5;
	v4 =	vperm.xlane v8, v0;
	v5 =	vld [tilespmem:s9+$0x90]  }
0x13f: {  	v8 =	vld [tilespmem:s9+$0xF0];
	v6 =	vperm.xlane v6, v0;
	[tilespmem:s7+$0xFFFFFF00] =	vst v3  }
0x140: {  	[tilespmem:s7+$0xFFFFFEA0] =	vst v4;
	v2 =	vperm.xlane v2, v0;
	v3 =	vld [tilespmem:s9+$0x100]  }
0x141: {  	v4 =	vld [tilespmem:s9+$0x160];
	[tilespmem:s7+$0xFFFFFEB0] =	vst v6;
	v6 =	vperm.xlane v7, v0  }
0x142: {  	v7 =	vld [tilespmem:s9+$0x150];
	[tilespmem:s7+$0xFFFFFEC0] =	vst v2;
	v1 =	vperm.xlane v1, v0  }
0x143: {  	v2 =	vld [tilespmem:s9+$0x140];
	[tilespmem:s7+$0xFFFFFED0] =	vst v6;
	v5 =	vperm.xlane v5, v0  }
0x144: {  	v6 =	vperm.xlane v8, v0;
	v8 =	vld [tilespmem:s9+$0x130];
	[tilespmem:s7+$0xFFFFFEE0] =	vst v1  }
0x145: {  	v1 =	vld [tilespmem:s9+$0x120];
	[tilespmem:s7+$0xFFFFFEF0] =	vst v5;
	v3 =	vperm.xlane v3, v0  }
0x146: {  	[tilespmem:s7+$0xFFFFFE90] =	vst v6;
	v4 =	vperm.xlane v4, v0;
	v5 =	vld [tilespmem:s9+$0x110]  }
0x147: {  	v6 =	vld [tilespmem:s9+$0x170];
	v7 =	vperm.xlane v7, v0;
	[tilespmem:s7+$0xFFFFFF80] =	vst v3  }
0x148: {  	[tilespmem:s7+$0xFFFFFF20] =	vst v4;
	v2 =	vperm.xlane v2, v0;
	v4 =	vld [tilespmem:s9+$0x180]  }
0x149: {  	v9 =	vld [tilespmem:s9+$0x1E0];
	[tilespmem:s7+$0xFFFFFF30] =	vst v7;
	v3 =	vperm.xlane v8, v0  }
0x14a: {  	v8 =	vld [tilespmem:s9+$0x1D0];
	[tilespmem:s7+$0xFFFFFF40] =	vst v2;
	v2 =	vperm.xlane v1, v0  }
.Ltmp3:
0x14b: {  	v1 =	vld [tilespmem:s9+$0x1C0];
	[tilespmem:s7+$0xFFFFFF50] =	vst v3;
	v5 =	vperm.xlane v5, v0;
	(pc) =	sbr.rel @p0 .LBB2_8-.Ltmp3, $4  }
0x14c: {  	v6 =	vperm.xlane v6, v0;
	v3 =	vld [tilespmem:s9+$0x1B0];
	[tilespmem:s7+$0xFFFFFF60] =	vst v2  }
0x14d: {  	v2 =	vld [tilespmem:s9+$0x1A0];
	[tilespmem:s7+$0xFFFFFF70] =	vst v5;
	v10 =	vperm.xlane v4, v0  }
0x14e: {  	[tilespmem:s7+$0xFFFFFF10] =	vst v6;
	v7 =	vperm.xlane v9, v0;
	v4 =	vld [tilespmem:s9+$0x190]  }
0x14f: {  	v5 =	vld [tilespmem:s9+$0x1F0];
	v6 =	vperm.xlane v8, v0;
	[tilespmem:s7+$0x0] =	vst v10;
	s9 =	sadd.s32 $0xFFFFFE00, s9  }
0x150: {  	[tilespmem:s7+$0xFFFFFFA0] =	vst v7;
	v1 =	vperm.xlane v1, v0  }
0x151: {  	[tilespmem:s7+$0xFFFFFFB0] =	vst v6;
	v3 =	vperm.xlane v3, v0  }
0x152: {  	[tilespmem:s7+$0xFFFFFFC0] =	vst v1;
	v1 =	vperm.xlane v2, v0  }
0x153: {  	[tilespmem:s7+$0xFFFFFFD0] =	vst v3;
	v2 =	vperm.xlane v4, v0  }
0x154: {  	v3 =	vperm.xlane v5, v0;
	[tilespmem:s7+$0xFFFFFFE0] =	vst v1  }
0x155: {  	[tilespmem:s7+$0xFFFFFFF0] =	vst v2  }
0x156: {  	[tilespmem:s7+$0xFFFFFF90] =	vst v3  }
0x157: {  	[hbm4b:s10+s29] =	stream.strided.scatter [tilespmem:s3], [sflag:$0x4], $0x4000, s30, s29, $0x38;
	[tilespmem:$0x10000] =	vst v63  }
0x158: {  	_ = 	snop  }
0x159: {  	[tilespmem:s31], [sflag:$0x2] =	stream.strided.gather [hbm4b:s11+s29], $0x4000, s30, s29, $0x38;
	[tilespmem:$0x10000] =	vst v63  }
0x15a: {  	_ =	swait.ge [sflag:s20], $0x4000  }
0x15b: {  	[sflag:s20] =	ssyncset.done $0x0  }
0x15c: {  	[sflag:s20] =	ssyncadd.s32 $0xFFFFC000  }
0x15d: {  	_ =	swait.ge [sflag:s4], $0x4000  }
0x15e: {  	[sflag:s4] =	ssyncset.done $0x0  }
0x15f: {  	s9 =	simm.s32 $0x3FF0;
	[sflag:s4] =	ssyncadd.s32 $0xFFFFC000  }
0x160: {  	v1 =	vld [tilespmem:s9+$0xFFFFFE10]  }
0x161: {  	v2 =	vld [tilespmem:s9+$0xFFFFFE70]  }
0x162: {  	v3 =	vld [tilespmem:s9+$0xFFFFFE60]  }
0x163: {  	v4 =	vld [tilespmem:s9+$0xFFFFFE50]  }
0x164: {  	v5 =	vld [tilespmem:s9+$0xFFFFFE40]  }
0x165: {  	v6 =	vld [tilespmem:s9+$0xFFFFFE30];
	v1 =	vperm.xlane v1, v0  }
0x166: {  	s7 =	simm.s32 $0x8100;
	v7 =	vld [tilespmem:s9+$0xFFFFFE20];
	v2 =	vperm.xlane v2, v0  }
0x167: {  	v8 =	vld [tilespmem:s9+$0xFFFFFE80];
	v3 =	vperm.xlane v3, v0;
	[tilespmem:s7+$0xFFFFFF70] =	vst v1  }
0x168: {  	[tilespmem:s7+$0xFFFFFF10] =	vst v2;
	v1 =	vperm.xlane v4, v0;
	v2 =	vld [tilespmem:s9+$0xFFFFFE90]  }
0x169: {  	[tilespmem:s7+$0xFFFFFF20] =	vst v3;
	v3 =	vperm.xlane v5, v0;
	v4 =	vld [tilespmem:s9+$0xFFFFFEF0]  }
0x16a: {  	v5 =	vld [tilespmem:s9+$0xFFFFFEE0];
	[tilespmem:s7+$0xFFFFFF30] =	vst v1;
	v1 =	vperm.xlane v6, v0  }
0x16b: {  	[tilespmem:s7+$0xFFFFFF40] =	vst v3;
	v3 =	vperm.xlane v7, v0;
	v6 =	vld [tilespmem:s9+$0xFFFFFED0]  }
0x16c: {  	v7 =	vperm.xlane v8, v0;
	v8 =	vld [tilespmem:s9+$0xFFFFFEC0];
	[tilespmem:s7+$0xFFFFFF50] =	vst v1  }
0x16d: {  	[tilespmem:s7+$0xFFFFFF60] =	vst v3;
	v1 =	vld [tilespmem:s9+$0xFFFFFEB0];
	v2 =	vperm.xlane v2, v0  }
0x16e: {  	[tilespmem:s7+$0xFFFFFF00] =	vst v7;
	v3 =	vperm.xlane v4, v0;
	v4 =	vld [tilespmem:s9+$0xFFFFFEA0]  }
0x16f: {  	v7 =	vld [tilespmem:s9+$0xFFFFFF00];
	v5 =	vperm.xlane v5, v0;
	[tilespmem:s7+$0xFFFFFFF0] =	vst v2  }
0x170: {  	[tilespmem:s7+$0xFFFFFF90] =	vst v3;
	v2 =	vperm.xlane v6, v0;
	v3 =	vld [tilespmem:s9+$0xFFFFFF10]  }
0x171: {  	[tilespmem:s7+$0xFFFFFFA0] =	vst v5;
	v5 =	vperm.xlane v8, v0;
	v6 =	vld [tilespmem:s9+$0xFFFFFF70]  }
0x172: {  	v8 =	vld [tilespmem:s9+$0xFFFFFF60];
	[tilespmem:s7+$0xFFFFFFB0] =	vst v2;
	v1 =	vperm.xlane v1, v0  }
0x173: {  	[tilespmem:s7+$0xFFFFFFC0] =	vst v5;
	v2 =	vld [tilespmem:s9+$0xFFFFFF50];
	v4 =	vperm.xlane v4, v0  }
0x174: {  	v5 =	vperm.xlane v7, v0;
	v7 =	vld [tilespmem:s9+$0xFFFFFF40];
	[tilespmem:s7+$0xFFFFFFD0] =	vst v1  }
0x175: {  	v1 =	vld [tilespmem:s9+$0xFFFFFF30];
	[tilespmem:s7+$0xFFFFFFE0] =	vst v4;
	v3 =	vperm.xlane v3, v0  }
0x176: {  	[tilespmem:s7+$0xFFFFFF80] =	vst v5;
	v4 =	vperm.xlane v6, v0;
	v5 =	vld [tilespmem:s9+$0xFFFFFF20]  }
0x177: {  	v6 =	vld [tilespmem:s9+$0xFFFFFF80];
	v8 =	vperm.xlane v8, v0;
	[tilespmem:s7+$0x70] =	vst v3  }
0x178: {  	[tilespmem:s7+$0x10] =	vst v4;
	v2 =	vperm.xlane v2, v0;
	v4 =	vld [tilespmem:s9+$0xFFFFFF90]  }
0x179: {  	[tilespmem:s7+$0x20] =	vst v8;
	v3 =	vperm.xlane v7, v0;
	v9 =	vld [tilespmem:s9+$0xFFFFFFF0]  }
0x17a: {  	v8 =	vld [tilespmem:s9+$0xFFFFFFE0];
	[tilespmem:s7+$0x30] =	vst v2;
	v2 =	vperm.xlane v1, v0  }
0x17b: {  	[tilespmem:s7+$0x40] =	vst v3;
	v1 =	vld [tilespmem:s9+$0xFFFFFFD0];
	v5 =	vperm.xlane v5, v0  }
0x17c: {  	v6 =	vperm.xlane v6, v0;
	v3 =	vld [tilespmem:s9+$0xFFFFFFC0];
	[tilespmem:s7+$0x50] =	vst v2  }
0x17d: {  	v2 =	vld [tilespmem:s9+$0xFFFFFFB0];
	[tilespmem:s7+$0x60] =	vst v5;
	v10 =	vperm.xlane v4, v0  }
0x17e: {  	[tilespmem:s7+$0x0] =	vst v6;
	v4 =	vld [tilespmem:s9+$0xFFFFFFA0];
	v7 =	vperm.xlane v9, v0  }
0x17f: {  	s8 =	simm.s32 $0x0;
	v5 =	vld [tilespmem:s9+$0x0];
	v6 =	vperm.xlane v8, v0;
	s9 =	simm.s32 $0x3DF0;
	[tilespmem:s7+$0xF0] =	vst v10  }
.LBB2_10:
0x180: {  	v8 =	vld [tilespmem:s9+$0xFFFFFE10];
	s8 =	sadd.s32 $0x8, s8;
	[tilespmem:s7+$0x90] =	vst v7;
	v1 =	vperm.xlane v1, v0  }
0x181: {  	v7 =	vld [tilespmem:s9+$0xFFFFFE70];
	p0 =	slt.u32 s8, $0xF8;
	[tilespmem:s7+$0xA0] =	vst v6;
	v3 =	vperm.xlane v3, v0  }
0x182: {  	v6 =	vld [tilespmem:s9+$0xFFFFFE60];
	[tilespmem:s7+$0xB0] =	vst v1;
	v1 =	vperm.xlane v2, v0  }
0x183: {  	v2 =	vld [tilespmem:s9+$0xFFFFFE50];
	[tilespmem:s7+$0xC0] =	vst v3;
	v3 =	vperm.xlane v4, v0  }
0x184: {  	v4 =	vld [tilespmem:s9+$0xFFFFFE40];
	v5 =	vperm.xlane v5, v0;
	[tilespmem:s7+$0xD0] =	vst v1  }
0x185: {  	v1 =	vld [tilespmem:s9+$0xFFFFFE30];
	v8 =	vperm.xlane v8, v0;
	[tilespmem:s7+$0xE0] =	vst v3  }
0x186: {  	v3 =	vperm.xlane v7, v0;
	v7 =	vld [tilespmem:s9+$0xFFFFFE20];
	[tilespmem:s7+$0x80] =	vst v5;
	s7 =	sadd.s32 $0x200, s7  }
0x187: {  	v5 =	vld [tilespmem:s9+$0xFFFFFE80];
	v6 =	vperm.xlane v6, v0;
	[tilespmem:s7+$0xFFFFFF70] =	vst v8  }
0x188: {  	[tilespmem:s7+$0xFFFFFF10] =	vst v3;
	v2 =	vperm.xlane v2, v0;
	v3 =	vld [tilespmem:s9+$0xFFFFFE90]  }
0x189: {  	v8 =	vld [tilespmem:s9+$0xFFFFFEF0];
	[tilespmem:s7+$0xFFFFFF20] =	vst v6;
	v4 =	vperm.xlane v4, v0  }
0x18a: {  	v6 =	vld [tilespmem:s9+$0xFFFFFEE0];
	[tilespmem:s7+$0xFFFFFF30] =	vst v2;
	v1 =	vperm.xlane v1, v0  }
0x18b: {  	v2 =	vld [tilespmem:s9+$0xFFFFFED0];
	[tilespmem:s7+$0xFFFFFF40] =	vst v4;
	v4 =	vperm.xlane v7, v0  }
0x18c: {  	v5 =	vperm.xlane v5, v0;
	v7 =	vld [tilespmem:s9+$0xFFFFFEC0];
	[tilespmem:s7+$0xFFFFFF50] =	vst v1  }
0x18d: {  	v1 =	vld [tilespmem:s9+$0xFFFFFEB0];
	[tilespmem:s7+$0xFFFFFF60] =	vst v4;
	v3 =	vperm.xlane v3, v0  }
0x18e: {  	[tilespmem:s7+$0xFFFFFF00] =	vst v5;
	v4 =	vperm.xlane v8, v0;
	v5 =	vld [tilespmem:s9+$0xFFFFFEA0]  }
0x18f: {  	v8 =	vld [tilespmem:s9+$0xFFFFFF00];
	v6 =	vperm.xlane v6, v0;
	[tilespmem:s7+$0xFFFFFFF0] =	vst v3  }
0x190: {  	[tilespmem:s7+$0xFFFFFF90] =	vst v4;
	v2 =	vperm.xlane v2, v0;
	v3 =	vld [tilespmem:s9+$0xFFFFFF10]  }
0x191: {  	v4 =	vld [tilespmem:s9+$0xFFFFFF70];
	[tilespmem:s7+$0xFFFFFFA0] =	vst v6;
	v6 =	vperm.xlane v7, v0  }
0x192: {  	v7 =	vld [tilespmem:s9+$0xFFFFFF60];
	[tilespmem:s7+$0xFFFFFFB0] =	vst v2;
	v1 =	vperm.xlane v1, v0  }
0x193: {  	v2 =	vld [tilespmem:s9+$0xFFFFFF50];
	[tilespmem:s7+$0xFFFFFFC0] =	vst v6;
	v5 =	vperm.xlane v5, v0  }
0x194: {  	v6 =	vperm.xlane v8, v0;
	v8 =	vld [tilespmem:s9+$0xFFFFFF40];
	[tilespmem:s7+$0xFFFFFFD0] =	vst v1  }
0x195: {  	v1 =	vld [tilespmem:s9+$0xFFFFFF30];
	[tilespmem:s7+$0xFFFFFFE0] =	vst v5;
	v3 =	vperm.xlane v3, v0  }
0x196: {  	[tilespmem:s7+$0xFFFFFF80] =	vst v6;
	v4 =	vperm.xlane v4, v0;
	v5 =	vld [tilespmem:s9+$0xFFFFFF20]  }
0x197: {  	v6 =	vld [tilespmem:s9+$0xFFFFFF80];
	v7 =	vperm.xlane v7, v0;
	[tilespmem:s7+$0x70] =	vst v3  }
0x198: {  	[tilespmem:s7+$0x10] =	vst v4;
	v2 =	vperm.xlane v2, v0;
	v4 =	vld [tilespmem:s9+$0xFFFFFF90]  }
0x199: {  	v9 =	vld [tilespmem:s9+$0xFFFFFFF0];
	[tilespmem:s7+$0x20] =	vst v7;
	v3 =	vperm.xlane v8, v0  }
0x19a: {  	v8 =	vld [tilespmem:s9+$0xFFFFFFE0];
	[tilespmem:s7+$0x30] =	vst v2;
	v2 =	vperm.xlane v1, v0  }
.Ltmp4:
0x19b: {  	v1 =	vld [tilespmem:s9+$0xFFFFFFD0];
	[tilespmem:s7+$0x40] =	vst v3;
	v5 =	vperm.xlane v5, v0;
	(pc) =	sbr.rel @p0 .LBB2_10-.Ltmp4, $4  }
0x19c: {  	v6 =	vperm.xlane v6, v0;
	v3 =	vld [tilespmem:s9+$0xFFFFFFC0];
	[tilespmem:s7+$0x50] =	vst v2  }
0x19d: {  	v2 =	vld [tilespmem:s9+$0xFFFFFFB0];
	[tilespmem:s7+$0x60] =	vst v5;
	v10 =	vperm.xlane v4, v0  }
0x19e: {  	[tilespmem:s7+$0x0] =	vst v6;
	v7 =	vperm.xlane v9, v0;
	v4 =	vld [tilespmem:s9+$0xFFFFFFA0]  }
0x19f: {  	v5 =	vld [tilespmem:s9+$0x0];
	v6 =	vperm.xlane v8, v0;
	[tilespmem:s7+$0xF0] =	vst v10;
	s9 =	sadd.s32 $0xFFFFFE00, s9  }
0x1a0: {  	[tilespmem:s7+$0x90] =	vst v7;
	v1 =	vperm.xlane v1, v0  }
0x1a1: {  	[tilespmem:s7+$0xA0] =	vst v6;
	v3 =	vperm.xlane v3, v0  }
0x1a2: {  	[tilespmem:s7+$0xB0] =	vst v1;
	v1 =	vperm.xlane v2, v0  }
0x1a3: {  	[tilespmem:s7+$0xC0] =	vst v3;
	v2 =	vperm.xlane v4, v0  }
0x1a4: {  	v3 =	vperm.xlane v5, v0;
	[tilespmem:s7+$0xD0] =	vst v1  }
0x1a5: {  	[tilespmem:s7+$0xE0] =	vst v2  }
0x1a6: {  	[tilespmem:s7+$0x80] =	vst v3  }
0x1a7: {  	[hbm4b:s12+s29] =	stream.strided.scatter [tilespmem:s0], [sflag:$0x3], $0x4000, s30, s29, $0x38;
	[tilespmem:$0x10000] =	vst v63  }
0x1a8: {  	_ = 	snop  }
0x1a9: {  	[tilespmem:s1], [sflag:$0x1] =	stream.strided.gather [hbm4b:s13+s29], $0x4000, s30, s29, $0x38;
	[tilespmem:$0x10000] =	vst v63  }
0x1aa: {  	_ =	swait.ge [sflag:s2], $0x4000  }
0x1ab: {  	[sflag:s2] =	ssyncset.done $0x0  }
0x1ac: {  	[sflag:s2] =	ssyncadd.s32 $0xFFFFC000  }
0x1ad: {  	_ =	swait.ge [sflag:s5], $0x4000  }
0x1ae: {  	[sflag:s5] =	ssyncset.done $0x0  }
0x1af: {  	s9 =	simm.s32 $0x7E00;
	[sflag:s5] =	ssyncadd.s32 $0xFFFFC000  }
0x1b0: {  	v1 =	vld [tilespmem:s9+$0x0]  }
0x1b1: {  	v2 =	vld [tilespmem:s9+$0x60]  }
0x1b2: {  	v3 =	vld [tilespmem:s9+$0x50]  }
0x1b3: {  	v4 =	vld [tilespmem:s9+$0x40]  }
0x1b4: {  	v5 =	vld [tilespmem:s9+$0x30]  }
0x1b5: {  	v6 =	vld [tilespmem:s9+$0x20];
	v1 =	vperm.xlane v1, v0  }
0x1b6: {  	s7 =	simm.s32 $0xC1F0;
	v7 =	vld [tilespmem:s9+$0x10];
	v2 =	vperm.xlane v2, v0  }
0x1b7: {  	v8 =	vld [tilespmem:s9+$0x70];
	v3 =	vperm.xlane v3, v0;
	[tilespmem:s7+$0xFFFFFE80] =	vst v1  }
0x1b8: {  	[tilespmem:s7+$0xFFFFFE20] =	vst v2;
	v1 =	vperm.xlane v4, v0;
	v2 =	vld [tilespmem:s9+$0x80]  }
0x1b9: {  	[tilespmem:s7+$0xFFFFFE30] =	vst v3;
	v3 =	vperm.xlane v5, v0;
	v4 =	vld [tilespmem:s9+$0xE0]  }
0x1ba: {  	v5 =	vld [tilespmem:s9+$0xD0];
	[tilespmem:s7+$0xFFFFFE40] =	vst v1;
	v1 =	vperm.xlane v6, v0  }
0x1bb: {  	[tilespmem:s7+$0xFFFFFE50] =	vst v3;
	v3 =	vperm.xlane v7, v0;
	v6 =	vld [tilespmem:s9+$0xC0]  }
0x1bc: {  	v7 =	vperm.xlane v8, v0;
	v8 =	vld [tilespmem:s9+$0xB0];
	[tilespmem:s7+$0xFFFFFE60] =	vst v1  }
0x1bd: {  	[tilespmem:s7+$0xFFFFFE70] =	vst v3;
	v1 =	vld [tilespmem:s9+$0xA0];
	v2 =	vperm.xlane v2, v0  }
0x1be: {  	[tilespmem:s7+$0xFFFFFE10] =	vst v7;
	v3 =	vperm.xlane v4, v0;
	v4 =	vld [tilespmem:s9+$0x90]  }
0x1bf: {  	v7 =	vld [tilespmem:s9+$0xF0];
	v5 =	vperm.xlane v5, v0;
	[tilespmem:s7+$0xFFFFFF00] =	vst v2  }
0x1c0: {  	[tilespmem:s7+$0xFFFFFEA0] =	vst v3;
	v2 =	vperm.xlane v6, v0;
	v3 =	vld [tilespmem:s9+$0x100]  }
0x1c1: {  	[tilespmem:s7+$0xFFFFFEB0] =	vst v5;
	v5 =	vperm.xlane v8, v0;
	v6 =	vld [tilespmem:s9+$0x160]  }
0x1c2: {  	v8 =	vld [tilespmem:s9+$0x150];
	[tilespmem:s7+$0xFFFFFEC0] =	vst v2;
	v1 =	vperm.xlane v1, v0  }
0x1c3: {  	[tilespmem:s7+$0xFFFFFED0] =	vst v5;
	v2 =	vld [tilespmem:s9+$0x140];
	v4 =	vperm.xlane v4, v0  }
0x1c4: {  	v5 =	vperm.xlane v7, v0;
	v7 =	vld [tilespmem:s9+$0x130];
	[tilespmem:s7+$0xFFFFFEE0] =	vst v1  }
0x1c5: {  	v1 =	vld [tilespmem:s9+$0x120];
	[tilespmem:s7+$0xFFFFFEF0] =	vst v4;
	v3 =	vperm.xlane v3, v0  }
0x1c6: {  	[tilespmem:s7+$0xFFFFFE90] =	vst v5;
	v4 =	vperm.xlane v6, v0;
	v5 =	vld [tilespmem:s9+$0x110]  }
0x1c7: {  	v6 =	vld [tilespmem:s9+$0x170];
	v8 =	vperm.xlane v8, v0;
	[tilespmem:s7+$0xFFFFFF80] =	vst v3  }
0x1c8: {  	[tilespmem:s7+$0xFFFFFF20] =	vst v4;
	v2 =	vperm.xlane v2, v0;
	v4 =	vld [tilespmem:s9+$0x180]  }
0x1c9: {  	[tilespmem:s7+$0xFFFFFF30] =	vst v8;
	v3 =	vperm.xlane v7, v0;
	v9 =	vld [tilespmem:s9+$0x1E0]  }
0x1ca: {  	v8 =	vld [tilespmem:s9+$0x1D0];
	[tilespmem:s7+$0xFFFFFF40] =	vst v2;
	v2 =	vperm.xlane v1, v0  }
0x1cb: {  	[tilespmem:s7+$0xFFFFFF50] =	vst v3;
	v1 =	vld [tilespmem:s9+$0x1C0];
	v5 =	vperm.xlane v5, v0  }
0x1cc: {  	v6 =	vperm.xlane v6, v0;
	v3 =	vld [tilespmem:s9+$0x1B0];
	[tilespmem:s7+$0xFFFFFF60] =	vst v2  }
0x1cd: {  	v2 =	vld [tilespmem:s9+$0x1A0];
	[tilespmem:s7+$0xFFFFFF70] =	vst v5;
	v10 =	vperm.xlane v4, v0  }
0x1ce: {  	[tilespmem:s7+$0xFFFFFF10] =	vst v6;
	v4 =	vld [tilespmem:s9+$0x190];
	v7 =	vperm.xlane v9, v0  }
0x1cf: {  	s8 =	simm.s32 $0x0;
	v5 =	vld [tilespmem:s9+$0x1F0];
	v6 =	vperm.xlane v8, v0;
	s9 =	simm.s32 $0x7C00;
	[tilespmem:s7+$0x0] =	vst v10  }
.LBB2_12:
0x1d0: {  	v8 =	vld [tilespmem:s9+$0x0];
	s8 =	sadd.s32 $0x8, s8;
	[tilespmem:s7+$0xFFFFFFA0] =	vst v7;
	v1 =	vperm.xlane v1, v0  }
0x1d1: {  	v7 =	vld [tilespmem:s9+$0x60];
	p0 =	slt.u32 s8, $0xF8;
	[tilespmem:s7+$0xFFFFFFB0] =	vst v6;
	v3 =	vperm.xlane v3, v0  }
0x1d2: {  	v6 =	vld [tilespmem:s9+$0x50];
	[tilespmem:s7+$0xFFFFFFC0] =	vst v1;
	v1 =	vperm.xlane v2, v0  }
0x1d3: {  	v2 =	vld [tilespmem:s9+$0x40];
	[tilespmem:s7+$0xFFFFFFD0] =	vst v3;
	v3 =	vperm.xlane v4, v0  }
0x1d4: {  	v4 =	vld [tilespmem:s9+$0x30];
	v5 =	vperm.xlane v5, v0;
	[tilespmem:s7+$0xFFFFFFE0] =	vst v1  }
0x1d5: {  	v1 =	vld [tilespmem:s9+$0x20];
	v8 =	vperm.xlane v8, v0;
	[tilespmem:s7+$0xFFFFFFF0] =	vst v3  }
0x1d6: {  	v3 =	vperm.xlane v7, v0;
	v7 =	vld [tilespmem:s9+$0x10];
	[tilespmem:s7+$0xFFFFFF90] =	vst v5;
	s7 =	sadd.s32 $0x200, s7  }
0x1d7: {  	v5 =	vld [tilespmem:s9+$0x70];
	v6 =	vperm.xlane v6, v0;
	[tilespmem:s7+$0xFFFFFE80] =	vst v8  }
0x1d8: {  	[tilespmem:s7+$0xFFFFFE20] =	vst v3;
	v2 =	vperm.xlane v2, v0;
	v3 =	vld [tilespmem:s9+$0x80]  }
0x1d9: {  	v8 =	vld [tilespmem:s9+$0xE0];
	[tilespmem:s7+$0xFFFFFE30] =	vst v6;
	v4 =	vperm.xlane v4, v0  }
0x1da: {  	v6 =	vld [tilespmem:s9+$0xD0];
	[tilespmem:s7+$0xFFFFFE40] =	vst v2;
	v1 =	vperm.xlane v1, v0  }
0x1db: {  	v2 =	vld [tilespmem:s9+$0xC0];
	[tilespmem:s7+$0xFFFFFE50] =	vst v4;
	v4 =	vperm.xlane v7, v0  }
0x1dc: {  	v5 =	vperm.xlane v5, v0;
	v7 =	vld [tilespmem:s9+$0xB0];
	[tilespmem:s7+$0xFFFFFE60] =	vst v1  }
0x1dd: {  	v1 =	vld [tilespmem:s9+$0xA0];
	[tilespmem:s7+$0xFFFFFE70] =	vst v4;
	v3 =	vperm.xlane v3, v0  }
0x1de: {  	[tilespmem:s7+$0xFFFFFE10] =	vst v5;
	v4 =	vperm.xlane v8, v0;
	v5 =	vld [tilespmem:s9+$0x90]  }
0x1df: {  	v8 =	vld [tilespmem:s9+$0xF0];
	v6 =	vperm.xlane v6, v0;
	[tilespmem:s7+$0xFFFFFF00] =	vst v3  }
0x1e0: {  	[tilespmem:s7+$0xFFFFFEA0] =	vst v4;
	v2 =	vperm.xlane v2, v0;
	v3 =	vld [tilespmem:s9+$0x100]  }
0x1e1: {  	v4 =	vld [tilespmem:s9+$0x160];
	[tilespmem:s7+$0xFFFFFEB0] =	vst v6;
	v6 =	vperm.xlane v7, v0  }
0x1e2: {  	v7 =	vld [tilespmem:s9+$0x150];
	[tilespmem:s7+$0xFFFFFEC0] =	vst v2;
	v1 =	vperm.xlane v1, v0  }
0x1e3: {  	v2 =	vld [tilespmem:s9+$0x140];
	[tilespmem:s7+$0xFFFFFED0] =	vst v6;
	v5 =	vperm.xlane v5, v0  }
0x1e4: {  	v6 =	vperm.xlane v8, v0;
	v8 =	vld [tilespmem:s9+$0x130];
	[tilespmem:s7+$0xFFFFFEE0] =	vst v1  }
0x1e5: {  	v1 =	vld [tilespmem:s9+$0x120];
	[tilespmem:s7+$0xFFFFFEF0] =	vst v5;
	v3 =	vperm.xlane v3, v0  }
0x1e6: {  	[tilespmem:s7+$0xFFFFFE90] =	vst v6;
	v4 =	vperm.xlane v4, v0;
	v5 =	vld [tilespmem:s9+$0x110]  }
0x1e7: {  	v6 =	vld [tilespmem:s9+$0x170];
	v7 =	vperm.xlane v7, v0;
	[tilespmem:s7+$0xFFFFFF80] =	vst v3  }
0x1e8: {  	[tilespmem:s7+$0xFFFFFF20] =	vst v4;
	v2 =	vperm.xlane v2, v0;
	v4 =	vld [tilespmem:s9+$0x180]  }
0x1e9: {  	v9 =	vld [tilespmem:s9+$0x1E0];
	[tilespmem:s7+$0xFFFFFF30] =	vst v7;
	v3 =	vperm.xlane v8, v0  }
0x1ea: {  	v8 =	vld [tilespmem:s9+$0x1D0];
	[tilespmem:s7+$0xFFFFFF40] =	vst v2;
	v2 =	vperm.xlane v1, v0  }
.Ltmp5:
0x1eb: {  	v1 =	vld [tilespmem:s9+$0x1C0];
	[tilespmem:s7+$0xFFFFFF50] =	vst v3;
	v5 =	vperm.xlane v5, v0;
	(pc) =	sbr.rel @p0 .LBB2_12-.Ltmp5, $4  }
0x1ec: {  	v6 =	vperm.xlane v6, v0;
	v3 =	vld [tilespmem:s9+$0x1B0];
	[tilespmem:s7+$0xFFFFFF60] =	vst v2  }
0x1ed: {  	v2 =	vld [tilespmem:s9+$0x1A0];
	[tilespmem:s7+$0xFFFFFF70] =	vst v5;
	v10 =	vperm.xlane v4, v0  }
0x1ee: {  	[tilespmem:s7+$0xFFFFFF10] =	vst v6;
	v7 =	vperm.xlane v9, v0;
	v4 =	vld [tilespmem:s9+$0x190]  }
0x1ef: {  	v5 =	vld [tilespmem:s9+$0x1F0];
	v6 =	vperm.xlane v8, v0;
	[tilespmem:s7+$0x0] =	vst v10;
	s9 =	sadd.s32 $0xFFFFFE00, s9  }
0x1f0: {  	[tilespmem:s7+$0xFFFFFFA0] =	vst v7;
	v1 =	vperm.xlane v1, v0  }
0x1f1: {  	[tilespmem:s7+$0xFFFFFFB0] =	vst v6;
	v3 =	vperm.xlane v3, v0  }
0x1f2: {  	[tilespmem:s7+$0xFFFFFFC0] =	vst v1;
	v1 =	vperm.xlane v2, v0  }
0x1f3: {  	[tilespmem:s7+$0xFFFFFFD0] =	vst v3;
	v2 =	vperm.xlane v4, v0  }
0x1f4: {  	v3 =	vperm.xlane v5, v0;
	[tilespmem:s7+$0xFFFFFFE0] =	vst v1  }
0x1f5: {  	[tilespmem:s7+$0xFFFFFFF0] =	vst v2  }
0x1f6: {  	[tilespmem:s7+$0xFFFFFF90] =	vst v3  }
0x1f7: {  	[hbm4b:s14+s29] =	stream.strided.scatter [tilespmem:s3], [sflag:$0x4], $0x4000, s30, s29, $0x38;
	[tilespmem:$0x10000] =	vst v63  }
0x1f8: {  	_ = 	snop  }
0x1f9: {  	[tilespmem:s31], [sflag:$0x2] =	stream.strided.gather [hbm4b:s15+s29], $0x4000, s30, s29, $0x38;
	[tilespmem:$0x10000] =	vst v63  }
0x1fa: {  	_ =	swait.ge [sflag:s20], $0x4000  }
0x1fb: {  	[sflag:s20] =	ssyncset.done $0x0  }
0x1fc: {  	[sflag:s20] =	ssyncadd.s32 $0xFFFFC000  }
0x1fd: {  	_ =	swait.ge [sflag:s4], $0x4000  }
0x1fe: {  	[sflag:s4] =	ssyncset.done $0x0  }
0x1ff: {  	s9 =	simm.s32 $0x3FF0;
	[sflag:s4] =	ssyncadd.s32 $0xFFFFC000  }
0x200: {  	v1 =	vld [tilespmem:s9+$0xFFFFFE10]  }
0x201: {  	v2 =	vld [tilespmem:s9+$0xFFFFFE70]  }
0x202: {  	v3 =	vld [tilespmem:s9+$0xFFFFFE60]  }
0x203: {  	v4 =	vld [tilespmem:s9+$0xFFFFFE50]  }
0x204: {  	v5 =	vld [tilespmem:s9+$0xFFFFFE40]  }
0x205: {  	v6 =	vld [tilespmem:s9+$0xFFFFFE30];
	v1 =	vperm.xlane v1, v0  }
0x206: {  	s7 =	simm.s32 $0x8100;
	v7 =	vld [tilespmem:s9+$0xFFFFFE20];
	v2 =	vperm.xlane v2, v0  }
0x207: {  	v8 =	vld [tilespmem:s9+$0xFFFFFE80];
	v3 =	vperm.xlane v3, v0;
	[tilespmem:s7+$0xFFFFFF70] =	vst v1  }
0x208: {  	[tilespmem:s7+$0xFFFFFF10] =	vst v2;
	v1 =	vperm.xlane v4, v0;
	v2 =	vld [tilespmem:s9+$0xFFFFFE90]  }
0x209: {  	[tilespmem:s7+$0xFFFFFF20] =	vst v3;
	v3 =	vperm.xlane v5, v0;
	v4 =	vld [tilespmem:s9+$0xFFFFFEF0]  }
0x20a: {  	v5 =	vld [tilespmem:s9+$0xFFFFFEE0];
	[tilespmem:s7+$0xFFFFFF30] =	vst v1;
	v1 =	vperm.xlane v6, v0  }
0x20b: {  	[tilespmem:s7+$0xFFFFFF40] =	vst v3;
	v3 =	vperm.xlane v7, v0;
	v6 =	vld [tilespmem:s9+$0xFFFFFED0]  }
0x20c: {  	v7 =	vperm.xlane v8, v0;
	v8 =	vld [tilespmem:s9+$0xFFFFFEC0];
	[tilespmem:s7+$0xFFFFFF50] =	vst v1  }
0x20d: {  	[tilespmem:s7+$0xFFFFFF60] =	vst v3;
	v1 =	vld [tilespmem:s9+$0xFFFFFEB0];
	v2 =	vperm.xlane v2, v0  }
0x20e: {  	[tilespmem:s7+$0xFFFFFF00] =	vst v7;
	v3 =	vperm.xlane v4, v0;
	v4 =	vld [tilespmem:s9+$0xFFFFFEA0]  }
0x20f: {  	v7 =	vld [tilespmem:s9+$0xFFFFFF00];
	v5 =	vperm.xlane v5, v0;
	[tilespmem:s7+$0xFFFFFFF0] =	vst v2  }
0x210: {  	[tilespmem:s7+$0xFFFFFF90] =	vst v3;
	v2 =	vperm.xlane v6, v0;
	v3 =	vld [tilespmem:s9+$0xFFFFFF10]  }
0x211: {  	[tilespmem:s7+$0xFFFFFFA0] =	vst v5;
	v5 =	vperm.xlane v8, v0;
	v6 =	vld [tilespmem:s9+$0xFFFFFF70]  }
0x212: {  	v8 =	vld [tilespmem:s9+$0xFFFFFF60];
	[tilespmem:s7+$0xFFFFFFB0] =	vst v2;
	v1 =	vperm.xlane v1, v0  }
0x213: {  	[tilespmem:s7+$0xFFFFFFC0] =	vst v5;
	v2 =	vld [tilespmem:s9+$0xFFFFFF50];
	v4 =	vperm.xlane v4, v0  }
0x214: {  	v5 =	vperm.xlane v7, v0;
	v7 =	vld [tilespmem:s9+$0xFFFFFF40];
	[tilespmem:s7+$0xFFFFFFD0] =	vst v1  }
0x215: {  	v1 =	vld [tilespmem:s9+$0xFFFFFF30];
	[tilespmem:s7+$0xFFFFFFE0] =	vst v4;
	v3 =	vperm.xlane v3, v0  }
0x216: {  	[tilespmem:s7+$0xFFFFFF80] =	vst v5;
	v4 =	vperm.xlane v6, v0;
	v5 =	vld [tilespmem:s9+$0xFFFFFF20]  }
0x217: {  	v6 =	vld [tilespmem:s9+$0xFFFFFF80];
	v8 =	vperm.xlane v8, v0;
	[tilespmem:s7+$0x70] =	vst v3  }
0x218: {  	[tilespmem:s7+$0x10] =	vst v4;
	v2 =	vperm.xlane v2, v0;
	v4 =	vld [tilespmem:s9+$0xFFFFFF90]  }
0x219: {  	[tilespmem:s7+$0x20] =	vst v8;
	v3 =	vperm.xlane v7, v0;
	v9 =	vld [tilespmem:s9+$0xFFFFFFF0]  }
0x21a: {  	v8 =	vld [tilespmem:s9+$0xFFFFFFE0];
	[tilespmem:s7+$0x30] =	vst v2;
	v2 =	vperm.xlane v1, v0  }
0x21b: {  	[tilespmem:s7+$0x40] =	vst v3;
	v1 =	vld [tilespmem:s9+$0xFFFFFFD0];
	v5 =	vperm.xlane v5, v0  }
0x21c: {  	v6 =	vperm.xlane v6, v0;
	v3 =	vld [tilespmem:s9+$0xFFFFFFC0];
	[tilespmem:s7+$0x50] =	vst v2  }
0x21d: {  	v2 =	vld [tilespmem:s9+$0xFFFFFFB0];
	[tilespmem:s7+$0x60] =	vst v5;
	v10 =	vperm.xlane v4, v0  }
0x21e: {  	[tilespmem:s7+$0x0] =	vst v6;
	v4 =	vld [tilespmem:s9+$0xFFFFFFA0];
	v7 =	vperm.xlane v9, v0  }
0x21f: {  	s8 =	simm.s32 $0x0;
	v5 =	vld [tilespmem:s9+$0x0];
	v6 =	vperm.xlane v8, v0;
	s9 =	simm.s32 $0x3DF0;
	[tilespmem:s7+$0xF0] =	vst v10  }
.LBB2_14:
0x220: {  	v8 =	vld [tilespmem:s9+$0xFFFFFE10];
	s8 =	sadd.s32 $0x8, s8;
	[tilespmem:s7+$0x90] =	vst v7;
	v1 =	vperm.xlane v1, v0  }
0x221: {  	v7 =	vld [tilespmem:s9+$0xFFFFFE70];
	p0 =	slt.u32 s8, $0xF8;
	[tilespmem:s7+$0xA0] =	vst v6;
	v3 =	vperm.xlane v3, v0  }
0x222: {  	v6 =	vld [tilespmem:s9+$0xFFFFFE60];
	[tilespmem:s7+$0xB0] =	vst v1;
	v1 =	vperm.xlane v2, v0  }
0x223: {  	v2 =	vld [tilespmem:s9+$0xFFFFFE50];
	[tilespmem:s7+$0xC0] =	vst v3;
	v3 =	vperm.xlane v4, v0  }
0x224: {  	v4 =	vld [tilespmem:s9+$0xFFFFFE40];
	v5 =	vperm.xlane v5, v0;
	[tilespmem:s7+$0xD0] =	vst v1  }
0x225: {  	v1 =	vld [tilespmem:s9+$0xFFFFFE30];
	v8 =	vperm.xlane v8, v0;
	[tilespmem:s7+$0xE0] =	vst v3  }
0x226: {  	v3 =	vperm.xlane v7, v0;
	v7 =	vld [tilespmem:s9+$0xFFFFFE20];
	[tilespmem:s7+$0x80] =	vst v5;
	s7 =	sadd.s32 $0x200, s7  }
0x227: {  	v5 =	vld [tilespmem:s9+$0xFFFFFE80];
	v6 =	vperm.xlane v6, v0;
	[tilespmem:s7+$0xFFFFFF70] =	vst v8  }
0x228: {  	[tilespmem:s7+$0xFFFFFF10] =	vst v3;
	v2 =	vperm.xlane v2, v0;
	v3 =	vld [tilespmem:s9+$0xFFFFFE90]  }
0x229: {  	v8 =	vld [tilespmem:s9+$0xFFFFFEF0];
	[tilespmem:s7+$0xFFFFFF20] =	vst v6;
	v4 =	vperm.xlane v4, v0  }
0x22a: {  	v6 =	vld [tilespmem:s9+$0xFFFFFEE0];
	[tilespmem:s7+$0xFFFFFF30] =	vst v2;
	v1 =	vperm.xlane v1, v0  }
0x22b: {  	v2 =	vld [tilespmem:s9+$0xFFFFFED0];
	[tilespmem:s7+$0xFFFFFF40] =	vst v4;
	v4 =	vperm.xlane v7, v0  }
0x22c: {  	v5 =	vperm.xlane v5, v0;
	v7 =	vld [tilespmem:s9+$0xFFFFFEC0];
	[tilespmem:s7+$0xFFFFFF50] =	vst v1  }
0x22d: {  	v1 =	vld [tilespmem:s9+$0xFFFFFEB0];
	[tilespmem:s7+$0xFFFFFF60] =	vst v4;
	v3 =	vperm.xlane v3, v0  }
0x22e: {  	[tilespmem:s7+$0xFFFFFF00] =	vst v5;
	v4 =	vperm.xlane v8, v0;
	v5 =	vld [tilespmem:s9+$0xFFFFFEA0]  }
0x22f: {  	v8 =	vld [tilespmem:s9+$0xFFFFFF00];
	v6 =	vperm.xlane v6, v0;
	[tilespmem:s7+$0xFFFFFFF0] =	vst v3  }
0x230: {  	[tilespmem:s7+$0xFFFFFF90] =	vst v4;
	v2 =	vperm.xlane v2, v0;
	v3 =	vld [tilespmem:s9+$0xFFFFFF10]  }
0x231: {  	v4 =	vld [tilespmem:s9+$0xFFFFFF70];
	[tilespmem:s7+$0xFFFFFFA0] =	vst v6;
	v6 =	vperm.xlane v7, v0  }
0x232: {  	v7 =	vld [tilespmem:s9+$0xFFFFFF60];
	[tilespmem:s7+$0xFFFFFFB0] =	vst v2;
	v1 =	vperm.xlane v1, v0  }
0x233: {  	v2 =	vld [tilespmem:s9+$0xFFFFFF50];
	[tilespmem:s7+$0xFFFFFFC0] =	vst v6;
	v5 =	vperm.xlane v5, v0  }
0x234: {  	v6 =	vperm.xlane v8, v0;
	v8 =	vld [tilespmem:s9+$0xFFFFFF40];
	[tilespmem:s7+$0xFFFFFFD0] =	vst v1  }
0x235: {  	v1 =	vld [tilespmem:s9+$0xFFFFFF30];
	[tilespmem:s7+$0xFFFFFFE0] =	vst v5;
	v3 =	vperm.xlane v3, v0  }
0x236: {  	[tilespmem:s7+$0xFFFFFF80] =	vst v6;
	v4 =	vperm.xlane v4, v0;
	v5 =	vld [tilespmem:s9+$0xFFFFFF20]  }
0x237: {  	v6 =	vld [tilespmem:s9+$0xFFFFFF80];
	v7 =	vperm.xlane v7, v0;
	[tilespmem:s7+$0x70] =	vst v3  }
0x238: {  	[tilespmem:s7+$0x10] =	vst v4;
	v2 =	vperm.xlane v2, v0;
	v4 =	vld [tilespmem:s9+$0xFFFFFF90]  }
0x239: {  	v9 =	vld [tilespmem:s9+$0xFFFFFFF0];
	[tilespmem:s7+$0x20] =	vst v7;
	v3 =	vperm.xlane v8, v0  }
0x23a: {  	v8 =	vld [tilespmem:s9+$0xFFFFFFE0];
	[tilespmem:s7+$0x30] =	vst v2;
	v2 =	vperm.xlane v1, v0  }
.Ltmp6:
0x23b: {  	v1 =	vld [tilespmem:s9+$0xFFFFFFD0];
	[tilespmem:s7+$0x40] =	vst v3;
	v5 =	vperm.xlane v5, v0;
	(pc) =	sbr.rel @p0 .LBB2_14-.Ltmp6, $4  }
0x23c: {  	v6 =	vperm.xlane v6, v0;
	v3 =	vld [tilespmem:s9+$0xFFFFFFC0];
	[tilespmem:s7+$0x50] =	vst v2  }
0x23d: {  	v2 =	vld [tilespmem:s9+$0xFFFFFFB0];
	[tilespmem:s7+$0x60] =	vst v5;
	v10 =	vperm.xlane v4, v0  }
0x23e: {  	[tilespmem:s7+$0x0] =	vst v6;
	v7 =	vperm.xlane v9, v0;
	v4 =	vld [tilespmem:s9+$0xFFFFFFA0]  }
0x23f: {  	v5 =	vld [tilespmem:s9+$0x0];
	v6 =	vperm.xlane v8, v0;
	[tilespmem:s7+$0xF0] =	vst v10;
	s9 =	sadd.s32 $0xFFFFFE00, s9  }
0x240: {  	[tilespmem:s7+$0x90] =	vst v7;
	v1 =	vperm.xlane v1, v0  }
0x241: {  	[tilespmem:s7+$0xA0] =	vst v6;
	v3 =	vperm.xlane v3, v0  }
0x242: {  	[tilespmem:s7+$0xB0] =	vst v1;
	v1 =	vperm.xlane v2, v0  }
0x243: {  	[tilespmem:s7+$0xC0] =	vst v3;
	v2 =	vperm.xlane v4, v0  }
0x244: {  	v3 =	vperm.xlane v5, v0;
	[tilespmem:s7+$0xD0] =	vst v1  }
0x245: {  	[tilespmem:s7+$0xE0] =	vst v2  }
0x246: {  	[tilespmem:s7+$0x80] =	vst v3  }
0x247: {  	[hbm4b:s16+s29] =	stream.strided.scatter [tilespmem:s0], [sflag:$0x3], $0x4000, s30, s29, $0x38;
	[tilespmem:$0x10000] =	vst v63  }
0x248: {  	_ = 	snop  }
0x249: {  	[tilespmem:s1], [sflag:$0x1] =	stream.strided.gather [hbm4b:s17+s29], $0x4000, s30, s29, $0x38;
	[tilespmem:$0x10000] =	vst v63  }
0x24a: {  	_ =	swait.ge [sflag:s2], $0x4000  }
0x24b: {  	[sflag:s2] =	ssyncset.done $0x0  }
0x24c: {  	[sflag:s2] =	ssyncadd.s32 $0xFFFFC000  }
0x24d: {  	_ =	swait.ge [sflag:s5], $0x4000  }
0x24e: {  	[sflag:s5] =	ssyncset.done $0x0  }
0x24f: {  	s9 =	simm.s32 $0x7E00;
	[sflag:s5] =	ssyncadd.s32 $0xFFFFC000  }
0x250: {  	v1 =	vld [tilespmem:s9+$0x0]  }
0x251: {  	v2 =	vld [tilespmem:s9+$0x60]  }
0x252: {  	v3 =	vld [tilespmem:s9+$0x50]  }
0x253: {  	v4 =	vld [tilespmem:s9+$0x40]  }
0x254: {  	v5 =	vld [tilespmem:s9+$0x30]  }
0x255: {  	v6 =	vld [tilespmem:s9+$0x20];
	v1 =	vperm.xlane v1, v0  }
0x256: {  	s7 =	simm.s32 $0xC1F0;
	v7 =	vld [tilespmem:s9+$0x10];
	v2 =	vperm.xlane v2, v0  }
0x257: {  	v8 =	vld [tilespmem:s9+$0x70];
	v3 =	vperm.xlane v3, v0;
	[tilespmem:s7+$0xFFFFFE80] =	vst v1  }
0x258: {  	[tilespmem:s7+$0xFFFFFE20] =	vst v2;
	v1 =	vperm.xlane v4, v0;
	v2 =	vld [tilespmem:s9+$0x80]  }
0x259: {  	[tilespmem:s7+$0xFFFFFE30] =	vst v3;
	v3 =	vperm.xlane v5, v0;
	v4 =	vld [tilespmem:s9+$0xE0]  }
0x25a: {  	v5 =	vld [tilespmem:s9+$0xD0];
	[tilespmem:s7+$0xFFFFFE40] =	vst v1;
	v1 =	vperm.xlane v6, v0  }
0x25b: {  	[tilespmem:s7+$0xFFFFFE50] =	vst v3;
	v3 =	vperm.xlane v7, v0;
	v6 =	vld [tilespmem:s9+$0xC0]  }
0x25c: {  	v7 =	vperm.xlane v8, v0;
	v8 =	vld [tilespmem:s9+$0xB0];
	[tilespmem:s7+$0xFFFFFE60] =	vst v1  }
0x25d: {  	[tilespmem:s7+$0xFFFFFE70] =	vst v3;
	v1 =	vld [tilespmem:s9+$0xA0];
	v2 =	vperm.xlane v2, v0  }
0x25e: {  	[tilespmem:s7+$0xFFFFFE10] =	vst v7;
	v3 =	vperm.xlane v4, v0;
	v4 =	vld [tilespmem:s9+$0x90]  }
0x25f: {  	v7 =	vld [tilespmem:s9+$0xF0];
	v5 =	vperm.xlane v5, v0;
	[tilespmem:s7+$0xFFFFFF00] =	vst v2  }
0x260: {  	[tilespmem:s7+$0xFFFFFEA0] =	vst v3;
	v2 =	vperm.xlane v6, v0;
	v3 =	vld [tilespmem:s9+$0x100]  }
0x261: {  	[tilespmem:s7+$0xFFFFFEB0] =	vst v5;
	v5 =	vperm.xlane v8, v0;
	v6 =	vld [tilespmem:s9+$0x160]  }
0x262: {  	v8 =	vld [tilespmem:s9+$0x150];
	[tilespmem:s7+$0xFFFFFEC0] =	vst v2;
	v1 =	vperm.xlane v1, v0  }
0x263: {  	[tilespmem:s7+$0xFFFFFED0] =	vst v5;
	v2 =	vld [tilespmem:s9+$0x140];
	v4 =	vperm.xlane v4, v0  }
0x264: {  	v5 =	vperm.xlane v7, v0;
	v7 =	vld [tilespmem:s9+$0x130];
	[tilespmem:s7+$0xFFFFFEE0] =	vst v1  }
0x265: {  	v1 =	vld [tilespmem:s9+$0x120];
	[tilespmem:s7+$0xFFFFFEF0] =	vst v4;
	v3 =	vperm.xlane v3, v0  }
0x266: {  	[tilespmem:s7+$0xFFFFFE90] =	vst v5;
	v4 =	vperm.xlane v6, v0;
	v5 =	vld [tilespmem:s9+$0x110]  }
0x267: {  	v6 =	vld [tilespmem:s9+$0x170];
	v8 =	vperm.xlane v8, v0;
	[tilespmem:s7+$0xFFFFFF80] =	vst v3  }
0x268: {  	[tilespmem:s7+$0xFFFFFF20] =	vst v4;
	v2 =	vperm.xlane v2, v0;
	v4 =	vld [tilespmem:s9+$0x180]  }
0x269: {  	[tilespmem:s7+$0xFFFFFF30] =	vst v8;
	v3 =	vperm.xlane v7, v0;
	v9 =	vld [tilespmem:s9+$0x1E0]  }
0x26a: {  	v8 =	vld [tilespmem:s9+$0x1D0];
	[tilespmem:s7+$0xFFFFFF40] =	vst v2;
	v2 =	vperm.xlane v1, v0  }
0x26b: {  	[tilespmem:s7+$0xFFFFFF50] =	vst v3;
	v1 =	vld [tilespmem:s9+$0x1C0];
	v5 =	vperm.xlane v5, v0  }
0x26c: {  	v6 =	vperm.xlane v6, v0;
	v3 =	vld [tilespmem:s9+$0x1B0];
	[tilespmem:s7+$0xFFFFFF60] =	vst v2  }
0x26d: {  	v2 =	vld [tilespmem:s9+$0x1A0];
	[tilespmem:s7+$0xFFFFFF70] =	vst v5;
	v10 =	vperm.xlane v4, v0  }
0x26e: {  	[tilespmem:s7+$0xFFFFFF10] =	vst v6;
	v4 =	vld [tilespmem:s9+$0x190];
	v7 =	vperm.xlane v9, v0  }
0x26f: {  	s8 =	simm.s32 $0x0;
	v5 =	vld [tilespmem:s9+$0x1F0];
	v6 =	vperm.xlane v8, v0;
	s9 =	simm.s32 $0x7C00;
	[tilespmem:s7+$0x0] =	vst v10  }
.LBB2_16:
0x270: {  	v8 =	vld [tilespmem:s9+$0x0];
	s8 =	sadd.s32 $0x8, s8;
	[tilespmem:s7+$0xFFFFFFA0] =	vst v7;
	v1 =	vperm.xlane v1, v0  }
0x271: {  	v7 =	vld [tilespmem:s9+$0x60];
	p0 =	slt.u32 s8, $0xF8;
	[tilespmem:s7+$0xFFFFFFB0] =	vst v6;
	v3 =	vperm.xlane v3, v0  }
0x272: {  	v6 =	vld [tilespmem:s9+$0x50];
	[tilespmem:s7+$0xFFFFFFC0] =	vst v1;
	v1 =	vperm.xlane v2, v0  }
0x273: {  	v2 =	vld [tilespmem:s9+$0x40];
	[tilespmem:s7+$0xFFFFFFD0] =	vst v3;
	v3 =	vperm.xlane v4, v0  }
0x274: {  	v4 =	vld [tilespmem:s9+$0x30];
	v5 =	vperm.xlane v5, v0;
	[tilespmem:s7+$0xFFFFFFE0] =	vst v1  }
0x275: {  	v1 =	vld [tilespmem:s9+$0x20];
	v8 =	vperm.xlane v8, v0;
	[tilespmem:s7+$0xFFFFFFF0] =	vst v3  }
0x276: {  	v3 =	vperm.xlane v7, v0;
	v7 =	vld [tilespmem:s9+$0x10];
	[tilespmem:s7+$0xFFFFFF90] =	vst v5;
	s7 =	sadd.s32 $0x200, s7  }
0x277: {  	v5 =	vld [tilespmem:s9+$0x70];
	v6 =	vperm.xlane v6, v0;
	[tilespmem:s7+$0xFFFFFE80] =	vst v8  }
0x278: {  	[tilespmem:s7+$0xFFFFFE20] =	vst v3;
	v2 =	vperm.xlane v2, v0;
	v3 =	vld [tilespmem:s9+$0x80]  }
0x279: {  	v8 =	vld [tilespmem:s9+$0xE0];
	[tilespmem:s7+$0xFFFFFE30] =	vst v6;
	v4 =	vperm.xlane v4, v0  }
0x27a: {  	v6 =	vld [tilespmem:s9+$0xD0];
	[tilespmem:s7+$0xFFFFFE40] =	vst v2;
	v1 =	vperm.xlane v1, v0  }
0x27b: {  	v2 =	vld [tilespmem:s9+$0xC0];
	[tilespmem:s7+$0xFFFFFE50] =	vst v4;
	v4 =	vperm.xlane v7, v0  }
0x27c: {  	v5 =	vperm.xlane v5, v0;
	v7 =	vld [tilespmem:s9+$0xB0];
	[tilespmem:s7+$0xFFFFFE60] =	vst v1  }
0x27d: {  	v1 =	vld [tilespmem:s9+$0xA0];
	[tilespmem:s7+$0xFFFFFE70] =	vst v4;
	v3 =	vperm.xlane v3, v0  }
0x27e: {  	[tilespmem:s7+$0xFFFFFE10] =	vst v5;
	v4 =	vperm.xlane v8, v0;
	v5 =	vld [tilespmem:s9+$0x90]  }
0x27f: {  	v8 =	vld [tilespmem:s9+$0xF0];
	v6 =	vperm.xlane v6, v0;
	[tilespmem:s7+$0xFFFFFF00] =	vst v3  }
0x280: {  	[tilespmem:s7+$0xFFFFFEA0] =	vst v4;
	v2 =	vperm.xlane v2, v0;
	v3 =	vld [tilespmem:s9+$0x100]  }
0x281: {  	v4 =	vld [tilespmem:s9+$0x160];
	[tilespmem:s7+$0xFFFFFEB0] =	vst v6;
	v6 =	vperm.xlane v7, v0  }
0x282: {  	v7 =	vld [tilespmem:s9+$0x150];
	[tilespmem:s7+$0xFFFFFEC0] =	vst v2;
	v1 =	vperm.xlane v1, v0  }
0x283: {  	v2 =	vld [tilespmem:s9+$0x140];
	[tilespmem:s7+$0xFFFFFED0] =	vst v6;
	v5 =	vperm.xlane v5, v0  }
0x284: {  	v6 =	vperm.xlane v8, v0;
	v8 =	vld [tilespmem:s9+$0x130];
	[tilespmem:s7+$0xFFFFFEE0] =	vst v1  }
0x285: {  	v1 =	vld [tilespmem:s9+$0x120];
	[tilespmem:s7+$0xFFFFFEF0] =	vst v5;
	v3 =	vperm.xlane v3, v0  }
0x286: {  	[tilespmem:s7+$0xFFFFFE90] =	vst v6;
	v4 =	vperm.xlane v4, v0;
	v5 =	vld [tilespmem:s9+$0x110]  }
0x287: {  	v6 =	vld [tilespmem:s9+$0x170];
	v7 =	vperm.xlane v7, v0;
	[tilespmem:s7+$0xFFFFFF80] =	vst v3  }
0x288: {  	[tilespmem:s7+$0xFFFFFF20] =	vst v4;
	v2 =	vperm.xlane v2, v0;
	v4 =	vld [tilespmem:s9+$0x180]  }
0x289: {  	v9 =	vld [tilespmem:s9+$0x1E0];
	[tilespmem:s7+$0xFFFFFF30] =	vst v7;
	v3 =	vperm.xlane v8, v0  }
0x28a: {  	v8 =	vld [tilespmem:s9+$0x1D0];
	[tilespmem:s7+$0xFFFFFF40] =	vst v2;
	v2 =	vperm.xlane v1, v0  }
.Ltmp7:
0x28b: {  	v1 =	vld [tilespmem:s9+$0x1C0];
	[tilespmem:s7+$0xFFFFFF50] =	vst v3;
	v5 =	vperm.xlane v5, v0;
	(pc) =	sbr.rel @p0 .LBB2_16-.Ltmp7, $4  }
0x28c: {  	v6 =	vperm.xlane v6, v0;
	v3 =	vld [tilespmem:s9+$0x1B0];
	[tilespmem:s7+$0xFFFFFF60] =	vst v2  }
0x28d: {  	v2 =	vld [tilespmem:s9+$0x1A0];
	[tilespmem:s7+$0xFFFFFF70] =	vst v5;
	v10 =	vperm.xlane v4, v0  }
0x28e: {  	[tilespmem:s7+$0xFFFFFF10] =	vst v6;
	v7 =	vperm.xlane v9, v0;
	v4 =	vld [tilespmem:s9+$0x190]  }
0x28f: {  	v5 =	vld [tilespmem:s9+$0x1F0];
	v6 =	vperm.xlane v8, v0;
	[tilespmem:s7+$0x0] =	vst v10;
	s9 =	sadd.s32 $0xFFFFFE00, s9  }
0x290: {  	[tilespmem:s7+$0xFFFFFFA0] =	vst v7;
	v1 =	vperm.xlane v1, v0  }
0x291: {  	[tilespmem:s7+$0xFFFFFFB0] =	vst v6;
	v3 =	vperm.xlane v3, v0  }
0x292: {  	[tilespmem:s7+$0xFFFFFFC0] =	vst v1;
	v1 =	vperm.xlane v2, v0  }
0x293: {  	[tilespmem:s7+$0xFFFFFFD0] =	vst v3;
	v2 =	vperm.xlane v4, v0  }
0x294: {  	v3 =	vperm.xlane v5, v0;
	[tilespmem:s7+$0xFFFFFFE0] =	vst v1  }
0x295: {  	[tilespmem:s7+$0xFFFFFFF0] =	vst v2  }
0x296: {  	[tilespmem:s7+$0xFFFFFF90] =	vst v3  }
0x297: {  	[hbm4b:s18+s29] =	stream.strided.scatter [tilespmem:s3], [sflag:$0x4], $0x4000, s30, s29, $0x38;
	[tilespmem:$0x10000] =	vst v63  }
0x298: {  	_ = 	snop  }
0x299: {  	[tilespmem:s31], [sflag:$0x2] =	stream.strided.gather [hbm4b:s21+s29], $0x4000, s30, s29, $0x38;
	[tilespmem:$0x10000] =	vst v63  }
0x29a: {  	_ =	swait.ge [sflag:s20], $0x4000  }
0x29b: {  	[sflag:s20] =	ssyncset.done $0x0  }
0x29c: {  	[sflag:s20] =	ssyncadd.s32 $0xFFFFC000  }
0x29d: {  	_ =	swait.ge [sflag:s4], $0x4000  }
0x29e: {  	[sflag:s4] =	ssyncset.done $0x0  }
0x29f: {  	s9 =	simm.s32 $0x3FF0;
	[sflag:s4] =	ssyncadd.s32 $0xFFFFC000  }
0x2a0: {  	v1 =	vld [tilespmem:s9+$0xFFFFFE10]  }
0x2a1: {  	v2 =	vld [tilespmem:s9+$0xFFFFFE70]  }
0x2a2: {  	v3 =	vld [tilespmem:s9+$0xFFFFFE60]  }
0x2a3: {  	v4 =	vld [tilespmem:s9+$0xFFFFFE50]  }
0x2a4: {  	v5 =	vld [tilespmem:s9+$0xFFFFFE40]  }
0x2a5: {  	v6 =	vld [tilespmem:s9+$0xFFFFFE30];
	v1 =	vperm.xlane v1, v0  }
0x2a6: {  	s7 =	simm.s32 $0x8100;
	v7 =	vld [tilespmem:s9+$0xFFFFFE20];
	v2 =	vperm.xlane v2, v0  }
0x2a7: {  	v8 =	vld [tilespmem:s9+$0xFFFFFE80];
	v3 =	vperm.xlane v3, v0;
	[tilespmem:s7+$0xFFFFFF70] =	vst v1  }
0x2a8: {  	[tilespmem:s7+$0xFFFFFF10] =	vst v2;
	v1 =	vperm.xlane v4, v0;
	v2 =	vld [tilespmem:s9+$0xFFFFFE90]  }
0x2a9: {  	[tilespmem:s7+$0xFFFFFF20] =	vst v3;
	v3 =	vperm.xlane v5, v0;
	v4 =	vld [tilespmem:s9+$0xFFFFFEF0]  }
0x2aa: {  	v5 =	vld [tilespmem:s9+$0xFFFFFEE0];
	[tilespmem:s7+$0xFFFFFF30] =	vst v1;
	v1 =	vperm.xlane v6, v0  }
0x2ab: {  	[tilespmem:s7+$0xFFFFFF40] =	vst v3;
	v3 =	vperm.xlane v7, v0;
	v6 =	vld [tilespmem:s9+$0xFFFFFED0]  }
0x2ac: {  	v7 =	vperm.xlane v8, v0;
	v8 =	vld [tilespmem:s9+$0xFFFFFEC0];
	[tilespmem:s7+$0xFFFFFF50] =	vst v1  }
0x2ad: {  	[tilespmem:s7+$0xFFFFFF60] =	vst v3;
	v1 =	vld [tilespmem:s9+$0xFFFFFEB0];
	v2 =	vperm.xlane v2, v0  }
0x2ae: {  	[tilespmem:s7+$0xFFFFFF00] =	vst v7;
	v3 =	vperm.xlane v4, v0;
	v4 =	vld [tilespmem:s9+$0xFFFFFEA0]  }
0x2af: {  	v7 =	vld [tilespmem:s9+$0xFFFFFF00];
	v5 =	vperm.xlane v5, v0;
	[tilespmem:s7+$0xFFFFFFF0] =	vst v2  }
0x2b0: {  	[tilespmem:s7+$0xFFFFFF90] =	vst v3;
	v2 =	vperm.xlane v6, v0;
	v3 =	vld [tilespmem:s9+$0xFFFFFF10]  }
0x2b1: {  	[tilespmem:s7+$0xFFFFFFA0] =	vst v5;
	v5 =	vperm.xlane v8, v0;
	v6 =	vld [tilespmem:s9+$0xFFFFFF70]  }
0x2b2: {  	v8 =	vld [tilespmem:s9+$0xFFFFFF60];
	[tilespmem:s7+$0xFFFFFFB0] =	vst v2;
	v1 =	vperm.xlane v1, v0  }
0x2b3: {  	[tilespmem:s7+$0xFFFFFFC0] =	vst v5;
	v2 =	vld [tilespmem:s9+$0xFFFFFF50];
	v4 =	vperm.xlane v4, v0  }
0x2b4: {  	v5 =	vperm.xlane v7, v0;
	v7 =	vld [tilespmem:s9+$0xFFFFFF40];
	[tilespmem:s7+$0xFFFFFFD0] =	vst v1  }
0x2b5: {  	v1 =	vld [tilespmem:s9+$0xFFFFFF30];
	[tilespmem:s7+$0xFFFFFFE0] =	vst v4;
	v3 =	vperm.xlane v3, v0  }
0x2b6: {  	[tilespmem:s7+$0xFFFFFF80] =	vst v5;
	v4 =	vperm.xlane v6, v0;
	v5 =	vld [tilespmem:s9+$0xFFFFFF20]  }
0x2b7: {  	v6 =	vld [tilespmem:s9+$0xFFFFFF80];
	v8 =	vperm.xlane v8, v0;
	[tilespmem:s7+$0x70] =	vst v3  }
0x2b8: {  	[tilespmem:s7+$0x10] =	vst v4;
	v2 =	vperm.xlane v2, v0;
	v4 =	vld [tilespmem:s9+$0xFFFFFF90]  }
0x2b9: {  	[tilespmem:s7+$0x20] =	vst v8;
	v3 =	vperm.xlane v7, v0;
	v9 =	vld [tilespmem:s9+$0xFFFFFFF0]  }
0x2ba: {  	v8 =	vld [tilespmem:s9+$0xFFFFFFE0];
	[tilespmem:s7+$0x30] =	vst v2;
	v2 =	vperm.xlane v1, v0  }
0x2bb: {  	[tilespmem:s7+$0x40] =	vst v3;
	v1 =	vld [tilespmem:s9+$0xFFFFFFD0];
	v5 =	vperm.xlane v5, v0  }
0x2bc: {  	v6 =	vperm.xlane v6, v0;
	v3 =	vld [tilespmem:s9+$0xFFFFFFC0];
	[tilespmem:s7+$0x50] =	vst v2  }
0x2bd: {  	v2 =	vld [tilespmem:s9+$0xFFFFFFB0];
	[tilespmem:s7+$0x60] =	vst v5;
	v10 =	vperm.xlane v4, v0  }
0x2be: {  	[tilespmem:s7+$0x0] =	vst v6;
	v4 =	vld [tilespmem:s9+$0xFFFFFFA0];
	v7 =	vperm.xlane v9, v0  }
0x2bf: {  	s8 =	simm.s32 $0x0;
	v5 =	vld [tilespmem:s9+$0x0];
	v6 =	vperm.xlane v8, v0;
	s9 =	simm.s32 $0x3DF0;
	[tilespmem:s7+$0xF0] =	vst v10  }
.LBB2_18:
0x2c0: {  	v8 =	vld [tilespmem:s9+$0xFFFFFE10];
	s8 =	sadd.s32 $0x8, s8;
	[tilespmem:s7+$0x90] =	vst v7;
	v1 =	vperm.xlane v1, v0  }
0x2c1: {  	v7 =	vld [tilespmem:s9+$0xFFFFFE70];
	p0 =	slt.u32 s8, $0xF8;
	[tilespmem:s7+$0xA0] =	vst v6;
	v3 =	vperm.xlane v3, v0  }
0x2c2: {  	v6 =	vld [tilespmem:s9+$0xFFFFFE60];
	[tilespmem:s7+$0xB0] =	vst v1;
	v1 =	vperm.xlane v2, v0  }
0x2c3: {  	v2 =	vld [tilespmem:s9+$0xFFFFFE50];
	[tilespmem:s7+$0xC0] =	vst v3;
	v3 =	vperm.xlane v4, v0  }
0x2c4: {  	v4 =	vld [tilespmem:s9+$0xFFFFFE40];
	v5 =	vperm.xlane v5, v0;
	[tilespmem:s7+$0xD0] =	vst v1  }
0x2c5: {  	v1 =	vld [tilespmem:s9+$0xFFFFFE30];
	v8 =	vperm.xlane v8, v0;
	[tilespmem:s7+$0xE0] =	vst v3  }
0x2c6: {  	v3 =	vperm.xlane v7, v0;
	v7 =	vld [tilespmem:s9+$0xFFFFFE20];
	[tilespmem:s7+$0x80] =	vst v5;
	s7 =	sadd.s32 $0x200, s7  }
0x2c7: {  	v5 =	vld [tilespmem:s9+$0xFFFFFE80];
	v6 =	vperm.xlane v6, v0;
	[tilespmem:s7+$0xFFFFFF70] =	vst v8  }
0x2c8: {  	[tilespmem:s7+$0xFFFFFF10] =	vst v3;
	v2 =	vperm.xlane v2, v0;
	v3 =	vld [tilespmem:s9+$0xFFFFFE90]  }
0x2c9: {  	v8 =	vld [tilespmem:s9+$0xFFFFFEF0];
	[tilespmem:s7+$0xFFFFFF20] =	vst v6;
	v4 =	vperm.xlane v4, v0  }
0x2ca: {  	v6 =	vld [tilespmem:s9+$0xFFFFFEE0];
	[tilespmem:s7+$0xFFFFFF30] =	vst v2;
	v1 =	vperm.xlane v1, v0  }
0x2cb: {  	v2 =	vld [tilespmem:s9+$0xFFFFFED0];
	[tilespmem:s7+$0xFFFFFF40] =	vst v4;
	v4 =	vperm.xlane v7, v0  }
0x2cc: {  	v5 =	vperm.xlane v5, v0;
	v7 =	vld [tilespmem:s9+$0xFFFFFEC0];
	[tilespmem:s7+$0xFFFFFF50] =	vst v1  }
0x2cd: {  	v1 =	vld [tilespmem:s9+$0xFFFFFEB0];
	[tilespmem:s7+$0xFFFFFF60] =	vst v4;
	v3 =	vperm.xlane v3, v0  }
0x2ce: {  	[tilespmem:s7+$0xFFFFFF00] =	vst v5;
	v4 =	vperm.xlane v8, v0;
	v5 =	vld [tilespmem:s9+$0xFFFFFEA0]  }
0x2cf: {  	v8 =	vld [tilespmem:s9+$0xFFFFFF00];
	v6 =	vperm.xlane v6, v0;
	[tilespmem:s7+$0xFFFFFFF0] =	vst v3  }
0x2d0: {  	[tilespmem:s7+$0xFFFFFF90] =	vst v4;
	v2 =	vperm.xlane v2, v0;
	v3 =	vld [tilespmem:s9+$0xFFFFFF10]  }
0x2d1: {  	v4 =	vld [tilespmem:s9+$0xFFFFFF70];
	[tilespmem:s7+$0xFFFFFFA0] =	vst v6;
	v6 =	vperm.xlane v7, v0  }
0x2d2: {  	v7 =	vld [tilespmem:s9+$0xFFFFFF60];
	[tilespmem:s7+$0xFFFFFFB0] =	vst v2;
	v1 =	vperm.xlane v1, v0  }
0x2d3: {  	v2 =	vld [tilespmem:s9+$0xFFFFFF50];
	[tilespmem:s7+$0xFFFFFFC0] =	vst v6;
	v5 =	vperm.xlane v5, v0  }
0x2d4: {  	v6 =	vperm.xlane v8, v0;
	v8 =	vld [tilespmem:s9+$0xFFFFFF40];
	[tilespmem:s7+$0xFFFFFFD0] =	vst v1  }
0x2d5: {  	v1 =	vld [tilespmem:s9+$0xFFFFFF30];
	[tilespmem:s7+$0xFFFFFFE0] =	vst v5;
	v3 =	vperm.xlane v3, v0  }
0x2d6: {  	[tilespmem:s7+$0xFFFFFF80] =	vst v6;
	v4 =	vperm.xlane v4, v0;
	v5 =	vld [tilespmem:s9+$0xFFFFFF20]  }
0x2d7: {  	v6 =	vld [tilespmem:s9+$0xFFFFFF80];
	v7 =	vperm.xlane v7, v0;
	[tilespmem:s7+$0x70] =	vst v3  }
0x2d8: {  	[tilespmem:s7+$0x10] =	vst v4;
	v2 =	vperm.xlane v2, v0;
	v4 =	vld [tilespmem:s9+$0xFFFFFF90]  }
0x2d9: {  	v9 =	vld [tilespmem:s9+$0xFFFFFFF0];
	[tilespmem:s7+$0x20] =	vst v7;
	v3 =	vperm.xlane v8, v0  }
0x2da: {  	v8 =	vld [tilespmem:s9+$0xFFFFFFE0];
	[tilespmem:s7+$0x30] =	vst v2;
	v2 =	vperm.xlane v1, v0  }
.Ltmp8:
0x2db: {  	v1 =	vld [tilespmem:s9+$0xFFFFFFD0];
	[tilespmem:s7+$0x40] =	vst v3;
	v5 =	vperm.xlane v5, v0;
	(pc) =	sbr.rel @p0 .LBB2_18-.Ltmp8, $4  }
0x2dc: {  	v6 =	vperm.xlane v6, v0;
	v3 =	vld [tilespmem:s9+$0xFFFFFFC0];
	[tilespmem:s7+$0x50] =	vst v2  }
0x2dd: {  	v2 =	vld [tilespmem:s9+$0xFFFFFFB0];
	[tilespmem:s7+$0x60] =	vst v5;
	v10 =	vperm.xlane v4, v0  }
0x2de: {  	[tilespmem:s7+$0x0] =	vst v6;
	v7 =	vperm.xlane v9, v0;
	v4 =	vld [tilespmem:s9+$0xFFFFFFA0]  }
0x2df: {  	v5 =	vld [tilespmem:s9+$0x0];
	v6 =	vperm.xlane v8, v0;
	[tilespmem:s7+$0xF0] =	vst v10;
	s9 =	sadd.s32 $0xFFFFFE00, s9  }
0x2e0: {  	[tilespmem:s7+$0x90] =	vst v7;
	v1 =	vperm.xlane v1, v0  }
0x2e1: {  	[tilespmem:s7+$0xA0] =	vst v6;
	v3 =	vperm.xlane v3, v0  }
0x2e2: {  	[tilespmem:s7+$0xB0] =	vst v1;
	v1 =	vperm.xlane v2, v0  }
0x2e3: {  	[tilespmem:s7+$0xC0] =	vst v3;
	v2 =	vperm.xlane v4, v0  }
0x2e4: {  	v3 =	vperm.xlane v5, v0;
	[tilespmem:s7+$0xD0] =	vst v1  }
0x2e5: {  	[tilespmem:s7+$0xE0] =	vst v2  }
0x2e6: {  	[tilespmem:s7+$0x80] =	vst v3  }
0x2e7: {  	[hbm4b:s19+s29] =	stream.strided.scatter [tilespmem:s0], [sflag:$0x3], $0x4000, s30, s29, $0x38;
	[tilespmem:$0x10000] =	vst v63  }
0x2e8: {  	_ = 	snop  }
0x2e9: {  	[tilespmem:s1], [sflag:$0x1] =	stream.strided.gather [hbm4b:s23+s29], $0x4000, s30, s29, $0x38;
	[tilespmem:$0x10000] =	vst v63  }
0x2ea: {  	_ =	swait.ge [sflag:s2], $0x4000  }
0x2eb: {  	[sflag:s2] =	ssyncset.done $0x0  }
0x2ec: {  	[sflag:s2] =	ssyncadd.s32 $0xFFFFC000  }
0x2ed: {  	_ =	swait.ge [sflag:s5], $0x4000  }
0x2ee: {  	[sflag:s5] =	ssyncset.done $0x0  }
0x2ef: {  	s9 =	simm.s32 $0x7E00;
	[sflag:s5] =	ssyncadd.s32 $0xFFFFC000  }
0x2f0: {  	v1 =	vld [tilespmem:s9+$0x0]  }
0x2f1: {  	v2 =	vld [tilespmem:s9+$0x60]  }
0x2f2: {  	v3 =	vld [tilespmem:s9+$0x50]  }
0x2f3: {  	v4 =	vld [tilespmem:s9+$0x40]  }
0x2f4: {  	v5 =	vld [tilespmem:s9+$0x30]  }
0x2f5: {  	v6 =	vld [tilespmem:s9+$0x20];
	v1 =	vperm.xlane v1, v0  }
0x2f6: {  	s7 =	simm.s32 $0xC1F0;
	v7 =	vld [tilespmem:s9+$0x10];
	v2 =	vperm.xlane v2, v0  }
0x2f7: {  	v8 =	vld [tilespmem:s9+$0x70];
	v3 =	vperm.xlane v3, v0;
	[tilespmem:s7+$0xFFFFFE80] =	vst v1  }
0x2f8: {  	[tilespmem:s7+$0xFFFFFE20] =	vst v2;
	v1 =	vperm.xlane v4, v0;
	v2 =	vld [tilespmem:s9+$0x80]  }
0x2f9: {  	[tilespmem:s7+$0xFFFFFE30] =	vst v3;
	v3 =	vperm.xlane v5, v0;
	v4 =	vld [tilespmem:s9+$0xE0]  }
0x2fa: {  	v5 =	vld [tilespmem:s9+$0xD0];
	[tilespmem:s7+$0xFFFFFE40] =	vst v1;
	v1 =	vperm.xlane v6, v0  }
0x2fb: {  	[tilespmem:s7+$0xFFFFFE50] =	vst v3;
	v3 =	vperm.xlane v7, v0;
	v6 =	vld [tilespmem:s9+$0xC0]  }
0x2fc: {  	v7 =	vperm.xlane v8, v0;
	v8 =	vld [tilespmem:s9+$0xB0];
	[tilespmem:s7+$0xFFFFFE60] =	vst v1  }
0x2fd: {  	[tilespmem:s7+$0xFFFFFE70] =	vst v3;
	v1 =	vld [tilespmem:s9+$0xA0];
	v2 =	vperm.xlane v2, v0  }
0x2fe: {  	[tilespmem:s7+$0xFFFFFE10] =	vst v7;
	v3 =	vperm.xlane v4, v0;
	v4 =	vld [tilespmem:s9+$0x90]  }
0x2ff: {  	v7 =	vld [tilespmem:s9+$0xF0];
	v5 =	vperm.xlane v5, v0;
	[tilespmem:s7+$0xFFFFFF00] =	vst v2  }
0x300: {  	[tilespmem:s7+$0xFFFFFEA0] =	vst v3;
	v2 =	vperm.xlane v6, v0;
	v3 =	vld [tilespmem:s9+$0x100]  }
0x301: {  	[tilespmem:s7+$0xFFFFFEB0] =	vst v5;
	v5 =	vperm.xlane v8, v0;
	v6 =	vld [tilespmem:s9+$0x160]  }
0x302: {  	v8 =	vld [tilespmem:s9+$0x150];
	[tilespmem:s7+$0xFFFFFEC0] =	vst v2;
	v1 =	vperm.xlane v1, v0  }
0x303: {  	[tilespmem:s7+$0xFFFFFED0] =	vst v5;
	v2 =	vld [tilespmem:s9+$0x140];
	v4 =	vperm.xlane v4, v0  }
0x304: {  	v5 =	vperm.xlane v7, v0;
	v7 =	vld [tilespmem:s9+$0x130];
	[tilespmem:s7+$0xFFFFFEE0] =	vst v1  }
0x305: {  	v1 =	vld [tilespmem:s9+$0x120];
	[tilespmem:s7+$0xFFFFFEF0] =	vst v4;
	v3 =	vperm.xlane v3, v0  }
0x306: {  	[tilespmem:s7+$0xFFFFFE90] =	vst v5;
	v4 =	vperm.xlane v6, v0;
	v5 =	vld [tilespmem:s9+$0x110]  }
0x307: {  	v6 =	vld [tilespmem:s9+$0x170];
	v8 =	vperm.xlane v8, v0;
	[tilespmem:s7+$0xFFFFFF80] =	vst v3  }
0x308: {  	[tilespmem:s7+$0xFFFFFF20] =	vst v4;
	v2 =	vperm.xlane v2, v0;
	v4 =	vld [tilespmem:s9+$0x180]  }
0x309: {  	[tilespmem:s7+$0xFFFFFF30] =	vst v8;
	v3 =	vperm.xlane v7, v0;
	v9 =	vld [tilespmem:s9+$0x1E0]  }
0x30a: {  	v8 =	vld [tilespmem:s9+$0x1D0];
	[tilespmem:s7+$0xFFFFFF40] =	vst v2;
	v2 =	vperm.xlane v1, v0  }
0x30b: {  	[tilespmem:s7+$0xFFFFFF50] =	vst v3;
	v1 =	vld [tilespmem:s9+$0x1C0];
	v5 =	vperm.xlane v5, v0  }
0x30c: {  	v6 =	vperm.xlane v6, v0;
	v3 =	vld [tilespmem:s9+$0x1B0];
	[tilespmem:s7+$0xFFFFFF60] =	vst v2  }
0x30d: {  	v2 =	vld [tilespmem:s9+$0x1A0];
	[tilespmem:s7+$0xFFFFFF70] =	vst v5;
	v10 =	vperm.xlane v4, v0  }
0x30e: {  	[tilespmem:s7+$0xFFFFFF10] =	vst v6;
	v4 =	vld [tilespmem:s9+$0x190];
	v7 =	vperm.xlane v9, v0  }
0x30f: {  	s8 =	simm.s32 $0x0;
	v5 =	vld [tilespmem:s9+$0x1F0];
	v6 =	vperm.xlane v8, v0;
	s9 =	simm.s32 $0x7C00;
	[tilespmem:s7+$0x0] =	vst v10  }
.LBB2_20:
0x310: {  	v8 =	vld [tilespmem:s9+$0x0];
	s8 =	sadd.s32 $0x8, s8;
	[tilespmem:s7+$0xFFFFFFA0] =	vst v7;
	v1 =	vperm.xlane v1, v0  }
0x311: {  	v7 =	vld [tilespmem:s9+$0x60];
	p0 =	slt.u32 s8, $0xF8;
	[tilespmem:s7+$0xFFFFFFB0] =	vst v6;
	v3 =	vperm.xlane v3, v0  }
0x312: {  	v6 =	vld [tilespmem:s9+$0x50];
	[tilespmem:s7+$0xFFFFFFC0] =	vst v1;
	v1 =	vperm.xlane v2, v0  }
0x313: {  	v2 =	vld [tilespmem:s9+$0x40];
	[tilespmem:s7+$0xFFFFFFD0] =	vst v3;
	v3 =	vperm.xlane v4, v0  }
0x314: {  	v4 =	vld [tilespmem:s9+$0x30];
	v5 =	vperm.xlane v5, v0;
	[tilespmem:s7+$0xFFFFFFE0] =	vst v1  }
0x315: {  	v1 =	vld [tilespmem:s9+$0x20];
	v8 =	vperm.xlane v8, v0;
	[tilespmem:s7+$0xFFFFFFF0] =	vst v3  }
0x316: {  	v3 =	vperm.xlane v7, v0;
	v7 =	vld [tilespmem:s9+$0x10];
	[tilespmem:s7+$0xFFFFFF90] =	vst v5;
	s7 =	sadd.s32 $0x200, s7  }
0x317: {  	v5 =	vld [tilespmem:s9+$0x70];
	v6 =	vperm.xlane v6, v0;
	[tilespmem:s7+$0xFFFFFE80] =	vst v8  }
0x318: {  	[tilespmem:s7+$0xFFFFFE20] =	vst v3;
	v2 =	vperm.xlane v2, v0;
	v3 =	vld [tilespmem:s9+$0x80]  }
0x319: {  	v8 =	vld [tilespmem:s9+$0xE0];
	[tilespmem:s7+$0xFFFFFE30] =	vst v6;
	v4 =	vperm.xlane v4, v0  }
0x31a: {  	v6 =	vld [tilespmem:s9+$0xD0];
	[tilespmem:s7+$0xFFFFFE40] =	vst v2;
	v1 =	vperm.xlane v1, v0  }
0x31b: {  	v2 =	vld [tilespmem:s9+$0xC0];
	[tilespmem:s7+$0xFFFFFE50] =	vst v4;
	v4 =	vperm.xlane v7, v0  }
0x31c: {  	v5 =	vperm.xlane v5, v0;
	v7 =	vld [tilespmem:s9+$0xB0];
	[tilespmem:s7+$0xFFFFFE60] =	vst v1  }
0x31d: {  	v1 =	vld [tilespmem:s9+$0xA0];
	[tilespmem:s7+$0xFFFFFE70] =	vst v4;
	v3 =	vperm.xlane v3, v0  }
0x31e: {  	[tilespmem:s7+$0xFFFFFE10] =	vst v5;
	v4 =	vperm.xlane v8, v0;
	v5 =	vld [tilespmem:s9+$0x90]  }
0x31f: {  	v8 =	vld [tilespmem:s9+$0xF0];
	v6 =	vperm.xlane v6, v0;
	[tilespmem:s7+$0xFFFFFF00] =	vst v3  }
0x320: {  	[tilespmem:s7+$0xFFFFFEA0] =	vst v4;
	v2 =	vperm.xlane v2, v0;
	v3 =	vld [tilespmem:s9+$0x100]  }
0x321: {  	v4 =	vld [tilespmem:s9+$0x160];
	[tilespmem:s7+$0xFFFFFEB0] =	vst v6;
	v6 =	vperm.xlane v7, v0  }
0x322: {  	v7 =	vld [tilespmem:s9+$0x150];
	[tilespmem:s7+$0xFFFFFEC0] =	vst v2;
	v1 =	vperm.xlane v1, v0  }
0x323: {  	v2 =	vld [tilespmem:s9+$0x140];
	[tilespmem:s7+$0xFFFFFED0] =	vst v6;
	v5 =	vperm.xlane v5, v0  }
0x324: {  	v6 =	vperm.xlane v8, v0;
	v8 =	vld [tilespmem:s9+$0x130];
	[tilespmem:s7+$0xFFFFFEE0] =	vst v1  }
0x325: {  	v1 =	vld [tilespmem:s9+$0x120];
	[tilespmem:s7+$0xFFFFFEF0] =	vst v5;
	v3 =	vperm.xlane v3, v0  }
0x326: {  	[tilespmem:s7+$0xFFFFFE90] =	vst v6;
	v4 =	vperm.xlane v4, v0;
	v5 =	vld [tilespmem:s9+$0x110]  }
0x327: {  	v6 =	vld [tilespmem:s9+$0x170];
	v7 =	vperm.xlane v7, v0;
	[tilespmem:s7+$0xFFFFFF80] =	vst v3  }
0x328: {  	[tilespmem:s7+$0xFFFFFF20] =	vst v4;
	v2 =	vperm.xlane v2, v0;
	v4 =	vld [tilespmem:s9+$0x180]  }
0x329: {  	v9 =	vld [tilespmem:s9+$0x1E0];
	[tilespmem:s7+$0xFFFFFF30] =	vst v7;
	v3 =	vperm.xlane v8, v0  }
0x32a: {  	v8 =	vld [tilespmem:s9+$0x1D0];
	[tilespmem:s7+$0xFFFFFF40] =	vst v2;
	v2 =	vperm.xlane v1, v0  }
.Ltmp9:
0x32b: {  	v1 =	vld [tilespmem:s9+$0x1C0];
	[tilespmem:s7+$0xFFFFFF50] =	vst v3;
	v5 =	vperm.xlane v5, v0;
	(pc) =	sbr.rel @p0 .LBB2_20-.Ltmp9, $4  }
0x32c: {  	v6 =	vperm.xlane v6, v0;
	v3 =	vld [tilespmem:s9+$0x1B0];
	[tilespmem:s7+$0xFFFFFF60] =	vst v2  }
0x32d: {  	v2 =	vld [tilespmem:s9+$0x1A0];
	[tilespmem:s7+$0xFFFFFF70] =	vst v5;
	v10 =	vperm.xlane v4, v0  }
0x32e: {  	[tilespmem:s7+$0xFFFFFF10] =	vst v6;
	v7 =	vperm.xlane v9, v0;
	v4 =	vld [tilespmem:s9+$0x190]  }
0x32f: {  	v5 =	vld [tilespmem:s9+$0x1F0];
	v6 =	vperm.xlane v8, v0;
	[tilespmem:s7+$0x0] =	vst v10;
	s9 =	sadd.s32 $0xFFFFFE00, s9  }
0x330: {  	[tilespmem:s7+$0xFFFFFFA0] =	vst v7;
	v1 =	vperm.xlane v1, v0  }
0x331: {  	[tilespmem:s7+$0xFFFFFFB0] =	vst v6;
	v3 =	vperm.xlane v3, v0  }
0x332: {  	[tilespmem:s7+$0xFFFFFFC0] =	vst v1;
	v1 =	vperm.xlane v2, v0  }
0x333: {  	[tilespmem:s7+$0xFFFFFFD0] =	vst v3;
	v2 =	vperm.xlane v4, v0  }
0x334: {  	v3 =	vperm.xlane v5, v0;
	[tilespmem:s7+$0xFFFFFFE0] =	vst v1  }
0x335: {  	[tilespmem:s7+$0xFFFFFFF0] =	vst v2  }
0x336: {  	[tilespmem:s7+$0xFFFFFF90] =	vst v3  }
0x337: {  	[hbm4b:s22+s29] =	stream.strided.scatter [tilespmem:s3], [sflag:$0x4], $0x4000, s30, s29, $0x38;
	[tilespmem:$0x10000] =	vst v63  }
0x338: {  	_ = 	snop  }
0x339: {  	[tilespmem:s31], [sflag:$0x2] =	stream.strided.gather [hbm4b:s24+s29], $0x4000, s30, s29, $0x38;
	[tilespmem:$0x10000] =	vst v63  }
0x33a: {  	_ =	swait.ge [sflag:s20], $0x4000  }
0x33b: {  	[sflag:s20] =	ssyncset.done $0x0  }
0x33c: {  	[sflag:s20] =	ssyncadd.s32 $0xFFFFC000  }
0x33d: {  	_ =	swait.ge [sflag:s4], $0x4000  }
0x33e: {  	[sflag:s4] =	ssyncset.done $0x0  }
0x33f: {  	s9 =	simm.s32 $0x3FF0;
	[sflag:s4] =	ssyncadd.s32 $0xFFFFC000  }
0x340: {  	v1 =	vld [tilespmem:s9+$0xFFFFFE10]  }
0x341: {  	v2 =	vld [tilespmem:s9+$0xFFFFFE70]  }
0x342: {  	v3 =	vld [tilespmem:s9+$0xFFFFFE60]  }
0x343: {  	v4 =	vld [tilespmem:s9+$0xFFFFFE50]  }
0x344: {  	v5 =	vld [tilespmem:s9+$0xFFFFFE40]  }
0x345: {  	v6 =	vld [tilespmem:s9+$0xFFFFFE30];
	v1 =	vperm.xlane v1, v0  }
0x346: {  	s7 =	simm.s32 $0x8100;
	v7 =	vld [tilespmem:s9+$0xFFFFFE20];
	v2 =	vperm.xlane v2, v0  }
0x347: {  	v8 =	vld [tilespmem:s9+$0xFFFFFE80];
	v3 =	vperm.xlane v3, v0;
	[tilespmem:s7+$0xFFFFFF70] =	vst v1  }
0x348: {  	[tilespmem:s7+$0xFFFFFF10] =	vst v2;
	v1 =	vperm.xlane v4, v0;
	v2 =	vld [tilespmem:s9+$0xFFFFFE90]  }
0x349: {  	[tilespmem:s7+$0xFFFFFF20] =	vst v3;
	v3 =	vperm.xlane v5, v0;
	v4 =	vld [tilespmem:s9+$0xFFFFFEF0]  }
0x34a: {  	v5 =	vld [tilespmem:s9+$0xFFFFFEE0];
	[tilespmem:s7+$0xFFFFFF30] =	vst v1;
	v1 =	vperm.xlane v6, v0  }
0x34b: {  	[tilespmem:s7+$0xFFFFFF40] =	vst v3;
	v3 =	vperm.xlane v7, v0;
	v6 =	vld [tilespmem:s9+$0xFFFFFED0]  }
0x34c: {  	v7 =	vperm.xlane v8, v0;
	v8 =	vld [tilespmem:s9+$0xFFFFFEC0];
	[tilespmem:s7+$0xFFFFFF50] =	vst v1  }
0x34d: {  	[tilespmem:s7+$0xFFFFFF60] =	vst v3;
	v1 =	vld [tilespmem:s9+$0xFFFFFEB0];
	v2 =	vperm.xlane v2, v0  }
0x34e: {  	[tilespmem:s7+$0xFFFFFF00] =	vst v7;
	v3 =	vperm.xlane v4, v0;
	v4 =	vld [tilespmem:s9+$0xFFFFFEA0]  }
0x34f: {  	v7 =	vld [tilespmem:s9+$0xFFFFFF00];
	v5 =	vperm.xlane v5, v0;
	[tilespmem:s7+$0xFFFFFFF0] =	vst v2  }
0x350: {  	[tilespmem:s7+$0xFFFFFF90] =	vst v3;
	v2 =	vperm.xlane v6, v0;
	v3 =	vld [tilespmem:s9+$0xFFFFFF10]  }
0x351: {  	[tilespmem:s7+$0xFFFFFFA0] =	vst v5;
	v5 =	vperm.xlane v8, v0;
	v6 =	vld [tilespmem:s9+$0xFFFFFF70]  }
0x352: {  	v8 =	vld [tilespmem:s9+$0xFFFFFF60];
	[tilespmem:s7+$0xFFFFFFB0] =	vst v2;
	v1 =	vperm.xlane v1, v0  }
0x353: {  	[tilespmem:s7+$0xFFFFFFC0] =	vst v5;
	v2 =	vld [tilespmem:s9+$0xFFFFFF50];
	v4 =	vperm.xlane v4, v0  }
0x354: {  	v5 =	vperm.xlane v7, v0;
	v7 =	vld [tilespmem:s9+$0xFFFFFF40];
	[tilespmem:s7+$0xFFFFFFD0] =	vst v1  }
0x355: {  	v1 =	vld [tilespmem:s9+$0xFFFFFF30];
	[tilespmem:s7+$0xFFFFFFE0] =	vst v4;
	v3 =	vperm.xlane v3, v0  }
0x356: {  	[tilespmem:s7+$0xFFFFFF80] =	vst v5;
	v4 =	vperm.xlane v6, v0;
	v5 =	vld [tilespmem:s9+$0xFFFFFF20]  }
0x357: {  	v6 =	vld [tilespmem:s9+$0xFFFFFF80];
	v8 =	vperm.xlane v8, v0;
	[tilespmem:s7+$0x70] =	vst v3  }
0x358: {  	[tilespmem:s7+$0x10] =	vst v4;
	v2 =	vperm.xlane v2, v0;
	v4 =	vld [tilespmem:s9+$0xFFFFFF90]  }
0x359: {  	[tilespmem:s7+$0x20] =	vst v8;
	v3 =	vperm.xlane v7, v0;
	v9 =	vld [tilespmem:s9+$0xFFFFFFF0]  }
0x35a: {  	v8 =	vld [tilespmem:s9+$0xFFFFFFE0];
	[tilespmem:s7+$0x30] =	vst v2;
	v2 =	vperm.xlane v1, v0  }
0x35b: {  	[tilespmem:s7+$0x40] =	vst v3;
	v1 =	vld [tilespmem:s9+$0xFFFFFFD0];
	v5 =	vperm.xlane v5, v0  }
0x35c: {  	v6 =	vperm.xlane v6, v0;
	v3 =	vld [tilespmem:s9+$0xFFFFFFC0];
	[tilespmem:s7+$0x50] =	vst v2  }
0x35d: {  	v2 =	vld [tilespmem:s9+$0xFFFFFFB0];
	[tilespmem:s7+$0x60] =	vst v5;
	v10 =	vperm.xlane v4, v0  }
0x35e: {  	[tilespmem:s7+$0x0] =	vst v6;
	v4 =	vld [tilespmem:s9+$0xFFFFFFA0];
	v7 =	vperm.xlane v9, v0  }
0x35f: {  	s8 =	simm.s32 $0x0;
	v5 =	vld [tilespmem:s9+$0x0];
	v6 =	vperm.xlane v8, v0;
	s9 =	simm.s32 $0x3DF0;
	[tilespmem:s7+$0xF0] =	vst v10  }
.LBB2_22:
0x360: {  	v8 =	vld [tilespmem:s9+$0xFFFFFE10];
	s8 =	sadd.s32 $0x8, s8;
	[tilespmem:s7+$0x90] =	vst v7;
	v1 =	vperm.xlane v1, v0  }
0x361: {  	v7 =	vld [tilespmem:s9+$0xFFFFFE70];
	p0 =	slt.u32 s8, $0xF8;
	[tilespmem:s7+$0xA0] =	vst v6;
	v3 =	vperm.xlane v3, v0  }
0x362: {  	v6 =	vld [tilespmem:s9+$0xFFFFFE60];
	[tilespmem:s7+$0xB0] =	vst v1;
	v1 =	vperm.xlane v2, v0  }
0x363: {  	v2 =	vld [tilespmem:s9+$0xFFFFFE50];
	[tilespmem:s7+$0xC0] =	vst v3;
	v3 =	vperm.xlane v4, v0  }
0x364: {  	v4 =	vld [tilespmem:s9+$0xFFFFFE40];
	v5 =	vperm.xlane v5, v0;
	[tilespmem:s7+$0xD0] =	vst v1  }
0x365: {  	v1 =	vld [tilespmem:s9+$0xFFFFFE30];
	v8 =	vperm.xlane v8, v0;
	[tilespmem:s7+$0xE0] =	vst v3  }
0x366: {  	v3 =	vperm.xlane v7, v0;
	v7 =	vld [tilespmem:s9+$0xFFFFFE20];
	[tilespmem:s7+$0x80] =	vst v5;
	s7 =	sadd.s32 $0x200, s7  }
0x367: {  	v5 =	vld [tilespmem:s9+$0xFFFFFE80];
	v6 =	vperm.xlane v6, v0;
	[tilespmem:s7+$0xFFFFFF70] =	vst v8  }
0x368: {  	[tilespmem:s7+$0xFFFFFF10] =	vst v3;
	v2 =	vperm.xlane v2, v0;
	v3 =	vld [tilespmem:s9+$0xFFFFFE90]  }
0x369: {  	v8 =	vld [tilespmem:s9+$0xFFFFFEF0];
	[tilespmem:s7+$0xFFFFFF20] =	vst v6;
	v4 =	vperm.xlane v4, v0  }
0x36a: {  	v6 =	vld [tilespmem:s9+$0xFFFFFEE0];
	[tilespmem:s7+$0xFFFFFF30] =	vst v2;
	v1 =	vperm.xlane v1, v0  }
0x36b: {  	v2 =	vld [tilespmem:s9+$0xFFFFFED0];
	[tilespmem:s7+$0xFFFFFF40] =	vst v4;
	v4 =	vperm.xlane v7, v0  }
0x36c: {  	v5 =	vperm.xlane v5, v0;
	v7 =	vld [tilespmem:s9+$0xFFFFFEC0];
	[tilespmem:s7+$0xFFFFFF50] =	vst v1  }
0x36d: {  	v1 =	vld [tilespmem:s9+$0xFFFFFEB0];
	[tilespmem:s7+$0xFFFFFF60] =	vst v4;
	v3 =	vperm.xlane v3, v0  }
0x36e: {  	[tilespmem:s7+$0xFFFFFF00] =	vst v5;
	v4 =	vperm.xlane v8, v0;
	v5 =	vld [tilespmem:s9+$0xFFFFFEA0]  }
0x36f: {  	v8 =	vld [tilespmem:s9+$0xFFFFFF00];
	v6 =	vperm.xlane v6, v0;
	[tilespmem:s7+$0xFFFFFFF0] =	vst v3  }
0x370: {  	[tilespmem:s7+$0xFFFFFF90] =	vst v4;
	v2 =	vperm.xlane v2, v0;
	v3 =	vld [tilespmem:s9+$0xFFFFFF10]  }
0x371: {  	v4 =	vld [tilespmem:s9+$0xFFFFFF70];
	[tilespmem:s7+$0xFFFFFFA0] =	vst v6;
	v6 =	vperm.xlane v7, v0  }
0x372: {  	v7 =	vld [tilespmem:s9+$0xFFFFFF60];
	[tilespmem:s7+$0xFFFFFFB0] =	vst v2;
	v1 =	vperm.xlane v1, v0  }
0x373: {  	v2 =	vld [tilespmem:s9+$0xFFFFFF50];
	[tilespmem:s7+$0xFFFFFFC0] =	vst v6;
	v5 =	vperm.xlane v5, v0  }
0x374: {  	v6 =	vperm.xlane v8, v0;
	v8 =	vld [tilespmem:s9+$0xFFFFFF40];
	[tilespmem:s7+$0xFFFFFFD0] =	vst v1  }
0x375: {  	v1 =	vld [tilespmem:s9+$0xFFFFFF30];
	[tilespmem:s7+$0xFFFFFFE0] =	vst v5;
	v3 =	vperm.xlane v3, v0  }
0x376: {  	[tilespmem:s7+$0xFFFFFF80] =	vst v6;
	v4 =	vperm.xlane v4, v0;
	v5 =	vld [tilespmem:s9+$0xFFFFFF20]  }
0x377: {  	v6 =	vld [tilespmem:s9+$0xFFFFFF80];
	v7 =	vperm.xlane v7, v0;
	[tilespmem:s7+$0x70] =	vst v3  }
0x378: {  	[tilespmem:s7+$0x10] =	vst v4;
	v2 =	vperm.xlane v2, v0;
	v4 =	vld [tilespmem:s9+$0xFFFFFF90]  }
0x379: {  	v9 =	vld [tilespmem:s9+$0xFFFFFFF0];
	[tilespmem:s7+$0x20] =	vst v7;
	v3 =	vperm.xlane v8, v0  }
0x37a: {  	v8 =	vld [tilespmem:s9+$0xFFFFFFE0];
	[tilespmem:s7+$0x30] =	vst v2;
	v2 =	vperm.xlane v1, v0  }
.Ltmp10:
0x37b: {  	v1 =	vld [tilespmem:s9+$0xFFFFFFD0];
	[tilespmem:s7+$0x40] =	vst v3;
	v5 =	vperm.xlane v5, v0;
	(pc) =	sbr.rel @p0 .LBB2_22-.Ltmp10, $4  }
0x37c: {  	v6 =	vperm.xlane v6, v0;
	v3 =	vld [tilespmem:s9+$0xFFFFFFC0];
	[tilespmem:s7+$0x50] =	vst v2  }
0x37d: {  	v2 =	vld [tilespmem:s9+$0xFFFFFFB0];
	[tilespmem:s7+$0x60] =	vst v5;
	v10 =	vperm.xlane v4, v0  }
0x37e: {  	[tilespmem:s7+$0x0] =	vst v6;
	v7 =	vperm.xlane v9, v0;
	v4 =	vld [tilespmem:s9+$0xFFFFFFA0]  }
0x37f: {  	v5 =	vld [tilespmem:s9+$0x0];
	v6 =	vperm.xlane v8, v0;
	[tilespmem:s7+$0xF0] =	vst v10;
	s9 =	sadd.s32 $0xFFFFFE00, s9  }
0x380: {  	[tilespmem:s7+$0x90] =	vst v7;
	v1 =	vperm.xlane v1, v0  }
0x381: {  	[tilespmem:s7+$0xA0] =	vst v6;
	v3 =	vperm.xlane v3, v0  }
0x382: {  	[tilespmem:s7+$0xB0] =	vst v1;
	v1 =	vperm.xlane v2, v0  }
0x383: {  	[tilespmem:s7+$0xC0] =	vst v3;
	v2 =	vperm.xlane v4, v0  }
0x384: {  	v3 =	vperm.xlane v5, v0;
	[tilespmem:s7+$0xD0] =	vst v1  }
0x385: {  	[tilespmem:s7+$0xE0] =	vst v2  }
0x386: {  	[tilespmem:s7+$0x80] =	vst v3  }
0x387: {  	[hbm4b:s25+s29] =	stream.strided.scatter [tilespmem:s0], [sflag:$0x3], $0x4000, s30, s29, $0x38;
	[tilespmem:$0x10000] =	vst v63  }
0x388: {  	_ =	swait.ge [sflag:s2], $0x4000  }
0x389: {  	[sflag:s2] =	ssyncset.done $0x0  }
0x38a: {  	[sflag:s2] =	ssyncadd.s32 $0xFFFFC000  }
0x38b: {  	_ =	swait.ge [sflag:s5], $0x4000  }
0x38c: {  	[sflag:s5] =	ssyncset.done $0x0  }
0x38d: {  	s9 =	simm.s32 $0x7E00;
	[sflag:s5] =	ssyncadd.s32 $0xFFFFC000  }
0x38e: {  	v1 =	vld [tilespmem:s9+$0x0]  }
0x38f: {  	v2 =	vld [tilespmem:s9+$0x60]  }
0x390: {  	v3 =	vld [tilespmem:s9+$0x50]  }
0x391: {  	v4 =	vld [tilespmem:s9+$0x40]  }
0x392: {  	v5 =	vld [tilespmem:s9+$0x30]  }
0x393: {  	v6 =	vld [tilespmem:s9+$0x20];
	v1 =	vperm.xlane v1, v0  }
0x394: {  	s7 =	simm.s32 $0xC1F0;
	v7 =	vld [tilespmem:s9+$0x10];
	v2 =	vperm.xlane v2, v0  }
0x395: {  	v8 =	vld [tilespmem:s9+$0x70];
	v3 =	vperm.xlane v3, v0;
	[tilespmem:s7+$0xFFFFFE80] =	vst v1  }
0x396: {  	[tilespmem:s7+$0xFFFFFE20] =	vst v2;
	v1 =	vperm.xlane v4, v0;
	v2 =	vld [tilespmem:s9+$0x80]  }
0x397: {  	[tilespmem:s7+$0xFFFFFE30] =	vst v3;
	v3 =	vperm.xlane v5, v0;
	v4 =	vld [tilespmem:s9+$0xE0]  }
0x398: {  	v5 =	vld [tilespmem:s9+$0xD0];
	[tilespmem:s7+$0xFFFFFE40] =	vst v1;
	v1 =	vperm.xlane v6, v0  }
0x399: {  	[tilespmem:s7+$0xFFFFFE50] =	vst v3;
	v3 =	vperm.xlane v7, v0;
	v6 =	vld [tilespmem:s9+$0xC0]  }
0x39a: {  	v7 =	vperm.xlane v8, v0;
	v8 =	vld [tilespmem:s9+$0xB0];
	[tilespmem:s7+$0xFFFFFE60] =	vst v1  }
0x39b: {  	[tilespmem:s7+$0xFFFFFE70] =	vst v3;
	v1 =	vld [tilespmem:s9+$0xA0];
	v2 =	vperm.xlane v2, v0  }
0x39c: {  	[tilespmem:s7+$0xFFFFFE10] =	vst v7;
	v3 =	vperm.xlane v4, v0;
	v4 =	vld [tilespmem:s9+$0x90]  }
0x39d: {  	v7 =	vld [tilespmem:s9+$0xF0];
	v5 =	vperm.xlane v5, v0;
	[tilespmem:s7+$0xFFFFFF00] =	vst v2  }
0x39e: {  	[tilespmem:s7+$0xFFFFFEA0] =	vst v3;
	v2 =	vperm.xlane v6, v0;
	v3 =	vld [tilespmem:s9+$0x100]  }
0x39f: {  	[tilespmem:s7+$0xFFFFFEB0] =	vst v5;
	v5 =	vperm.xlane v8, v0;
	v6 =	vld [tilespmem:s9+$0x160]  }
0x3a0: {  	v8 =	vld [tilespmem:s9+$0x150];
	[tilespmem:s7+$0xFFFFFEC0] =	vst v2;
	v1 =	vperm.xlane v1, v0  }
0x3a1: {  	[tilespmem:s7+$0xFFFFFED0] =	vst v5;
	v2 =	vld [tilespmem:s9+$0x140];
	v4 =	vperm.xlane v4, v0  }
0x3a2: {  	v5 =	vperm.xlane v7, v0;
	v7 =	vld [tilespmem:s9+$0x130];
	[tilespmem:s7+$0xFFFFFEE0] =	vst v1  }
0x3a3: {  	v1 =	vld [tilespmem:s9+$0x120];
	[tilespmem:s7+$0xFFFFFEF0] =	vst v4;
	v3 =	vperm.xlane v3, v0  }
0x3a4: {  	[tilespmem:s7+$0xFFFFFE90] =	vst v5;
	v4 =	vperm.xlane v6, v0;
	v5 =	vld [tilespmem:s9+$0x110]  }
0x3a5: {  	v6 =	vld [tilespmem:s9+$0x170];
	v8 =	vperm.xlane v8, v0;
	[tilespmem:s7+$0xFFFFFF80] =	vst v3  }
0x3a6: {  	[tilespmem:s7+$0xFFFFFF20] =	vst v4;
	v2 =	vperm.xlane v2, v0;
	v4 =	vld [tilespmem:s9+$0x180]  }
0x3a7: {  	[tilespmem:s7+$0xFFFFFF30] =	vst v8;
	v3 =	vperm.xlane v7, v0;
	v9 =	vld [tilespmem:s9+$0x1E0]  }
0x3a8: {  	v8 =	vld [tilespmem:s9+$0x1D0];
	[tilespmem:s7+$0xFFFFFF40] =	vst v2;
	v2 =	vperm.xlane v1, v0  }
0x3a9: {  	[tilespmem:s7+$0xFFFFFF50] =	vst v3;
	v1 =	vld [tilespmem:s9+$0x1C0];
	v5 =	vperm.xlane v5, v0  }
0x3aa: {  	v6 =	vperm.xlane v6, v0;
	v3 =	vld [tilespmem:s9+$0x1B0];
	[tilespmem:s7+$0xFFFFFF60] =	vst v2  }
0x3ab: {  	v2 =	vld [tilespmem:s9+$0x1A0];
	[tilespmem:s7+$0xFFFFFF70] =	vst v5;
	v10 =	vperm.xlane v4, v0  }
0x3ac: {  	[tilespmem:s7+$0xFFFFFF10] =	vst v6;
	v4 =	vld [tilespmem:s9+$0x190];
	v7 =	vperm.xlane v9, v0  }
0x3ad: {  	s8 =	simm.s32 $0x0;
	v5 =	vld [tilespmem:s9+$0x1F0];
	v6 =	vperm.xlane v8, v0;
	s9 =	simm.s32 $0x7C00;
	[tilespmem:s7+$0x0] =	vst v10  }
.LBB2_24:
0x3ae: {  	v8 =	vld [tilespmem:s9+$0x0];
	s8 =	sadd.s32 $0x8, s8;
	[tilespmem:s7+$0xFFFFFFA0] =	vst v7;
	v1 =	vperm.xlane v1, v0  }
0x3af: {  	v7 =	vld [tilespmem:s9+$0x60];
	p0 =	slt.u32 s8, $0xF8;
	[tilespmem:s7+$0xFFFFFFB0] =	vst v6;
	v3 =	vperm.xlane v3, v0  }
0x3b0: {  	v6 =	vld [tilespmem:s9+$0x50];
	[tilespmem:s7+$0xFFFFFFC0] =	vst v1;
	v1 =	vperm.xlane v2, v0  }
0x3b1: {  	v2 =	vld [tilespmem:s9+$0x40];
	[tilespmem:s7+$0xFFFFFFD0] =	vst v3;
	v3 =	vperm.xlane v4, v0  }
0x3b2: {  	v4 =	vld [tilespmem:s9+$0x30];
	v5 =	vperm.xlane v5, v0;
	[tilespmem:s7+$0xFFFFFFE0] =	vst v1  }
0x3b3: {  	v1 =	vld [tilespmem:s9+$0x20];
	v8 =	vperm.xlane v8, v0;
	[tilespmem:s7+$0xFFFFFFF0] =	vst v3  }
0x3b4: {  	v3 =	vperm.xlane v7, v0;
	v7 =	vld [tilespmem:s9+$0x10];
	[tilespmem:s7+$0xFFFFFF90] =	vst v5;
	s7 =	sadd.s32 $0x200, s7  }
0x3b5: {  	v5 =	vld [tilespmem:s9+$0x70];
	v6 =	vperm.xlane v6, v0;
	[tilespmem:s7+$0xFFFFFE80] =	vst v8  }
0x3b6: {  	[tilespmem:s7+$0xFFFFFE20] =	vst v3;
	v2 =	vperm.xlane v2, v0;
	v3 =	vld [tilespmem:s9+$0x80]  }
0x3b7: {  	v8 =	vld [tilespmem:s9+$0xE0];
	[tilespmem:s7+$0xFFFFFE30] =	vst v6;
	v4 =	vperm.xlane v4, v0  }
0x3b8: {  	v6 =	vld [tilespmem:s9+$0xD0];
	[tilespmem:s7+$0xFFFFFE40] =	vst v2;
	v1 =	vperm.xlane v1, v0  }
0x3b9: {  	v2 =	vld [tilespmem:s9+$0xC0];
	[tilespmem:s7+$0xFFFFFE50] =	vst v4;
	v4 =	vperm.xlane v7, v0  }
0x3ba: {  	v5 =	vperm.xlane v5, v0;
	v7 =	vld [tilespmem:s9+$0xB0];
	[tilespmem:s7+$0xFFFFFE60] =	vst v1  }
0x3bb: {  	v1 =	vld [tilespmem:s9+$0xA0];
	[tilespmem:s7+$0xFFFFFE70] =	vst v4;
	v3 =	vperm.xlane v3, v0  }
0x3bc: {  	[tilespmem:s7+$0xFFFFFE10] =	vst v5;
	v4 =	vperm.xlane v8, v0;
	v5 =	vld [tilespmem:s9+$0x90]  }
0x3bd: {  	v8 =	vld [tilespmem:s9+$0xF0];
	v6 =	vperm.xlane v6, v0;
	[tilespmem:s7+$0xFFFFFF00] =	vst v3  }
0x3be: {  	[tilespmem:s7+$0xFFFFFEA0] =	vst v4;
	v2 =	vperm.xlane v2, v0;
	v3 =	vld [tilespmem:s9+$0x100]  }
0x3bf: {  	v4 =	vld [tilespmem:s9+$0x160];
	[tilespmem:s7+$0xFFFFFEB0] =	vst v6;
	v6 =	vperm.xlane v7, v0  }
0x3c0: {  	v7 =	vld [tilespmem:s9+$0x150];
	[tilespmem:s7+$0xFFFFFEC0] =	vst v2;
	v1 =	vperm.xlane v1, v0  }
0x3c1: {  	v2 =	vld [tilespmem:s9+$0x140];
	[tilespmem:s7+$0xFFFFFED0] =	vst v6;
	v5 =	vperm.xlane v5, v0  }
0x3c2: {  	v6 =	vperm.xlane v8, v0;
	v8 =	vld [tilespmem:s9+$0x130];
	[tilespmem:s7+$0xFFFFFEE0] =	vst v1  }
0x3c3: {  	v1 =	vld [tilespmem:s9+$0x120];
	[tilespmem:s7+$0xFFFFFEF0] =	vst v5;
	v3 =	vperm.xlane v3, v0  }
0x3c4: {  	[tilespmem:s7+$0xFFFFFE90] =	vst v6;
	v4 =	vperm.xlane v4, v0;
	v5 =	vld [tilespmem:s9+$0x110]  }
0x3c5: {  	v6 =	vld [tilespmem:s9+$0x170];
	v7 =	vperm.xlane v7, v0;
	[tilespmem:s7+$0xFFFFFF80] =	vst v3  }
0x3c6: {  	[tilespmem:s7+$0xFFFFFF20] =	vst v4;
	v2 =	vperm.xlane v2, v0;
	v4 =	vld [tilespmem:s9+$0x180]  }
0x3c7: {  	v9 =	vld [tilespmem:s9+$0x1E0];
	[tilespmem:s7+$0xFFFFFF30] =	vst v7;
	v3 =	vperm.xlane v8, v0  }
0x3c8: {  	v8 =	vld [tilespmem:s9+$0x1D0];
	[tilespmem:s7+$0xFFFFFF40] =	vst v2;
	v2 =	vperm.xlane v1, v0  }
.Ltmp11:
0x3c9: {  	v1 =	vld [tilespmem:s9+$0x1C0];
	[tilespmem:s7+$0xFFFFFF50] =	vst v3;
	v5 =	vperm.xlane v5, v0;
	(pc) =	sbr.rel @p0 .LBB2_24-.Ltmp11, $4  }
0x3ca: {  	v6 =	vperm.xlane v6, v0;
	v3 =	vld [tilespmem:s9+$0x1B0];
	[tilespmem:s7+$0xFFFFFF60] =	vst v2  }
0x3cb: {  	v2 =	vld [tilespmem:s9+$0x1A0];
	[tilespmem:s7+$0xFFFFFF70] =	vst v5;
	v10 =	vperm.xlane v4, v0  }
0x3cc: {  	[tilespmem:s7+$0xFFFFFF10] =	vst v6;
	v7 =	vperm.xlane v9, v0;
	v4 =	vld [tilespmem:s9+$0x190]  }
0x3cd: {  	v5 =	vld [tilespmem:s9+$0x1F0];
	v6 =	vperm.xlane v8, v0;
	[tilespmem:s7+$0x0] =	vst v10;
	s9 =	sadd.s32 $0xFFFFFE00, s9  }
0x3ce: {  	[tilespmem:s7+$0xFFFFFFA0] =	vst v7;
	v1 =	vperm.xlane v1, v0  }
0x3cf: {  	[tilespmem:s7+$0xFFFFFFB0] =	vst v6;
	v3 =	vperm.xlane v3, v0  }
0x3d0: {  	[tilespmem:s7+$0xFFFFFFC0] =	vst v1;
	v1 =	vperm.xlane v2, v0  }
0x3d1: {  	[tilespmem:s7+$0xFFFFFFD0] =	vst v3;
	v2 =	vperm.xlane v4, v0  }
0x3d2: {  	v3 =	vperm.xlane v5, v0;
	[tilespmem:s7+$0xFFFFFFE0] =	vst v1  }
0x3d3: {  	[tilespmem:s7+$0xFFFFFFF0] =	vst v2  }
0x3d4: {  	s6 =	sadd.s32 $0x1, s6;
	[tilespmem:s7+$0xFFFFFF90] =	vst v3  }
0x3d5: {  	[hbm4b:s26+s29] =	stream.strided.scatter [tilespmem:s3], [sflag:$0x4], $0x4000, s30, s29, $0x38;
	[tilespmem:$0x10000] =	vst v63  }
0x3d6: {  	p0 =	sne.s32 s6, s28;
	_ =	swait.ge [sflag:s4], $0x4000  }
.Ltmp12:
0x3d7: {  	[sflag:s4] =	ssyncset.done $0x0;
	(pc) =	sbr.rel @p0 .LBB2_1-.Ltmp12, $4  }
0x3d8: {  	[sflag:s4] =	ssyncadd.s32 $0xFFFFC000  }
0x3d9: {  	_ =	swait.ge [sflag:s5], $0x4000  }
0x3da: {  	[sflag:s5] =	ssyncset.done $0x0  }
0x3db: {  	[sflag:s5] =	ssyncadd.s32 $0xFFFFC000  }
0x3dc: {  	_ =	sfence.sel $0x180000  }
0x3dd: {  	[bflag:$0x0] =	sbarrier.arrive $0xFFFF  }
0x3de: {  	_ =	strace $0x90000047  }
0x3df: {  	s0 =	stileid.u32;
	[bflag:$0x2] =	sbarrier.arrive $0xFFFF  }
0x3e0: {  	p0 =	sne.s32 s0, $0x0;
	s0 =	rddreg [dreg:$0x2]  }
0x3e1: {  	s0 =	sadd.s32 @!p0 $0x100000, s0  }
0x3e2: {  	[sflag:s0] =	ssyncadd.tile.s32 @!p0 $0x1;
	_ =	shalt  }
.Lfunc_end2:
_tile_overlayer_lowered:
.L_overlay_start_2:
0x3e3: {  	(tag) =	ssettag $0x2  }
0x3e4: {  	s0 =	rddreg [dreg:$0x0];
	s2 =	stileid.u32  }
0x3e5: {  	s1 =	rddreg [dreg:$0x1];
	p0 =	sne.s32 s2, $0x0  }
0x3e6: {  	s3 =	rddreg [dreg:$0x2];
	[bflag:$0x3] =	sbarrier.arrive $0xFFFF;
	s2 =	simm.s32 @!p0 $0x1C05  }
0x3e7: {  	[timem:s3], [sflag:s2] =	dma.local @!p0 [hbm:s0], s1  }
0x3e8: {  	s0 =	simm.s32 @!p0 $0x5  }
0x3e9: {  	_ =	swait.ge @!p0 [sflag:s0], s1  }
0x3ea: {  	s1 =	ssub.s32 @!p0 $0x0, s1;
	[sflag:s0] =	ssyncset.done @!p0 $0x0  }
0x3eb: {  	[sflag:s0] =	ssyncadd.s32 @!p0 s1  }
0x3ec: {  	[bflag:$0x3] =	sbarrier.arrive $0xFFFF  }
0x3ed: {  	_ =	shalt  }

</sc_bundles>
